<compile_context>
chip_gen: v7x
topology: tpu7x:2x2x1
jax: 0.10.2.dev20260603
libtpu: 0.0.44.dev20260713+nightly
codegen_flags: <defaults>
</compile_context>

<pallas_src>
import functools
import jax
import jax.numpy as jnp
from jax import lax
from jax.experimental import pallas as pl
from jax.experimental.pallas import tpu as pltpu
from jax.experimental.pallas import tpu_sc as plsc

N = 4096
DIN = 128
D = 32
M = 32
K = 32
DEPTH = 4
OUT = 6
EIN = 2 * D + 1
EH = 2 * EIN

ROWS_BLK = 512
NODE_BLK = 128


def _silu(x):
    return x * jax.nn.sigmoid(x)


def _embed_body(h_ref, we_ref, be_ref, x_ref):
    x_ref[...] = jnp.dot(h_ref[...], we_ref[...],
                         preferred_element_type=jnp.float32) + be_ref[...]


def _embed(h, We, be):
    grid = (N // ROWS_BLK,)
    return pl.pallas_call(
        _embed_body,
        grid=grid,
        in_specs=[
            pl.BlockSpec((ROWS_BLK, DIN), lambda i: (i, 0)),
            pl.BlockSpec((DIN, D), lambda i: (0, 0)),
            pl.BlockSpec((1, D), lambda i: (0, 0)),
        ],
        out_specs=pl.BlockSpec((ROWS_BLK, D), lambda i: (i, 0)),
        out_shape=jax.ShapeDtypeStruct((N, D), jnp.float32),
    )(h, We, be)


def _layer_body(x_ref, g_ref, rd_ref,
                w1_ref, b1_ref, w2_ref, b2_ref, wg_ref, bg_ref,
                wn1_ref, bn1_ref, wn2_ref, bn2_ref,
                out_ref):
    xb = x_ref[...]
    g3 = g_ref[...].reshape(NODE_BLK, K, D)
    xi3 = jnp.broadcast_to(xb[:, None, :], (NODE_BLK, K, D))
    rd3 = rd_ref[...][:, :, None]
    edge_in = jnp.concatenate([xi3, g3, rd3], axis=-1)
    e2 = edge_in.reshape(NODE_BLK * K, EIN)
    h1 = _silu(jnp.dot(e2, w1_ref[...],
                       preferred_element_type=jnp.float32) + b1_ref[...])
    m = _silu(jnp.dot(h1, w2_ref[...],
                      preferred_element_type=jnp.float32) + b2_ref[...])
    gate = jax.nn.sigmoid(jnp.dot(m, wg_ref[...],
                                  preferred_element_type=jnp.float32)
                          + bg_ref[...])
    m = m * gate
    mi = jnp.sum(m.reshape(NODE_BLK, K, M), axis=1)
    node_in = jnp.concatenate([xb, mi], axis=-1)
    n1 = _silu(jnp.dot(node_in, wn1_ref[...],
                       preferred_element_type=jnp.float32) + bn1_ref[...])
    out_ref[...] = jnp.dot(n1, wn2_ref[...],
                           preferred_element_type=jnp.float32) \
        + bn2_ref[...] + xb


def _layer(x, g, rd, w1, b1, w2, b2, wg, bg, wn1, bn1, wn2, bn2):
    grid = (N // NODE_BLK,)
    E = NODE_BLK * K
    full = lambda r, c: pl.BlockSpec((r, c), lambda i: (0, 0))
    return pl.pallas_call(
        _layer_body,
        grid=grid,
        in_specs=[
            pl.BlockSpec((NODE_BLK, D), lambda i: (i, 0)),
            pl.BlockSpec((E, D), lambda i: (i, 0)),
            pl.BlockSpec((NODE_BLK, K), lambda i: (i, 0)),
            full(EIN, EH), pl.BlockSpec((1, EH), lambda i: (0, 0)),
            full(EH, M), pl.BlockSpec((1, M), lambda i: (0, 0)),
            full(M, 1), pl.BlockSpec((1, 1), lambda i: (0, 0)),
            full(2 * D, 2 * D), pl.BlockSpec((1, 2 * D), lambda i: (0, 0)),
            full(2 * D, D), pl.BlockSpec((1, D), lambda i: (0, 0)),
        ],
        out_specs=pl.BlockSpec((NODE_BLK, D), lambda i: (i, 0)),
        out_shape=jax.ShapeDtypeStruct((N, D), jnp.float32),
    )(x, g, rd, w1, b1, w2, b2, wg, bg, wn1, bn1, wn2, bn2)


NW = 32
GCHUNK = 1024
GNCH = (N * K) // NW // GCHUNK


def _sc_gather_body(idx_hbm, table_hbm, out_hbm,
                    idx_v0, idx_v1, rows_v0, rows_v1, sem0, sem1):
    wid = lax.axis_index("s") * 2 + lax.axis_index("c")
    base = wid * (GNCH * GCHUNK)
    idx_bufs = (idx_v0, idx_v1)
    row_bufs = (rows_v0, rows_v1)
    sems = (sem0, sem1)
    copies = [None, None]
    pltpu.sync_copy(idx_hbm.at[pl.ds(base, GCHUNK)], idx_v0)
    copies[0] = pltpu.async_copy(table_hbm.at[idx_v0], rows_v0, sem0)
    for c in range(GNCH):
        b = c % 2
        nb = (c + 1) % 2
        if c + 1 < GNCH:
            off = base + (c + 1) * GCHUNK
            pltpu.sync_copy(idx_hbm.at[pl.ds(off, GCHUNK)], idx_bufs[nb])
            copies[nb] = pltpu.async_copy(
                table_hbm.at[idx_bufs[nb]], row_bufs[nb], sems[nb])
        copies[b].wait()
        pltpu.sync_copy(row_bufs[b],
                        out_hbm.at[pl.ds(base + c * GCHUNK, GCHUNK)])


def _sc_gather(idx_flat, table):
    mesh = plsc.VectorSubcoreMesh(core_axis_name="c", subcore_axis_name="s")
    f = functools.partial(
        pl.kernel, mesh=mesh,
        compiler_params=pltpu.CompilerParams(use_tc_tiling_on_sc=False),
        out_type=jax.ShapeDtypeStruct((N * K, D), jnp.float32),
        scratch_types=[
            pltpu.VMEM((GCHUNK,), jnp.int32),
            pltpu.VMEM((GCHUNK,), jnp.int32),
            pltpu.VMEM((GCHUNK, D), jnp.float32),
            pltpu.VMEM((GCHUNK, D), jnp.float32),
            pltpu.SemaphoreType.DMA,
            pltpu.SemaphoreType.DMA,
        ],
    )(_sc_gather_body)
    return f(idx_flat, table)


TROWS = N // NW
TCH = 4
TNCH = TROWS // TCH
CANDPAD = N + 16
_F32MAX = 3.4028235e38


def _sc_topk_row(rbuf, rr, cand_val, cand_idx, oval_st, oidx_st, lr):
    lane = lax.iota(jnp.int32, 16)
    inf16 = jnp.full((16,), _F32MAX, jnp.float32)

    def p1(i, carry):
        m1, m2 = carry
        for u in range(4):
            v = rbuf[rr, pl.ds((i * 4 + u) * 16, 16)]
            hi = jnp.maximum(m1, v)
            m1 = jnp.minimum(m1, v)
            m2 = jnp.minimum(m2, hi)
        return m1, m2

    m1, m2 = lax.fori_loop(0, N // 64, p1, (inf16, inf16))
    T = jnp.max(m2)

    def p2(i, cnt):
        for u in range(4):
            j = i * 4 + u
            ivec = j * 16 + lane
            v = rbuf[rr, pl.ds(j * 16, 16)]
            mask = v <= T
            cum = plsc.cumsum(mask.astype(jnp.int32))
            pos = cnt + cum - 1
            plsc.store_scatter(cand_val, [pos], v, mask=mask)
            plsc.store_scatter(cand_idx, [pos], ivec, mask=mask)
            cnt = cnt + jnp.max(cum)
        return cnt

    cnt = lax.fori_loop(0, N // 64, p2, jnp.int32(0))

    def p3(c, carry):
        blk, bli, bhk, bhi = carry
        pos = c * 16 + lane
        ck = cand_val[pl.ds(c * 16, 16)]
        ci = cand_idx[pl.ds(c * 16, 16)]
        ck = jnp.where(pos < cnt, ck, inf16)
        ck, ci = plsc.sort_key_val(ck, ci)
        rk, ri = jnp.flip(ck, 0), jnp.flip(ci, 0)
        m = bhk <= rk
        tk = jnp.where(m, bhk, rk)
        ti = jnp.where(m, bhi, ri)
        tk, ti = plsc.sort_key_val(tk, ti)
        rtk, rti = jnp.flip(tk, 0), jnp.flip(ti, 0)
        m = blk <= rtk
        nlk = jnp.where(m, blk, rtk)
        nli = jnp.where(m, bli, rti)
        nhk = jnp.where(m, rtk, blk)
        nhi = jnp.where(m, rti, bli)
        blk, bli = plsc.sort_key_val(nlk, nli)
        bhk, bhi = plsc.sort_key_val(nhk, nhi)
        return blk, bli, bhk, bhi

    zero16 = jnp.zeros((16,), jnp.int32)
    nch = (cnt + 15) // 16
    blk, bli, bhk, bhi = lax.fori_loop(
        0, nch, p3, (inf16, zero16, inf16, zero16))

    oval_st[lr, pl.ds(0, 16)] = blk
    oval_st[lr, pl.ds(16, 16)] = bhk
    oidx_st[lr, pl.ds(0, 16)] = bli
    oidx_st[lr, pl.ds(16, 16)] = bhi


def _sc_topk_body(dist_hbm, oval_hbm, oidx_hbm,
                  rb0, rb1, cand_val, cand_idx, oval_st, oidx_st, sem0, sem1):
    wid = lax.axis_index("s") * 2 + lax.axis_index("c")
    base = wid * TROWS
    pltpu.async_copy(dist_hbm.at[pl.ds(base, TCH)], rb0, sem0)
    pltpu.async_copy(dist_hbm.at[pl.ds(base + TCH, TCH)], rb1, sem1)

    def half(rbuf, sem, c):
        pltpu.make_async_copy(dist_hbm.at[pl.ds(base, TCH)], rbuf, sem).wait()

        def rowb(r, z):
            _sc_topk_row(rbuf, r, cand_val, cand_idx,
                         oval_st, oidx_st, c * TCH + r)
            return z

        lax.fori_loop(0, TCH, rowb, jnp.int32(0))
        nxt = jnp.minimum(base + (c + 2) * TCH, N - TCH)
        pltpu.async_copy(dist_hbm.at[pl.ds(nxt, TCH)], rbuf, sem)

    def pair(p, z):
        half(rb0, sem0, 2 * p)
        half(rb1, sem1, 2 * p + 1)
        return z

    lax.fori_loop(0, TNCH // 2, pair, jnp.int32(0))
    pltpu.make_async_copy(dist_hbm.at[pl.ds(base, TCH)], rb0, sem0).wait()
    pltpu.make_async_copy(dist_hbm.at[pl.ds(base, TCH)], rb1, sem1).wait()
    pltpu.sync_copy(oval_st, oval_hbm.at[pl.ds(base, TROWS)])
    pltpu.sync_copy(oidx_st, oidx_hbm.at[pl.ds(base, TROWS)])


def _sc_topk(dist):
    mesh = plsc.VectorSubcoreMesh(core_axis_name="c", subcore_axis_name="s")
    f = functools.partial(
        pl.kernel, mesh=mesh,
        compiler_params=pltpu.CompilerParams(use_tc_tiling_on_sc=False,
                                             needs_layout_passes=False),
        out_type=(jax.ShapeDtypeStruct((N, K), jnp.float32),
                  jax.ShapeDtypeStruct((N, K), jnp.int32)),
        scratch_types=[
            pltpu.VMEM((TCH, N), jnp.float32),
            pltpu.VMEM((TCH, N), jnp.float32),
            pltpu.VMEM((CANDPAD,), jnp.float32),
            pltpu.VMEM((CANDPAD,), jnp.int32),
            pltpu.VMEM((TROWS, K), jnp.float32),
            pltpu.VMEM((TROWS, K), jnp.int32),
            pltpu.SemaphoreType.DMA,
            pltpu.SemaphoreType.DMA,
        ],
    )(_sc_topk_body)
    return f(dist)


def _head_body(x_ref, wh1_ref, bh1_ref, wh2_ref, bh2_ref, out_ref):
    t = jax.nn.relu(jnp.dot(x_ref[...], wh1_ref[...],
                            preferred_element_type=jnp.float32)
                    + bh1_ref[...])
    out_ref[...] = jnp.dot(t, wh2_ref[...],
                           preferred_element_type=jnp.float32) + bh2_ref[...]


def _head(x, Wh1, bh1, Wh2, bh2):
    grid = (N // ROWS_BLK,)
    return pl.pallas_call(
        _head_body,
        grid=grid,
        in_specs=[
            pl.BlockSpec((ROWS_BLK, D), lambda i: (i, 0)),
            pl.BlockSpec((D, D), lambda i: (0, 0)),
            pl.BlockSpec((1, D), lambda i: (0, 0)),
            pl.BlockSpec((D, OUT), lambda i: (0, 0)),
            pl.BlockSpec((1, OUT), lambda i: (0, 0)),
        ],
        out_specs=pl.BlockSpec((ROWS_BLK, OUT), lambda i: (i, 0)),
        out_shape=jax.ShapeDtypeStruct((N, OUT), jnp.float32),
    )(x, Wh1, bh1, Wh2, bh2)


def kernel(h, pos, We, be, W1, b1, W2, b2, Wg, bg, Wn1, bn1, Wn2, bn2,
           Wh1, bh1, Wh2, bh2):
    h0 = h[0]
    x = _embed(h0, We, be.reshape(1, D))

    sq = jnp.sum(pos * pos, axis=-1)
    dist = (sq[:, :, None] + sq[:, None, :]
            - 2.0 * jnp.einsum('bid,bjd->bij', pos, pos))[0]

    rel_dist, idx = _sc_topk(dist)

    idx_flat = idx.reshape(-1)
    for l in range(DEPTH):
        g = _sc_gather(idx_flat, x)
        x = _layer(x, g, rel_dist,
                   W1[l], b1[l].reshape(1, EH),
                   W2[l], b2[l].reshape(1, M),
                   Wg[l], bg[l].reshape(1, 1),
                   Wn1[l], bn1[l].reshape(1, 2 * D),
                   Wn2[l], bn2[l].reshape(1, D))

    y = _head(x, Wh1, bh1.reshape(1, D), Wh2, bh2.reshape(1, OUT))
    return y[None]

# --- scband reference (transcript-rebuilt; emitter-appended) ---
"""Pipeline reference for scband-egnnmodel-74466142978128 (READ-ONLY COPY).

The authoritative reference and input builder live on the scoring server;
editing this copy changes nothing except your own understanding.
"""

import jax, jax.numpy as jnp
import numpy as np

B, N, DIN, D, M, K, DEPTH, OUT = 1, 4096, 128, 32, 32, 32, 4, 6
EIN = 2 * D + 1
EH = 2 * EIN


def _w(key, shape):
    fan_in = shape[-2] if len(shape) > 1 else shape[-1]
    return jax.random.normal(key, shape, dtype=jnp.float32) / np.sqrt(fan_in)


def setup_inputs(seed: int = 0):
    key = jax.random.key(seed)
    ks = jax.random.split(key, 12)
    return {
        "h": jax.random.normal(ks[0], (B, N, DIN), dtype=jnp.float32),
        "pos": jax.random.normal(ks[1], (B, N, 3), dtype=jnp.float32) * 3.0,
        "We": _w(ks[2], (DIN, D)), "be": jnp.zeros((D,), jnp.float32),
        "W1": _w(ks[3], (DEPTH, EIN, EH)), "b1": jnp.zeros((DEPTH, EH), jnp.float32),
        "W2": _w(ks[4], (DEPTH, EH, M)), "b2": jnp.zeros((DEPTH, M), jnp.float32),
        "Wg": _w(ks[5], (DEPTH, M, 1)), "bg": jnp.zeros((DEPTH, 1), jnp.float32),
        "Wn1": _w(ks[6], (DEPTH, D + M, 2 * D)), "bn1": jnp.zeros((DEPTH, 2 * D), jnp.float32),
        "Wn2": _w(ks[7], (DEPTH, 2 * D, D)), "bn2": jnp.zeros((DEPTH, D), jnp.float32),
        "Wh1": _w(ks[8], (D, D)), "bh1": jnp.zeros((D,), jnp.float32),
        "Wh2": _w(ks[9], (D, OUT)), "bh2": jnp.zeros((OUT,), jnp.float32),
    }


def _silu(x):
    return x * jax.nn.sigmoid(x)


def reference(h, pos, We, be, W1, b1, W2, b2, Wg, bg, Wn1, bn1, Wn2, bn2, Wh1, bh1, Wh2, bh2):
    # embedding
    x = h @ We + be
    # pairwise squared distances (coors are never updated since UPDATE_COORS=False,
    # so the kNN graph is identical for every layer and can be computed once)
    sq = jnp.sum(pos * pos, axis=-1)
    dist = sq[:, :, None] + sq[:, None, :] - 2.0 * jnp.einsum('bid,bjd->bij', pos, pos)
    neg_top, idx = jax.lax.top_k(-dist, K)  # k smallest distances
    rel_dist = -neg_top                      # [B, N, K]
    for l in range(DEPTH):
        feats_j = jax.vmap(lambda f, i: f[i])(x, idx)                 # gather neighbors [B,N,K,D]
        feats_i = jnp.broadcast_to(x[:, :, None, :], (B, N, K, D))
        edge_in = jnp.concatenate([feats_i, feats_j, rel_dist[..., None]], axis=-1)  # [B,N,K,2D+1]
        m_ij = _silu(_silu(edge_in @ W1[l] + b1[l]) @ W2[l] + b2[l])  # edge MLP
        m_ij = m_ij * jax.nn.sigmoid(m_ij @ Wg[l] + bg[l])            # soft_edges gate
        m_i = jnp.sum(m_ij, axis=2)                                   # sum pool over neighbors
        node_in = jnp.concatenate([x, m_i], axis=-1)
        x = _silu(node_in @ Wn1[l] + bn1[l]) @ Wn2[l] + bn2[l] + x    # node MLP + residual
    # stress head
    return jax.nn.relu(x @ Wh1 + bh1) @ Wh2 + bh2

if __name__ == "__main__":
    import jax
    _d = setup_inputs()
    print(jax.jit(kernel)(*tuple(_d.values())))

</pallas_src>

<mosaic_0001>
#map = affine_map<(d0, d1) -> (0)>
#map1 = affine_map<(d0, d1) -> (0, 0)>
module attributes {stable_mosaic.version = 14 : i64} {
  func.func @_sc_gather_body(%arg0: i32, %arg1: i32, %arg2: memref<131072xi32, #tpu.memory_space<hbm>>, %arg3: memref<4096x32xf32, #tpu.memory_space<hbm>>, %arg4: memref<131072x32xf32, #tpu.memory_space<hbm>>, %arg5: memref<1024xi32, #tpu.memory_space<vmem>>, %arg6: memref<1024xi32, #tpu.memory_space<vmem>>, %arg7: memref<1024x32xf32, #tpu.memory_space<vmem>>, %arg8: memref<1024x32xf32, #tpu.memory_space<vmem>>, %arg9: memref<!tpu.dma_semaphore, #tpu.memory_space<semaphore_mem>>, %arg10: memref<!tpu.dma_semaphore, #tpu.memory_space<semaphore_mem>>) attributes {dimension_semantics = [#tpu.dimension_semantics<core_parallel>, #tpu.dimension_semantics<subcore_parallel>], iteration_bounds = array<i64: 2, 16>, scalar_prefetch = 0 : i64, scratch_operands = 6 : i64, tpu.core_type = #tpu.core_type<sc_vector_subcore>, window_params = [{transform_indices = #map}, {transform_indices = #map1}, {transform_indices = #map1}]} {
    %mul3A = arith.constant 2 : i32
    %mul3A_0 = arith.muli %arg1, %mul3A : i32
    %add3A = arith.addi %mul3A_0, %arg0 : i32
    %mul3A_1 = arith.constant 4096 : i32
    %mul3A_2 = arith.muli %add3A, %mul3A_1 : i32
    "tpu.region"() ({
      %run_scoped3A = tpu.sem_alloc : memref<!tpu.dma_semaphore, #tpu.memory_space<semaphore_mem>>
      %dma_start3A_39 = tpu.memref_slice %arg2[%mul3A_2] : memref<131072xi32, #tpu.memory_space<hbm>> -> memref<1024xi32, #tpu.memory_space<hbm>>
      %dma_start3A_40 = tpu.memref_slice %arg2[%mul3A_2] : memref<131072xi32, #tpu.memory_space<hbm>> -> memref<1024xi32, #tpu.memory_space<hbm>>
      tpu.enqueue_dma source(%dma_start3A_40 : memref<1024xi32, #tpu.memory_space<hbm>>) target(%arg5 : memref<1024xi32, #tpu.memory_space<vmem>>) target_semaphore(%run_scoped3A : memref<!tpu.dma_semaphore, #tpu.memory_space<semaphore_mem>>)
      %dma_wait3A_41 = tpu.memref_slice %arg2[%mul3A_2] : memref<131072xi32, #tpu.memory_space<hbm>> -> memref<1024xi32, #tpu.memory_space<hbm>>
      %dma_wait3A_42 = tpu.memref_slice %arg2[%mul3A_2] : memref<131072xi32, #tpu.memory_space<hbm>> -> memref<1024xi32, #tpu.memory_space<hbm>>
      tpu.wait_dma2 semaphore(%run_scoped3A : memref<!tpu.dma_semaphore, #tpu.memory_space<semaphore_mem>>) src(%dma_wait3A_42 : memref<1024xi32, #tpu.memory_space<hbm>>) dst(%arg5 : memref<1024xi32, #tpu.memory_space<vmem>>)
      tpu.yield
    }) : () -> ()
    %dma_start3A = arith.constant 0 : i32
    %dma_start3A_3 = arith.constant 0 : i32
    %dma_start3A_4 = tpu.memref_slice %arg3[%dma_start3A, %dma_start3A_3] : memref<4096x32xf32, #tpu.memory_space<hbm>> -> memref<4096x32xf32, #tpu.memory_space<hbm>>
    tpu.enqueue_indirect_dma source(%dma_start3A_4 : memref<4096x32xf32, #tpu.memory_space<hbm>>) target(%arg7 : memref<1024x32xf32, #tpu.memory_space<vmem>>) offsets(%arg5 : memref<1024xi32, #tpu.memory_space<vmem>>) semaphore(%arg9 : memref<!tpu.dma_semaphore, #tpu.memory_space<semaphore_mem>>)
    %add3A_5 = arith.constant 1024 : i32
    %add3A_6 = arith.addi %mul3A_2, %add3A_5 : i32
    "tpu.region"() ({
      %run_scoped3A = tpu.sem_alloc : memref<!tpu.dma_semaphore, #tpu.memory_space<semaphore_mem>>
      %dma_start3A_39 = tpu.memref_slice %arg2[%add3A_6] : memref<131072xi32, #tpu.memory_space<hbm>> -> memref<1024xi32, #tpu.memory_space<hbm>>
      %dma_start3A_40 = tpu.memref_slice %arg2[%add3A_6] : memref<131072xi32, #tpu.memory_space<hbm>> -> memref<1024xi32, #tpu.memory_space<hbm>>
      tpu.enqueue_dma source(%dma_start3A_40 : memref<1024xi32, #tpu.memory_space<hbm>>) target(%arg6 : memref<1024xi32, #tpu.memory_space<vmem>>) target_semaphore(%run_scoped3A : memref<!tpu.dma_semaphore, #tpu.memory_space<semaphore_mem>>)
      %dma_wait3A_41 = tpu.memref_slice %arg2[%add3A_6] : memref<131072xi32, #tpu.memory_space<hbm>> -> memref<1024xi32, #tpu.memory_space<hbm>>
      %dma_wait3A_42 = tpu.memref_slice %arg2[%add3A_6] : memref<131072xi32, #tpu.memory_space<hbm>> -> memref<1024xi32, #tpu.memory_space<hbm>>
      tpu.wait_dma2 semaphore(%run_scoped3A : memref<!tpu.dma_semaphore, #tpu.memory_space<semaphore_mem>>) src(%dma_wait3A_42 : memref<1024xi32, #tpu.memory_space<hbm>>) dst(%arg6 : memref<1024xi32, #tpu.memory_space<vmem>>)
      tpu.yield
    }) : () -> ()
    %dma_start3A_7 = arith.constant 0 : i32
    %dma_start3A_8 = arith.constant 0 : i32
    %dma_start3A_9 = tpu.memref_slice %arg3[%dma_start3A_7, %dma_start3A_8] : memref<4096x32xf32, #tpu.memory_space<hbm>> -> memref<4096x32xf32, #tpu.memory_space<hbm>>
    tpu.enqueue_indirect_dma source(%dma_start3A_9 : memref<4096x32xf32, #tpu.memory_space<hbm>>) target(%arg8 : memref<1024x32xf32, #tpu.memory_space<vmem>>) offsets(%arg6 : memref<1024xi32, #tpu.memory_space<vmem>>) semaphore(%arg10 : memref<!tpu.dma_semaphore, #tpu.memory_space<semaphore_mem>>)
    %dma_wait3A = arith.constant 0 : i32
    %dma_wait3A_10 = arith.constant 0 : i32
    %dma_wait3A_11 = tpu.memref_slice %arg3[%dma_wait3A, %dma_wait3A_10] : memref<4096x32xf32, #tpu.memory_space<hbm>> -> memref<4096x32xf32, #tpu.memory_space<hbm>>
    tpu.wait_indirect_dma semaphore(%arg9 : memref<!tpu.dma_semaphore, #tpu.memory_space<semaphore_mem>>) src(%dma_wait3A_11 : memref<4096x32xf32, #tpu.memory_space<hbm>>) dst(%arg7 : memref<1024x32xf32, #tpu.memory_space<vmem>>)
    %add3A_12 = arith.constant 0 : i32
    %add3A_13 = arith.addi %mul3A_2, %add3A_12 : i32
    "tpu.region"() ({
      %run_scoped3A = tpu.sem_alloc : memref<!tpu.dma_semaphore, #tpu.memory_space<semaphore_mem>>
      %dma_start3A_39 = arith.constant 0 : i32
      %dma_start3A_40 = tpu.memref_slice %arg4[%add3A_13, %dma_start3A_39] : memref<131072x32xf32, #tpu.memory_space<hbm>> -> memref<1024x32xf32, #tpu.memory_space<hbm>>
      %dma_start3A_41 = arith.constant 0 : i32
      %dma_start3A_42 = tpu.memref_slice %arg4[%add3A_13, %dma_start3A_41] : memref<131072x32xf32, #tpu.memory_space<hbm>> -> memref<1024x32xf32, #tpu.memory_space<hbm>>
      tpu.enqueue_dma source(%arg7 : memref<1024x32xf32, #tpu.memory_space<vmem>>) target(%dma_start3A_42 : memref<1024x32xf32, #tpu.memory_space<hbm>>) target_semaphore(%run_scoped3A : memref<!tpu.dma_semaphore, #tpu.memory_space<semaphore_mem>>)
      %dma_wait3A_43 = arith.constant 0 : i32
      %dma_wait3A_44 = tpu.memref_slice %arg4[%add3A_13, %dma_wait3A_43] : memref<131072x32xf32, #tpu.memory_space<hbm>> -> memref<1024x32xf32, #tpu.memory_space<hbm>>
      %dma_wait3A_45 = arith.constant 0 : i32
      %dma_wait3A_46 = tpu.memref_slice %arg4[%add3A_13, %dma_wait3A_45] : memref<131072x32xf32, #tpu.memory_space<hbm>> -> memref<1024x32xf32, #tpu.memory_space<hbm>>
      tpu.wait_dma2 semaphore(%run_scoped3A : memref<!tpu.dma_semaphore, #tpu.memory_space<semaphore_mem>>) src(%arg7 : memref<1024x32xf32, #tpu.memory_space<vmem>>) dst(%dma_wait3A_46 : memref<1024x32xf32, #tpu.memory_space<hbm>>)
      tpu.yield
    }) : () -> ()
    %add3A_14 = arith.constant 2048 : i32
    %add3A_15 = arith.addi %mul3A_2, %add3A_14 : i32
    "tpu.region"() ({
      %run_scoped3A = tpu.sem_alloc : memref<!tpu.dma_semaphore, #tpu.memory_space<semaphore_mem>>
      %dma_start3A_39 = tpu.memref_slice %arg2[%add3A_15] : memref<131072xi32, #tpu.memory_space<hbm>> -> memref<1024xi32, #tpu.memory_space<hbm>>
      %dma_start3A_40 = tpu.memref_slice %arg2[%add3A_15] : memref<131072xi32, #tpu.memory_space<hbm>> -> memref<1024xi32, #tpu.memory_space<hbm>>
      tpu.enqueue_dma source(%dma_start3A_40 : memref<1024xi32, #tpu.memory_space<hbm>>) target(%arg5 : memref<1024xi32, #tpu.memory_space<vmem>>) target_semaphore(%run_scoped3A : memref<!tpu.dma_semaphore, #tpu.memory_space<semaphore_mem>>)
      %dma_wait3A_41 = tpu.memref_slice %arg2[%add3A_15] : memref<131072xi32, #tpu.memory_space<hbm>> -> memref<1024xi32, #tpu.memory_space<hbm>>
      %dma_wait3A_42 = tpu.memref_slice %arg2[%add3A_15] : memref<131072xi32, #tpu.memory_space<hbm>> -> memref<1024xi32, #tpu.memory_space<hbm>>
      tpu.wait_dma2 semaphore(%run_scoped3A : memref<!tpu.dma_semaphore, #tpu.memory_space<semaphore_mem>>) src(%dma_wait3A_42 : memref<1024xi32, #tpu.memory_space<hbm>>) dst(%arg5 : memref<1024xi32, #tpu.memory_space<vmem>>)
      tpu.yield
    }) : () -> ()
    %dma_start3A_16 = arith.constant 0 : i32
    %dma_start3A_17 = arith.constant 0 : i32
    %dma_start3A_18 = tpu.memref_slice %arg3[%dma_start3A_16, %dma_start3A_17] : memref<4096x32xf32, #tpu.memory_space<hbm>> -> memref<4096x32xf32, #tpu.memory_space<hbm>>
    tpu.enqueue_indirect_dma source(%dma_start3A_18 : memref<4096x32xf32, #tpu.memory_space<hbm>>) target(%arg7 : memref<1024x32xf32, #tpu.memory_space<vmem>>) offsets(%arg5 : memref<1024xi32, #tpu.memory_space<vmem>>) semaphore(%arg9 : memref<!tpu.dma_semaphore, #tpu.memory_space<semaphore_mem>>)
    %dma_wait3A_19 = arith.constant 0 : i32
    %dma_wait3A_20 = arith.constant 0 : i32
    %dma_wait3A_21 = tpu.memref_slice %arg3[%dma_wait3A_19, %dma_wait3A_20] : memref<4096x32xf32, #tpu.memory_space<hbm>> -> memref<4096x32xf32, #tpu.memory_space<hbm>>
    tpu.wait_indirect_dma semaphore(%arg10 : memref<!tpu.dma_semaphore, #tpu.memory_space<semaphore_mem>>) src(%dma_wait3A_21 : memref<4096x32xf32, #tpu.memory_space<hbm>>) dst(%arg8 : memref<1024x32xf32, #tpu.memory_space<vmem>>)
    %add3A_22 = arith.constant 1024 : i32
    %add3A_23 = arith.addi %mul3A_2, %add3A_22 : i32
    "tpu.region"() ({
      %run_scoped3A = tpu.sem_alloc : memref<!tpu.dma_semaphore, #tpu.memory_space<semaphore_mem>>
      %dma_start3A_39 = arith.constant 0 : i32
      %dma_start3A_40 = tpu.memref_slice %arg4[%add3A_23, %dma_start3A_39] : memref<131072x32xf32, #tpu.memory_space<hbm>> -> memref<1024x32xf32, #tpu.memory_space<hbm>>
      %dma_start3A_41 = arith.constant 0 : i32
      %dma_start3A_42 = tpu.memref_slice %arg4[%add3A_23, %dma_start3A_41] : memref<131072x32xf32, #tpu.memory_space<hbm>> -> memref<1024x32xf32, #tpu.memory_space<hbm>>
      tpu.enqueue_dma source(%arg8 : memref<1024x32xf32, #tpu.memory_space<vmem>>) target(%dma_start3A_42 : memref<1024x32xf32, #tpu.memory_space<hbm>>) target_semaphore(%run_scoped3A : memref<!tpu.dma_semaphore, #tpu.memory_space<semaphore_mem>>)
      %dma_wait3A_43 = arith.constant 0 : i32
      %dma_wait3A_44 = tpu.memref_slice %arg4[%add3A_23, %dma_wait3A_43] : memref<131072x32xf32, #tpu.memory_space<hbm>> -> memref<1024x32xf32, #tpu.memory_space<hbm>>
      %dma_wait3A_45 = arith.constant 0 : i32
      %dma_wait3A_46 = tpu.memref_slice %arg4[%add3A_23, %dma_wait3A_45] : memref<131072x32xf32, #tpu.memory_space<hbm>> -> memref<1024x32xf32, #tpu.memory_space<hbm>>
      tpu.wait_dma2 semaphore(%run_scoped3A : memref<!tpu.dma_semaphore, #tpu.memory_space<semaphore_mem>>) src(%arg8 : memref<1024x32xf32, #tpu.memory_space<vmem>>) dst(%dma_wait3A_46 : memref<1024x32xf32, #tpu.memory_space<hbm>>)
      tpu.yield
    }) : () -> ()
    %add3A_24 = arith.constant 3072 : i32
    %add3A_25 = arith.addi %mul3A_2, %add3A_24 : i32
    "tpu.region"() ({
      %run_scoped3A = tpu.sem_alloc : memref<!tpu.dma_semaphore, #tpu.memory_space<semaphore_mem>>
      %dma_start3A_39 = tpu.memref_slice %arg2[%add3A_25] : memref<131072xi32, #tpu.memory_space<hbm>> -> memref<1024xi32, #tpu.memory_space<hbm>>
      %dma_start3A_40 = tpu.memref_slice %arg2[%add3A_25] : memref<131072xi32, #tpu.memory_space<hbm>> -> memref<1024xi32, #tpu.memory_space<hbm>>
      tpu.enqueue_dma source(%dma_start3A_40 : memref<1024xi32, #tpu.memory_space<hbm>>) target(%arg6 : memref<1024xi32, #tpu.memory_space<vmem>>) target_semaphore(%run_scoped3A : memref<!tpu.dma_semaphore, #tpu.memory_space<semaphore_mem>>)
      %dma_wait3A_41 = tpu.memref_slice %arg2[%add3A_25] : memref<131072xi32, #tpu.memory_space<hbm>> -> memref<1024xi32, #tpu.memory_space<hbm>>
      %dma_wait3A_42 = tpu.memref_slice %arg2[%add3A_25] : memref<131072xi32, #tpu.memory_space<hbm>> -> memref<1024xi32, #tpu.memory_space<hbm>>
      tpu.wait_dma2 semaphore(%run_scoped3A : memref<!tpu.dma_semaphore, #tpu.memory_space<semaphore_mem>>) src(%dma_wait3A_42 : memref<1024xi32, #tpu.memory_space<hbm>>) dst(%arg6 : memref<1024xi32, #tpu.memory_space<vmem>>)
      tpu.yield
    }) : () -> ()
    %dma_start3A_26 = arith.constant 0 : i32
    %dma_start3A_27 = arith.constant 0 : i32
    %dma_start3A_28 = tpu.memref_slice %arg3[%dma_start3A_26, %dma_start3A_27] : memref<4096x32xf32, #tpu.memory_space<hbm>> -> memref<4096x32xf32, #tpu.memory_space<hbm>>
    tpu.enqueue_indirect_dma source(%dma_start3A_28 : memref<4096x32xf32, #tpu.memory_space<hbm>>) target(%arg8 : memref<1024x32xf32, #tpu.memory_space<vmem>>) offsets(%arg6 : memref<1024xi32, #tpu.memory_space<vmem>>) semaphore(%arg10 : memref<!tpu.dma_semaphore, #tpu.memory_space<semaphore_mem>>)
    %dma_wait3A_29 = arith.constant 0 : i32
    %dma_wait3A_30 = arith.constant 0 : i32
    %dma_wait3A_31 = tpu.memref_slice %arg3[%dma_wait3A_29, %dma_wait3A_30] : memref<4096x32xf32, #tpu.memory_space<hbm>> -> memref<4096x32xf32, #tpu.memory_space<hbm>>
    tpu.wait_indirect_dma semaphore(%arg9 : memref<!tpu.dma_semaphore, #tpu.memory_space<semaphore_mem>>) src(%dma_wait3A_31 : memref<4096x32xf32, #tpu.memory_space<hbm>>) dst(%arg7 : memref<1024x32xf32, #tpu.memory_space<vmem>>)
    %add3A_32 = arith.constant 2048 : i32
    %add3A_33 = arith.addi %mul3A_2, %add3A_32 : i32
    "tpu.region"() ({
      %run_scoped3A = tpu.sem_alloc : memref<!tpu.dma_semaphore, #tpu.memory_space<semaphore_mem>>
      %dma_start3A_39 = arith.constant 0 : i32
      %dma_start3A_40 = tpu.memref_slice %arg4[%add3A_33, %dma_start3A_39] : memref<131072x32xf32, #tpu.memory_space<hbm>> -> memref<1024x32xf32, #tpu.memory_space<hbm>>
      %dma_start3A_41 = arith.constant 0 : i32
      %dma_start3A_42 = tpu.memref_slice %arg4[%add3A_33, %dma_start3A_41] : memref<131072x32xf32, #tpu.memory_space<hbm>> -> memref<1024x32xf32, #tpu.memory_space<hbm>>
      tpu.enqueue_dma source(%arg7 : memref<1024x32xf32, #tpu.memory_space<vmem>>) target(%dma_start3A_42 : memref<1024x32xf32, #tpu.memory_space<hbm>>) target_semaphore(%run_scoped3A : memref<!tpu.dma_semaphore, #tpu.memory_space<semaphore_mem>>)
      %dma_wait3A_43 = arith.constant 0 : i32
      %dma_wait3A_44 = tpu.memref_slice %arg4[%add3A_33, %dma_wait3A_43] : memref<131072x32xf32, #tpu.memory_space<hbm>> -> memref<1024x32xf32, #tpu.memory_space<hbm>>
      %dma_wait3A_45 = arith.constant 0 : i32
      %dma_wait3A_46 = tpu.memref_slice %arg4[%add3A_33, %dma_wait3A_45] : memref<131072x32xf32, #tpu.memory_space<hbm>> -> memref<1024x32xf32, #tpu.memory_space<hbm>>
      tpu.wait_dma2 semaphore(%run_scoped3A : memref<!tpu.dma_semaphore, #tpu.memory_space<semaphore_mem>>) src(%arg7 : memref<1024x32xf32, #tpu.memory_space<vmem>>) dst(%dma_wait3A_46 : memref<1024x32xf32, #tpu.memory_space<hbm>>)
      tpu.yield
    }) : () -> ()
    %dma_wait3A_34 = arith.constant 0 : i32
    %dma_wait3A_35 = arith.constant 0 : i32
    %dma_wait3A_36 = tpu.memref_slice %arg3[%dma_wait3A_34, %dma_wait3A_35] : memref<4096x32xf32, #tpu.memory_space<hbm>> -> memref<4096x32xf32, #tpu.memory_space<hbm>>
    tpu.wait_indirect_dma semaphore(%arg10 : memref<!tpu.dma_semaphore, #tpu.memory_space<semaphore_mem>>) src(%dma_wait3A_36 : memref<4096x32xf32, #tpu.memory_space<hbm>>) dst(%arg8 : memref<1024x32xf32, #tpu.memory_space<vmem>>)
    %add3A_37 = arith.constant 3072 : i32
    %add3A_38 = arith.addi %mul3A_2, %add3A_37 : i32
    "tpu.region"() ({
      %run_scoped3A = tpu.sem_alloc : memref<!tpu.dma_semaphore, #tpu.memory_space<semaphore_mem>>
      %dma_start3A_39 = arith.constant 0 : i32
      %dma_start3A_40 = tpu.memref_slice %arg4[%add3A_38, %dma_start3A_39] : memref<131072x32xf32, #tpu.memory_space<hbm>> -> memref<1024x32xf32, #tpu.memory_space<hbm>>
      %dma_start3A_41 = arith.constant 0 : i32
      %dma_start3A_42 = tpu.memref_slice %arg4[%add3A_38, %dma_start3A_41] : memref<131072x32xf32, #tpu.memory_space<hbm>> -> memref<1024x32xf32, #tpu.memory_space<hbm>>
      tpu.enqueue_dma source(%arg8 : memref<1024x32xf32, #tpu.memory_space<vmem>>) target(%dma_start3A_42 : memref<1024x32xf32, #tpu.memory_space<hbm>>) target_semaphore(%run_scoped3A : memref<!tpu.dma_semaphore, #tpu.memory_space<semaphore_mem>>)
      %dma_wait3A_43 = arith.constant 0 : i32
      %dma_wait3A_44 = tpu.memref_slice %arg4[%add3A_38, %dma_wait3A_43] : memref<131072x32xf32, #tpu.memory_space<hbm>> -> memref<1024x32xf32, #tpu.memory_space<hbm>>
      %dma_wait3A_45 = arith.constant 0 : i32
      %dma_wait3A_46 = tpu.memref_slice %arg4[%add3A_38, %dma_wait3A_45] : memref<131072x32xf32, #tpu.memory_space<hbm>> -> memref<1024x32xf32, #tpu.memory_space<hbm>>
      tpu.wait_dma2 semaphore(%run_scoped3A : memref<!tpu.dma_semaphore, #tpu.memory_space<semaphore_mem>>) src(%arg8 : memref<1024x32xf32, #tpu.memory_space<vmem>>) dst(%dma_wait3A_46 : memref<1024x32xf32, #tpu.memory_space<hbm>>)
      tpu.yield
    }) : () -> ()
    return
  }
}

#map = affine_map<(d0, d1) -> (0)>
#map1 = affine_map<(d0, d1) -> (0, 0)>
module attributes {stable_mosaic.version = 14 : i64} {
  func.func @_sc_gather_body(%arg0: i32, %arg1: i32, %arg2: memref<131072xi32, #tpu.memory_space<hbm>>, %arg3: memref<4096x32xf32, #tpu.memory_space<hbm>>, %arg4: memref<131072x32xf32, #tpu.memory_space<hbm>>, %arg5: memref<1024xi32, #tpu.memory_space<vmem>>, %arg6: memref<1024xi32, #tpu.memory_space<vmem>>, %arg7: memref<1024x32xf32, #tpu.memory_space<vmem>>, %arg8: memref<1024x32xf32, #tpu.memory_space<vmem>>, %arg9: memref<!tpu.dma_semaphore, #tpu.memory_space<semaphore_mem>>, %arg10: memref<!tpu.dma_semaphore, #tpu.memory_space<semaphore_mem>>) attributes {dimension_semantics = [#tpu.dimension_semantics<core_parallel>, #tpu.dimension_semantics<subcore_parallel>], iteration_bounds = array<i64: 2, 16>, scalar_prefetch = 0 : i64, scratch_operands = 6 : i64, tpu.core_type = #tpu.core_type<sc_vector_subcore>, window_params = [{transform_indices = #map}, {transform_indices = #map1}, {transform_indices = #map1}]} {
    %mul3A = arith.constant 2 : i32
    %mul3A_0 = arith.muli %arg1, %mul3A : i32
    %add3A = arith.addi %mul3A_0, %arg0 : i32
    %mul3A_1 = arith.constant 4096 : i32
    %mul3A_2 = arith.muli %add3A, %mul3A_1 : i32
    "tpu.region"() ({
      %run_scoped3A = tpu.sem_alloc : memref<!tpu.dma_semaphore, #tpu.memory_space<semaphore_mem>>
      %dma_start3A_39 = tpu.memref_slice %arg2[%mul3A_2] : memref<131072xi32, #tpu.memory_space<hbm>> -> memref<1024xi32, #tpu.memory_space<hbm>>
      %dma_start3A_40 = tpu.memref_slice %arg2[%mul3A_2] : memref<131072xi32, #tpu.memory_space<hbm>> -> memref<1024xi32, #tpu.memory_space<hbm>>
      tpu.enqueue_dma source(%dma_start3A_40 : memref<1024xi32, #tpu.memory_space<hbm>>) target(%arg5 : memref<1024xi32, #tpu.memory_space<vmem>>) target_semaphore(%run_scoped3A : memref<!tpu.dma_semaphore, #tpu.memory_space<semaphore_mem>>)
      %dma_wait3A_41 = tpu.memref_slice %arg2[%mul3A_2] : memref<131072xi32, #tpu.memory_space<hbm>> -> memref<1024xi32, #tpu.memory_space<hbm>>
      %dma_wait3A_42 = tpu.memref_slice %arg2[%mul3A_2] : memref<131072xi32, #tpu.memory_space<hbm>> -> memref<1024xi32, #tpu.memory_space<hbm>>
      tpu.wait_dma2 semaphore(%run_scoped3A : memref<!tpu.dma_semaphore, #tpu.memory_space<semaphore_mem>>) src(%dma_wait3A_42 : memref<1024xi32, #tpu.memory_space<hbm>>) dst(%arg5 : memref<1024xi32, #tpu.memory_space<vmem>>)
      tpu.yield
    }) : () -> ()
    %dma_start3A = arith.constant 0 : i32
    %dma_start3A_3 = arith.constant 0 : i32
    %dma_start3A_4 = tpu.memref_slice %arg3[%dma_start3A, %dma_start3A_3] : memref<4096x32xf32, #tpu.memory_space<hbm>> -> memref<4096x32xf32, #tpu.memory_space<hbm>>
    tpu.enqueue_indirect_dma source(%dma_start3A_4 : memref<4096x32xf32, #tpu.memory_space<hbm>>) target(%arg7 : memref<1024x32xf32, #tpu.memory_space<vmem>>) offsets(%arg5 : memref<1024xi32, #tpu.memory_space<vmem>>) semaphore(%arg9 : memref<!tpu.dma_semaphore, #tpu.memory_space<semaphore_mem>>)
    %add3A_5 = arith.constant 1024 : i32
    %add3A_6 = arith.addi %mul3A_2, %add3A_5 : i32
    "tpu.region"() ({
      %run_scoped3A = tpu.sem_alloc : memref<!tpu.dma_semaphore, #tpu.memory_space<semaphore_mem>>
      %dma_start3A_39 = tpu.memref_slice %arg2[%add3A_6] : memref<131072xi32, #tpu.memory_space<hbm>> -> memref<1024xi32, #tpu.memory_space<hbm>>
      %dma_start3A_40 = tpu.memref_slice %arg2[%add3A_6] : memref<131072xi32, #tpu.memory_space<hbm>> -> memref<1024xi32, #tpu.memory_space<hbm>>
      tpu.enqueue_dma source(%dma_start3A_40 : memref<1024xi32, #tpu.memory_space<hbm>>) target(%arg6 : memref<1024xi32, #tpu.memory_space<vmem>>) target_semaphore(%run_scoped3A : memref<!tpu.dma_semaphore, #tpu.memory_space<semaphore_mem>>)
      %dma_wait3A_41 = tpu.memref_slice %arg2[%add3A_6] : memref<131072xi32, #tpu.memory_space<hbm>> -> memref<1024xi32, #tpu.memory_space<hbm>>
      %dma_wait3A_42 = tpu.memref_slice %arg2[%add3A_6] : memref<131072xi32, #tpu.memory_space<hbm>> -> memref<1024xi32, #tpu.memory_space<hbm>>
      tpu.wait_dma2 semaphore(%run_scoped3A : memref<!tpu.dma_semaphore, #tpu.memory_space<semaphore_mem>>) src(%dma_wait3A_42 : memref<1024xi32, #tpu.memory_space<hbm>>) dst(%arg6 : memref<1024xi32, #tpu.memory_space<vmem>>)
      tpu.yield
    }) : () -> ()
    %dma_start3A_7 = arith.constant 0 : i32
    %dma_start3A_8 = arith.constant 0 : i32
    %dma_start3A_9 = tpu.memref_slice %arg3[%dma_start3A_7, %dma_start3A_8] : memref<4096x32xf32, #tpu.memory_space<hbm>> -> memref<4096x32xf32, #tpu.memory_space<hbm>>
    tpu.enqueue_indirect_dma source(%dma_start3A_9 : memref<4096x32xf32, #tpu.memory_space<hbm>>) target(%arg8 : memref<1024x32xf32, #tpu.memory_space<vmem>>) offsets(%arg6 : memref<1024xi32, #tpu.memory_space<vmem>>) semaphore(%arg10 : memref<!tpu.dma_semaphore, #tpu.memory_space<semaphore_mem>>)
    %dma_wait3A = arith.constant 0 : i32
    %dma_wait3A_10 = arith.constant 0 : i32
    %dma_wait3A_11 = tpu.memref_slice %arg3[%dma_wait3A, %dma_wait3A_10] : memref<4096x32xf32, #tpu.memory_space<hbm>> -> memref<4096x32xf32, #tpu.memory_space<hbm>>
    tpu.wait_indirect_dma semaphore(%arg9 : memref<!tpu.dma_semaphore, #tpu.memory_space<semaphore_mem>>) src(%dma_wait3A_11 : memref<4096x32xf32, #tpu.memory_space<hbm>>) dst(%arg7 : memref<1024x32xf32, #tpu.memory_space<vmem>>)
    %add3A_12 = arith.constant 0 : i32
    %add3A_13 = arith.addi %mul3A_2, %add3A_12 : i32
    "tpu.region"() ({
      %run_scoped3A = tpu.sem_alloc : memref<!tpu.dma_semaphore, #tpu.memory_space<semaphore_mem>>
      %dma_start3A_39 = arith.constant 0 : i32
      %dma_start3A_40 = tpu.memref_slice %arg4[%add3A_13, %dma_start3A_39] : memref<131072x32xf32, #tpu.memory_space<hbm>> -> memref<1024x32xf32, #tpu.memory_space<hbm>>
      %dma_start3A_41 = arith.constant 0 : i32
      %dma_start3A_42 = tpu.memref_slice %arg4[%add3A_13, %dma_start3A_41] : memref<131072x32xf32, #tpu.memory_space<hbm>> -> memref<1024x32xf32, #tpu.memory_space<hbm>>
      tpu.enqueue_dma source(%arg7 : memref<1024x32xf32, #tpu.memory_space<vmem>>) target(%dma_start3A_42 : memref<1024x32xf32, #tpu.memory_space<hbm>>) target_semaphore(%run_scoped3A : memref<!tpu.dma_semaphore, #tpu.memory_space<semaphore_mem>>)
      %dma_wait3A_43 = arith.constant 0 : i32
      %dma_wait3A_44 = tpu.memref_slice %arg4[%add3A_13, %dma_wait3A_43] : memref<131072x32xf32, #tpu.memory_space<hbm>> -> memref<1024x32xf32, #tpu.memory_space<hbm>>
      %dma_wait3A_45 = arith.constant 0 : i32
      %dma_wait3A_46 = tpu.memref_slice %arg4[%add3A_13, %dma_wait3A_45] : memref<131072x32xf32, #tpu.memory_space<hbm>> -> memref<1024x32xf32, #tpu.memory_space<hbm>>
      tpu.wait_dma2 semaphore(%run_scoped3A : memref<!tpu.dma_semaphore, #tpu.memory_space<semaphore_mem>>) src(%arg7 : memref<1024x32xf32, #tpu.memory_space<vmem>>) dst(%dma_wait3A_46 : memref<1024x32xf32, #tpu.memory_space<hbm>>)
      tpu.yield
    }) : () -> ()
    %add3A_14 = arith.constant 2048 : i32
    %add3A_15 = arith.addi %mul3A_2, %add3A_14 : i32
    "tpu.region"() ({
      %run_scoped3A = tpu.sem_alloc : memref<!tpu.dma_semaphore, #tpu.memory_space<semaphore_mem>>
      %dma_start3A_39 = tpu.memref_slice %arg2[%add3A_15] : memref<131072xi32, #tpu.memory_space<hbm>> -> memref<1024xi32, #tpu.memory_space<hbm>>
      %dma_start3A_40 = tpu.memref_slice %arg2[%add3A_15] : memref<131072xi32, #tpu.memory_space<hbm>> -> memref<1024xi32, #tpu.memory_space<hbm>>
      tpu.enqueue_dma source(%dma_start3A_40 : memref<1024xi32, #tpu.memory_space<hbm>>) target(%arg5 : memref<1024xi32, #tpu.memory_space<vmem>>) target_semaphore(%run_scoped3A : memref<!tpu.dma_semaphore, #tpu.memory_space<semaphore_mem>>)
      %dma_wait3A_41 = tpu.memref_slice %arg2[%add3A_15] : memref<131072xi32, #tpu.memory_space<hbm>> -> memref<1024xi32, #tpu.memory_space<hbm>>
      %dma_wait3A_42 = tpu.memref_slice %arg2[%add3A_15] : memref<131072xi32, #tpu.memory_space<hbm>> -> memref<1024xi32, #tpu.memory_space<hbm>>
      tpu.wait_dma2 semaphore(%run_scoped3A : memref<!tpu.dma_semaphore, #tpu.memory_space<semaphore_mem>>) src(%dma_wait3A_42 : memref<1024xi32, #tpu.memory_space<hbm>>) dst(%arg5 : memref<1024xi32, #tpu.memory_space<vmem>>)
      tpu.yield
    }) : () -> ()
    %dma_start3A_16 = arith.constant 0 : i32
    %dma_start3A_17 = arith.constant 0 : i32
    %dma_start3A_18 = tpu.memref_slice %arg3[%dma_start3A_16, %dma_start3A_17] : memref<4096x32xf32, #tpu.memory_space<hbm>> -> memref<4096x32xf32, #tpu.memory_space<hbm>>
    tpu.enqueue_indirect_dma source(%dma_start3A_18 : memref<4096x32xf32, #tpu.memory_space<hbm>>) target(%arg7 : memref<1024x32xf32, #tpu.memory_space<vmem>>) offsets(%arg5 : memref<1024xi32, #tpu.memory_space<vmem>>) semaphore(%arg9 : memref<!tpu.dma_semaphore, #tpu.memory_space<semaphore_mem>>)
    %dma_wait3A_19 = arith.constant 0 : i32
    %dma_wait3A_20 = arith.constant 0 : i32
    %dma_wait3A_21 = tpu.memref_slice %arg3[%dma_wait3A_19, %dma_wait3A_20] : memref<4096x32xf32, #tpu.memory_space<hbm>> -> memref<4096x32xf32, #tpu.memory_space<hbm>>
    tpu.wait_indirect_dma semaphore(%arg10 : memref<!tpu.dma_semaphore, #tpu.memory_space<semaphore_mem>>) src(%dma_wait3A_21 : memref<4096x32xf32, #tpu.memory_space<hbm>>) dst(%arg8 : memref<1024x32xf32, #tpu.memory_space<vmem>>)
    %add3A_22 = arith.constant 1024 : i32
    %add3A_23 = arith.addi %mul3A_2, %add3A_22 : i32
    "tpu.region"() ({
      %run_scoped3A = tpu.sem_alloc : memref<!tpu.dma_semaphore, #tpu.memory_space<semaphore_mem>>
      %dma_start3A_39 = arith.constant 0 : i32
      %dma_start3A_40 = tpu.memref_slice %arg4[%add3A_23, %dma_start3A_39] : memref<131072x32xf32, #tpu.memory_space<hbm>> -> memref<1024x32xf32, #tpu.memory_space<hbm>>
      %dma_start3A_41 = arith.constant 0 : i32
      %dma_start3A_42 = tpu.memref_slice %arg4[%add3A_23, %dma_start3A_41] : memref<131072x32xf32, #tpu.memory_space<hbm>> -> memref<1024x32xf32, #tpu.memory_space<hbm>>
      tpu.enqueue_dma source(%arg8 : memref<1024x32xf32, #tpu.memory_space<vmem>>) target(%dma_start3A_42 : memref<1024x32xf32, #tpu.memory_space<hbm>>) target_semaphore(%run_scoped3A : memref<!tpu.dma_semaphore, #tpu.memory_space<semaphore_mem>>)
      %dma_wait3A_43 = arith.constant 0 : i32
      %dma_wait3A_44 = tpu.memref_slice %arg4[%add3A_23, %dma_wait3A_43] : memref<131072x32xf32, #tpu.memory_space<hbm>> -> memref<1024x32xf32, #tpu.memory_space<hbm>>
      %dma_wait3A_45 = arith.constant 0 : i32
      %dma_wait3A_46 = tpu.memref_slice %arg4[%add3A_23, %dma_wait3A_45] : memref<131072x32xf32, #tpu.memory_space<hbm>> -> memref<1024x32xf32, #tpu.memory_space<hbm>>
      tpu.wait_dma2 semaphore(%run_scoped3A : memref<!tpu.dma_semaphore, #tpu.memory_space<semaphore_mem>>) src(%arg8 : memref<1024x32xf32, #tpu.memory_space<vmem>>) dst(%dma_wait3A_46 : memref<1024x32xf32, #tpu.memory_space<hbm>>)
      tpu.yield
    }) : () -> ()
    %add3A_24 = arith.constant 3072 : i32
    %add3A_25 = arith.addi %mul3A_2, %add3A_24 : i32
    "tpu.region"() ({
      %run_scoped3A = tpu.sem_alloc : memref<!tpu.dma_semaphore, #tpu.memory_space<semaphore_mem>>
      %dma_start3A_39 = tpu.memref_slice %arg2[%add3A_25] : memref<131072xi32, #tpu.memory_space<hbm>> -> memref<1024xi32, #tpu.memory_space<hbm>>
      %dma_start3A_40 = tpu.memref_slice %arg2[%add3A_25] : memref<131072xi32, #tpu.memory_space<hbm>> -> memref<1024xi32, #tpu.memory_space<hbm>>
      tpu.enqueue_dma source(%dma_start3A_40 : memref<1024xi32, #tpu.memory_space<hbm>>) target(%arg6 : memref<1024xi32, #tpu.memory_space<vmem>>) target_semaphore(%run_scoped3A : memref<!tpu.dma_semaphore, #tpu.memory_space<semaphore_mem>>)
      %dma_wait3A_41 = tpu.memref_slice %arg2[%add3A_25] : memref<131072xi32, #tpu.memory_space<hbm>> -> memref<1024xi32, #tpu.memory_space<hbm>>
      %dma_wait3A_42 = tpu.memref_slice %arg2[%add3A_25] : memref<131072xi32, #tpu.memory_space<hbm>> -> memref<1024xi32, #tpu.memory_space<hbm>>
      tpu.wait_dma2 semaphore(%run_scoped3A : memref<!tpu.dma_semaphore, #tpu.memory_space<semaphore_mem>>) src(%dma_wait3A_42 : memref<1024xi32, #tpu.memory_space<hbm>>) dst(%arg6 : memref<1024xi32, #tpu.memory_space<vmem>>)
      tpu.yield
    }) : () -> ()
    %dma_start3A_26 = arith.constant 0 : i32
    %dma_start3A_27 = arith.constant 0 : i32
    %dma_start3A_28 = tpu.memref_slice %arg3[%dma_start3A_26, %dma_start3A_27] : memref<4096x32xf32, #tpu.memory_space<hbm>> -> memref<4096x32xf32, #tpu.memory_space<hbm>>
    tpu.enqueue_indirect_dma source(%dma_start3A_28 : memref<4096x32xf32, #tpu.memory_space<hbm>>) target(%arg8 : memref<1024x32xf32, #tpu.memory_space<vmem>>) offsets(%arg6 : memref<1024xi32, #tpu.memory_space<vmem>>) semaphore(%arg10 : memref<!tpu.dma_semaphore, #tpu.memory_space<semaphore_mem>>)
    %dma_wait3A_29 = arith.constant 0 : i32
    %dma_wait3A_30 = arith.constant 0 : i32
    %dma_wait3A_31 = tpu.memref_slice %arg3[%dma_wait3A_29, %dma_wait3A_30] : memref<4096x32xf32, #tpu.memory_space<hbm>> -> memref<4096x32xf32, #tpu.memory_space<hbm>>
    tpu.wait_indirect_dma semaphore(%arg9 : memref<!tpu.dma_semaphore, #tpu.memory_space<semaphore_mem>>) src(%dma_wait3A_31 : memref<4096x32xf32, #tpu.memory_space<hbm>>) dst(%arg7 : memref<1024x32xf32, #tpu.memory_space<vmem>>)
    %add3A_32 = arith.constant 2048 : i32
    %add3A_33 = arith.addi %mul3A_2, %add3A_32 : i32
    "tpu.region"() ({
      %run_scoped3A = tpu.sem_alloc : memref<!tpu.dma_semaphore, #tpu.memory_space<semaphore_mem>>
      %dma_start3A_39 = arith.constant 0 : i32
      %dma_start3A_40 = tpu.memref_slice %arg4[%add3A_33, %dma_start3A_39] : memref<131072x32xf32, #tpu.memory_space<hbm>> -> memref<1024x32xf32, #tpu.memory_space<hbm>>
      %dma_start3A_41 = arith.constant 0 : i32
      %dma_start3A_42 = tpu.memref_slice %arg4[%add3A_33, %dma_start3A_41] : memref<131072x32xf32, #tpu.memory_space<hbm>> -> memref<1024x32xf32, #tpu.memory_space<hbm>>
      tpu.enqueue_dma source(%arg7 : memref<1024x32xf32, #tpu.memory_space<vmem>>) target(%dma_start3A_42 : memref<1024x32xf32, #tpu.memory_space<hbm>>) target_semaphore(%run_scoped3A : memref<!tpu.dma_semaphore, #tpu.memory_space<semaphore_mem>>)
      %dma_wait3A_43 = arith.constant 0 : i32
      %dma_wait3A_44 = tpu.memref_slice %arg4[%add3A_33, %dma_wait3A_43] : memref<131072x32xf32, #tpu.memory_space<hbm>> -> memref<1024x32xf32, #tpu.memory_space<hbm>>
      %dma_wait3A_45 = arith.constant 0 : i32
      %dma_wait3A_46 = tpu.memref_slice %arg4[%add3A_33, %dma_wait3A_45] : memref<131072x32xf32, #tpu.memory_space<hbm>> -> memref<1024x32xf32, #tpu.memory_space<hbm>>
      tpu.wait_dma2 semaphore(%run_scoped3A : memref<!tpu.dma_semaphore, #tpu.memory_space<semaphore_mem>>) src(%arg7 : memref<1024x32xf32, #tpu.memory_space<vmem>>) dst(%dma_wait3A_46 : memref<1024x32xf32, #tpu.memory_space<hbm>>)
      tpu.yield
    }) : () -> ()
    %dma_wait3A_34 = arith.constant 0 : i32
    %dma_wait3A_35 = arith.constant 0 : i32
    %dma_wait3A_36 = tpu.memref_slice %arg3[%dma_wait3A_34, %dma_wait3A_35] : memref<4096x32xf32, #tpu.memory_space<hbm>> -> memref<4096x32xf32, #tpu.memory_space<hbm>>
    tpu.wait_indirect_dma semaphore(%arg10 : memref<!tpu.dma_semaphore, #tpu.memory_space<semaphore_mem>>) src(%dma_wait3A_36 : memref<4096x32xf32, #tpu.memory_space<hbm>>) dst(%arg8 : memref<1024x32xf32, #tpu.memory_space<vmem>>)
    %add3A_37 = arith.constant 3072 : i32
    %add3A_38 = arith.addi %mul3A_2, %add3A_37 : i32
    "tpu.region"() ({
      %run_scoped3A = tpu.sem_alloc : memref<!tpu.dma_semaphore, #tpu.memory_space<semaphore_mem>>
      %dma_start3A_39 = arith.constant 0 : i32
      %dma_start3A_40 = tpu.memref_slice %arg4[%add3A_38, %dma_start3A_39] : memref<131072x32xf32, #tpu.memory_space<hbm>> -> memref<1024x32xf32, #tpu.memory_space<hbm>>
      %dma_start3A_41 = arith.constant 0 : i32
      %dma_start3A_42 = tpu.memref_slice %arg4[%add3A_38, %dma_start3A_41] : memref<131072x32xf32, #tpu.memory_space<hbm>> -> memref<1024x32xf32, #tpu.memory_space<hbm>>
      tpu.enqueue_dma source(%arg8 : memref<1024x32xf32, #tpu.memory_space<vmem>>) target(%dma_start3A_42 : memref<1024x32xf32, #tpu.memory_space<hbm>>) target_semaphore(%run_scoped3A : memref<!tpu.dma_semaphore, #tpu.memory_space<semaphore_mem>>)
      %dma_wait3A_43 = arith.constant 0 : i32
      %dma_wait3A_44 = tpu.memref_slice %arg4[%add3A_38, %dma_wait3A_43] : memref<131072x32xf32, #tpu.memory_space<hbm>> -> memref<1024x32xf32, #tpu.memory_space<hbm>>
      %dma_wait3A_45 = arith.constant 0 : i32
      %dma_wait3A_46 = tpu.memref_slice %arg4[%add3A_38, %dma_wait3A_45] : memref<131072x32xf32, #tpu.memory_space<hbm>> -> memref<1024x32xf32, #tpu.memory_space<hbm>>
      tpu.wait_dma2 semaphore(%run_scoped3A : memref<!tpu.dma_semaphore, #tpu.memory_space<semaphore_mem>>) src(%arg8 : memref<1024x32xf32, #tpu.memory_space<vmem>>) dst(%dma_wait3A_46 : memref<1024x32xf32, #tpu.memory_space<hbm>>)
      tpu.yield
    }) : () -> ()
    return
  }
}

#map = affine_map<(d0, d1) -> (0, 0)>
module attributes {stable_mosaic.version = 14 : i64} {
  func.func @_sc_topk_body(%arg0: i32, %arg1: i32, %arg2: memref<4096x4096xf32, #tpu.memory_space<hbm>>, %arg3: memref<4096x32xf32, #tpu.memory_space<hbm>>, %arg4: memref<4096x32xi32, #tpu.memory_space<hbm>>, %arg5: memref<4x4096xf32, #tpu.memory_space<vmem>>, %arg6: memref<4x4096xf32, #tpu.memory_space<vmem>>, %arg7: memref<4112xf32, #tpu.memory_space<vmem>>, %arg8: memref<4112xi32, #tpu.memory_space<vmem>>, %arg9: memref<128x32xf32, #tpu.memory_space<vmem>>, %arg10: memref<128x32xi32, #tpu.memory_space<vmem>>, %arg11: memref<!tpu.dma_semaphore, #tpu.memory_space<semaphore_mem>>, %arg12: memref<!tpu.dma_semaphore, #tpu.memory_space<semaphore_mem>>) attributes {dimension_semantics = [#tpu.dimension_semantics<core_parallel>, #tpu.dimension_semantics<subcore_parallel>], iteration_bounds = array<i64: 2, 16>, scalar_prefetch = 0 : i64, scratch_operands = 8 : i64, tpu.core_type = #tpu.core_type<sc_vector_subcore>, window_params = [{transform_indices = #map}, {transform_indices = #map}, {transform_indices = #map}]} {
    %mul3A = arith.constant 2 : i32
    %mul3A_0 = arith.muli %arg1, %mul3A : i32
    %add3A = arith.addi %mul3A_0, %arg0 : i32
    %mul3A_1 = arith.constant 128 : i32
    %mul3A_2 = arith.muli %add3A, %mul3A_1 : i32
    %dma_start3A = arith.constant 0 : i32
    %dma_start3A_3 = tpu.memref_slice %arg2[%mul3A_2, %dma_start3A] : memref<4096x4096xf32, #tpu.memory_space<hbm>> -> memref<4x4096xf32, #tpu.memory_space<hbm>>
    %dma_start3A_4 = arith.constant 0 : i32
    %dma_start3A_5 = tpu.memref_slice %arg2[%mul3A_2, %dma_start3A_4] : memref<4096x4096xf32, #tpu.memory_space<hbm>> -> memref<4x4096xf32, #tpu.memory_space<hbm>>
    tpu.enqueue_dma source(%dma_start3A_5 : memref<4x4096xf32, #tpu.memory_space<hbm>>) target(%arg5 : memref<4x4096xf32, #tpu.memory_space<vmem>>) target_semaphore(%arg11 : memref<!tpu.dma_semaphore, #tpu.memory_space<semaphore_mem>>)
    %add3A_6 = arith.constant 4 : i32
    %add3A_7 = arith.addi %mul3A_2, %add3A_6 : i32
    %dma_start3A_8 = arith.constant 0 : i32
    %dma_start3A_9 = tpu.memref_slice %arg2[%add3A_7, %dma_start3A_8] : memref<4096x4096xf32, #tpu.memory_space<hbm>> -> memref<4x4096xf32, #tpu.memory_space<hbm>>
    %dma_start3A_10 = arith.constant 0 : i32
    %dma_start3A_11 = tpu.memref_slice %arg2[%add3A_7, %dma_start3A_10] : memref<4096x4096xf32, #tpu.memory_space<hbm>> -> memref<4x4096xf32, #tpu.memory_space<hbm>>
    tpu.enqueue_dma source(%dma_start3A_11 : memref<4x4096xf32, #tpu.memory_space<hbm>>) target(%arg6 : memref<4x4096xf32, #tpu.memory_space<vmem>>) target_semaphore(%arg12 : memref<!tpu.dma_semaphore, #tpu.memory_space<semaphore_mem>>)
    %scan3A = arith.constant 0 : i32
    %scan3A_12 = arith.constant 0 : i32
    %scan3A_13 = arith.constant 16 : i32
    %scan3A_14 = arith.addi %scan3A_12, %scan3A_13 : i32
    %scan3A_15 = arith.constant 1 : i32
    scf.for %scan3A_24 = %scan3A_12 to %scan3A_14 step %scan3A_15  : i32 {
      %mul3A_25 = arith.constant 2 : i32
      %mul3A_26 = arith.muli %mul3A_25, %scan3A_24 : i32
      %dma_wait3A_27 = arith.constant 0 : i32
      %dma_wait3A_28 = tpu.memref_slice %arg2[%mul3A_2, %dma_wait3A_27] : memref<4096x4096xf32, #tpu.memory_space<hbm>> -> memref<4x4096xf32, #tpu.memory_space<hbm>>
      %dma_wait3A_29 = arith.constant 0 : i32
      %dma_wait3A_30 = tpu.memref_slice %arg2[%mul3A_2, %dma_wait3A_29] : memref<4096x4096xf32, #tpu.memory_space<hbm>> -> memref<4x4096xf32, #tpu.memory_space<hbm>>
      tpu.wait_dma2 semaphore(%arg11 : memref<!tpu.dma_semaphore, #tpu.memory_space<semaphore_mem>>) src(%dma_wait3A_30 : memref<4x4096xf32, #tpu.memory_space<hbm>>) dst(%arg5 : memref<4x4096xf32, #tpu.memory_space<vmem>>)
      %scan3A_31 = arith.constant 0 : i32
      %scan3A_32 = arith.constant 0 : i32
      %scan3A_33 = arith.constant 4 : i32
      %scan3A_34 = arith.addi %scan3A_32, %scan3A_33 : i32
      %scan3A_35 = arith.constant 1 : i32
      scf.for %scan3A_72 = %scan3A_32 to %scan3A_34 step %scan3A_35  : i32 {
        %mul3A_73 = arith.constant 4 : i32
        %mul3A_74 = arith.muli %mul3A_26, %mul3A_73 : i32
        %add3A_75 = arith.addi %mul3A_74, %scan3A_72 : i32
        %iota3A = tpu.iota {dimensions = array<i32: 0>} : vector<16xi32>
        %broadcast_in_dim3A = arith.constant 3.40282347E+38 : f32
        %broadcast_in_dim3A_76 = vector.broadcast %broadcast_in_dim3A : f32 to vector<16xf32>
        %scan3A_77 = arith.constant 0 : i32
        %scan3A_78 = arith.constant 64 : i32
        %scan3A_79 = arith.addi %scan3A_77, %scan3A_78 : i32
        %scan3A_80 = arith.constant 1 : i32
        %scan3A_81:2 = scf.for %scan3A_134 = %scan3A_77 to %scan3A_79 step %scan3A_80 iter_args(%scan3A_135 = %broadcast_in_dim3A_76, %scan3A_136 = %broadcast_in_dim3A_76) -> (vector<16xf32>, vector<16xf32>)  : i32 {
          %mul3A_137 = arith.constant 4 : i32
          %mul3A_138 = arith.muli %scan3A_134, %mul3A_137 : i32
          %add3A_139 = arith.constant 0 : i32
          %add3A_140 = arith.addi %mul3A_138, %add3A_139 : i32
          %mul3A_141 = arith.constant 16 : i32
          %mul3A_142 = arith.muli %add3A_140, %mul3A_141 : i32
          %get3A = arith.index_cast %scan3A_72 : i32 to index
          %get3A_143 = arith.index_cast %mul3A_142 : i32 to index
          %get3A_144 = tpu.vector_load %arg5[%get3A, %get3A_143] {strides = array<i32>} : memref<4x4096xf32, #tpu.memory_space<vmem>>, vector<16xf32>,
          %max3A = arith.maximumf %scan3A_135, %get3A_144 : vector<16xf32>
          %min3A_145 = arith.minimumf %scan3A_135, %get3A_144 : vector<16xf32>
          %min3A_146 = arith.minimumf %scan3A_136, %max3A : vector<16xf32>
          %mul3A_147 = arith.constant 4 : i32
          %mul3A_148 = arith.muli %scan3A_134, %mul3A_147 : i32
          %add3A_149 = arith.constant 1 : i32
          %add3A_150 = arith.addi %mul3A_148, %add3A_149 : i32
          %mul3A_151 = arith.constant 16 : i32
          %mul3A_152 = arith.muli %add3A_150, %mul3A_151 : i32
          %get3A_153 = arith.index_cast %scan3A_72 : i32 to index
          %get3A_154 = arith.index_cast %mul3A_152 : i32 to index
          %get3A_155 = tpu.vector_load %arg5[%get3A_153, %get3A_154] {strides = array<i32>} : memref<4x4096xf32, #tpu.memory_space<vmem>>, vector<16xf32>,
          %max3A_156 = arith.maximumf %min3A_145, %get3A_155 : vector<16xf32>
          %min3A_157 = arith.minimumf %min3A_145, %get3A_155 : vector<16xf32>
          %min3A_158 = arith.minimumf %min3A_146, %max3A_156 : vector<16xf32>
          %mul3A_159 = arith.constant 4 : i32
          %mul3A_160 = arith.muli %scan3A_134, %mul3A_159 : i32
          %add3A_161 = arith.constant 2 : i32
          %add3A_162 = arith.addi %mul3A_160, %add3A_161 : i32
          %mul3A_163 = arith.constant 16 : i32
          %mul3A_164 = arith.muli %add3A_162, %mul3A_163 : i32
          %get3A_165 = arith.index_cast %scan3A_72 : i32 to index
          %get3A_166 = arith.index_cast %mul3A_164 : i32 to index
          %get3A_167 = tpu.vector_load %arg5[%get3A_165, %get3A_166] {strides = array<i32>} : memref<4x4096xf32, #tpu.memory_space<vmem>>, vector<16xf32>,
          %max3A_168 = arith.maximumf %min3A_157, %get3A_167 : vector<16xf32>
          %min3A_169 = arith.minimumf %min3A_157, %get3A_167 : vector<16xf32>
          %min3A_170 = arith.minimumf %min3A_158, %max3A_168 : vector<16xf32>
          %mul3A_171 = arith.constant 4 : i32
          %mul3A_172 = arith.muli %scan3A_134, %mul3A_171 : i32
          %add3A_173 = arith.constant 3 : i32
          %add3A_174 = arith.addi %mul3A_172, %add3A_173 : i32
          %mul3A_175 = arith.constant 16 : i32
          %mul3A_176 = arith.muli %add3A_174, %mul3A_175 : i32
          %get3A_177 = arith.index_cast %scan3A_72 : i32 to index
          %get3A_178 = arith.index_cast %mul3A_176 : i32 to index
          %get3A_179 = tpu.vector_load %arg5[%get3A_177, %get3A_178] {strides = array<i32>} : memref<4x4096xf32, #tpu.memory_space<vmem>>, vector<16xf32>,
          %max3A_180 = arith.maximumf %min3A_169, %get3A_179 : vector<16xf32>
          %min3A_181 = arith.minimumf %min3A_169, %get3A_179 : vector<16xf32>
          %min3A_182 = arith.minimumf %min3A_170, %max3A_180 : vector<16xf32>
          scf.yield %min3A_181, %min3A_182 : vector<16xf32>, vector<16xf32>
        }
        %scan3A_82 = arith.constant 64 : i32
        %reduce_max3A = arith.constant true
        %reduce_max3A_83 = vector.broadcast %reduce_max3A : i1 to vector<16xi1>
        %reduce_max3A_84 = tpu.scan <max>, %scan3A_81#1 masked %reduce_max3A_83 : vector<16xf32>, vector<16xi1> -> vector<16xf32>
        %reduce_max3A_85 = vector.extract %reduce_max3A_84[15] : f32 from vector<16xf32>
        %scan3A_86 = arith.constant 0 : i32
        %scan3A_87 = arith.constant 0 : i32
        %scan3A_88 = arith.constant 64 : i32
        %scan3A_89 = arith.addi %scan3A_87, %scan3A_88 : i32
        %scan3A_90 = arith.constant 1 : i32
        %scan3A_91 = scf.for %scan3A_134 = %scan3A_87 to %scan3A_89 step %scan3A_90 iter_args(%scan3A_135 = %scan3A_86) -> (i32)  : i32 {
          %mul3A_136 = arith.constant 4 : i32
          %mul3A_137 = arith.muli %scan3A_134, %mul3A_136 : i32
          %add3A_138 = arith.constant 0 : i32
          %add3A_139 = arith.addi %mul3A_137, %add3A_138 : i32
          %mul3A_140 = arith.constant 16 : i32
          %mul3A_141 = arith.muli %add3A_139, %mul3A_140 : i32
          %add3A_142 = vector.broadcast %mul3A_141 : i32 to vector<16xi32>
          %add3A_143 = arith.addi %add3A_142, %iota3A : vector<16xi32>
          %mul3A_144 = arith.constant 16 : i32
          %mul3A_145 = arith.muli %add3A_139, %mul3A_144 : i32
          %get3A = arith.index_cast %scan3A_72 : i32 to index
          %get3A_146 = arith.index_cast %mul3A_145 : i32 to index
          %get3A_147 = tpu.vector_load %arg5[%get3A, %get3A_146] {strides = array<i32>} : memref<4x4096xf32, #tpu.memory_space<vmem>>, vector<16xf32>,
          %le3A = vector.broadcast %reduce_max3A_85 : f32 to vector<16xf32>
          %le3A_148 = arith.cmpf ole, %get3A_147, %le3A : vector<16xf32>
          %convert_element_type3A = arith.extui %le3A_148 : vector<16xi1> to vector<16xi32>
          %broadcast_in_dim3A_149 = arith.constant true
          %broadcast_in_dim3A_150 = vector.broadcast %broadcast_in_dim3A_149 : i1 to vector<16xi1>
          %masked_cumsum3A = tpu.scan <sum>, %convert_element_type3A masked %broadcast_in_dim3A_150 : vector<16xi32>, vector<16xi1> -> vector<16xi32>
          %add3A_151 = vector.broadcast %scan3A_135 : i32 to vector<16xi32>
          %add3A_152 = arith.addi %add3A_151, %masked_cumsum3A : vector<16xi32>
          %sub3A_153 = arith.constant 1 : i32
          %sub3A_154 = vector.broadcast %sub3A_153 : i32 to vector<16xi32>
          %sub3A_155 = arith.subi %add3A_152, %sub3A_154 : vector<16xi32>
          tpu.vector_store_idx %arg7[%sub3A_155], %get3A_147 masked %le3A_148 : memref<4112xf32, #tpu.memory_space<vmem>>[vector<16xi32>], vector<16xf32>, vector<16xi1>
          tpu.vector_store_idx %arg8[%sub3A_155], %add3A_143 masked %le3A_148 : memref<4112xi32, #tpu.memory_space<vmem>>[vector<16xi32>], vector<16xi32>, vector<16xi1>
          %reduce_max3A_156 = arith.constant true
          %reduce_max3A_157 = vector.broadcast %reduce_max3A_156 : i1 to vector<16xi1>
          %reduce_max3A_158 = arith.constant -2147483648 : i32
          %reduce_max3A_159 = vector.broadcast %reduce_max3A_158 : i32 to vector<16xi32>
          %reduce_max3A_160 = arith.xori %masked_cumsum3A, %reduce_max3A_159 : vector<16xi32>
          %reduce_max3A_161 = tpu.scan <max>, %reduce_max3A_160 masked %reduce_max3A_157 : vector<16xi32>, vector<16xi1> -> vector<16xi32>
          %reduce_max3A_162 = arith.xori %reduce_max3A_161, %reduce_max3A_159 : vector<16xi32>
          %reduce_max3A_163 = vector.extract %reduce_max3A_162[15] : i32 from vector<16xi32>
          %add3A_164 = arith.addi %scan3A_135, %reduce_max3A_163 : i32
          %mul3A_165 = arith.constant 4 : i32
          %mul3A_166 = arith.muli %scan3A_134, %mul3A_165 : i32
          %add3A_167 = arith.constant 1 : i32
          %add3A_168 = arith.addi %mul3A_166, %add3A_167 : i32
          %mul3A_169 = arith.constant 16 : i32
          %mul3A_170 = arith.muli %add3A_168, %mul3A_169 : i32
          %add3A_171 = vector.broadcast %mul3A_170 : i32 to vector<16xi32>
          %add3A_172 = arith.addi %add3A_171, %iota3A : vector<16xi32>
          %mul3A_173 = arith.constant 16 : i32
          %mul3A_174 = arith.muli %add3A_168, %mul3A_173 : i32
          %get3A_175 = arith.index_cast %scan3A_72 : i32 to index
          %get3A_176 = arith.index_cast %mul3A_174 : i32 to index
          %get3A_177 = tpu.vector_load %arg5[%get3A_175, %get3A_176] {strides = array<i32>} : memref<4x4096xf32, #tpu.memory_space<vmem>>, vector<16xf32>,
          %le3A_178 = vector.broadcast %reduce_max3A_85 : f32 to vector<16xf32>
          %le3A_179 = arith.cmpf ole, %get3A_177, %le3A_178 : vector<16xf32>
          %convert_element_type3A_180 = arith.extui %le3A_179 : vector<16xi1> to vector<16xi32>
          %broadcast_in_dim3A_181 = arith.constant true
          %broadcast_in_dim3A_182 = vector.broadcast %broadcast_in_dim3A_181 : i1 to vector<16xi1>
          %masked_cumsum3A_183 = tpu.scan <sum>, %convert_element_type3A_180 masked %broadcast_in_dim3A_182 : vector<16xi32>, vector<16xi1> -> vector<16xi32>
          %add3A_184 = vector.broadcast %add3A_164 : i32 to vector<16xi32>
          %add3A_185 = arith.addi %add3A_184, %masked_cumsum3A_183 : vector<16xi32>
          %sub3A_186 = arith.constant 1 : i32
          %sub3A_187 = vector.broadcast %sub3A_186 : i32 to vector<16xi32>
          %sub3A_188 = arith.subi %add3A_185, %sub3A_187 : vector<16xi32>
          tpu.vector_store_idx %arg7[%sub3A_188], %get3A_177 masked %le3A_179 : memref<4112xf32, #tpu.memory_space<vmem>>[vector<16xi32>], vector<16xf32>, vector<16xi1>
          tpu.vector_store_idx %arg8[%sub3A_188], %add3A_172 masked %le3A_179 : memref<4112xi32, #tpu.memory_space<vmem>>[vector<16xi32>], vector<16xi32>, vector<16xi1>
          %reduce_max3A_189 = arith.constant true
          %reduce_max3A_190 = vector.broadcast %reduce_max3A_189 : i1 to vector<16xi1>
          %reduce_max3A_191 = arith.constant -2147483648 : i32
          %reduce_max3A_192 = vector.broadcast %reduce_max3A_191 : i32 to vector<16xi32>
          %reduce_max3A_193 = arith.xori %masked_cumsum3A_183, %reduce_max3A_192 : vector<16xi32>
          %reduce_max3A_194 = tpu.scan <max>, %reduce_max3A_193 masked %reduce_max3A_190 : vector<16xi32>, vector<16xi1> -> vector<16xi32>
          %reduce_max3A_195 = arith.xori %reduce_max3A_194, %reduce_max3A_192 : vector<16xi32>
          %reduce_max3A_196 = vector.extract %reduce_max3A_195[15] : i32 from vector<16xi32>
          %add3A_197 = arith.addi %add3A_164, %reduce_max3A_196 : i32
          %mul3A_198 = arith.constant 4 : i32
          %mul3A_199 = arith.muli %scan3A_134, %mul3A_198 : i32
          %add3A_200 = arith.constant 2 : i32
          %add3A_201 = arith.addi %mul3A_199, %add3A_200 : i32
          %mul3A_202 = arith.constant 16 : i32
          %mul3A_203 = arith.muli %add3A_201, %mul3A_202 : i32
          %add3A_204 = vector.broadcast %mul3A_203 : i32 to vector<16xi32>
          %add3A_205 = arith.addi %add3A_204, %iota3A : vector<16xi32>
          %mul3A_206 = arith.constant 16 : i32
          %mul3A_207 = arith.muli %add3A_201, %mul3A_206 : i32
          %get3A_208 = arith.index_cast %scan3A_72 : i32 to index
          %get3A_209 = arith.index_cast %mul3A_207 : i32 to index
          %get3A_210 = tpu.vector_load %arg5[%get3A_208, %get3A_209] {strides = array<i32>} : memref<4x4096xf32, #tpu.memory_space<vmem>>, vector<16xf32>,
          %le3A_211 = vector.broadcast %reduce_max3A_85 : f32 to vector<16xf32>
          %le3A_212 = arith.cmpf ole, %get3A_210, %le3A_211 : vector<16xf32>
          %convert_element_type3A_213 = arith.extui %le3A_212 : vector<16xi1> to vector<16xi32>
          %broadcast_in_dim3A_214 = arith.constant true
          %broadcast_in_dim3A_215 = vector.broadcast %broadcast_in_dim3A_214 : i1 to vector<16xi1>
          %masked_cumsum3A_216 = tpu.scan <sum>, %convert_element_type3A_213 masked %broadcast_in_dim3A_215 : vector<16xi32>, vector<16xi1> -> vector<16xi32>
          %add3A_217 = vector.broadcast %add3A_197 : i32 to vector<16xi32>
          %add3A_218 = arith.addi %add3A_217, %masked_cumsum3A_216 : vector<16xi32>
          %sub3A_219 = arith.constant 1 : i32
          %sub3A_220 = vector.broadcast %sub3A_219 : i32 to vector<16xi32>
          %sub3A_221 = arith.subi %add3A_218, %sub3A_220 : vector<16xi32>
          tpu.vector_store_idx %arg7[%sub3A_221], %get3A_210 masked %le3A_212 : memref<4112xf32, #tpu.memory_space<vmem>>[vector<16xi32>], vector<16xf32>, vector<16xi1>
          tpu.vector_store_idx %arg8[%sub3A_221], %add3A_205 masked %le3A_212 : memref<4112xi32, #tpu.memory_space<vmem>>[vector<16xi32>], vector<16xi32>, vector<16xi1>
          %reduce_max3A_222 = arith.constant true
          %reduce_max3A_223 = vector.broadcast %reduce_max3A_222 : i1 to vector<16xi1>
          %reduce_max3A_224 = arith.constant -2147483648 : i32
          %reduce_max3A_225 = vector.broadcast %reduce_max3A_224 : i32 to vector<16xi32>
          %reduce_max3A_226 = arith.xori %masked_cumsum3A_216, %reduce_max3A_225 : vector<16xi32>
          %reduce_max3A_227 = tpu.scan <max>, %reduce_max3A_226 masked %reduce_max3A_223 : vector<16xi32>, vector<16xi1> -> vector<16xi32>
          %reduce_max3A_228 = arith.xori %reduce_max3A_227, %reduce_max3A_225 : vector<16xi32>
          %reduce_max3A_229 = vector.extract %reduce_max3A_228[15] : i32 from vector<16xi32>
          %add3A_230 = arith.addi %add3A_197, %reduce_max3A_229 : i32
          %mul3A_231 = arith.constant 4 : i32
          %mul3A_232 = arith.muli %scan3A_134, %mul3A_231 : i32
          %add3A_233 = arith.constant 3 : i32
          %add3A_234 = arith.addi %mul3A_232, %add3A_233 : i32
          %mul3A_235 = arith.constant 16 : i32
          %mul3A_236 = arith.muli %add3A_234, %mul3A_235 : i32
          %add3A_237 = vector.broadcast %mul3A_236 : i32 to vector<16xi32>
          %add3A_238 = arith.addi %add3A_237, %iota3A : vector<16xi32>
          %mul3A_239 = arith.constant 16 : i32
          %mul3A_240 = arith.muli %add3A_234, %mul3A_239 : i32
          %get3A_241 = arith.index_cast %scan3A_72 : i32 to index
          %get3A_242 = arith.index_cast %mul3A_240 : i32 to index
          %get3A_243 = tpu.vector_load %arg5[%get3A_241, %get3A_242] {strides = array<i32>} : memref<4x4096xf32, #tpu.memory_space<vmem>>, vector<16xf32>,
          %le3A_244 = vector.broadcast %reduce_max3A_85 : f32 to vector<16xf32>
          %le3A_245 = arith.cmpf ole, %get3A_243, %le3A_244 : vector<16xf32>
          %convert_element_type3A_246 = arith.extui %le3A_245 : vector<16xi1> to vector<16xi32>
          %broadcast_in_dim3A_247 = arith.constant true
          %broadcast_in_dim3A_248 = vector.broadcast %broadcast_in_dim3A_247 : i1 to vector<16xi1>
          %masked_cumsum3A_249 = tpu.scan <sum>, %convert_element_type3A_246 masked %broadcast_in_dim3A_248 : vector<16xi32>, vector<16xi1> -> vector<16xi32>
          %add3A_250 = vector.broadcast %add3A_230 : i32 to vector<16xi32>
          %add3A_251 = arith.addi %add3A_250, %masked_cumsum3A_249 : vector<16xi32>
          %sub3A_252 = arith.constant 1 : i32
          %sub3A_253 = vector.broadcast %sub3A_252 : i32 to vector<16xi32>
          %sub3A_254 = arith.subi %add3A_251, %sub3A_253 : vector<16xi32>
          tpu.vector_store_idx %arg7[%sub3A_254], %get3A_243 masked %le3A_245 : memref<4112xf32, #tpu.memory_space<vmem>>[vector<16xi32>], vector<16xf32>, vector<16xi1>
          tpu.vector_store_idx %arg8[%sub3A_254], %add3A_238 masked %le3A_245 : memref<4112xi32, #tpu.memory_space<vmem>>[vector<16xi32>], vector<16xi32>, vector<16xi1>
          %reduce_max3A_255 = arith.constant true
          %reduce_max3A_256 = vector.broadcast %reduce_max3A_255 : i1 to vector<16xi1>
          %reduce_max3A_257 = arith.constant -2147483648 : i32
          %reduce_max3A_258 = vector.broadcast %reduce_max3A_257 : i32 to vector<16xi32>
          %reduce_max3A_259 = arith.xori %masked_cumsum3A_249, %reduce_max3A_258 : vector<16xi32>
          %reduce_max3A_260 = tpu.scan <max>, %reduce_max3A_259 masked %reduce_max3A_256 : vector<16xi32>, vector<16xi1> -> vector<16xi32>
          %reduce_max3A_261 = arith.xori %reduce_max3A_260, %reduce_max3A_258 : vector<16xi32>
          %reduce_max3A_262 = vector.extract %reduce_max3A_261[15] : i32 from vector<16xi32>
          %add3A_263 = arith.addi %add3A_230, %reduce_max3A_262 : i32
          scf.yield %add3A_263 : i32
        }
        %scan3A_92 = arith.constant 64 : i32
        %broadcast_in_dim3A_93 = arith.constant 0 : i32
        %broadcast_in_dim3A_94 = vector.broadcast %broadcast_in_dim3A_93 : i32 to vector<16xi32>
        %add3A_95 = arith.constant 15 : i32
        %add3A_96 = arith.addi %scan3A_91, %add3A_95 : i32
        %jit3A = arith.constant 16 : i32
        %div3A = arith.divsi %add3A_96, %jit3A : i32
        %sign3A = arith.constant 0 : i32
        %sign3A_97 = arith.cmpi sgt, %add3A_96, %sign3A : i32
        %sign3A_98 = arith.extui %sign3A_97 : i1 to i32
        %sign3A_99 = arith.constant 0 : i32
        %sign3A_100 = arith.cmpi slt, %add3A_96, %sign3A_99 : i32
        %sign3A_101 = arith.extui %sign3A_100 : i1 to i32
        %sign3A_102 = arith.subi %sign3A_98, %sign3A_101 : i32
        %sign3A_103 = arith.constant 0 : i32
        %sign3A_104 = arith.cmpi sgt, %jit3A, %sign3A_103 : i32
        %sign3A_105 = arith.extui %sign3A_104 : i1 to i32
        %sign3A_106 = arith.constant 0 : i32
        %sign3A_107 = arith.cmpi slt, %jit3A, %sign3A_106 : i32
        %sign3A_108 = arith.extui %sign3A_107 : i1 to i32
        %sign3A_109 = arith.subi %sign3A_105, %sign3A_108 : i32
        %ne3A = arith.cmpi ne, %sign3A_102, %sign3A_109 : i32
        %rem3A = arith.remsi %add3A_96, %jit3A : i32
        %ne3A_110 = arith.constant 0 : i32
        %ne3A_111 = arith.cmpi ne, %rem3A, %ne3A_110 : i32
        %and3A = arith.andi %ne3A, %ne3A_111 : i1
        %sub3A = arith.constant 1 : i32
        %sub3A_112 = arith.subi %div3A, %sub3A : i32
        %select_n3A = arith.select %and3A, %sub3A_112, %div3A : i32
        %while3A = arith.constant 0 : i32
        %while3A_113 = arith.subi %select_n3A, %while3A : i32
        %while3A_114 = arith.addi %while3A, %while3A_113 : i32
        %while3A_115 = arith.constant 1 : i32
        %while3A_116 = arith.divsi %while3A_113, %while3A_115 : i32
        %while3A_117 = arith.muli %while3A_116, %while3A_115 : i32
        %while3A_118 = arith.addi %while3A, %while3A_117 : i32
        %while3A_119 = arith.constant 1 : i32
        %while3A_120:4 = scf.for %while3A_134 = %while3A to %while3A_118 step %while3A_119 iter_args(%while3A_135 = %broadcast_in_dim3A_76, %while3A_136 = %broadcast_in_dim3A_94, %while3A_137 = %broadcast_in_dim3A_76, %while3A_138 = %broadcast_in_dim3A_94) -> (vector<16xf32>, vector<16xi32>, vector<16xf32>, vector<16xi32>)  : i32 {
          %mul3A_139 = arith.constant 16 : i32
          %mul3A_140 = arith.muli %while3A_134, %mul3A_139 : i32
          %add3A_141 = vector.broadcast %mul3A_140 : i32 to vector<16xi32>
          %add3A_142 = arith.addi %add3A_141, %iota3A : vector<16xi32>
          %mul3A_143 = arith.constant 16 : i32
          %mul3A_144 = arith.muli %while3A_134, %mul3A_143 : i32
          %get3A = arith.index_cast %mul3A_144 : i32 to index
          %get3A_145 = tpu.vector_load %arg7[%get3A] {strides = array<i32>} : memref<4112xf32, #tpu.memory_space<vmem>>, vector<16xf32>,
          %mul3A_146 = arith.constant 16 : i32
          %mul3A_147 = arith.muli %while3A_134, %mul3A_146 : i32
          %get3A_148 = arith.index_cast %mul3A_147 : i32 to index
          %get3A_149 = tpu.vector_load %arg8[%get3A_148] {strides = array<i32>} : memref<4112xi32, #tpu.memory_space<vmem>>, vector<16xi32>,
          %lt3A = vector.broadcast %scan3A_91 : i32 to vector<16xi32>
          %lt3A_150 = arith.cmpi slt, %add3A_142, %lt3A : vector<16xi32>
          %select_n3A_151 = arith.select %lt3A_150, %get3A_145, %broadcast_in_dim3A_76 : vector<16xi1>, vector<16xf32>
          %masked_sort3A = arith.constant dense<true> : vector<16xi1>
          %masked_sort3A_152, %masked_sort3A_153, %masked_sort3A_154 = tpu.sort %select_n3A_151, %get3A_149 masked %masked_sort3A : (vector<16xf32>, vector<16xi32>, vector<16xi1>) -> (vector<16xi1>, vector<16xf32>, vector<16xi32>)
          %rev3A = arith.constant 15 : i32
          %rev3A_155 = vector.broadcast %rev3A : i32 to vector<16xi32>
          %rev3A_156 = tpu.iota {dimensions = array<i32: 0>} : vector<16xi32>
          %rev3A_157 = arith.subi %rev3A_155, %rev3A_156 : vector<16xi32>
          %rev3A_158 = tpu.dynamic_gather %masked_sort3A_153[%rev3A_157] in [0] : vector<16xf32>, vector<16xi32> -> vector<16xf32>
          %rev3A_159 = arith.constant 15 : i32
          %rev3A_160 = vector.broadcast %rev3A_159 : i32 to vector<16xi32>
          %rev3A_161 = tpu.iota {dimensions = array<i32: 0>} : vector<16xi32>
          %rev3A_162 = arith.subi %rev3A_160, %rev3A_161 : vector<16xi32>
          %rev3A_163 = tpu.dynamic_gather %masked_sort3A_154[%rev3A_162] in [0] : vector<16xi32>, vector<16xi32> -> vector<16xi32>
          %le3A = arith.cmpf ole, %while3A_137, %rev3A_158 : vector<16xf32>
          %select_n3A_164 = arith.select %le3A, %while3A_137, %rev3A_158 : vector<16xi1>, vector<16xf32>
          %select_n3A_165 = arith.select %le3A, %while3A_138, %rev3A_163 : vector<16xi1>, vector<16xi32>
          %masked_sort3A_166 = arith.constant dense<true> : vector<16xi1>
          %masked_sort3A_167, %masked_sort3A_168, %masked_sort3A_169 = tpu.sort %select_n3A_164, %select_n3A_165 masked %masked_sort3A_166 : (vector<16xf32>, vector<16xi32>, vector<16xi1>) -> (vector<16xi1>, vector<16xf32>, vector<16xi32>)
          %rev3A_170 = arith.constant 15 : i32
          %rev3A_171 = vector.broadcast %rev3A_170 : i32 to vector<16xi32>
          %rev3A_172 = tpu.iota {dimensions = array<i32: 0>} : vector<16xi32>
          %rev3A_173 = arith.subi %rev3A_171, %rev3A_172 : vector<16xi32>
          %rev3A_174 = tpu.dynamic_gather %masked_sort3A_168[%rev3A_173] in [0] : vector<16xf32>, vector<16xi32> -> vector<16xf32>
          %rev3A_175 = arith.constant 15 : i32
          %rev3A_176 = vector.broadcast %rev3A_175 : i32 to vector<16xi32>
          %rev3A_177 = tpu.iota {dimensions = array<i32: 0>} : vector<16xi32>
          %rev3A_178 = arith.subi %rev3A_176, %rev3A_177 : vector<16xi32>
          %rev3A_179 = tpu.dynamic_gather %masked_sort3A_169[%rev3A_178] in [0] : vector<16xi32>, vector<16xi32> -> vector<16xi32>
          %le3A_180 = arith.cmpf ole, %while3A_135, %rev3A_174 : vector<16xf32>
          %select_n3A_181 = arith.select %le3A_180, %while3A_135, %rev3A_174 : vector<16xi1>, vector<16xf32>
          %select_n3A_182 = arith.select %le3A_180, %while3A_136, %rev3A_179 : vector<16xi1>, vector<16xi32>
          %select_n3A_183 = arith.select %le3A_180, %rev3A_174, %while3A_135 : vector<16xi1>, vector<16xf32>
          %select_n3A_184 = arith.select %le3A_180, %rev3A_179, %while3A_136 : vector<16xi1>, vector<16xi32>
          %masked_sort3A_185 = arith.constant dense<true> : vector<16xi1>
          %masked_sort3A_186, %masked_sort3A_187, %masked_sort3A_188 = tpu.sort %select_n3A_181, %select_n3A_182 masked %masked_sort3A_185 : (vector<16xf32>, vector<16xi32>, vector<16xi1>) -> (vector<16xi1>, vector<16xf32>, vector<16xi32>)
          %masked_sort3A_189 = arith.constant dense<true> : vector<16xi1>
          %masked_sort3A_190, %masked_sort3A_191, %masked_sort3A_192 = tpu.sort %select_n3A_183, %select_n3A_184 masked %masked_sort3A_189 : (vector<16xf32>, vector<16xi32>, vector<16xi1>) -> (vector<16xi1>, vector<16xf32>, vector<16xi32>)
          scf.yield %masked_sort3A_187, %masked_sort3A_188, %masked_sort3A_191, %masked_sort3A_192 : vector<16xf32>, vector<16xi32>, vector<16xf32>, vector<16xi32>
        }
        %while3A_121 = arith.constant 1 : i32
        %while3A_122:4 = scf.for %while3A_134 = %while3A_118 to %while3A_114 step %while3A_121 iter_args(%while3A_135 = %while3A_120#0, %while3A_136 = %while3A_120#1, %while3A_137 = %while3A_120#2, %while3A_138 = %while3A_120#3) -> (vector<16xf32>, vector<16xi32>, vector<16xf32>, vector<16xi32>)  : i32 {
          %mul3A_139 = arith.constant 16 : i32
          %mul3A_140 = arith.muli %while3A_134, %mul3A_139 : i32
          %add3A_141 = vector.broadcast %mul3A_140 : i32 to vector<16xi32>
          %add3A_142 = arith.addi %add3A_141, %iota3A : vector<16xi32>
          %mul3A_143 = arith.constant 16 : i32
          %mul3A_144 = arith.muli %while3A_134, %mul3A_143 : i32
          %get3A = arith.index_cast %mul3A_144 : i32 to index
          %get3A_145 = tpu.vector_load %arg7[%get3A] {strides = array<i32>} : memref<4112xf32, #tpu.memory_space<vmem>>, vector<16xf32>,
          %mul3A_146 = arith.constant 16 : i32
          %mul3A_147 = arith.muli %while3A_134, %mul3A_146 : i32
          %get3A_148 = arith.index_cast %mul3A_147 : i32 to index
          %get3A_149 = tpu.vector_load %arg8[%get3A_148] {strides = array<i32>} : memref<4112xi32, #tpu.memory_space<vmem>>, vector<16xi32>,
          %lt3A = vector.broadcast %scan3A_91 : i32 to vector<16xi32>
          %lt3A_150 = arith.cmpi slt, %add3A_142, %lt3A : vector<16xi32>
          %select_n3A_151 = arith.select %lt3A_150, %get3A_145, %broadcast_in_dim3A_76 : vector<16xi1>, vector<16xf32>
          %masked_sort3A = arith.constant dense<true> : vector<16xi1>
          %masked_sort3A_152, %masked_sort3A_153, %masked_sort3A_154 = tpu.sort %select_n3A_151, %get3A_149 masked %masked_sort3A : (vector<16xf32>, vector<16xi32>, vector<16xi1>) -> (vector<16xi1>, vector<16xf32>, vector<16xi32>)
          %rev3A = arith.constant 15 : i32
          %rev3A_155 = vector.broadcast %rev3A : i32 to vector<16xi32>
          %rev3A_156 = tpu.iota {dimensions = array<i32: 0>} : vector<16xi32>
          %rev3A_157 = arith.subi %rev3A_155, %rev3A_156 : vector<16xi32>
          %rev3A_158 = tpu.dynamic_gather %masked_sort3A_153[%rev3A_157] in [0] : vector<16xf32>, vector<16xi32> -> vector<16xf32>
          %rev3A_159 = arith.constant 15 : i32
          %rev3A_160 = vector.broadcast %rev3A_159 : i32 to vector<16xi32>
          %rev3A_161 = tpu.iota {dimensions = array<i32: 0>} : vector<16xi32>
          %rev3A_162 = arith.subi %rev3A_160, %rev3A_161 : vector<16xi32>
          %rev3A_163 = tpu.dynamic_gather %masked_sort3A_154[%rev3A_162] in [0] : vector<16xi32>, vector<16xi32> -> vector<16xi32>
          %le3A = arith.cmpf ole, %while3A_137, %rev3A_158 : vector<16xf32>
          %select_n3A_164 = arith.select %le3A, %while3A_137, %rev3A_158 : vector<16xi1>, vector<16xf32>
          %select_n3A_165 = arith.select %le3A, %while3A_138, %rev3A_163 : vector<16xi1>, vector<16xi32>
          %masked_sort3A_166 = arith.constant dense<true> : vector<16xi1>
          %masked_sort3A_167, %masked_sort3A_168, %masked_sort3A_169 = tpu.sort %select_n3A_164, %select_n3A_165 masked %masked_sort3A_166 : (vector<16xf32>, vector<16xi32>, vector<16xi1>) -> (vector<16xi1>, vector<16xf32>, vector<16xi32>)
          %rev3A_170 = arith.constant 15 : i32
          %rev3A_171 = vector.broadcast %rev3A_170 : i32 to vector<16xi32>
          %rev3A_172 = tpu.iota {dimensions = array<i32: 0>} : vector<16xi32>
          %rev3A_173 = arith.subi %rev3A_171, %rev3A_172 : vector<16xi32>
          %rev3A_174 = tpu.dynamic_gather %masked_sort3A_168[%rev3A_173] in [0] : vector<16xf32>, vector<16xi32> -> vector<16xf32>
          %rev3A_175 = arith.constant 15 : i32
          %rev3A_176 = vector.broadcast %rev3A_175 : i32 to vector<16xi32>
          %rev3A_177 = tpu.iota {dimensions = array<i32: 0>} : vector<16xi32>
          %rev3A_178 = arith.subi %rev3A_176, %rev3A_177 : vector<16xi32>
          %rev3A_179 = tpu.dynamic_gather %masked_sort3A_169[%rev3A_178] in [0] : vector<16xi32>, vector<16xi32> -> vector<16xi32>
          %le3A_180 = arith.cmpf ole, %while3A_135, %rev3A_174 : vector<16xf32>
          %select_n3A_181 = arith.select %le3A_180, %while3A_135, %rev3A_174 : vector<16xi1>, vector<16xf32>
          %select_n3A_182 = arith.select %le3A_180, %while3A_136, %rev3A_179 : vector<16xi1>, vector<16xi32>
          %select_n3A_183 = arith.select %le3A_180, %rev3A_174, %while3A_135 : vector<16xi1>, vector<16xf32>
          %select_n3A_184 = arith.select %le3A_180, %rev3A_179, %while3A_136 : vector<16xi1>, vector<16xi32>
          %masked_sort3A_185 = arith.constant dense<true> : vector<16xi1>
          %masked_sort3A_186, %masked_sort3A_187, %masked_sort3A_188 = tpu.sort %select_n3A_181, %select_n3A_182 masked %masked_sort3A_185 : (vector<16xf32>, vector<16xi32>, vector<16xi1>) -> (vector<16xi1>, vector<16xf32>, vector<16xi32>)
          %masked_sort3A_189 = arith.constant dense<true> : vector<16xi1>
          %masked_sort3A_190, %masked_sort3A_191, %masked_sort3A_192 = tpu.sort %select_n3A_183, %select_n3A_184 masked %masked_sort3A_189 : (vector<16xf32>, vector<16xi32>, vector<16xi1>) -> (vector<16xi1>, vector<16xf32>, vector<16xi32>)
          scf.yield %masked_sort3A_187, %masked_sort3A_188, %masked_sort3A_191, %masked_sort3A_192 : vector<16xf32>, vector<16xi32>, vector<16xf32>, vector<16xi32>
        }
        %swap3A = arith.index_cast %add3A_75 : i32 to index
        %swap3A_123 = arith.constant 0 : index
        %swap3A_124 = tpu.vector_load %arg9[%swap3A, %swap3A_123] {strides = array<i32>} : memref<128x32xf32, #tpu.memory_space<vmem>>, vector<16xf32>,
        tpu.vector_store %arg9[%swap3A, %swap3A_123], %while3A_122#0 {strides = array<i32>} : memref<128x32xf32, #tpu.memory_space<vmem>>, vector<16xf32>,
        %swap3A_125 = arith.index_cast %add3A_75 : i32 to index
        %swap3A_126 = arith.constant 16 : index
        %swap3A_127 = tpu.vector_load %arg9[%swap3A_125, %swap3A_126] {strides = array<i32>} : memref<128x32xf32, #tpu.memory_space<vmem>>, vector<16xf32>,
        tpu.vector_store %arg9[%swap3A_125, %swap3A_126], %while3A_122#2 {strides = array<i32>} : memref<128x32xf32, #tpu.memory_space<vmem>>, vector<16xf32>,
        %swap3A_128 = arith.index_cast %add3A_75 : i32 to index
        %swap3A_129 = arith.constant 0 : index
        %swap3A_130 = tpu.vector_load %arg10[%swap3A_128, %swap3A_129] {strides = array<i32>} : memref<128x32xi32, #tpu.memory_space<vmem>>, vector<16xi32>,
        tpu.vector_store %arg10[%swap3A_128, %swap3A_129], %while3A_122#1 {strides = array<i32>} : memref<128x32xi32, #tpu.memory_space<vmem>>, vector<16xi32>,
        %swap3A_131 = arith.index_cast %add3A_75 : i32 to index
        %swap3A_132 = arith.constant 16 : index
        %swap3A_133 = tpu.vector_load %arg10[%swap3A_131, %swap3A_132] {strides = array<i32>} : memref<128x32xi32, #tpu.memory_space<vmem>>, vector<16xi32>,
        tpu.vector_store %arg10[%swap3A_131, %swap3A_132], %while3A_122#3 {strides = array<i32>} : memref<128x32xi32, #tpu.memory_space<vmem>>, vector<16xi32>,
      }
      %scan3A_36 = arith.constant 4 : i32
      %add3A_37 = arith.constant 2 : i32
      %add3A_38 = arith.addi %mul3A_26, %add3A_37 : i32
      %mul3A_39 = arith.constant 4 : i32
      %mul3A_40 = arith.muli %add3A_38, %mul3A_39 : i32
      %add3A_41 = arith.addi %mul3A_2, %mul3A_40 : i32
      %min3A = arith.constant 4092 : i32
      %min3A_42 = arith.minsi %add3A_41, %min3A : i32
      %dma_start3A_43 = arith.constant 0 : i32
      %dma_start3A_44 = tpu.memref_slice %arg2[%min3A_42, %dma_start3A_43] : memref<4096x4096xf32, #tpu.memory_space<hbm>> -> memref<4x4096xf32, #tpu.memory_space<hbm>>
      %dma_start3A_45 = arith.constant 0 : i32
      %dma_start3A_46 = tpu.memref_slice %arg2[%min3A_42, %dma_start3A_45] : memref<4096x4096xf32, #tpu.memory_space<hbm>> -> memref<4x4096xf32, #tpu.memory_space<hbm>>
      tpu.enqueue_dma source(%dma_start3A_46 : memref<4x4096xf32, #tpu.memory_space<hbm>>) target(%arg5 : memref<4x4096xf32, #tpu.memory_space<vmem>>) target_semaphore(%arg11 : memref<!tpu.dma_semaphore, #tpu.memory_space<semaphore_mem>>)
      %mul3A_47 = arith.constant 2 : i32
      %mul3A_48 = arith.muli %mul3A_47, %scan3A_24 : i32
      %add3A_49 = arith.constant 1 : i32
      %add3A_50 = arith.addi %mul3A_48, %add3A_49 : i32
      %dma_wait3A_51 = arith.constant 0 : i32
      %dma_wait3A_52 = tpu.memref_slice %arg2[%mul3A_2, %dma_wait3A_51] : memref<4096x4096xf32, #tpu.memory_space<hbm>> -> memref<4x4096xf32, #tpu.memory_space<hbm>>
      %dma_wait3A_53 = arith.constant 0 : i32
      %dma_wait3A_54 = tpu.memref_slice %arg2[%mul3A_2, %dma_wait3A_53] : memref<4096x4096xf32, #tpu.memory_space<hbm>> -> memref<4x4096xf32, #tpu.memory_space<hbm>>
      tpu.wait_dma2 semaphore(%arg12 : memref<!tpu.dma_semaphore, #tpu.memory_space<semaphore_mem>>) src(%dma_wait3A_54 : memref<4x4096xf32, #tpu.memory_space<hbm>>) dst(%arg6 : memref<4x4096xf32, #tpu.memory_space<vmem>>)
      %scan3A_55 = arith.constant 0 : i32
      %scan3A_56 = arith.constant 0 : i32
      %scan3A_57 = arith.constant 4 : i32
      %scan3A_58 = arith.addi %scan3A_56, %scan3A_57 : i32
      %scan3A_59 = arith.constant 1 : i32
      scf.for %scan3A_72 = %scan3A_56 to %scan3A_58 step %scan3A_59  : i32 {
        %mul3A_73 = arith.constant 4 : i32
        %mul3A_74 = arith.muli %add3A_50, %mul3A_73 : i32
        %add3A_75 = arith.addi %mul3A_74, %scan3A_72 : i32
        %iota3A = tpu.iota {dimensions = array<i32: 0>} : vector<16xi32>
        %broadcast_in_dim3A = arith.constant 3.40282347E+38 : f32
        %broadcast_in_dim3A_76 = vector.broadcast %broadcast_in_dim3A : f32 to vector<16xf32>
        %scan3A_77 = arith.constant 0 : i32
        %scan3A_78 = arith.constant 64 : i32
        %scan3A_79 = arith.addi %scan3A_77, %scan3A_78 : i32
        %scan3A_80 = arith.constant 1 : i32
        %scan3A_81:2 = scf.for %scan3A_134 = %scan3A_77 to %scan3A_79 step %scan3A_80 iter_args(%scan3A_135 = %broadcast_in_dim3A_76, %scan3A_136 = %broadcast_in_dim3A_76) -> (vector<16xf32>, vector<16xf32>)  : i32 {
          %mul3A_137 = arith.constant 4 : i32
          %mul3A_138 = arith.muli %scan3A_134, %mul3A_137 : i32
          %add3A_139 = arith.constant 0 : i32
          %add3A_140 = arith.addi %mul3A_138, %add3A_139 : i32
          %mul3A_141 = arith.constant 16 : i32
          %mul3A_142 = arith.muli %add3A_140, %mul3A_141 : i32
          %get3A = arith.index_cast %scan3A_72 : i32 to index
          %get3A_143 = arith.index_cast %mul3A_142 : i32 to index
          %get3A_144 = tpu.vector_load %arg6[%get3A, %get3A_143] {strides = array<i32>} : memref<4x4096xf32, #tpu.memory_space<vmem>>, vector<16xf32>,
          %max3A = arith.maximumf %scan3A_135, %get3A_144 : vector<16xf32>
          %min3A_145 = arith.minimumf %scan3A_135, %get3A_144 : vector<16xf32>
          %min3A_146 = arith.minimumf %scan3A_136, %max3A : vector<16xf32>
          %mul3A_147 = arith.constant 4 : i32
          %mul3A_148 = arith.muli %scan3A_134, %mul3A_147 : i32
          %add3A_149 = arith.constant 1 : i32
          %add3A_150 = arith.addi %mul3A_148, %add3A_149 : i32
          %mul3A_151 = arith.constant 16 : i32
          %mul3A_152 = arith.muli %add3A_150, %mul3A_151 : i32
          %get3A_153 = arith.index_cast %scan3A_72 : i32 to index
          %get3A_154 = arith.index_cast %mul3A_152 : i32 to index
          %get3A_155 = tpu.vector_load %arg6[%get3A_153, %get3A_154] {strides = array<i32>} : memref<4x4096xf32, #tpu.memory_space<vmem>>, vector<16xf32>,
          %max3A_156 = arith.maximumf %min3A_145, %get3A_155 : vector<16xf32>
          %min3A_157 = arith.minimumf %min3A_145, %get3A_155 : vector<16xf32>
          %min3A_158 = arith.minimumf %min3A_146, %max3A_156 : vector<16xf32>
          %mul3A_159 = arith.constant 4 : i32
          %mul3A_160 = arith.muli %scan3A_134, %mul3A_159 : i32
          %add3A_161 = arith.constant 2 : i32
          %add3A_162 = arith.addi %mul3A_160, %add3A_161 : i32
          %mul3A_163 = arith.constant 16 : i32
          %mul3A_164 = arith.muli %add3A_162, %mul3A_163 : i32
          %get3A_165 = arith.index_cast %scan3A_72 : i32 to index
          %get3A_166 = arith.index_cast %mul3A_164 : i32 to index
          %get3A_167 = tpu.vector_load %arg6[%get3A_165, %get3A_166] {strides = array<i32>} : memref<4x4096xf32, #tpu.memory_space<vmem>>, vector<16xf32>,
          %max3A_168 = arith.maximumf %min3A_157, %get3A_167 : vector<16xf32>
          %min3A_169 = arith.minimumf %min3A_157, %get3A_167 : vector<16xf32>
          %min3A_170 = arith.minimumf %min3A_158, %max3A_168 : vector<16xf32>
          %mul3A_171 = arith.constant 4 : i32
          %mul3A_172 = arith.muli %scan3A_134, %mul3A_171 : i32
          %add3A_173 = arith.constant 3 : i32
          %add3A_174 = arith.addi %mul3A_172, %add3A_173 : i32
          %mul3A_175 = arith.constant 16 : i32
          %mul3A_176 = arith.muli %add3A_174, %mul3A_175 : i32
          %get3A_177 = arith.index_cast %scan3A_72 : i32 to index
          %get3A_178 = arith.index_cast %mul3A_176 : i32 to index
          %get3A_179 = tpu.vector_load %arg6[%get3A_177, %get3A_178] {strides = array<i32>} : memref<4x4096xf32, #tpu.memory_space<vmem>>, vector<16xf32>,
          %max3A_180 = arith.maximumf %min3A_169, %get3A_179 : vector<16xf32>
          %min3A_181 = arith.minimumf %min3A_169, %get3A_179 : vector<16xf32>
          %min3A_182 = arith.minimumf %min3A_170, %max3A_180 : vector<16xf32>
          scf.yield %min3A_181, %min3A_182 : vector<16xf32>, vector<16xf32>
        }
        %scan3A_82 = arith.constant 64 : i32
        %reduce_max3A = arith.constant true
        %reduce_max3A_83 = vector.broadcast %reduce_max3A : i1 to vector<16xi1>
        %reduce_max3A_84 = tpu.scan <max>, %scan3A_81#1 masked %reduce_max3A_83 : vector<16xf32>, vector<16xi1> -> vector<16xf32>
        %reduce_max3A_85 = vector.extract %reduce_max3A_84[15] : f32 from vector<16xf32>
        %scan3A_86 = arith.constant 0 : i32
        %scan3A_87 = arith.constant 0 : i32
        %scan3A_88 = arith.constant 64 : i32
        %scan3A_89 = arith.addi %scan3A_87, %scan3A_88 : i32
        %scan3A_90 = arith.constant 1 : i32
        %scan3A_91 = scf.for %scan3A_134 = %scan3A_87 to %scan3A_89 step %scan3A_90 iter_args(%scan3A_135 = %scan3A_86) -> (i32)  : i32 {
          %mul3A_136 = arith.constant 4 : i32
          %mul3A_137 = arith.muli %scan3A_134, %mul3A_136 : i32
          %add3A_138 = arith.constant 0 : i32
          %add3A_139 = arith.addi %mul3A_137, %add3A_138 : i32
          %mul3A_140 = arith.constant 16 : i32
          %mul3A_141 = arith.muli %add3A_139, %mul3A_140 : i32
          %add3A_142 = vector.broadcast %mul3A_141 : i32 to vector<16xi32>
          %add3A_143 = arith.addi %add3A_142, %iota3A : vector<16xi32>
          %mul3A_144 = arith.constant 16 : i32
          %mul3A_145 = arith.muli %add3A_139, %mul3A_144 : i32
          %get3A = arith.index_cast %scan3A_72 : i32 to index
          %get3A_146 = arith.index_cast %mul3A_145 : i32 to index
          %get3A_147 = tpu.vector_load %arg6[%get3A, %get3A_146] {strides = array<i32>} : memref<4x4096xf32, #tpu.memory_space<vmem>>, vector<16xf32>,
          %le3A = vector.broadcast %reduce_max3A_85 : f32 to vector<16xf32>
          %le3A_148 = arith.cmpf ole, %get3A_147, %le3A : vector<16xf32>
          %convert_element_type3A = arith.extui %le3A_148 : vector<16xi1> to vector<16xi32>
          %broadcast_in_dim3A_149 = arith.constant true
          %broadcast_in_dim3A_150 = vector.broadcast %broadcast_in_dim3A_149 : i1 to vector<16xi1>
          %masked_cumsum3A = tpu.scan <sum>, %convert_element_type3A masked %broadcast_in_dim3A_150 : vector<16xi32>, vector<16xi1> -> vector<16xi32>
          %add3A_151 = vector.broadcast %scan3A_135 : i32 to vector<16xi32>
          %add3A_152 = arith.addi %add3A_151, %masked_cumsum3A : vector<16xi32>
          %sub3A_153 = arith.constant 1 : i32
          %sub3A_154 = vector.broadcast %sub3A_153 : i32 to vector<16xi32>
          %sub3A_155 = arith.subi %add3A_152, %sub3A_154 : vector<16xi32>
          tpu.vector_store_idx %arg7[%sub3A_155], %get3A_147 masked %le3A_148 : memref<4112xf32, #tpu.memory_space<vmem>>[vector<16xi32>], vector<16xf32>, vector<16xi1>
          tpu.vector_store_idx %arg8[%sub3A_155], %add3A_143 masked %le3A_148 : memref<4112xi32, #tpu.memory_space<vmem>>[vector<16xi32>], vector<16xi32>, vector<16xi1>
          %reduce_max3A_156 = arith.constant true
          %reduce_max3A_157 = vector.broadcast %reduce_max3A_156 : i1 to vector<16xi1>
          %reduce_max3A_158 = arith.constant -2147483648 : i32
          %reduce_max3A_159 = vector.broadcast %reduce_max3A_158 : i32 to vector<16xi32>
          %reduce_max3A_160 = arith.xori %masked_cumsum3A, %reduce_max3A_159 : vector<16xi32>
          %reduce_max3A_161 = tpu.scan <max>, %reduce_max3A_160 masked %reduce_max3A_157 : vector<16xi32>, vector<16xi1> -> vector<16xi32>
          %reduce_max3A_162 = arith.xori %reduce_max3A_161, %reduce_max3A_159 : vector<16xi32>
          %reduce_max3A_163 = vector.extract %reduce_max3A_162[15] : i32 from vector<16xi32>
          %add3A_164 = arith.addi %scan3A_135, %reduce_max3A_163 : i32
          %mul3A_165 = arith.constant 4 : i32
          %mul3A_166 = arith.muli %scan3A_134, %mul3A_165 : i32
          %add3A_167 = arith.constant 1 : i32
          %add3A_168 = arith.addi %mul3A_166, %add3A_167 : i32
          %mul3A_169 = arith.constant 16 : i32
          %mul3A_170 = arith.muli %add3A_168, %mul3A_169 : i32
          %add3A_171 = vector.broadcast %mul3A_170 : i32 to vector<16xi32>
          %add3A_172 = arith.addi %add3A_171, %iota3A : vector<16xi32>
          %mul3A_173 = arith.constant 16 : i32
          %mul3A_174 = arith.muli %add3A_168, %mul3A_173 : i32
          %get3A_175 = arith.index_cast %scan3A_72 : i32 to index
          %get3A_176 = arith.index_cast %mul3A_174 : i32 to index
          %get3A_177 = tpu.vector_load %arg6[%get3A_175, %get3A_176] {strides = array<i32>} : memref<4x4096xf32, #tpu.memory_space<vmem>>, vector<16xf32>,
          %le3A_178 = vector.broadcast %reduce_max3A_85 : f32 to vector<16xf32>
          %le3A_179 = arith.cmpf ole, %get3A_177, %le3A_178 : vector<16xf32>
          %convert_element_type3A_180 = arith.extui %le3A_179 : vector<16xi1> to vector<16xi32>
          %broadcast_in_dim3A_181 = arith.constant true
          %broadcast_in_dim3A_182 = vector.broadcast %broadcast_in_dim3A_181 : i1 to vector<16xi1>
          %masked_cumsum3A_183 = tpu.scan <sum>, %convert_element_type3A_180 masked %broadcast_in_dim3A_182 : vector<16xi32>, vector<16xi1> -> vector<16xi32>
          %add3A_184 = vector.broadcast %add3A_164 : i32 to vector<16xi32>
          %add3A_185 = arith.addi %add3A_184, %masked_cumsum3A_183 : vector<16xi32>
          %sub3A_186 = arith.constant 1 : i32
          %sub3A_187 = vector.broadcast %sub3A_186 : i32 to vector<16xi32>
          %sub3A_188 = arith.subi %add3A_185, %sub3A_187 : vector<16xi32>
          tpu.vector_store_idx %arg7[%sub3A_188], %get3A_177 masked %le3A_179 : memref<4112xf32, #tpu.memory_space<vmem>>[vector<16xi32>], vector<16xf32>, vector<16xi1>
          tpu.vector_store_idx %arg8[%sub3A_188], %add3A_172 masked %le3A_179 : memref<4112xi32, #tpu.memory_space<vmem>>[vector<16xi32>], vector<16xi32>, vector<16xi1>
          %reduce_max3A_189 = arith.constant true
          %reduce_max3A_190 = vector.broadcast %reduce_max3A_189 : i1 to vector<16xi1>
          %reduce_max3A_191 = arith.constant -2147483648 : i32
          %reduce_max3A_192 = vector.broadcast %reduce_max3A_191 : i32 to vector<16xi32>
          %reduce_max3A_193 = arith.xori %masked_cumsum3A_183, %reduce_max3A_192 : vector<16xi32>
          %reduce_max3A_194 = tpu.scan <max>, %reduce_max3A_193 masked %reduce_max3A_190 : vector<16xi32>, vector<16xi1> -> vector<16xi32>
          %reduce_max3A_195 = arith.xori %reduce_max3A_194, %reduce_max3A_192 : vector<16xi32>
          %reduce_max3A_196 = vector.extract %reduce_max3A_195[15] : i32 from vector<16xi32>
          %add3A_197 = arith.addi %add3A_164, %reduce_max3A_196 : i32
          %mul3A_198 = arith.constant 4 : i32
          %mul3A_199 = arith.muli %scan3A_134, %mul3A_198 : i32
          %add3A_200 = arith.constant 2 : i32
          %add3A_201 = arith.addi %mul3A_199, %add3A_200 : i32
          %mul3A_202 = arith.constant 16 : i32
          %mul3A_203 = arith.muli %add3A_201, %mul3A_202 : i32
          %add3A_204 = vector.broadcast %mul3A_203 : i32 to vector<16xi32>
          %add3A_205 = arith.addi %add3A_204, %iota3A : vector<16xi32>
          %mul3A_206 = arith.constant 16 : i32
          %mul3A_207 = arith.muli %add3A_201, %mul3A_206 : i32
          %get3A_208 = arith.index_cast %scan3A_72 : i32 to index
          %get3A_209 = arith.index_cast %mul3A_207 : i32 to index
          %get3A_210 = tpu.vector_load %arg6[%get3A_208, %get3A_209] {strides = array<i32>} : memref<4x4096xf32, #tpu.memory_space<vmem>>, vector<16xf32>,
          %le3A_211 = vector.broadcast %reduce_max3A_85 : f32 to vector<16xf32>
          %le3A_212 = arith.cmpf ole, %get3A_210, %le3A_211 : vector<16xf32>
          %convert_element_type3A_213 = arith.extui %le3A_212 : vector<16xi1> to vector<16xi32>
          %broadcast_in_dim3A_214 = arith.constant true
          %broadcast_in_dim3A_215 = vector.broadcast %broadcast_in_dim3A_214 : i1 to vector<16xi1>
          %masked_cumsum3A_216 = tpu.scan <sum>, %convert_element_type3A_213 masked %broadcast_in_dim3A_215 : vector<16xi32>, vector<16xi1> -> vector<16xi32>
          %add3A_217 = vector.broadcast %add3A_197 : i32 to vector<16xi32>
          %add3A_218 = arith.addi %add3A_217, %masked_cumsum3A_216 : vector<16xi32>
          %sub3A_219 = arith.constant 1 : i32
          %sub3A_220 = vector.broadcast %sub3A_219 : i32 to vector<16xi32>
          %sub3A_221 = arith.subi %add3A_218, %sub3A_220 : vector<16xi32>
          tpu.vector_store_idx %arg7[%sub3A_221], %get3A_210 masked %le3A_212 : memref<4112xf32, #tpu.memory_space<vmem>>[vector<16xi32>], vector<16xf32>, vector<16xi1>
          tpu.vector_store_idx %arg8[%sub3A_221], %add3A_205 masked %le3A_212 : memref<4112xi32, #tpu.memory_space<vmem>>[vector<16xi32>], vector<16xi32>, vector<16xi1>
          %reduce_max3A_222 = arith.constant true
          %reduce_max3A_223 = vector.broadcast %reduce_max3A_222 : i1 to vector<16xi1>
          %reduce_max3A_224 = arith.constant -2147483648 : i32
          %reduce_max3A_225 = vector.broadcast %reduce_max3A_224 : i32 to vector<16xi32>
          %reduce_max3A_226 = arith.xori %masked_cumsum3A_216, %reduce_max3A_225 : vector<16xi32>
          %reduce_max3A_227 = tpu.scan <max>, %reduce_max3A_226 masked %reduce_max3A_223 : vector<16xi32>, vector<16xi1> -> vector<16xi32>
          %reduce_max3A_228 = arith.xori %reduce_max3A_227, %reduce_max3A_225 : vector<16xi32>
          %reduce_max3A_229 = vector.extract %reduce_max3A_228[15] : i32 from vector<16xi32>
          %add3A_230 = arith.addi %add3A_197, %reduce_max3A_229 : i32
          %mul3A_231 = arith.constant 4 : i32
          %mul3A_232 = arith.muli %scan3A_134, %mul3A_231 : i32
          %add3A_233 = arith.constant 3 : i32
          %add3A_234 = arith.addi %mul3A_232, %add3A_233 : i32
          %mul3A_235 = arith.constant 16 : i32
          %mul3A_236 = arith.muli %add3A_234, %mul3A_235 : i32
          %add3A_237 = vector.broadcast %mul3A_236 : i32 to vector<16xi32>
          %add3A_238 = arith.addi %add3A_237, %iota3A : vector<16xi32>
          %mul3A_239 = arith.constant 16 : i32
          %mul3A_240 = arith.muli %add3A_234, %mul3A_239 : i32
          %get3A_241 = arith.index_cast %scan3A_72 : i32 to index
          %get3A_242 = arith.index_cast %mul3A_240 : i32 to index
          %get3A_243 = tpu.vector_load %arg6[%get3A_241, %get3A_242] {strides = array<i32>} : memref<4x4096xf32, #tpu.memory_space<vmem>>, vector<16xf32>,
          %le3A_244 = vector.broadcast %reduce_max3A_85 : f32 to vector<16xf32>
          %le3A_245 = arith.cmpf ole, %get3A_243, %le3A_244 : vector<16xf32>
          %convert_element_type3A_246 = arith.extui %le3A_245 : vector<16xi1> to vector<16xi32>
          %broadcast_in_dim3A_247 = arith.constant true
          %broadcast_in_dim3A_248 = vector.broadcast %broadcast_in_dim3A_247 : i1 to vector<16xi1>
          %masked_cumsum3A_249 = tpu.scan <sum>, %convert_element_type3A_246 masked %broadcast_in_dim3A_248 : vector<16xi32>, vector<16xi1> -> vector<16xi32>
          %add3A_250 = vector.broadcast %add3A_230 : i32 to vector<16xi32>
          %add3A_251 = arith.addi %add3A_250, %masked_cumsum3A_249 : vector<16xi32>
          %sub3A_252 = arith.constant 1 : i32
          %sub3A_253 = vector.broadcast %sub3A_252 : i32 to vector<16xi32>
          %sub3A_254 = arith.subi %add3A_251, %sub3A_253 : vector<16xi32>
          tpu.vector_store_idx %arg7[%sub3A_254], %get3A_243 masked %le3A_245 : memref<4112xf32, #tpu.memory_space<vmem>>[vector<16xi32>], vector<16xf32>, vector<16xi1>
          tpu.vector_store_idx %arg8[%sub3A_254], %add3A_238 masked %le3A_245 : memref<4112xi32, #tpu.memory_space<vmem>>[vector<16xi32>], vector<16xi32>, vector<16xi1>
          %reduce_max3A_255 = arith.constant true
          %reduce_max3A_256 = vector.broadcast %reduce_max3A_255 : i1 to vector<16xi1>
          %reduce_max3A_257 = arith.constant -2147483648 : i32
          %reduce_max3A_258 = vector.broadcast %reduce_max3A_257 : i32 to vector<16xi32>
          %reduce_max3A_259 = arith.xori %masked_cumsum3A_249, %reduce_max3A_258 : vector<16xi32>
          %reduce_max3A_260 = tpu.scan <max>, %reduce_max3A_259 masked %reduce_max3A_256 : vector<16xi32>, vector<16xi1> -> vector<16xi32>
          %reduce_max3A_261 = arith.xori %reduce_max3A_260, %reduce_max3A_258 : vector<16xi32>
          %reduce_max3A_262 = vector.extract %reduce_max3A_261[15] : i32 from vector<16xi32>
          %add3A_263 = arith.addi %add3A_230, %reduce_max3A_262 : i32
          scf.yield %add3A_263 : i32
        }
        %scan3A_92 = arith.constant 64 : i32
        %broadcast_in_dim3A_93 = arith.constant 0 : i32
        %broadcast_in_dim3A_94 = vector.broadcast %broadcast_in_dim3A_93 : i32 to vector<16xi32>
        %add3A_95 = arith.constant 15 : i32
        %add3A_96 = arith.addi %scan3A_91, %add3A_95 : i32
        %jit3A = arith.constant 16 : i32
        %div3A = arith.divsi %add3A_96, %jit3A : i32
        %sign3A = arith.constant 0 : i32
        %sign3A_97 = arith.cmpi sgt, %add3A_96, %sign3A : i32
        %sign3A_98 = arith.extui %sign3A_97 : i1 to i32
        %sign3A_99 = arith.constant 0 : i32
        %sign3A_100 = arith.cmpi slt, %add3A_96, %sign3A_99 : i32
        %sign3A_101 = arith.extui %sign3A_100 : i1 to i32
        %sign3A_102 = arith.subi %sign3A_98, %sign3A_101 : i32
        %sign3A_103 = arith.constant 0 : i32
        %sign3A_104 = arith.cmpi sgt, %jit3A, %sign3A_103 : i32
        %sign3A_105 = arith.extui %sign3A_104 : i1 to i32
        %sign3A_106 = arith.constant 0 : i32
        %sign3A_107 = arith.cmpi slt, %jit3A, %sign3A_106 : i32
        %sign3A_108 = arith.extui %sign3A_107 : i1 to i32
        %sign3A_109 = arith.subi %sign3A_105, %sign3A_108 : i32
        %ne3A = arith.cmpi ne, %sign3A_102, %sign3A_109 : i32
        %rem3A = arith.remsi %add3A_96, %jit3A : i32
        %ne3A_110 = arith.constant 0 : i32
        %ne3A_111 = arith.cmpi ne, %rem3A, %ne3A_110 : i32
        %and3A = arith.andi %ne3A, %ne3A_111 : i1
        %sub3A = arith.constant 1 : i32
        %sub3A_112 = arith.subi %div3A, %sub3A : i32
        %select_n3A = arith.select %and3A, %sub3A_112, %div3A : i32
        %while3A = arith.constant 0 : i32
        %while3A_113 = arith.subi %select_n3A, %while3A : i32
        %while3A_114 = arith.addi %while3A, %while3A_113 : i32
        %while3A_115 = arith.constant 1 : i32
        %while3A_116 = arith.divsi %while3A_113, %while3A_115 : i32
        %while3A_117 = arith.muli %while3A_116, %while3A_115 : i32
        %while3A_118 = arith.addi %while3A, %while3A_117 : i32
        %while3A_119 = arith.constant 1 : i32
        %while3A_120:4 = scf.for %while3A_134 = %while3A to %while3A_118 step %while3A_119 iter_args(%while3A_135 = %broadcast_in_dim3A_76, %while3A_136 = %broadcast_in_dim3A_94, %while3A_137 = %broadcast_in_dim3A_76, %while3A_138 = %broadcast_in_dim3A_94) -> (vector<16xf32>, vector<16xi32>, vector<16xf32>, vector<16xi32>)  : i32 {
          %mul3A_139 = arith.constant 16 : i32
          %mul3A_140 = arith.muli %while3A_134, %mul3A_139 : i32
          %add3A_141 = vector.broadcast %mul3A_140 : i32 to vector<16xi32>
          %add3A_142 = arith.addi %add3A_141, %iota3A : vector<16xi32>
          %mul3A_143 = arith.constant 16 : i32
          %mul3A_144 = arith.muli %while3A_134, %mul3A_143 : i32
          %get3A = arith.index_cast %mul3A_144 : i32 to index
          %get3A_145 = tpu.vector_load %arg7[%get3A] {strides = array<i32>} : memref<4112xf32, #tpu.memory_space<vmem>>, vector<16xf32>,
          %mul3A_146 = arith.constant 16 : i32
          %mul3A_147 = arith.muli %while3A_134, %mul3A_146 : i32
          %get3A_148 = arith.index_cast %mul3A_147 : i32 to index
          %get3A_149 = tpu.vector_load %arg8[%get3A_148] {strides = array<i32>} : memref<4112xi32, #tpu.memory_space<vmem>>, vector<16xi32>,
          %lt3A = vector.broadcast %scan3A_91 : i32 to vector<16xi32>
          %lt3A_150 = arith.cmpi slt, %add3A_142, %lt3A : vector<16xi32>
          %select_n3A_151 = arith.select %lt3A_150, %get3A_145, %broadcast_in_dim3A_76 : vector<16xi1>, vector<16xf32>
          %masked_sort3A = arith.constant dense<true> : vector<16xi1>
          %masked_sort3A_152, %masked_sort3A_153, %masked_sort3A_154 = tpu.sort %select_n3A_151, %get3A_149 masked %masked_sort3A : (vector<16xf32>, vector<16xi32>, vector<16xi1>) -> (vector<16xi1>, vector<16xf32>, vector<16xi32>)
          %rev3A = arith.constant 15 : i32
          %rev3A_155 = vector.broadcast %rev3A : i32 to vector<16xi32>
          %rev3A_156 = tpu.iota {dimensions = array<i32: 0>} : vector<16xi32>
          %rev3A_157 = arith.subi %rev3A_155, %rev3A_156 : vector<16xi32>
          %rev3A_158 = tpu.dynamic_gather %masked_sort3A_153[%rev3A_157] in [0] : vector<16xf32>, vector<16xi32> -> vector<16xf32>
          %rev3A_159 = arith.constant 15 : i32
          %rev3A_160 = vector.broadcast %rev3A_159 : i32 to vector<16xi32>
          %rev3A_161 = tpu.iota {dimensions = array<i32: 0>} : vector<16xi32>
          %rev3A_162 = arith.subi %rev3A_160, %rev3A_161 : vector<16xi32>
          %rev3A_163 = tpu.dynamic_gather %masked_sort3A_154[%rev3A_162] in [0] : vector<16xi32>, vector<16xi32> -> vector<16xi32>
          %le3A = arith.cmpf ole, %while3A_137, %rev3A_158 : vector<16xf32>
          %select_n3A_164 = arith.select %le3A, %while3A_137, %rev3A_158 : vector<16xi1>, vector<16xf32>
          %select_n3A_165 = arith.select %le3A, %while3A_138, %rev3A_163 : vector<16xi1>, vector<16xi32>
          %masked_sort3A_166 = arith.constant dense<true> : vector<16xi1>
          %masked_sort3A_167, %masked_sort3A_168, %masked_sort3A_169 = tpu.sort %select_n3A_164, %select_n3A_165 masked %masked_sort3A_166 : (vector<16xf32>, vector<16xi32>, vector<16xi1>) -> (vector<16xi1>, vector<16xf32>, vector<16xi32>)
          %rev3A_170 = arith.constant 15 : i32
          %rev3A_171 = vector.broadcast %rev3A_170 : i32 to vector<16xi32>
          %rev3A_172 = tpu.iota {dimensions = array<i32: 0>} : vector<16xi32>
          %rev3A_173 = arith.subi %rev3A_171, %rev3A_172 : vector<16xi32>
          %rev3A_174 = tpu.dynamic_gather %masked_sort3A_168[%rev3A_173] in [0] : vector<16xf32>, vector<16xi32> -> vector<16xf32>
          %rev3A_175 = arith.constant 15 : i32
          %rev3A_176 = vector.broadcast %rev3A_175 : i32 to vector<16xi32>
          %rev3A_177 = tpu.iota {dimensions = array<i32: 0>} : vector<16xi32>
          %rev3A_178 = arith.subi %rev3A_176, %rev3A_177 : vector<16xi32>
          %rev3A_179 = tpu.dynamic_gather %masked_sort3A_169[%rev3A_178] in [0] : vector<16xi32>, vector<16xi32> -> vector<16xi32>
          %le3A_180 = arith.cmpf ole, %while3A_135, %rev3A_174 : vector<16xf32>
          %select_n3A_181 = arith.select %le3A_180, %while3A_135, %rev3A_174 : vector<16xi1>, vector<16xf32>
          %select_n3A_182 = arith.select %le3A_180, %while3A_136, %rev3A_179 : vector<16xi1>, vector<16xi32>
          %select_n3A_183 = arith.select %le3A_180, %rev3A_174, %while3A_135 : vector<16xi1>, vector<16xf32>
          %select_n3A_184 = arith.select %le3A_180, %rev3A_179, %while3A_136 : vector<16xi1>, vector<16xi32>
          %masked_sort3A_185 = arith.constant dense<true> : vector<16xi1>
          %masked_sort3A_186, %masked_sort3A_187, %masked_sort3A_188 = tpu.sort %select_n3A_181, %select_n3A_182 masked %masked_sort3A_185 : (vector<16xf32>, vector<16xi32>, vector<16xi1>) -> (vector<16xi1>, vector<16xf32>, vector<16xi32>)
          %masked_sort3A_189 = arith.constant dense<true> : vector<16xi1>
          %masked_sort3A_190, %masked_sort3A_191, %masked_sort3A_192 = tpu.sort %select_n3A_183, %select_n3A_184 masked %masked_sort3A_189 : (vector<16xf32>, vector<16xi32>, vector<16xi1>) -> (vector<16xi1>, vector<16xf32>, vector<16xi32>)
          scf.yield %masked_sort3A_187, %masked_sort3A_188, %masked_sort3A_191, %masked_sort3A_192 : vector<16xf32>, vector<16xi32>, vector<16xf32>, vector<16xi32>
        }
        %while3A_121 = arith.constant 1 : i32
        %while3A_122:4 = scf.for %while3A_134 = %while3A_118 to %while3A_114 step %while3A_121 iter_args(%while3A_135 = %while3A_120#0, %while3A_136 = %while3A_120#1, %while3A_137 = %while3A_120#2, %while3A_138 = %while3A_120#3) -> (vector<16xf32>, vector<16xi32>, vector<16xf32>, vector<16xi32>)  : i32 {
          %mul3A_139 = arith.constant 16 : i32
          %mul3A_140 = arith.muli %while3A_134, %mul3A_139 : i32
          %add3A_141 = vector.broadcast %mul3A_140 : i32 to vector<16xi32>
          %add3A_142 = arith.addi %add3A_141, %iota3A : vector<16xi32>
          %mul3A_143 = arith.constant 16 : i32
          %mul3A_144 = arith.muli %while3A_134, %mul3A_143 : i32
          %get3A = arith.index_cast %mul3A_144 : i32 to index
          %get3A_145 = tpu.vector_load %arg7[%get3A] {strides = array<i32>} : memref<4112xf32, #tpu.memory_space<vmem>>, vector<16xf32>,
          %mul3A_146 = arith.constant 16 : i32
          %mul3A_147 = arith.muli %while3A_134, %mul3A_146 : i32
          %get3A_148 = arith.index_cast %mul3A_147 : i32 to index
          %get3A_149 = tpu.vector_load %arg8[%get3A_148] {strides = array<i32>} : memref<4112xi32, #tpu.memory_space<vmem>>, vector<16xi32>,
          %lt3A = vector.broadcast %scan3A_91 : i32 to vector<16xi32>
          %lt3A_150 = arith.cmpi slt, %add3A_142, %lt3A : vector<16xi32>
          %select_n3A_151 = arith.select %lt3A_150, %get3A_145, %broadcast_in_dim3A_76 : vector<16xi1>, vector<16xf32>
          %masked_sort3A = arith.constant dense<true> : vector<16xi1>
          %masked_sort3A_152, %masked_sort3A_153, %masked_sort3A_154 = tpu.sort %select_n3A_151, %get3A_149 masked %masked_sort3A : (vector<16xf32>, vector<16xi32>, vector<16xi1>) -> (vector<16xi1>, vector<16xf32>, vector<16xi32>)
          %rev3A = arith.constant 15 : i32
          %rev3A_155 = vector.broadcast %rev3A : i32 to vector<16xi32>
          %rev3A_156 = tpu.iota {dimensions = array<i32: 0>} : vector<16xi32>
          %rev3A_157 = arith.subi %rev3A_155, %rev3A_156 : vector<16xi32>
          %rev3A_158 = tpu.dynamic_gather %masked_sort3A_153[%rev3A_157] in [0] : vector<16xf32>, vector<16xi32> -> vector<16xf32>
          %rev3A_159 = arith.constant 15 : i32
          %rev3A_160 = vector.broadcast %rev3A_159 : i32 to vector<16xi32>
          %rev3A_161 = tpu.iota {dimensions = array<i32: 0>} : vector<16xi32>
          %rev3A_162 = arith.subi %rev3A_160, %rev3A_161 : vector<16xi32>
          %rev3A_163 = tpu.dynamic_gather %masked_sort3A_154[%rev3A_162] in [0] : vector<16xi32>, vector<16xi32> -> vector<16xi32>
          %le3A = arith.cmpf ole, %while3A_137, %rev3A_158 : vector<16xf32>
          %select_n3A_164 = arith.select %le3A, %while3A_137, %rev3A_158 : vector<16xi1>, vector<16xf32>
          %select_n3A_165 = arith.select %le3A, %while3A_138, %rev3A_163 : vector<16xi1>, vector<16xi32>
          %masked_sort3A_166 = arith.constant dense<true> : vector<16xi1>
          %masked_sort3A_167, %masked_sort3A_168, %masked_sort3A_169 = tpu.sort %select_n3A_164, %select_n3A_165 masked %masked_sort3A_166 : (vector<16xf32>, vector<16xi32>, vector<16xi1>) -> (vector<16xi1>, vector<16xf32>, vector<16xi32>)
          %rev3A_170 = arith.constant 15 : i32
          %rev3A_171 = vector.broadcast %rev3A_170 : i32 to vector<16xi32>
          %rev3A_172 = tpu.iota {dimensions = array<i32: 0>} : vector<16xi32>
          %rev3A_173 = arith.subi %rev3A_171, %rev3A_172 : vector<16xi32>
          %rev3A_174 = tpu.dynamic_gather %masked_sort3A_168[%rev3A_173] in [0] : vector<16xf32>, vector<16xi32> -> vector<16xf32>
          %rev3A_175 = arith.constant 15 : i32
          %rev3A_176 = vector.broadcast %rev3A_175 : i32 to vector<16xi32>
          %rev3A_177 = tpu.iota {dimensions = array<i32: 0>} : vector<16xi32>
          %rev3A_178 = arith.subi %rev3A_176, %rev3A_177 : vector<16xi32>
          %rev3A_179 = tpu.dynamic_gather %masked_sort3A_169[%rev3A_178] in [0] : vector<16xi32>, vector<16xi32> -> vector<16xi32>
          %le3A_180 = arith.cmpf ole, %while3A_135, %rev3A_174 : vector<16xf32>
          %select_n3A_181 = arith.select %le3A_180, %while3A_135, %rev3A_174 : vector<16xi1>, vector<16xf32>
          %select_n3A_182 = arith.select %le3A_180, %while3A_136, %rev3A_179 : vector<16xi1>, vector<16xi32>
          %select_n3A_183 = arith.select %le3A_180, %rev3A_174, %while3A_135 : vector<16xi1>, vector<16xf32>
          %select_n3A_184 = arith.select %le3A_180, %rev3A_179, %while3A_136 : vector<16xi1>, vector<16xi32>
          %masked_sort3A_185 = arith.constant dense<true> : vector<16xi1>
          %masked_sort3A_186, %masked_sort3A_187, %masked_sort3A_188 = tpu.sort %select_n3A_181, %select_n3A_182 masked %masked_sort3A_185 : (vector<16xf32>, vector<16xi32>, vector<16xi1>) -> (vector<16xi1>, vector<16xf32>, vector<16xi32>)
          %masked_sort3A_189 = arith.constant dense<true> : vector<16xi1>
          %masked_sort3A_190, %masked_sort3A_191, %masked_sort3A_192 = tpu.sort %select_n3A_183, %select_n3A_184 masked %masked_sort3A_189 : (vector<16xf32>, vector<16xi32>, vector<16xi1>) -> (vector<16xi1>, vector<16xf32>, vector<16xi32>)
          scf.yield %masked_sort3A_187, %masked_sort3A_188, %masked_sort3A_191, %masked_sort3A_192 : vector<16xf32>, vector<16xi32>, vector<16xf32>, vector<16xi32>
        }
        %swap3A = arith.index_cast %add3A_75 : i32 to index
        %swap3A_123 = arith.constant 0 : index
        %swap3A_124 = tpu.vector_load %arg9[%swap3A, %swap3A_123] {strides = array<i32>} : memref<128x32xf32, #tpu.memory_space<vmem>>, vector<16xf32>,
        tpu.vector_store %arg9[%swap3A, %swap3A_123], %while3A_122#0 {strides = array<i32>} : memref<128x32xf32, #tpu.memory_space<vmem>>, vector<16xf32>,
        %swap3A_125 = arith.index_cast %add3A_75 : i32 to index
        %swap3A_126 = arith.constant 16 : index
        %swap3A_127 = tpu.vector_load %arg9[%swap3A_125, %swap3A_126] {strides = array<i32>} : memref<128x32xf32, #tpu.memory_space<vmem>>, vector<16xf32>,
        tpu.vector_store %arg9[%swap3A_125, %swap3A_126], %while3A_122#2 {strides = array<i32>} : memref<128x32xf32, #tpu.memory_space<vmem>>, vector<16xf32>,
        %swap3A_128 = arith.index_cast %add3A_75 : i32 to index
        %swap3A_129 = arith.constant 0 : index
        %swap3A_130 = tpu.vector_load %arg10[%swap3A_128, %swap3A_129] {strides = array<i32>} : memref<128x32xi32, #tpu.memory_space<vmem>>, vector<16xi32>,
        tpu.vector_store %arg10[%swap3A_128, %swap3A_129], %while3A_122#1 {strides = array<i32>} : memref<128x32xi32, #tpu.memory_space<vmem>>, vector<16xi32>,
        %swap3A_131 = arith.index_cast %add3A_75 : i32 to index
        %swap3A_132 = arith.constant 16 : index
        %swap3A_133 = tpu.vector_load %arg10[%swap3A_131, %swap3A_132] {strides = array<i32>} : memref<128x32xi32, #tpu.memory_space<vmem>>, vector<16xi32>,
        tpu.vector_store %arg10[%swap3A_131, %swap3A_132], %while3A_122#3 {strides = array<i32>} : memref<128x32xi32, #tpu.memory_space<vmem>>, vector<16xi32>,
      }
      %scan3A_60 = arith.constant 4 : i32
      %add3A_61 = arith.constant 2 : i32
      %add3A_62 = arith.addi %add3A_50, %add3A_61 : i32
      %mul3A_63 = arith.constant 4 : i32
      %mul3A_64 = arith.muli %add3A_62, %mul3A_63 : i32
      %add3A_65 = arith.addi %mul3A_2, %mul3A_64 : i32
      %min3A_66 = arith.constant 4092 : i32
      %min3A_67 = arith.minsi %add3A_65, %min3A_66 : i32
      %dma_start3A_68 = arith.constant 0 : i32
      %dma_start3A_69 = tpu.memref_slice %arg2[%min3A_67, %dma_start3A_68] : memref<4096x4096xf32, #tpu.memory_space<hbm>> -> memref<4x4096xf32, #tpu.memory_space<hbm>>
      %dma_start3A_70 = arith.constant 0 : i32
      %dma_start3A_71 = tpu.memref_slice %arg2[%min3A_67, %dma_start3A_70] : memref<4096x4096xf32, #tpu.memory_space<hbm>> -> memref<4x4096xf32, #tpu.memory_space<hbm>>
      tpu.enqueue_dma source(%dma_start3A_71 : memref<4x4096xf32, #tpu.memory_space<hbm>>) target(%arg6 : memref<4x4096xf32, #tpu.memory_space<vmem>>) target_semaphore(%arg12 : memref<!tpu.dma_semaphore, #tpu.memory_space<semaphore_mem>>)
    }
    %scan3A_16 = arith.constant 16 : i32
    %dma_wait3A = arith.constant 0 : i32
    %dma_wait3A_17 = tpu.memref_slice %arg2[%mul3A_2, %dma_wait3A] : memref<4096x4096xf32, #tpu.memory_space<hbm>> -> memref<4x4096xf32, #tpu.memory_space<hbm>>
    %dma_wait3A_18 = arith.constant 0 : i32
    %dma_wait3A_19 = tpu.memref_slice %arg2[%mul3A_2, %dma_wait3A_18] : memref<4096x4096xf32, #tpu.memory_space<hbm>> -> memref<4x4096xf32, #tpu.memory_space<hbm>>
    tpu.wait_dma2 semaphore(%arg11 : memref<!tpu.dma_semaphore, #tpu.memory_space<semaphore_mem>>) src(%dma_wait3A_19 : memref<4x4096xf32, #tpu.memory_space<hbm>>) dst(%arg5 : memref<4x4096xf32, #tpu.memory_space<vmem>>)
    %dma_wait3A_20 = arith.constant 0 : i32
    %dma_wait3A_21 = tpu.memref_slice %arg2[%mul3A_2, %dma_wait3A_20] : memref<4096x4096xf32, #tpu.memory_space<hbm>> -> memref<4x4096xf32, #tpu.memory_space<hbm>>
    %dma_wait3A_22 = arith.constant 0 : i32
    %dma_wait3A_23 = tpu.memref_slice %arg2[%mul3A_2, %dma_wait3A_22] : memref<4096x4096xf32, #tpu.memory_space<hbm>> -> memref<4x4096xf32, #tpu.memory_space<hbm>>
    tpu.wait_dma2 semaphore(%arg12 : memref<!tpu.dma_semaphore, #tpu.memory_space<semaphore_mem>>) src(%dma_wait3A_23 : memref<4x4096xf32, #tpu.memory_space<hbm>>) dst(%arg6 : memref<4x4096xf32, #tpu.memory_space<vmem>>)
    "tpu.region"() ({
      %run_scoped3A = tpu.sem_alloc : memref<!tpu.dma_semaphore, #tpu.memory_space<semaphore_mem>>
      %dma_start3A_24 = arith.constant 0 : i32
      %dma_start3A_25 = tpu.memref_slice %arg3[%mul3A_2, %dma_start3A_24] : memref<4096x32xf32, #tpu.memory_space<hbm>> -> memref<128x32xf32, #tpu.memory_space<hbm>>
      %dma_start3A_26 = arith.constant 0 : i32
      %dma_start3A_27 = tpu.memref_slice %arg3[%mul3A_2, %dma_start3A_26] : memref<4096x32xf32, #tpu.memory_space<hbm>> -> memref<128x32xf32, #tpu.memory_space<hbm>>
      tpu.enqueue_dma source(%arg9 : memref<128x32xf32, #tpu.memory_space<vmem>>) target(%dma_start3A_27 : memref<128x32xf32, #tpu.memory_space<hbm>>) target_semaphore(%run_scoped3A : memref<!tpu.dma_semaphore, #tpu.memory_space<semaphore_mem>>)
      %dma_wait3A_28 = arith.constant 0 : i32
      %dma_wait3A_29 = tpu.memref_slice %arg3[%mul3A_2, %dma_wait3A_28] : memref<4096x32xf32, #tpu.memory_space<hbm>> -> memref<128x32xf32, #tpu.memory_space<hbm>>
      %dma_wait3A_30 = arith.constant 0 : i32
      %dma_wait3A_31 = tpu.memref_slice %arg3[%mul3A_2, %dma_wait3A_30] : memref<4096x32xf32, #tpu.memory_space<hbm>> -> memref<128x32xf32, #tpu.memory_space<hbm>>
      tpu.wait_dma2 semaphore(%run_scoped3A : memref<!tpu.dma_semaphore, #tpu.memory_space<semaphore_mem>>) src(%arg9 : memref<128x32xf32, #tpu.memory_space<vmem>>) dst(%dma_wait3A_31 : memref<128x32xf32, #tpu.memory_space<hbm>>)
      tpu.yield
    }) : () -> ()
    "tpu.region"() ({
      %run_scoped3A = tpu.sem_alloc : memref<!tpu.dma_semaphore, #tpu.memory_space<semaphore_mem>>
      %dma_start3A_24 = arith.constant 0 : i32
      %dma_start3A_25 = tpu.memref_slice %arg4[%mul3A_2, %dma_start3A_24] : memref<4096x32xi32, #tpu.memory_space<hbm>> -> memref<128x32xi32, #tpu.memory_space<hbm>>
      %dma_start3A_26 = arith.constant 0 : i32
      %dma_start3A_27 = tpu.memref_slice %arg4[%mul3A_2, %dma_start3A_26] : memref<4096x32xi32, #tpu.memory_space<hbm>> -> memref<128x32xi32, #tpu.memory_space<hbm>>
      tpu.enqueue_dma source(%arg10 : memref<128x32xi32, #tpu.memory_space<vmem>>) target(%dma_start3A_27 : memref<128x32xi32, #tpu.memory_space<hbm>>) target_semaphore(%run_scoped3A : memref<!tpu.dma_semaphore, #tpu.memory_space<semaphore_mem>>)
      %dma_wait3A_28 = arith.constant 0 : i32
      %dma_wait3A_29 = tpu.memref_slice %arg4[%mul3A_2, %dma_wait3A_28] : memref<4096x32xi32, #tpu.memory_space<hbm>> -> memref<128x32xi32, #tpu.memory_space<hbm>>
      %dma_wait3A_30 = arith.constant 0 : i32
      %dma_wait3A_31 = tpu.memref_slice %arg4[%mul3A_2, %dma_wait3A_30] : memref<4096x32xi32, #tpu.memory_space<hbm>> -> memref<128x32xi32, #tpu.memory_space<hbm>>
      tpu.wait_dma2 semaphore(%run_scoped3A : memref<!tpu.dma_semaphore, #tpu.memory_space<semaphore_mem>>) src(%arg10 : memref<128x32xi32, #tpu.memory_space<vmem>>) dst(%dma_wait3A_31 : memref<128x32xi32, #tpu.memory_space<hbm>>)
      tpu.yield
    }) : () -> ()
    return
  }
}

#map = affine_map<(d0, d1) -> (0)>
#map1 = affine_map<(d0, d1) -> (0, 0)>
module attributes {stable_mosaic.version = 14 : i64} {
  func.func @_sc_gather_body(%arg0: i32, %arg1: i32, %arg2: memref<131072xi32, #tpu.memory_space<hbm>>, %arg3: memref<4096x32xf32, #tpu.memory_space<hbm>>, %arg4: memref<131072x32xf32, #tpu.memory_space<hbm>>, %arg5: memref<1024xi32, #tpu.memory_space<vmem>>, %arg6: memref<1024xi32, #tpu.memory_space<vmem>>, %arg7: memref<1024x32xf32, #tpu.memory_space<vmem>>, %arg8: memref<1024x32xf32, #tpu.memory_space<vmem>>, %arg9: memref<!tpu.dma_semaphore, #tpu.memory_space<semaphore_mem>>, %arg10: memref<!tpu.dma_semaphore, #tpu.memory_space<semaphore_mem>>) attributes {dimension_semantics = [#tpu.dimension_semantics<core_parallel>, #tpu.dimension_semantics<subcore_parallel>], iteration_bounds = array<i64: 2, 16>, scalar_prefetch = 0 : i64, scratch_operands = 6 : i64, tpu.core_type = #tpu.core_type<sc_vector_subcore>, window_params = [{transform_indices = #map}, {transform_indices = #map1}, {transform_indices = #map1}]} {
    %mul3A = arith.constant 2 : i32
    %mul3A_0 = arith.muli %arg1, %mul3A : i32
    %add3A = arith.addi %mul3A_0, %arg0 : i32
    %mul3A_1 = arith.constant 4096 : i32
    %mul3A_2 = arith.muli %add3A, %mul3A_1 : i32
    "tpu.region"() ({
      %run_scoped3A = tpu.sem_alloc : memref<!tpu.dma_semaphore, #tpu.memory_space<semaphore_mem>>
      %dma_start3A_39 = tpu.memref_slice %arg2[%mul3A_2] : memref<131072xi32, #tpu.memory_space<hbm>> -> memref<1024xi32, #tpu.memory_space<hbm>>
      %dma_start3A_40 = tpu.memref_slice %arg2[%mul3A_2] : memref<131072xi32, #tpu.memory_space<hbm>> -> memref<1024xi32, #tpu.memory_space<hbm>>
      tpu.enqueue_dma source(%dma_start3A_40 : memref<1024xi32, #tpu.memory_space<hbm>>) target(%arg5 : memref<1024xi32, #tpu.memory_space<vmem>>) target_semaphore(%run_scoped3A : memref<!tpu.dma_semaphore, #tpu.memory_space<semaphore_mem>>)
      %dma_wait3A_41 = tpu.memref_slice %arg2[%mul3A_2] : memref<131072xi32, #tpu.memory_space<hbm>> -> memref<1024xi32, #tpu.memory_space<hbm>>
      %dma_wait3A_42 = tpu.memref_slice %arg2[%mul3A_2] : memref<131072xi32, #tpu.memory_space<hbm>> -> memref<1024xi32, #tpu.memory_space<hbm>>
      tpu.wait_dma2 semaphore(%run_scoped3A : memref<!tpu.dma_semaphore, #tpu.memory_space<semaphore_mem>>) src(%dma_wait3A_42 : memref<1024xi32, #tpu.memory_space<hbm>>) dst(%arg5 : memref<1024xi32, #tpu.memory_space<vmem>>)
      tpu.yield
    }) : () -> ()
    %dma_start3A = arith.constant 0 : i32
    %dma_start3A_3 = arith.constant 0 : i32
    %dma_start3A_4 = tpu.memref_slice %arg3[%dma_start3A, %dma_start3A_3] : memref<4096x32xf32, #tpu.memory_space<hbm>> -> memref<4096x32xf32, #tpu.memory_space<hbm>>
    tpu.enqueue_indirect_dma source(%dma_start3A_4 : memref<4096x32xf32, #tpu.memory_space<hbm>>) target(%arg7 : memref<1024x32xf32, #tpu.memory_space<vmem>>) offsets(%arg5 : memref<1024xi32, #tpu.memory_space<vmem>>) semaphore(%arg9 : memref<!tpu.dma_semaphore, #tpu.memory_space<semaphore_mem>>)
    %add3A_5 = arith.constant 1024 : i32
    %add3A_6 = arith.addi %mul3A_2, %add3A_5 : i32
    "tpu.region"() ({
      %run_scoped3A = tpu.sem_alloc : memref<!tpu.dma_semaphore, #tpu.memory_space<semaphore_mem>>
      %dma_start3A_39 = tpu.memref_slice %arg2[%add3A_6] : memref<131072xi32, #tpu.memory_space<hbm>> -> memref<1024xi32, #tpu.memory_space<hbm>>
      %dma_start3A_40 = tpu.memref_slice %arg2[%add3A_6] : memref<131072xi32, #tpu.memory_space<hbm>> -> memref<1024xi32, #tpu.memory_space<hbm>>
      tpu.enqueue_dma source(%dma_start3A_40 : memref<1024xi32, #tpu.memory_space<hbm>>) target(%arg6 : memref<1024xi32, #tpu.memory_space<vmem>>) target_semaphore(%run_scoped3A : memref<!tpu.dma_semaphore, #tpu.memory_space<semaphore_mem>>)
      %dma_wait3A_41 = tpu.memref_slice %arg2[%add3A_6] : memref<131072xi32, #tpu.memory_space<hbm>> -> memref<1024xi32, #tpu.memory_space<hbm>>
      %dma_wait3A_42 = tpu.memref_slice %arg2[%add3A_6] : memref<131072xi32, #tpu.memory_space<hbm>> -> memref<1024xi32, #tpu.memory_space<hbm>>
      tpu.wait_dma2 semaphore(%run_scoped3A : memref<!tpu.dma_semaphore, #tpu.memory_space<semaphore_mem>>) src(%dma_wait3A_42 : memref<1024xi32, #tpu.memory_space<hbm>>) dst(%arg6 : memref<1024xi32, #tpu.memory_space<vmem>>)
      tpu.yield
    }) : () -> ()
    %dma_start3A_7 = arith.constant 0 : i32
    %dma_start3A_8 = arith.constant 0 : i32
    %dma_start3A_9 = tpu.memref_slice %arg3[%dma_start3A_7, %dma_start3A_8] : memref<4096x32xf32, #tpu.memory_space<hbm>> -> memref<4096x32xf32, #tpu.memory_space<hbm>>
    tpu.enqueue_indirect_dma source(%dma_start3A_9 : memref<4096x32xf32, #tpu.memory_space<hbm>>) target(%arg8 : memref<1024x32xf32, #tpu.memory_space<vmem>>) offsets(%arg6 : memref<1024xi32, #tpu.memory_space<vmem>>) semaphore(%arg10 : memref<!tpu.dma_semaphore, #tpu.memory_space<semaphore_mem>>)
    %dma_wait3A = arith.constant 0 : i32
    %dma_wait3A_10 = arith.constant 0 : i32
    %dma_wait3A_11 = tpu.memref_slice %arg3[%dma_wait3A, %dma_wait3A_10] : memref<4096x32xf32, #tpu.memory_space<hbm>> -> memref<4096x32xf32, #tpu.memory_space<hbm>>
    tpu.wait_indirect_dma semaphore(%arg9 : memref<!tpu.dma_semaphore, #tpu.memory_space<semaphore_mem>>) src(%dma_wait3A_11 : memref<4096x32xf32, #tpu.memory_space<hbm>>) dst(%arg7 : memref<1024x32xf32, #tpu.memory_space<vmem>>)
    %add3A_12 = arith.constant 0 : i32
    %add3A_13 = arith.addi %mul3A_2, %add3A_12 : i32
    "tpu.region"() ({
      %run_scoped3A = tpu.sem_alloc : memref<!tpu.dma_semaphore, #tpu.memory_space<semaphore_mem>>
      %dma_start3A_39 = arith.constant 0 : i32
      %dma_start3A_40 = tpu.memref_slice %arg4[%add3A_13, %dma_start3A_39] : memref<131072x32xf32, #tpu.memory_space<hbm>> -> memref<1024x32xf32, #tpu.memory_space<hbm>>
      %dma_start3A_41 = arith.constant 0 : i32
      %dma_start3A_42 = tpu.memref_slice %arg4[%add3A_13, %dma_start3A_41] : memref<131072x32xf32, #tpu.memory_space<hbm>> -> memref<1024x32xf32, #tpu.memory_space<hbm>>
      tpu.enqueue_dma source(%arg7 : memref<1024x32xf32, #tpu.memory_space<vmem>>) target(%dma_start3A_42 : memref<1024x32xf32, #tpu.memory_space<hbm>>) target_semaphore(%run_scoped3A : memref<!tpu.dma_semaphore, #tpu.memory_space<semaphore_mem>>)
      %dma_wait3A_43 = arith.constant 0 : i32
      %dma_wait3A_44 = tpu.memref_slice %arg4[%add3A_13, %dma_wait3A_43] : memref<131072x32xf32, #tpu.memory_space<hbm>> -> memref<1024x32xf32, #tpu.memory_space<hbm>>
      %dma_wait3A_45 = arith.constant 0 : i32
      %dma_wait3A_46 = tpu.memref_slice %arg4[%add3A_13, %dma_wait3A_45] : memref<131072x32xf32, #tpu.memory_space<hbm>> -> memref<1024x32xf32, #tpu.memory_space<hbm>>
      tpu.wait_dma2 semaphore(%run_scoped3A : memref<!tpu.dma_semaphore, #tpu.memory_space<semaphore_mem>>) src(%arg7 : memref<1024x32xf32, #tpu.memory_space<vmem>>) dst(%dma_wait3A_46 : memref<1024x32xf32, #tpu.memory_space<hbm>>)
      tpu.yield
    }) : () -> ()
    %add3A_14 = arith.constant 2048 : i32
    %add3A_15 = arith.addi %mul3A_2, %add3A_14 : i32
    "tpu.region"() ({
      %run_scoped3A = tpu.sem_alloc : memref<!tpu.dma_semaphore, #tpu.memory_space<semaphore_mem>>
      %dma_start3A_39 = tpu.memref_slice %arg2[%add3A_15] : memref<131072xi32, #tpu.memory_space<hbm>> -> memref<1024xi32, #tpu.memory_space<hbm>>
      %dma_start3A_40 = tpu.memref_slice %arg2[%add3A_15] : memref<131072xi32, #tpu.memory_space<hbm>> -> memref<1024xi32, #tpu.memory_space<hbm>>
      tpu.enqueue_dma source(%dma_start3A_40 : memref<1024xi32, #tpu.memory_space<hbm>>) target(%arg5 : memref<1024xi32, #tpu.memory_space<vmem>>) target_semaphore(%run_scoped3A : memref<!tpu.dma_semaphore, #tpu.memory_space<semaphore_mem>>)
      %dma_wait3A_41 = tpu.memref_slice %arg2[%add3A_15] : memref<131072xi32, #tpu.memory_space<hbm>> -> memref<1024xi32, #tpu.memory_space<hbm>>
      %dma_wait3A_42 = tpu.memref_slice %arg2[%add3A_15] : memref<131072xi32, #tpu.memory_space<hbm>> -> memref<1024xi32, #tpu.memory_space<hbm>>
      tpu.wait_dma2 semaphore(%run_scoped3A : memref<!tpu.dma_semaphore, #tpu.memory_space<semaphore_mem>>) src(%dma_wait3A_42 : memref<1024xi32, #tpu.memory_space<hbm>>) dst(%arg5 : memref<1024xi32, #tpu.memory_space<vmem>>)
      tpu.yield
    }) : () -> ()
    %dma_start3A_16 = arith.constant 0 : i32
    %dma_start3A_17 = arith.constant 0 : i32
    %dma_start3A_18 = tpu.memref_slice %arg3[%dma_start3A_16, %dma_start3A_17] : memref<4096x32xf32, #tpu.memory_space<hbm>> -> memref<4096x32xf32, #tpu.memory_space<hbm>>
    tpu.enqueue_indirect_dma source(%dma_start3A_18 : memref<4096x32xf32, #tpu.memory_space<hbm>>) target(%arg7 : memref<1024x32xf32, #tpu.memory_space<vmem>>) offsets(%arg5 : memref<1024xi32, #tpu.memory_space<vmem>>) semaphore(%arg9 : memref<!tpu.dma_semaphore, #tpu.memory_space<semaphore_mem>>)
    %dma_wait3A_19 = arith.constant 0 : i32
    %dma_wait3A_20 = arith.constant 0 : i32
    %dma_wait3A_21 = tpu.memref_slice %arg3[%dma_wait3A_19, %dma_wait3A_20] : memref<4096x32xf32, #tpu.memory_space<hbm>> -> memref<4096x32xf32, #tpu.memory_space<hbm>>
    tpu.wait_indirect_dma semaphore(%arg10 : memref<!tpu.dma_semaphore, #tpu.memory_space<semaphore_mem>>) src(%dma_wait3A_21 : memref<4096x32xf32, #tpu.memory_space<hbm>>) dst(%arg8 : memref<1024x32xf32, #tpu.memory_space<vmem>>)
    %add3A_22 = arith.constant 1024 : i32
    %add3A_23 = arith.addi %mul3A_2, %add3A_22 : i32
    "tpu.region"() ({
      %run_scoped3A = tpu.sem_alloc : memref<!tpu.dma_semaphore, #tpu.memory_space<semaphore_mem>>
      %dma_start3A_39 = arith.constant 0 : i32
      %dma_start3A_40 = tpu.memref_slice %arg4[%add3A_23, %dma_start3A_39] : memref<131072x32xf32, #tpu.memory_space<hbm>> -> memref<1024x32xf32, #tpu.memory_space<hbm>>
      %dma_start3A_41 = arith.constant 0 : i32
      %dma_start3A_42 = tpu.memref_slice %arg4[%add3A_23, %dma_start3A_41] : memref<131072x32xf32, #tpu.memory_space<hbm>> -> memref<1024x32xf32, #tpu.memory_space<hbm>>
      tpu.enqueue_dma source(%arg8 : memref<1024x32xf32, #tpu.memory_space<vmem>>) target(%dma_start3A_42 : memref<1024x32xf32, #tpu.memory_space<hbm>>) target_semaphore(%run_scoped3A : memref<!tpu.dma_semaphore, #tpu.memory_space<semaphore_mem>>)
      %dma_wait3A_43 = arith.constant 0 : i32
      %dma_wait3A_44 = tpu.memref_slice %arg4[%add3A_23, %dma_wait3A_43] : memref<131072x32xf32, #tpu.memory_space<hbm>> -> memref<1024x32xf32, #tpu.memory_space<hbm>>
      %dma_wait3A_45 = arith.constant 0 : i32
      %dma_wait3A_46 = tpu.memref_slice %arg4[%add3A_23, %dma_wait3A_45] : memref<131072x32xf32, #tpu.memory_space<hbm>> -> memref<1024x32xf32, #tpu.memory_space<hbm>>
      tpu.wait_dma2 semaphore(%run_scoped3A : memref<!tpu.dma_semaphore, #tpu.memory_space<semaphore_mem>>) src(%arg8 : memref<1024x32xf32, #tpu.memory_space<vmem>>) dst(%dma_wait3A_46 : memref<1024x32xf32, #tpu.memory_space<hbm>>)
      tpu.yield
    }) : () -> ()
    %add3A_24 = arith.constant 3072 : i32
    %add3A_25 = arith.addi %mul3A_2, %add3A_24 : i32
    "tpu.region"() ({
      %run_scoped3A = tpu.sem_alloc : memref<!tpu.dma_semaphore, #tpu.memory_space<semaphore_mem>>
      %dma_start3A_39 = tpu.memref_slice %arg2[%add3A_25] : memref<131072xi32, #tpu.memory_space<hbm>> -> memref<1024xi32, #tpu.memory_space<hbm>>
      %dma_start3A_40 = tpu.memref_slice %arg2[%add3A_25] : memref<131072xi32, #tpu.memory_space<hbm>> -> memref<1024xi32, #tpu.memory_space<hbm>>
      tpu.enqueue_dma source(%dma_start3A_40 : memref<1024xi32, #tpu.memory_space<hbm>>) target(%arg6 : memref<1024xi32, #tpu.memory_space<vmem>>) target_semaphore(%run_scoped3A : memref<!tpu.dma_semaphore, #tpu.memory_space<semaphore_mem>>)
      %dma_wait3A_41 = tpu.memref_slice %arg2[%add3A_25] : memref<131072xi32, #tpu.memory_space<hbm>> -> memref<1024xi32, #tpu.memory_space<hbm>>
      %dma_wait3A_42 = tpu.memref_slice %arg2[%add3A_25] : memref<131072xi32, #tpu.memory_space<hbm>> -> memref<1024xi32, #tpu.memory_space<hbm>>
      tpu.wait_dma2 semaphore(%run_scoped3A : memref<!tpu.dma_semaphore, #tpu.memory_space<semaphore_mem>>) src(%dma_wait3A_42 : memref<1024xi32, #tpu.memory_space<hbm>>) dst(%arg6 : memref<1024xi32, #tpu.memory_space<vmem>>)
      tpu.yield
    }) : () -> ()
    %dma_start3A_26 = arith.constant 0 : i32
    %dma_start3A_27 = arith.constant 0 : i32
    %dma_start3A_28 = tpu.memref_slice %arg3[%dma_start3A_26, %dma_start3A_27] : memref<4096x32xf32, #tpu.memory_space<hbm>> -> memref<4096x32xf32, #tpu.memory_space<hbm>>
    tpu.enqueue_indirect_dma source(%dma_start3A_28 : memref<4096x32xf32, #tpu.memory_space<hbm>>) target(%arg8 : memref<1024x32xf32, #tpu.memory_space<vmem>>) offsets(%arg6 : memref<1024xi32, #tpu.memory_space<vmem>>) semaphore(%arg10 : memref<!tpu.dma_semaphore, #tpu.memory_space<semaphore_mem>>)
    %dma_wait3A_29 = arith.constant 0 : i32
    %dma_wait3A_30 = arith.constant 0 : i32
    %dma_wait3A_31 = tpu.memref_slice %arg3[%dma_wait3A_29, %dma_wait3A_30] : memref<4096x32xf32, #tpu.memory_space<hbm>> -> memref<4096x32xf32, #tpu.memory_space<hbm>>
    tpu.wait_indirect_dma semaphore(%arg9 : memref<!tpu.dma_semaphore, #tpu.memory_space<semaphore_mem>>) src(%dma_wait3A_31 : memref<4096x32xf32, #tpu.memory_space<hbm>>) dst(%arg7 : memref<1024x32xf32, #tpu.memory_space<vmem>>)
    %add3A_32 = arith.constant 2048 : i32
    %add3A_33 = arith.addi %mul3A_2, %add3A_32 : i32
    "tpu.region"() ({
      %run_scoped3A = tpu.sem_alloc : memref<!tpu.dma_semaphore, #tpu.memory_space<semaphore_mem>>
      %dma_start3A_39 = arith.constant 0 : i32
      %dma_start3A_40 = tpu.memref_slice %arg4[%add3A_33, %dma_start3A_39] : memref<131072x32xf32, #tpu.memory_space<hbm>> -> memref<1024x32xf32, #tpu.memory_space<hbm>>
      %dma_start3A_41 = arith.constant 0 : i32
      %dma_start3A_42 = tpu.memref_slice %arg4[%add3A_33, %dma_start3A_41] : memref<131072x32xf32, #tpu.memory_space<hbm>> -> memref<1024x32xf32, #tpu.memory_space<hbm>>
      tpu.enqueue_dma source(%arg7 : memref<1024x32xf32, #tpu.memory_space<vmem>>) target(%dma_start3A_42 : memref<1024x32xf32, #tpu.memory_space<hbm>>) target_semaphore(%run_scoped3A : memref<!tpu.dma_semaphore, #tpu.memory_space<semaphore_mem>>)
      %dma_wait3A_43 = arith.constant 0 : i32
      %dma_wait3A_44 = tpu.memref_slice %arg4[%add3A_33, %dma_wait3A_43] : memref<131072x32xf32, #tpu.memory_space<hbm>> -> memref<1024x32xf32, #tpu.memory_space<hbm>>
      %dma_wait3A_45 = arith.constant 0 : i32
      %dma_wait3A_46 = tpu.memref_slice %arg4[%add3A_33, %dma_wait3A_45] : memref<131072x32xf32, #tpu.memory_space<hbm>> -> memref<1024x32xf32, #tpu.memory_space<hbm>>
      tpu.wait_dma2 semaphore(%run_scoped3A : memref<!tpu.dma_semaphore, #tpu.memory_space<semaphore_mem>>) src(%arg7 : memref<1024x32xf32, #tpu.memory_space<vmem>>) dst(%dma_wait3A_46 : memref<1024x32xf32, #tpu.memory_space<hbm>>)
      tpu.yield
    }) : () -> ()
    %dma_wait3A_34 = arith.constant 0 : i32
    %dma_wait3A_35 = arith.constant 0 : i32
    %dma_wait3A_36 = tpu.memref_slice %arg3[%dma_wait3A_34, %dma_wait3A_35] : memref<4096x32xf32, #tpu.memory_space<hbm>> -> memref<4096x32xf32, #tpu.memory_space<hbm>>
    tpu.wait_indirect_dma semaphore(%arg10 : memref<!tpu.dma_semaphore, #tpu.memory_space<semaphore_mem>>) src(%dma_wait3A_36 : memref<4096x32xf32, #tpu.memory_space<hbm>>) dst(%arg8 : memref<1024x32xf32, #tpu.memory_space<vmem>>)
    %add3A_37 = arith.constant 3072 : i32
    %add3A_38 = arith.addi %mul3A_2, %add3A_37 : i32
    "tpu.region"() ({
      %run_scoped3A = tpu.sem_alloc : memref<!tpu.dma_semaphore, #tpu.memory_space<semaphore_mem>>
      %dma_start3A_39 = arith.constant 0 : i32
      %dma_start3A_40 = tpu.memref_slice %arg4[%add3A_38, %dma_start3A_39] : memref<131072x32xf32, #tpu.memory_space<hbm>> -> memref<1024x32xf32, #tpu.memory_space<hbm>>
      %dma_start3A_41 = arith.constant 0 : i32
      %dma_start3A_42 = tpu.memref_slice %arg4[%add3A_38, %dma_start3A_41] : memref<131072x32xf32, #tpu.memory_space<hbm>> -> memref<1024x32xf32, #tpu.memory_space<hbm>>
      tpu.enqueue_dma source(%arg8 : memref<1024x32xf32, #tpu.memory_space<vmem>>) target(%dma_start3A_42 : memref<1024x32xf32, #tpu.memory_space<hbm>>) target_semaphore(%run_scoped3A : memref<!tpu.dma_semaphore, #tpu.memory_space<semaphore_mem>>)
      %dma_wait3A_43 = arith.constant 0 : i32
      %dma_wait3A_44 = tpu.memref_slice %arg4[%add3A_38, %dma_wait3A_43] : memref<131072x32xf32, #tpu.memory_space<hbm>> -> memref<1024x32xf32, #tpu.memory_space<hbm>>
      %dma_wait3A_45 = arith.constant 0 : i32
      %dma_wait3A_46 = tpu.memref_slice %arg4[%add3A_38, %dma_wait3A_45] : memref<131072x32xf32, #tpu.memory_space<hbm>> -> memref<1024x32xf32, #tpu.memory_space<hbm>>
      tpu.wait_dma2 semaphore(%run_scoped3A : memref<!tpu.dma_semaphore, #tpu.memory_space<semaphore_mem>>) src(%arg8 : memref<1024x32xf32, #tpu.memory_space<vmem>>) dst(%dma_wait3A_46 : memref<1024x32xf32, #tpu.memory_space<hbm>>)
      tpu.yield
    }) : () -> ()
    return
  }
}

#map = affine_map<(d0, d1) -> (0)>
#map1 = affine_map<(d0, d1) -> (0, 0)>
module attributes {stable_mosaic.version = 14 : i64} {
  func.func @_sc_gather_body(%arg0: i32, %arg1: i32, %arg2: memref<131072xi32, #tpu.memory_space<hbm>>, %arg3: memref<4096x32xf32, #tpu.memory_space<hbm>>, %arg4: memref<131072x32xf32, #tpu.memory_space<hbm>>, %arg5: memref<1024xi32, #tpu.memory_space<vmem>>, %arg6: memref<1024xi32, #tpu.memory_space<vmem>>, %arg7: memref<1024x32xf32, #tpu.memory_space<vmem>>, %arg8: memref<1024x32xf32, #tpu.memory_space<vmem>>, %arg9: memref<!tpu.dma_semaphore, #tpu.memory_space<semaphore_mem>>, %arg10: memref<!tpu.dma_semaphore, #tpu.memory_space<semaphore_mem>>) attributes {dimension_semantics = [#tpu.dimension_semantics<core_parallel>, #tpu.dimension_semantics<subcore_parallel>], iteration_bounds = array<i64: 2, 16>, scalar_prefetch = 0 : i64, scratch_operands = 6 : i64, tpu.core_type = #tpu.core_type<sc_vector_subcore>, window_params = [{transform_indices = #map}, {transform_indices = #map1}, {transform_indices = #map1}]} {
    %mul3A = arith.constant 2 : i32
    %mul3A_0 = arith.muli %arg1, %mul3A : i32
    %add3A = arith.addi %mul3A_0, %arg0 : i32
    %mul3A_1 = arith.constant 4096 : i32
    %mul3A_2 = arith.muli %add3A, %mul3A_1 : i32
    "tpu.region"() ({
      %run_scoped3A = tpu.sem_alloc : memref<!tpu.dma_semaphore, #tpu.memory_space<semaphore_mem>>
      %dma_start3A_39 = tpu.memref_slice %arg2[%mul3A_2] : memref<131072xi32, #tpu.memory_space<hbm>> -> memref<1024xi32, #tpu.memory_space<hbm>>
      %dma_start3A_40 = tpu.memref_slice %arg2[%mul3A_2] : memref<131072xi32, #tpu.memory_space<hbm>> -> memref<1024xi32, #tpu.memory_space<hbm>>
      tpu.enqueue_dma source(%dma_start3A_40 : memref<1024xi32, #tpu.memory_space<hbm>>) target(%arg5 : memref<1024xi32, #tpu.memory_space<vmem>>) target_semaphore(%run_scoped3A : memref<!tpu.dma_semaphore, #tpu.memory_space<semaphore_mem>>)
      %dma_wait3A_41 = tpu.memref_slice %arg2[%mul3A_2] : memref<131072xi32, #tpu.memory_space<hbm>> -> memref<1024xi32, #tpu.memory_space<hbm>>
      %dma_wait3A_42 = tpu.memref_slice %arg2[%mul3A_2] : memref<131072xi32, #tpu.memory_space<hbm>> -> memref<1024xi32, #tpu.memory_space<hbm>>
      tpu.wait_dma2 semaphore(%run_scoped3A : memref<!tpu.dma_semaphore, #tpu.memory_space<semaphore_mem>>) src(%dma_wait3A_42 : memref<1024xi32, #tpu.memory_space<hbm>>) dst(%arg5 : memref<1024xi32, #tpu.memory_space<vmem>>)
      tpu.yield
    }) : () -> ()
    %dma_start3A = arith.constant 0 : i32
    %dma_start3A_3 = arith.constant 0 : i32
    %dma_start3A_4 = tpu.memref_slice %arg3[%dma_start3A, %dma_start3A_3] : memref<4096x32xf32, #tpu.memory_space<hbm>> -> memref<4096x32xf32, #tpu.memory_space<hbm>>
    tpu.enqueue_indirect_dma source(%dma_start3A_4 : memref<4096x32xf32, #tpu.memory_space<hbm>>) target(%arg7 : memref<1024x32xf32, #tpu.memory_space<vmem>>) offsets(%arg5 : memref<1024xi32, #tpu.memory_space<vmem>>) semaphore(%arg9 : memref<!tpu.dma_semaphore, #tpu.memory_space<semaphore_mem>>)
    %add3A_5 = arith.constant 1024 : i32
    %add3A_6 = arith.addi %mul3A_2, %add3A_5 : i32
    "tpu.region"() ({
      %run_scoped3A = tpu.sem_alloc : memref<!tpu.dma_semaphore, #tpu.memory_space<semaphore_mem>>
      %dma_start3A_39 = tpu.memref_slice %arg2[%add3A_6] : memref<131072xi32, #tpu.memory_space<hbm>> -> memref<1024xi32, #tpu.memory_space<hbm>>
      %dma_start3A_40 = tpu.memref_slice %arg2[%add3A_6] : memref<131072xi32, #tpu.memory_space<hbm>> -> memref<1024xi32, #tpu.memory_space<hbm>>
      tpu.enqueue_dma source(%dma_start3A_40 : memref<1024xi32, #tpu.memory_space<hbm>>) target(%arg6 : memref<1024xi32, #tpu.memory_space<vmem>>) target_semaphore(%run_scoped3A : memref<!tpu.dma_semaphore, #tpu.memory_space<semaphore_mem>>)
      %dma_wait3A_41 = tpu.memref_slice %arg2[%add3A_6] : memref<131072xi32, #tpu.memory_space<hbm>> -> memref<1024xi32, #tpu.memory_space<hbm>>
      %dma_wait3A_42 = tpu.memref_slice %arg2[%add3A_6] : memref<131072xi32, #tpu.memory_space<hbm>> -> memref<1024xi32, #tpu.memory_space<hbm>>
      tpu.wait_dma2 semaphore(%run_scoped3A : memref<!tpu.dma_semaphore, #tpu.memory_space<semaphore_mem>>) src(%dma_wait3A_42 : memref<1024xi32, #tpu.memory_space<hbm>>) dst(%arg6 : memref<1024xi32, #tpu.memory_space<vmem>>)
      tpu.yield
    }) : () -> ()
    %dma_start3A_7 = arith.constant 0 : i32
    %dma_start3A_8 = arith.constant 0 : i32
    %dma_start3A_9 = tpu.memref_slice %arg3[%dma_start3A_7, %dma_start3A_8] : memref<4096x32xf32, #tpu.memory_space<hbm>> -> memref<4096x32xf32, #tpu.memory_space<hbm>>
    tpu.enqueue_indirect_dma source(%dma_start3A_9 : memref<4096x32xf32, #tpu.memory_space<hbm>>) target(%arg8 : memref<1024x32xf32, #tpu.memory_space<vmem>>) offsets(%arg6 : memref<1024xi32, #tpu.memory_space<vmem>>) semaphore(%arg10 : memref<!tpu.dma_semaphore, #tpu.memory_space<semaphore_mem>>)
    %dma_wait3A = arith.constant 0 : i32
    %dma_wait3A_10 = arith.constant 0 : i32
    %dma_wait3A_11 = tpu.memref_slice %arg3[%dma_wait3A, %dma_wait3A_10] : memref<4096x32xf32, #tpu.memory_space<hbm>> -> memref<4096x32xf32, #tpu.memory_space<hbm>>
    tpu.wait_indirect_dma semaphore(%arg9 : memref<!tpu.dma_semaphore, #tpu.memory_space<semaphore_mem>>) src(%dma_wait3A_11 : memref<4096x32xf32, #tpu.memory_space<hbm>>) dst(%arg7 : memref<1024x32xf32, #tpu.memory_space<vmem>>)
    %add3A_12 = arith.constant 0 : i32
    %add3A_13 = arith.addi %mul3A_2, %add3A_12 : i32
    "tpu.region"() ({
      %run_scoped3A = tpu.sem_alloc : memref<!tpu.dma_semaphore, #tpu.memory_space<semaphore_mem>>
      %dma_start3A_39 = arith.constant 0 : i32
      %dma_start3A_40 = tpu.memref_slice %arg4[%add3A_13, %dma_start3A_39] : memref<131072x32xf32, #tpu.memory_space<hbm>> -> memref<1024x32xf32, #tpu.memory_space<hbm>>
      %dma_start3A_41 = arith.constant 0 : i32
      %dma_start3A_42 = tpu.memref_slice %arg4[%add3A_13, %dma_start3A_41] : memref<131072x32xf32, #tpu.memory_space<hbm>> -> memref<1024x32xf32, #tpu.memory_space<hbm>>
      tpu.enqueue_dma source(%arg7 : memref<1024x32xf32, #tpu.memory_space<vmem>>) target(%dma_start3A_42 : memref<1024x32xf32, #tpu.memory_space<hbm>>) target_semaphore(%run_scoped3A : memref<!tpu.dma_semaphore, #tpu.memory_space<semaphore_mem>>)
      %dma_wait3A_43 = arith.constant 0 : i32
      %dma_wait3A_44 = tpu.memref_slice %arg4[%add3A_13, %dma_wait3A_43] : memref<131072x32xf32, #tpu.memory_space<hbm>> -> memref<1024x32xf32, #tpu.memory_space<hbm>>
      %dma_wait3A_45 = arith.constant 0 : i32
      %dma_wait3A_46 = tpu.memref_slice %arg4[%add3A_13, %dma_wait3A_45] : memref<131072x32xf32, #tpu.memory_space<hbm>> -> memref<1024x32xf32, #tpu.memory_space<hbm>>
      tpu.wait_dma2 semaphore(%run_scoped3A : memref<!tpu.dma_semaphore, #tpu.memory_space<semaphore_mem>>) src(%arg7 : memref<1024x32xf32, #tpu.memory_space<vmem>>) dst(%dma_wait3A_46 : memref<1024x32xf32, #tpu.memory_space<hbm>>)
      tpu.yield
    }) : () -> ()
    %add3A_14 = arith.constant 2048 : i32
    %add3A_15 = arith.addi %mul3A_2, %add3A_14 : i32
    "tpu.region"() ({
      %run_scoped3A = tpu.sem_alloc : memref<!tpu.dma_semaphore, #tpu.memory_space<semaphore_mem>>
      %dma_start3A_39 = tpu.memref_slice %arg2[%add3A_15] : memref<131072xi32, #tpu.memory_space<hbm>> -> memref<1024xi32, #tpu.memory_space<hbm>>
      %dma_start3A_40 = tpu.memref_slice %arg2[%add3A_15] : memref<131072xi32, #tpu.memory_space<hbm>> -> memref<1024xi32, #tpu.memory_space<hbm>>
      tpu.enqueue_dma source(%dma_start3A_40 : memref<1024xi32, #tpu.memory_space<hbm>>) target(%arg5 : memref<1024xi32, #tpu.memory_space<vmem>>) target_semaphore(%run_scoped3A : memref<!tpu.dma_semaphore, #tpu.memory_space<semaphore_mem>>)
      %dma_wait3A_41 = tpu.memref_slice %arg2[%add3A_15] : memref<131072xi32, #tpu.memory_space<hbm>> -> memref<1024xi32, #tpu.memory_space<hbm>>
      %dma_wait3A_42 = tpu.memref_slice %arg2[%add3A_15] : memref<131072xi32, #tpu.memory_space<hbm>> -> memref<1024xi32, #tpu.memory_space<hbm>>
      tpu.wait_dma2 semaphore(%run_scoped3A : memref<!tpu.dma_semaphore, #tpu.memory_space<semaphore_mem>>) src(%dma_wait3A_42 : memref<1024xi32, #tpu.memory_space<hbm>>) dst(%arg5 : memref<1024xi32, #tpu.memory_space<vmem>>)
      tpu.yield
    }) : () -> ()
    %dma_start3A_16 = arith.constant 0 : i32
    %dma_start3A_17 = arith.constant 0 : i32
    %dma_start3A_18 = tpu.memref_slice %arg3[%dma_start3A_16, %dma_start3A_17] : memref<4096x32xf32, #tpu.memory_space<hbm>> -> memref<4096x32xf32, #tpu.memory_space<hbm>>
    tpu.enqueue_indirect_dma source(%dma_start3A_18 : memref<4096x32xf32, #tpu.memory_space<hbm>>) target(%arg7 : memref<1024x32xf32, #tpu.memory_space<vmem>>) offsets(%arg5 : memref<1024xi32, #tpu.memory_space<vmem>>) semaphore(%arg9 : memref<!tpu.dma_semaphore, #tpu.memory_space<semaphore_mem>>)
    %dma_wait3A_19 = arith.constant 0 : i32
    %dma_wait3A_20 = arith.constant 0 : i32
    %dma_wait3A_21 = tpu.memref_slice %arg3[%dma_wait3A_19, %dma_wait3A_20] : memref<4096x32xf32, #tpu.memory_space<hbm>> -> memref<4096x32xf32, #tpu.memory_space<hbm>>
    tpu.wait_indirect_dma semaphore(%arg10 : memref<!tpu.dma_semaphore, #tpu.memory_space<semaphore_mem>>) src(%dma_wait3A_21 : memref<4096x32xf32, #tpu.memory_space<hbm>>) dst(%arg8 : memref<1024x32xf32, #tpu.memory_space<vmem>>)
    %add3A_22 = arith.constant 1024 : i32
    %add3A_23 = arith.addi %mul3A_2, %add3A_22 : i32
    "tpu.region"() ({
      %run_scoped3A = tpu.sem_alloc : memref<!tpu.dma_semaphore, #tpu.memory_space<semaphore_mem>>
      %dma_start3A_39 = arith.constant 0 : i32
      %dma_start3A_40 = tpu.memref_slice %arg4[%add3A_23, %dma_start3A_39] : memref<131072x32xf32, #tpu.memory_space<hbm>> -> memref<1024x32xf32, #tpu.memory_space<hbm>>
      %dma_start3A_41 = arith.constant 0 : i32
      %dma_start3A_42 = tpu.memref_slice %arg4[%add3A_23, %dma_start3A_41] : memref<131072x32xf32, #tpu.memory_space<hbm>> -> memref<1024x32xf32, #tpu.memory_space<hbm>>
      tpu.enqueue_dma source(%arg8 : memref<1024x32xf32, #tpu.memory_space<vmem>>) target(%dma_start3A_42 : memref<1024x32xf32, #tpu.memory_space<hbm>>) target_semaphore(%run_scoped3A : memref<!tpu.dma_semaphore, #tpu.memory_space<semaphore_mem>>)
      %dma_wait3A_43 = arith.constant 0 : i32
      %dma_wait3A_44 = tpu.memref_slice %arg4[%add3A_23, %dma_wait3A_43] : memref<131072x32xf32, #tpu.memory_space<hbm>> -> memref<1024x32xf32, #tpu.memory_space<hbm>>
      %dma_wait3A_45 = arith.constant 0 : i32
      %dma_wait3A_46 = tpu.memref_slice %arg4[%add3A_23, %dma_wait3A_45] : memref<131072x32xf32, #tpu.memory_space<hbm>> -> memref<1024x32xf32, #tpu.memory_space<hbm>>
      tpu.wait_dma2 semaphore(%run_scoped3A : memref<!tpu.dma_semaphore, #tpu.memory_space<semaphore_mem>>) src(%arg8 : memref<1024x32xf32, #tpu.memory_space<vmem>>) dst(%dma_wait3A_46 : memref<1024x32xf32, #tpu.memory_space<hbm>>)
      tpu.yield
    }) : () -> ()
    %add3A_24 = arith.constant 3072 : i32
    %add3A_25 = arith.addi %mul3A_2, %add3A_24 : i32
    "tpu.region"() ({
      %run_scoped3A = tpu.sem_alloc : memref<!tpu.dma_semaphore, #tpu.memory_space<semaphore_mem>>
      %dma_start3A_39 = tpu.memref_slice %arg2[%add3A_25] : memref<131072xi32, #tpu.memory_space<hbm>> -> memref<1024xi32, #tpu.memory_space<hbm>>
      %dma_start3A_40 = tpu.memref_slice %arg2[%add3A_25] : memref<131072xi32, #tpu.memory_space<hbm>> -> memref<1024xi32, #tpu.memory_space<hbm>>
      tpu.enqueue_dma source(%dma_start3A_40 : memref<1024xi32, #tpu.memory_space<hbm>>) target(%arg6 : memref<1024xi32, #tpu.memory_space<vmem>>) target_semaphore(%run_scoped3A : memref<!tpu.dma_semaphore, #tpu.memory_space<semaphore_mem>>)
      %dma_wait3A_41 = tpu.memref_slice %arg2[%add3A_25] : memref<131072xi32, #tpu.memory_space<hbm>> -> memref<1024xi32, #tpu.memory_space<hbm>>
      %dma_wait3A_42 = tpu.memref_slice %arg2[%add3A_25] : memref<131072xi32, #tpu.memory_space<hbm>> -> memref<1024xi32, #tpu.memory_space<hbm>>
      tpu.wait_dma2 semaphore(%run_scoped3A : memref<!tpu.dma_semaphore, #tpu.memory_space<semaphore_mem>>) src(%dma_wait3A_42 : memref<1024xi32, #tpu.memory_space<hbm>>) dst(%arg6 : memref<1024xi32, #tpu.memory_space<vmem>>)
      tpu.yield
    }) : () -> ()
    %dma_start3A_26 = arith.constant 0 : i32
    %dma_start3A_27 = arith.constant 0 : i32
    %dma_start3A_28 = tpu.memref_slice %arg3[%dma_start3A_26, %dma_start3A_27] : memref<4096x32xf32, #tpu.memory_space<hbm>> -> memref<4096x32xf32, #tpu.memory_space<hbm>>
    tpu.enqueue_indirect_dma source(%dma_start3A_28 : memref<4096x32xf32, #tpu.memory_space<hbm>>) target(%arg8 : memref<1024x32xf32, #tpu.memory_space<vmem>>) offsets(%arg6 : memref<1024xi32, #tpu.memory_space<vmem>>) semaphore(%arg10 : memref<!tpu.dma_semaphore, #tpu.memory_space<semaphore_mem>>)
    %dma_wait3A_29 = arith.constant 0 : i32
    %dma_wait3A_30 = arith.constant 0 : i32
    %dma_wait3A_31 = tpu.memref_slice %arg3[%dma_wait3A_29, %dma_wait3A_30] : memref<4096x32xf32, #tpu.memory_space<hbm>> -> memref<4096x32xf32, #tpu.memory_space<hbm>>
    tpu.wait_indirect_dma semaphore(%arg9 : memref<!tpu.dma_semaphore, #tpu.memory_space<semaphore_mem>>) src(%dma_wait3A_31 : memref<4096x32xf32, #tpu.memory_space<hbm>>) dst(%arg7 : memref<1024x32xf32, #tpu.memory_space<vmem>>)
    %add3A_32 = arith.constant 2048 : i32
    %add3A_33 = arith.addi %mul3A_2, %add3A_32 : i32
    "tpu.region"() ({
      %run_scoped3A = tpu.sem_alloc : memref<!tpu.dma_semaphore, #tpu.memory_space<semaphore_mem>>
      %dma_start3A_39 = arith.constant 0 : i32
      %dma_start3A_40 = tpu.memref_slice %arg4[%add3A_33, %dma_start3A_39] : memref<131072x32xf32, #tpu.memory_space<hbm>> -> memref<1024x32xf32, #tpu.memory_space<hbm>>
      %dma_start3A_41 = arith.constant 0 : i32
      %dma_start3A_42 = tpu.memref_slice %arg4[%add3A_33, %dma_start3A_41] : memref<131072x32xf32, #tpu.memory_space<hbm>> -> memref<1024x32xf32, #tpu.memory_space<hbm>>
      tpu.enqueue_dma source(%arg7 : memref<1024x32xf32, #tpu.memory_space<vmem>>) target(%dma_start3A_42 : memref<1024x32xf32, #tpu.memory_space<hbm>>) target_semaphore(%run_scoped3A : memref<!tpu.dma_semaphore, #tpu.memory_space<semaphore_mem>>)
      %dma_wait3A_43 = arith.constant 0 : i32
      %dma_wait3A_44 = tpu.memref_slice %arg4[%add3A_33, %dma_wait3A_43] : memref<131072x32xf32, #tpu.memory_space<hbm>> -> memref<1024x32xf32, #tpu.memory_space<hbm>>
      %dma_wait3A_45 = arith.constant 0 : i32
      %dma_wait3A_46 = tpu.memref_slice %arg4[%add3A_33, %dma_wait3A_45] : memref<131072x32xf32, #tpu.memory_space<hbm>> -> memref<1024x32xf32, #tpu.memory_space<hbm>>
      tpu.wait_dma2 semaphore(%run_scoped3A : memref<!tpu.dma_semaphore, #tpu.memory_space<semaphore_mem>>) src(%arg7 : memref<1024x32xf32, #tpu.memory_space<vmem>>) dst(%dma_wait3A_46 : memref<1024x32xf32, #tpu.memory_space<hbm>>)
      tpu.yield
    }) : () -> ()
    %dma_wait3A_34 = arith.constant 0 : i32
    %dma_wait3A_35 = arith.constant 0 : i32
    %dma_wait3A_36 = tpu.memref_slice %arg3[%dma_wait3A_34, %dma_wait3A_35] : memref<4096x32xf32, #tpu.memory_space<hbm>> -> memref<4096x32xf32, #tpu.memory_space<hbm>>
    tpu.wait_indirect_dma semaphore(%arg10 : memref<!tpu.dma_semaphore, #tpu.memory_space<semaphore_mem>>) src(%dma_wait3A_36 : memref<4096x32xf32, #tpu.memory_space<hbm>>) dst(%arg8 : memref<1024x32xf32, #tpu.memory_space<vmem>>)
    %add3A_37 = arith.constant 3072 : i32
    %add3A_38 = arith.addi %mul3A_2, %add3A_37 : i32
    "tpu.region"() ({
      %run_scoped3A = tpu.sem_alloc : memref<!tpu.dma_semaphore, #tpu.memory_space<semaphore_mem>>
      %dma_start3A_39 = arith.constant 0 : i32
      %dma_start3A_40 = tpu.memref_slice %arg4[%add3A_38, %dma_start3A_39] : memref<131072x32xf32, #tpu.memory_space<hbm>> -> memref<1024x32xf32, #tpu.memory_space<hbm>>
      %dma_start3A_41 = arith.constant 0 : i32
      %dma_start3A_42 = tpu.memref_slice %arg4[%add3A_38, %dma_start3A_41] : memref<131072x32xf32, #tpu.memory_space<hbm>> -> memref<1024x32xf32, #tpu.memory_space<hbm>>
      tpu.enqueue_dma source(%arg8 : memref<1024x32xf32, #tpu.memory_space<vmem>>) target(%dma_start3A_42 : memref<1024x32xf32, #tpu.memory_space<hbm>>) target_semaphore(%run_scoped3A : memref<!tpu.dma_semaphore, #tpu.memory_space<semaphore_mem>>)
      %dma_wait3A_43 = arith.constant 0 : i32
      %dma_wait3A_44 = tpu.memref_slice %arg4[%add3A_38, %dma_wait3A_43] : memref<131072x32xf32, #tpu.memory_space<hbm>> -> memref<1024x32xf32, #tpu.memory_space<hbm>>
      %dma_wait3A_45 = arith.constant 0 : i32
      %dma_wait3A_46 = tpu.memref_slice %arg4[%add3A_38, %dma_wait3A_45] : memref<131072x32xf32, #tpu.memory_space<hbm>> -> memref<1024x32xf32, #tpu.memory_space<hbm>>
      tpu.wait_dma2 semaphore(%run_scoped3A : memref<!tpu.dma_semaphore, #tpu.memory_space<semaphore_mem>>) src(%arg8 : memref<1024x32xf32, #tpu.memory_space<vmem>>) dst(%dma_wait3A_46 : memref<1024x32xf32, #tpu.memory_space<hbm>>)
      tpu.yield
    }) : () -> ()
    return
  }
}

module attributes {stable_mosaic.version = 14 : i64} {
  func.func @_embed_body(%arg0: i32, %arg1: memref<512x128xf32, #tpu.memory_space<vmem>>, %arg2: memref<128x32xf32, #tpu.memory_space<vmem>>, %arg3: memref<1x32xf32, #tpu.memory_space<vmem>>, %arg4: memref<512x32xf32, #tpu.memory_space<vmem>>) attributes {dimension_semantics = [#tpu.dimension_semantics<arbitrary>], iteration_bounds = array<i64: 8>, scalar_prefetch = 0 : i64, scratch_operands = 0 : i64, tpu.core_type = #tpu.core_type<tc>, window_params = [{transform_indices = @transform_0, window_bounds = array<i64: 512, 128>}, {pipeline_mode = #tpu.pipeline_mode<synchronous>, transform_indices = @transform_1, window_bounds = array<i64: 128, 32>}, {pipeline_mode = #tpu.pipeline_mode<synchronous>, transform_indices = @transform_2, window_bounds = array<i64: 1, 32>}, {transform_indices = @transform_3, window_bounds = array<i64: 512, 32>}]} {
    %get3A = arith.constant 0 : index
    %get3A_0 = arith.constant 0 : index
    %get3A_1 = vector.load %arg1[%get3A, %get3A_0] : memref<512x128xf32, #tpu.memory_space<vmem>>, vector<512x128xf32>
    %get3A_2 = arith.constant 0 : index
    %get3A_3 = arith.constant 0 : index
    %get3A_4 = vector.load %arg2[%get3A_2, %get3A_3] : memref<128x32xf32, #tpu.memory_space<vmem>>, vector<128x32xf32>
    %dot_general3A = arith.constant dense<0.000000e+00> : vector<512x32xf32>
    %dot_general3A_5 = tpu.matmul %get3A_1, %get3A_4, %dot_general3A {dimension_numbers = #tpu.dot_dimension_numbers<[1], [0], [0], [1], [0, 0, 1, 1], [], []>, transpose_lhs_hint = false} : vector<512x128xf32>, vector<128x32xf32>, vector<512x32xf32> -> vector<512x32xf32>
    %get3A_6 = arith.constant 0 : index
    %get3A_7 = arith.constant 0 : index
    %get3A_8 = vector.load %arg3[%get3A_6, %get3A_7] : memref<1x32xf32, #tpu.memory_space<vmem>>, vector<1x32xf32>
    %add3A = vector.broadcast %get3A_8 : vector<1x32xf32> to vector<512x32xf32>
    %add3A_9 = arith.addf %dot_general3A_5, %add3A : vector<512x32xf32>
    %swap3A = arith.constant 0 : index
    %swap3A_10 = arith.constant 0 : index
    %swap3A_11 = vector.load %arg4[%swap3A, %swap3A_10] : memref<512x32xf32, #tpu.memory_space<vmem>>, vector<512x32xf32>
    tpu.vector_store %arg4[%swap3A, %swap3A_10], %add3A_9 {strides = array<i32>} : memref<512x32xf32, #tpu.memory_space<vmem>>, vector<512x32xf32>,
    return
  }
  func.func @transform_0(%arg0: i32) -> (i32, i32) {
    %c0_i32 = arith.constant 0 : i32
    %c0_i32_0 = arith.constant 0 : i32
    return %arg0, %c0_i32 : i32, i32
  }
  func.func @transform_1(%arg0: i32) -> (i32, i32) {
    %c0_i32 = arith.constant 0 : i32
    %c0_i32_0 = arith.constant 0 : i32
    %c0_i32_1 = arith.constant 0 : i32
    return %c0_i32, %c0_i32_0 : i32, i32
  }
  func.func @transform_2(%arg0: i32) -> (i32, i32) {
    %c0_i32 = arith.constant 0 : i32
    %c0_i32_0 = arith.constant 0 : i32
    %c0_i32_1 = arith.constant 0 : i32
    return %c0_i32, %c0_i32_0 : i32, i32
  }
  func.func @transform_3(%arg0: i32) -> (i32, i32) {
    %c0_i32 = arith.constant 0 : i32
    %c0_i32_0 = arith.constant 0 : i32
    return %arg0, %c0_i32 : i32, i32
  }
}

module attributes {stable_mosaic.version = 14 : i64} {
  func.func @_layer_body(%arg0: i32, %arg1: memref<128x32xf32, #tpu.memory_space<vmem>>, %arg2: memref<4096x32xf32, #tpu.memory_space<vmem>>, %arg3: memref<128x32xf32, #tpu.memory_space<vmem>>, %arg4: memref<65x130xf32, #tpu.memory_space<vmem>>, %arg5: memref<1x130xf32, #tpu.memory_space<vmem>>, %arg6: memref<130x32xf32, #tpu.memory_space<vmem>>, %arg7: memref<1x32xf32, #tpu.memory_space<vmem>>, %arg8: memref<32x1xf32, #tpu.memory_space<vmem>>, %arg9: memref<1x1xf32, #tpu.memory_space<vmem>>, %arg10: memref<64x64xf32, #tpu.memory_space<vmem>>, %arg11: memref<1x64xf32, #tpu.memory_space<vmem>>, %arg12: memref<64x32xf32, #tpu.memory_space<vmem>>, %arg13: memref<1x32xf32, #tpu.memory_space<vmem>>, %arg14: memref<128x32xf32, #tpu.memory_space<vmem>>) attributes {dimension_semantics = [#tpu.dimension_semantics<arbitrary>], iteration_bounds = array<i64: 32>, scalar_prefetch = 0 : i64, scratch_operands = 0 : i64, tpu.core_type = #tpu.core_type<tc>, window_params = [{transform_indices = @transform_0, window_bounds = array<i64: 128, 32>}, {transform_indices = @transform_1, window_bounds = array<i64: 4096, 32>}, {transform_indices = @transform_2, window_bounds = array<i64: 128, 32>}, {pipeline_mode = #tpu.pipeline_mode<synchronous>, transform_indices = @transform_3, window_bounds = array<i64: 65, 130>}, {pipeline_mode = #tpu.pipeline_mode<synchronous>, transform_indices = @transform_4, window_bounds = array<i64: 1, 130>}, {pipeline_mode = #tpu.pipeline_mode<synchronous>, transform_indices = @transform_5, window_bounds = array<i64: 130, 32>}, {pipeline_mode = #tpu.pipeline_mode<synchronous>, transform_indices = @transform_6, window_bounds = array<i64: 1, 32>}, {pipeline_mode = #tpu.pipeline_mode<synchronous>, transform_indices = @transform_7, window_bounds = array<i64: 32, 1>}, {pipeline_mode = #tpu.pipeline_mode<synchronous>, transform_indices = @transform_8, window_bounds = array<i64: 1, 1>}, {pipeline_mode = #tpu.pipeline_mode<synchronous>, transform_indices = @transform_9, window_bounds = array<i64: 64, 64>}, {pipeline_mode = #tpu.pipeline_mode<synchronous>, transform_indices = @transform_10, window_bounds = array<i64: 1, 64>}, {pipeline_mode = #tpu.pipeline_mode<synchronous>, transform_indices = @transform_11, window_bounds = array<i64: 64, 32>}, {pipeline_mode = #tpu.pipeline_mode<synchronous>, transform_indices = @transform_12, window_bounds = array<i64: 1, 32>}, {transform_indices = @transform_13, window_bounds = array<i64: 128, 32>}]} {
    %get3A = arith.constant 0 : index
    %get3A_0 = arith.constant 0 : index
    %get3A_1 = vector.load %arg1[%get3A, %get3A_0] : memref<128x32xf32, #tpu.memory_space<vmem>>, vector<128x32xf32>
    %get3A_2 = arith.constant 0 : index
    %get3A_3 = arith.constant 0 : index
    %get3A_4 = vector.load %arg2[%get3A_2, %get3A_3] : memref<4096x32xf32, #tpu.memory_space<vmem>>, vector<4096x32xf32>
    %reshape3A = vector.shape_cast %get3A_4 : vector<4096x32xf32> to vector<128x32x32xf32>
    %broadcast_in_dim3A = vector.shape_cast %get3A_1 : vector<128x32xf32> to vector<128x1x32xf32>
    %broadcast_in_dim3A_5 = vector.shape_cast %broadcast_in_dim3A : vector<128x1x32xf32> to vector<128x1x32xf32>
    %broadcast_in_dim3A_6 = vector.broadcast %broadcast_in_dim3A_5 : vector<128x1x32xf32> to vector<128x32x32xf32>
    %get3A_7 = arith.constant 0 : index
    %get3A_8 = arith.constant 0 : index
    %get3A_9 = vector.load %arg3[%get3A_7, %get3A_8] : memref<128x32xf32, #tpu.memory_space<vmem>>, vector<128x32xf32>
    %broadcast_in_dim3A_10 = vector.shape_cast %get3A_9 : vector<128x32xf32> to vector<128x32x1xf32>
    %concatenate3A = tpu.concatenate %broadcast_in_dim3A_6, %reshape3A, %broadcast_in_dim3A_10 in 2 : vector<128x32x32xf32>, vector<128x32x32xf32>, vector<128x32x1xf32> -> vector<128x32x65xf32>
    %reshape3A_11 = vector.shape_cast %concatenate3A : vector<128x32x65xf32> to vector<4096x65xf32>
    %get3A_12 = arith.constant 0 : index
    %get3A_13 = arith.constant 0 : index
    %get3A_14 = vector.load %arg4[%get3A_12, %get3A_13] : memref<65x130xf32, #tpu.memory_space<vmem>>, vector<65x130xf32>
    %dot_general3A = arith.constant dense<0.000000e+00> : vector<4096x130xf32>
    %dot_general3A_15 = tpu.matmul %reshape3A_11, %get3A_14, %dot_general3A {dimension_numbers = #tpu.dot_dimension_numbers<[1], [0], [0], [1], [0, 0, 1, 1], [], []>, transpose_lhs_hint = false} : vector<4096x65xf32>, vector<65x130xf32>, vector<4096x130xf32> -> vector<4096x130xf32>
    %get3A_16 = arith.constant 0 : index
    %get3A_17 = arith.constant 0 : index
    %get3A_18 = vector.load %arg5[%get3A_16, %get3A_17] : memref<1x130xf32, #tpu.memory_space<vmem>>, vector<1x130xf32>
    %add3A = vector.broadcast %get3A_18 : vector<1x130xf32> to vector<4096x130xf32>
    %add3A_19 = arith.addf %dot_general3A_15, %add3A : vector<4096x130xf32>
    %logistic3A = arith.negf %add3A_19 : vector<4096x130xf32>
    %logistic3A_20 = math.exp %logistic3A : vector<4096x130xf32>
    %logistic3A_21 = arith.constant 1.000000e+00 : f32
    %logistic3A_22 = vector.broadcast %logistic3A_21 : f32 to vector<4096x130xf32>
    %logistic3A_23 = arith.addf %logistic3A_22, %logistic3A_20 : vector<4096x130xf32>
    %logistic3A_24 = arith.divf %logistic3A_22, %logistic3A_23 : vector<4096x130xf32>
    %mul3A = arith.mulf %add3A_19, %logistic3A_24 : vector<4096x130xf32>
    %get3A_25 = arith.constant 0 : index
    %get3A_26 = arith.constant 0 : index
    %get3A_27 = vector.load %arg6[%get3A_25, %get3A_26] : memref<130x32xf32, #tpu.memory_space<vmem>>, vector<130x32xf32>
    %dot_general3A_28 = arith.constant dense<0.000000e+00> : vector<4096x32xf32>
    %dot_general3A_29 = tpu.matmul %mul3A, %get3A_27, %dot_general3A_28 {dimension_numbers = #tpu.dot_dimension_numbers<[1], [0], [0], [1], [0, 0, 1, 1], [], []>, transpose_lhs_hint = false} : vector<4096x130xf32>, vector<130x32xf32>, vector<4096x32xf32> -> vector<4096x32xf32>
    %get3A_30 = arith.constant 0 : index
    %get3A_31 = arith.constant 0 : index
    %get3A_32 = vector.load %arg7[%get3A_30, %get3A_31] : memref<1x32xf32, #tpu.memory_space<vmem>>, vector<1x32xf32>
    %add3A_33 = vector.broadcast %get3A_32 : vector<1x32xf32> to vector<4096x32xf32>
    %add3A_34 = arith.addf %dot_general3A_29, %add3A_33 : vector<4096x32xf32>
    %logistic3A_35 = arith.negf %add3A_34 : vector<4096x32xf32>
    %logistic3A_36 = math.exp %logistic3A_35 : vector<4096x32xf32>
    %logistic3A_37 = arith.constant 1.000000e+00 : f32
    %logistic3A_38 = vector.broadcast %logistic3A_37 : f32 to vector<4096x32xf32>
    %logistic3A_39 = arith.addf %logistic3A_38, %logistic3A_36 : vector<4096x32xf32>
    %logistic3A_40 = arith.divf %logistic3A_38, %logistic3A_39 : vector<4096x32xf32>
    %mul3A_41 = arith.mulf %add3A_34, %logistic3A_40 : vector<4096x32xf32>
    %get3A_42 = arith.constant 0 : index
    %get3A_43 = arith.constant 0 : index
    %get3A_44 = vector.load %arg8[%get3A_42, %get3A_43] : memref<32x1xf32, #tpu.memory_space<vmem>>, vector<32x1xf32>
    %dot_general3A_45 = arith.constant dense<0.000000e+00> : vector<4096x1xf32>
    %dot_general3A_46 = tpu.matmul %mul3A_41, %get3A_44, %dot_general3A_45 {dimension_numbers = #tpu.dot_dimension_numbers<[1], [0], [0], [1], [0, 0, 1, 1], [], []>, transpose_lhs_hint = false} : vector<4096x32xf32>, vector<32x1xf32>, vector<4096x1xf32> -> vector<4096x1xf32>
    %get3A_47 = arith.constant 0 : index
    %get3A_48 = arith.constant 0 : index
    %get3A_49 = vector.load %arg9[%get3A_47, %get3A_48] : memref<1x1xf32, #tpu.memory_space<vmem>>, vector<1x1xf32>
    %add3A_50 = vector.broadcast %get3A_49 : vector<1x1xf32> to vector<4096x1xf32>
    %add3A_51 = arith.addf %dot_general3A_46, %add3A_50 : vector<4096x1xf32>
    %logistic3A_52 = arith.negf %add3A_51 : vector<4096x1xf32>
    %logistic3A_53 = math.exp %logistic3A_52 : vector<4096x1xf32>
    %logistic3A_54 = arith.constant 1.000000e+00 : f32
    %logistic3A_55 = vector.broadcast %logistic3A_54 : f32 to vector<4096x1xf32>
    %logistic3A_56 = arith.addf %logistic3A_55, %logistic3A_53 : vector<4096x1xf32>
    %logistic3A_57 = arith.divf %logistic3A_55, %logistic3A_56 : vector<4096x1xf32>
    %mul3A_58 = vector.broadcast %logistic3A_57 : vector<4096x1xf32> to vector<4096x32xf32>
    %mul3A_59 = arith.mulf %mul3A_41, %mul3A_58 : vector<4096x32xf32>
    %reshape3A_60 = vector.shape_cast %mul3A_59 : vector<4096x32xf32> to vector<128x32x32xf32>
    %reduce_sum3A = arith.constant dense<0.000000e+00> : vector<128x32xf32>
    %reduce_sum3A_61 = vector.multi_reduction <add>, %reshape3A_60, %reduce_sum3A [1] : vector<128x32x32xf32> to vector<128x32xf32>
    %concatenate3A_62 = tpu.concatenate %get3A_1, %reduce_sum3A_61 in 1 : vector<128x32xf32>, vector<128x32xf32> -> vector<128x64xf32>
    %get3A_63 = arith.constant 0 : index
    %get3A_64 = arith.constant 0 : index
    %get3A_65 = vector.load %arg10[%get3A_63, %get3A_64] : memref<64x64xf32, #tpu.memory_space<vmem>>, vector<64x64xf32>
    %dot_general3A_66 = arith.constant dense<0.000000e+00> : vector<128x64xf32>
    %dot_general3A_67 = tpu.matmul %concatenate3A_62, %get3A_65, %dot_general3A_66 {dimension_numbers = #tpu.dot_dimension_numbers<[1], [0], [0], [1], [0, 0, 1, 1], [], []>, transpose_lhs_hint = false} : vector<128x64xf32>, vector<64x64xf32>, vector<128x64xf32> -> vector<128x64xf32>
    %get3A_68 = arith.constant 0 : index
    %get3A_69 = arith.constant 0 : index
    %get3A_70 = vector.load %arg11[%get3A_68, %get3A_69] : memref<1x64xf32, #tpu.memory_space<vmem>>, vector<1x64xf32>
    %add3A_71 = vector.broadcast %get3A_70 : vector<1x64xf32> to vector<128x64xf32>
    %add3A_72 = arith.addf %dot_general3A_67, %add3A_71 : vector<128x64xf32>
    %logistic3A_73 = arith.negf %add3A_72 : vector<128x64xf32>
    %logistic3A_74 = math.exp %logistic3A_73 : vector<128x64xf32>
    %logistic3A_75 = arith.constant 1.000000e+00 : f32
    %logistic3A_76 = vector.broadcast %logistic3A_75 : f32 to vector<128x64xf32>
    %logistic3A_77 = arith.addf %logistic3A_76, %logistic3A_74 : vector<128x64xf32>
    %logistic3A_78 = arith.divf %logistic3A_76, %logistic3A_77 : vector<128x64xf32>
    %mul3A_79 = arith.mulf %add3A_72, %logistic3A_78 : vector<128x64xf32>
    %get3A_80 = arith.constant 0 : index
    %get3A_81 = arith.constant 0 : index
    %get3A_82 = vector.load %arg12[%get3A_80, %get3A_81] : memref<64x32xf32, #tpu.memory_space<vmem>>, vector<64x32xf32>
    %dot_general3A_83 = arith.constant dense<0.000000e+00> : vector<128x32xf32>
    %dot_general3A_84 = tpu.matmul %mul3A_79, %get3A_82, %dot_general3A_83 {dimension_numbers = #tpu.dot_dimension_numbers<[1], [0], [0], [1], [0, 0, 1, 1], [], []>, transpose_lhs_hint = false} : vector<128x64xf32>, vector<64x32xf32>, vector<128x32xf32> -> vector<128x32xf32>
    %get3A_85 = arith.constant 0 : index
    %get3A_86 = arith.constant 0 : index
    %get3A_87 = vector.load %arg13[%get3A_85, %get3A_86] : memref<1x32xf32, #tpu.memory_space<vmem>>, vector<1x32xf32>
    %add3A_88 = vector.broadcast %get3A_87 : vector<1x32xf32> to vector<128x32xf32>
    %add3A_89 = arith.addf %dot_general3A_84, %add3A_88 : vector<128x32xf32>
    %add3A_90 = arith.addf %add3A_89, %get3A_1 : vector<128x32xf32>
    %swap3A = arith.constant 0 : index
    %swap3A_91 = arith.constant 0 : index
    %swap3A_92 = vector.load %arg14[%swap3A, %swap3A_91] : memref<128x32xf32, #tpu.memory_space<vmem>>, vector<128x32xf32>
    tpu.vector_store %arg14[%swap3A, %swap3A_91], %add3A_90 {strides = array<i32>} : memref<128x32xf32, #tpu.memory_space<vmem>>, vector<128x32xf32>,
    return
  }
  func.func @transform_0(%arg0: i32) -> (i32, i32) {
    %c0_i32 = arith.constant 0 : i32
    %c0_i32_0 = arith.constant 0 : i32
    return %arg0, %c0_i32 : i32, i32
  }
  func.func @transform_1(%arg0: i32) -> (i32, i32) {
    %c0_i32 = arith.constant 0 : i32
    %c0_i32_0 = arith.constant 0 : i32
    return %arg0, %c0_i32 : i32, i32
  }
  func.func @transform_2(%arg0: i32) -> (i32, i32) {
    %c0_i32 = arith.constant 0 : i32
    %c0_i32_0 = arith.constant 0 : i32
    return %arg0, %c0_i32 : i32, i32
  }
  func.func @transform_3(%arg0: i32) -> (i32, i32) {
    %c0_i32 = arith.constant 0 : i32
    %c0_i32_0 = arith.constant 0 : i32
    %c0_i32_1 = arith.constant 0 : i32
    return %c0_i32, %c0_i32_0 : i32, i32
  }
  func.func @transform_4(%arg0: i32) -> (i32, i32) {
    %c0_i32 = arith.constant 0 : i32
    %c0_i32_0 = arith.constant 0 : i32
    %c0_i32_1 = arith.constant 0 : i32
    return %c0_i32, %c0_i32_0 : i32, i32
  }
  func.func @transform_5(%arg0: i32) -> (i32, i32) {
    %c0_i32 = arith.constant 0 : i32
    %c0_i32_0 = arith.constant 0 : i32
    %c0_i32_1 = arith.constant 0 : i32
    return %c0_i32, %c0_i32_0 : i32, i32
  }
  func.func @transform_6(%arg0: i32) -> (i32, i32) {
    %c0_i32 = arith.constant 0 : i32
    %c0_i32_0 = arith.constant 0 : i32
    %c0_i32_1 = arith.constant 0 : i32
    return %c0_i32, %c0_i32_0 : i32, i32
  }
  func.func @transform_7(%arg0: i32) -> (i32, i32) {
    %c0_i32 = arith.constant 0 : i32
    %c0_i32_0 = arith.constant 0 : i32
    %c0_i32_1 = arith.constant 0 : i32
    return %c0_i32, %c0_i32_0 : i32, i32
  }
  func.func @transform_8(%arg0: i32) -> (i32, i32) {
    %c0_i32 = arith.constant 0 : i32
    %c0_i32_0 = arith.constant 0 : i32
    %c0_i32_1 = arith.constant 0 : i32
    return %c0_i32, %c0_i32_0 : i32, i32
  }
  func.func @transform_9(%arg0: i32) -> (i32, i32) {
    %c0_i32 = arith.constant 0 : i32
    %c0_i32_0 = arith.constant 0 : i32
    %c0_i32_1 = arith.constant 0 : i32
    return %c0_i32, %c0_i32_0 : i32, i32
  }
  func.func @transform_10(%arg0: i32) -> (i32, i32) {
    %c0_i32 = arith.constant 0 : i32
    %c0_i32_0 = arith.constant 0 : i32
    %c0_i32_1 = arith.constant 0 : i32
    return %c0_i32, %c0_i32_0 : i32, i32
  }
  func.func @transform_11(%arg0: i32) -> (i32, i32) {
    %c0_i32 = arith.constant 0 : i32
    %c0_i32_0 = arith.constant 0 : i32
    %c0_i32_1 = arith.constant 0 : i32
    return %c0_i32, %c0_i32_0 : i32, i32
  }
  func.func @transform_12(%arg0: i32) -> (i32, i32) {
    %c0_i32 = arith.constant 0 : i32
    %c0_i32_0 = arith.constant 0 : i32
    %c0_i32_1 = arith.constant 0 : i32
    return %c0_i32, %c0_i32_0 : i32, i32
  }
  func.func @transform_13(%arg0: i32) -> (i32, i32) {
    %c0_i32 = arith.constant 0 : i32
    %c0_i32_0 = arith.constant 0 : i32
    return %arg0, %c0_i32 : i32, i32
  }
}

module attributes {stable_mosaic.version = 14 : i64} {
  func.func @_head_body(%arg0: i32, %arg1: memref<512x32xf32, #tpu.memory_space<vmem>>, %arg2: memref<32x32xf32, #tpu.memory_space<vmem>>, %arg3: memref<1x32xf32, #tpu.memory_space<vmem>>, %arg4: memref<32x6xf32, #tpu.memory_space<vmem>>, %arg5: memref<1x6xf32, #tpu.memory_space<vmem>>, %arg6: memref<512x6xf32, #tpu.memory_space<vmem>>) attributes {dimension_semantics = [#tpu.dimension_semantics<arbitrary>], iteration_bounds = array<i64: 8>, scalar_prefetch = 0 : i64, scratch_operands = 0 : i64, tpu.core_type = #tpu.core_type<tc>, window_params = [{transform_indices = @transform_0, window_bounds = array<i64: 512, 32>}, {pipeline_mode = #tpu.pipeline_mode<synchronous>, transform_indices = @transform_1, window_bounds = array<i64: 32, 32>}, {pipeline_mode = #tpu.pipeline_mode<synchronous>, transform_indices = @transform_2, window_bounds = array<i64: 1, 32>}, {pipeline_mode = #tpu.pipeline_mode<synchronous>, transform_indices = @transform_3, window_bounds = array<i64: 32, 6>}, {pipeline_mode = #tpu.pipeline_mode<synchronous>, transform_indices = @transform_4, window_bounds = array<i64: 1, 6>}, {transform_indices = @transform_5, window_bounds = array<i64: 512, 6>}]} {
    %get3A = arith.constant 0 : index
    %get3A_0 = arith.constant 0 : index
    %get3A_1 = vector.load %arg1[%get3A, %get3A_0] : memref<512x32xf32, #tpu.memory_space<vmem>>, vector<512x32xf32>
    %get3A_2 = arith.constant 0 : index
    %get3A_3 = arith.constant 0 : index
    %get3A_4 = vector.load %arg2[%get3A_2, %get3A_3] : memref<32x32xf32, #tpu.memory_space<vmem>>, vector<32x32xf32>
    %dot_general3A = arith.constant dense<0.000000e+00> : vector<512x32xf32>
    %dot_general3A_5 = tpu.matmul %get3A_1, %get3A_4, %dot_general3A {dimension_numbers = #tpu.dot_dimension_numbers<[1], [0], [0], [1], [0, 0, 1, 1], [], []>, transpose_lhs_hint = false} : vector<512x32xf32>, vector<32x32xf32>, vector<512x32xf32> -> vector<512x32xf32>
    %get3A_6 = arith.constant 0 : index
    %get3A_7 = arith.constant 0 : index
    %get3A_8 = vector.load %arg3[%get3A_6, %get3A_7] : memref<1x32xf32, #tpu.memory_space<vmem>>, vector<1x32xf32>
    %add3A = vector.broadcast %get3A_8 : vector<1x32xf32> to vector<512x32xf32>
    %add3A_9 = arith.addf %dot_general3A_5, %add3A : vector<512x32xf32>
    %max3A = arith.constant 0.000000e+00 : f32
    %max3A_10 = vector.broadcast %max3A : f32 to vector<512x32xf32>
    %max3A_11 = arith.maximumf %add3A_9, %max3A_10 : vector<512x32xf32>
    %get3A_12 = arith.constant 0 : index
    %get3A_13 = arith.constant 0 : index
    %get3A_14 = vector.load %arg4[%get3A_12, %get3A_13] : memref<32x6xf32, #tpu.memory_space<vmem>>, vector<32x6xf32>
    %dot_general3A_15 = arith.constant dense<0.000000e+00> : vector<512x6xf32>
    %dot_general3A_16 = tpu.matmul %max3A_11, %get3A_14, %dot_general3A_15 {dimension_numbers = #tpu.dot_dimension_numbers<[1], [0], [0], [1], [0, 0, 1, 1], [], []>, transpose_lhs_hint = false} : vector<512x32xf32>, vector<32x6xf32>, vector<512x6xf32> -> vector<512x6xf32>
    %get3A_17 = arith.constant 0 : index
    %get3A_18 = arith.constant 0 : index
    %get3A_19 = vector.load %arg5[%get3A_17, %get3A_18] : memref<1x6xf32, #tpu.memory_space<vmem>>, vector<1x6xf32>
    %add3A_20 = vector.broadcast %get3A_19 : vector<1x6xf32> to vector<512x6xf32>
    %add3A_21 = arith.addf %dot_general3A_16, %add3A_20 : vector<512x6xf32>
    %swap3A = arith.constant 0 : index
    %swap3A_22 = arith.constant 0 : index
    %swap3A_23 = vector.load %arg6[%swap3A, %swap3A_22] : memref<512x6xf32, #tpu.memory_space<vmem>>, vector<512x6xf32>
    tpu.vector_store %arg6[%swap3A, %swap3A_22], %add3A_21 {strides = array<i32>} : memref<512x6xf32, #tpu.memory_space<vmem>>, vector<512x6xf32>,
    return
  }
  func.func @transform_0(%arg0: i32) -> (i32, i32) {
    %c0_i32 = arith.constant 0 : i32
    %c0_i32_0 = arith.constant 0 : i32
    return %arg0, %c0_i32 : i32, i32
  }
  func.func @transform_1(%arg0: i32) -> (i32, i32) {
    %c0_i32 = arith.constant 0 : i32
    %c0_i32_0 = arith.constant 0 : i32
    %c0_i32_1 = arith.constant 0 : i32
    return %c0_i32, %c0_i32_0 : i32, i32
  }
  func.func @transform_2(%arg0: i32) -> (i32, i32) {
    %c0_i32 = arith.constant 0 : i32
    %c0_i32_0 = arith.constant 0 : i32
    %c0_i32_1 = arith.constant 0 : i32
    return %c0_i32, %c0_i32_0 : i32, i32
  }
  func.func @transform_3(%arg0: i32) -> (i32, i32) {
    %c0_i32 = arith.constant 0 : i32
    %c0_i32_0 = arith.constant 0 : i32
    %c0_i32_1 = arith.constant 0 : i32
    return %c0_i32, %c0_i32_0 : i32, i32
  }
  func.func @transform_4(%arg0: i32) -> (i32, i32) {
    %c0_i32 = arith.constant 0 : i32
    %c0_i32_0 = arith.constant 0 : i32
    %c0_i32_1 = arith.constant 0 : i32
    return %c0_i32, %c0_i32_0 : i32, i32
  }
  func.func @transform_5(%arg0: i32) -> (i32, i32) {
    %c0_i32 = arith.constant 0 : i32
    %c0_i32_0 = arith.constant 0 : i32
    return %arg0, %c0_i32 : i32, i32
  }
}

</mosaic_0001>

<sc_bundles>
// kernel: kernel.13.cloned.1.call-start
scs
__scs_entry_jumppad:
0x0: {  	(pc) =	sbr.rel $0x88, $3  }
0x1: {  	(tag) =	ssettag $0x0;
	lr =	simm.s32 $0x1  }
0x2: {  	[smem:$0x3F8F] =	sst lr;
	_ =	strace $0xD0000000  }
0x3: {  	_ = 	snop  }
0x4: {  	_ = 	snop  }
0x5: {  	_ = 	snop  }
0x6: {  	_ = 	snop  }
0x7: {  	_ = 	snop  }
__scs_overlays_trampoline_lowered:
0x8: {  	[smem:$0x3F9E] =	sst s0  }
0x9: {  	[smem:$0x3F9F] =	sst s1  }
0xa: {  	[smem:$0x3FA0] =	sst s2  }
0xb: {  	[smem:$0x3FA1] =	sst s3  }
0xc: {  	[smem:$0x3FA2] =	sst s4  }
0xd: {  	[smem:$0x3FA3] =	sst s5  }
0xe: {  	[smem:$0x3FA4] =	sst s6  }
0xf: {  	[smem:$0x3FA5] =	sst s7  }
0x10: {  	[smem:$0x3FA6] =	sst s8  }
0x11: {  	[smem:$0x3FA7] =	sst s9;
	s0 =	simm.s32 @!p0 $0x0  }
0x12: {  	s1 =	sld [smem:$0x3F8D];
	s0 =	simm.s32 @p0 $0x1  }
0x13: {  	[smem:$0x3FA8] =	sst s0;
	s0 =	simm.s32 @!p1 $0x0  }
0x14: {  	s2 =	sld [smem:$0x3F8C];
	s0 =	simm.s32 @p1 $0x1  }
0x15: {  	[smem:$0x3FA9] =	sst s0;
	s0 =	simm.s32 @!p2 $0x0  }
0x16: {  	s3 =	sld [smem:$0x3FDB];
	s0 =	simm.s32 @p2 $0x1  }
0x17: {  	s4 =	simm.s32 $0x1BF5;
	[smem:$0x3FAB] =	sst s0  }
0x18: {  	s0 =	sld [smem:$0x3F8E];
	_ =	swait.ge [sflag:s4], $0x0  }
0x19: {  	s7 =	sld [smem:$0x3F8F]  }
0x1a: {  	s8 =	sadd.s32 $0xFFFFE003, lr  }
0x1b: {  	s9 =	sadd.s32 $0xFFFFFEF7, lr;
	s5 =	simm.s32 $0xFFFFFFFF;
	p2 =	slt.u32 s8, $0xFFFFF086  }
0x1c: {  	p1 =	slt.u32 s9, $0xF7A;
	s5 =	simm.s32 @!p2 $0x0  }
0x1d: {  	s5 =	simm.s32 @p1 $0x1;
	p0 =	seq.s32 s7, s2  }
0x1e: {  	s7 =	smul.u32 @!p0 $0xF7A, s2;
	p2 =	seq.s32 @!p0 s5, $0x0  }
0x1f: {  	s9 =	smul.u32 $0xF7A, s1;
	s8 =	simm.s32 @!p0 $0x1BF5;
	p2 =	por !p2, p0  }
0x20: {  	[sflag:s8] =	ssyncset.s32 @!p0 $0xFFFFF086;
	s6 =	sadd.s32 @!p0 s3, s7;
	s7 =	simm.s32 @!p0 $0x108  }
0x21: {  	s3 =	sadd.s32 s3, s9;
	s6 =	sadd.s32 @!p0 $0x88, s6;
	s7 =	simm.s32 @p2 $0x1082  }
0x22: {  	[simem:s7], [sflag:s8] =	dma.local @!p0 [hbm:s6], $0xF7A  }
0x23: {  	s9 =	sor.u32 $0xD0000000, s2;
	s6 =	simm.s32 $0x108;
	_ =	swait.ge @!p0 [sflag:s8], $0x0  }
0x24: {  	s3 =	sadd.s32 $0x88, s3;
	s6 =	simm.s32 @!p1 $0x1082;
	[sflag:s4] =	ssyncset.s32 $0xFFFFF086  }
0x25: {  	[simem:s6], [sflag:s4] =	dma.local [hbm:s3], $0xF7A  }
0x26: {  	[smem:$0x3F8F] =	sst s1;
	(tag) =	ssettag s2;
	_ =	strace s9  }
0x27: {  	s1 =	sld [smem:$0x3F9F]  }
0x28: {  	s2 =	sld [smem:$0x3FA0]  }
0x29: {  	s4 =	sld [smem:$0x3FA2]  }
0x2a: {  	p0 =	seq.s32 s5, $0x0;
	s5 =	sld [smem:$0x3FA3]  }
0x2b: {  	s6 =	sld [smem:$0x3FA4]  }
0x2c: {  	s7 =	sld [smem:$0x3FA5]  }
0x2d: {  	s3 =	simm.s32 $0x108;
	s8 =	sld [smem:$0x3FA6]  }
0x2e: {  	s3 =	simm.s32 @!p0 $0x1082;
	s9 =	sld [smem:$0x3FA7]  }
0x2f: {  	lr =	sadd.s32 s0, s3;
	s0 =	sld [smem:$0x3F9E]  }
0x30: {  	s3 =	sld [smem:$0x3FA1]  }
0x31: {  	[smem:$0x3FAA] =	sst s10  }
0x32: {  	s10 =	sld [smem:$0x3FA8];
	_ =	sdelay $0x3  }
0x33: {  	p0 =	seq.s32 s10, $0x1;
	s10 =	sld [smem:$0x3FAA];
	_ =	sdelay $0x3  }
0x34: {  	[smem:$0x3FAA] =	sst s10  }
0x35: {  	s10 =	sld [smem:$0x3FA9];
	_ =	sdelay $0x3  }
0x36: {  	p1 =	seq.s32 s10, $0x1;
	s10 =	sld [smem:$0x3FAA];
	_ =	sdelay $0x3  }
0x37: {  	[smem:$0x3FAA] =	sst s10  }
0x38: {  	s10 =	sld [smem:$0x3FAB]  }
0x39: {  	_ = 	snop;
	(pc) =	sbr.ind lr, $3  }
0x3a: {  	_ = 	snop  }
0x3b: {  	_ = 	snop  }
0x3c: {  	p2 =	seq.s32 s10, $0x1;
	s10 =	sld [smem:$0x3FAA]  }
0x3d: {  	_ =	shalt  }
0x3e: {  	_ =	shalt  }
0x3f: {  	_ =	shalt  }
0x40: {  	_ =	shalt  }
0x41: {  	_ =	shalt  }
0x42: {  	_ =	shalt  }
0x43: {  	_ =	shalt  }
0x44: {  	_ =	shalt  }
0x45: {  	_ =	shalt  }
0x46: {  	_ =	shalt  }
0x47: {  	_ =	shalt  }
0x48: {  	_ =	shalt  }
0x49: {  	_ =	shalt  }
0x4a: {  	_ =	shalt  }
0x4b: {  	_ =	shalt  }
0x4c: {  	_ =	shalt  }
0x4d: {  	_ =	shalt  }
0x4e: {  	_ =	shalt  }
0x4f: {  	_ =	shalt  }
0x50: {  	_ =	shalt  }
0x51: {  	_ =	shalt  }
0x52: {  	_ =	shalt  }
0x53: {  	_ =	shalt  }
0x54: {  	_ =	shalt  }
0x55: {  	_ =	shalt  }
0x56: {  	_ =	shalt  }
0x57: {  	_ =	shalt  }
0x58: {  	_ =	shalt  }
0x59: {  	_ =	shalt  }
0x5a: {  	_ =	shalt  }
0x5b: {  	_ =	shalt  }
0x5c: {  	_ =	shalt  }
0x5d: {  	_ =	shalt  }
0x5e: {  	_ =	shalt  }
0x5f: {  	_ =	shalt  }
0x60: {  	_ =	shalt  }
0x61: {  	_ =	shalt  }
0x62: {  	_ =	shalt  }
0x63: {  	_ =	shalt  }
0x64: {  	_ =	shalt  }
0x65: {  	_ =	shalt  }
0x66: {  	_ =	shalt  }
0x67: {  	_ =	shalt  }
0x68: {  	_ =	shalt  }
0x69: {  	_ =	shalt  }
0x6a: {  	_ =	shalt  }
0x6b: {  	_ =	shalt  }
0x6c: {  	_ =	shalt  }
0x6d: {  	_ =	shalt  }
0x6e: {  	_ =	shalt  }
0x6f: {  	_ =	shalt  }
0x70: {  	_ =	shalt  }
0x71: {  	_ =	shalt  }
0x72: {  	_ =	shalt  }
0x73: {  	_ =	shalt  }
0x74: {  	_ =	shalt  }
0x75: {  	_ =	shalt  }
0x76: {  	_ =	shalt  }
0x77: {  	_ =	shalt  }
0x78: {  	_ =	shalt  }
0x79: {  	_ =	shalt  }
0x7a: {  	_ =	shalt  }
0x7b: {  	_ =	shalt  }
0x7c: {  	_ =	shalt  }
0x7d: {  	_ =	shalt  }
0x7e: {  	_ =	shalt  }
0x7f: {  	_ =	shalt  }
0x80: {  	_ =	shalt  }
0x81: {  	_ =	shalt  }
0x82: {  	_ =	shalt  }
0x83: {  	_ =	shalt  }
0x84: {  	_ =	shalt  }
0x85: {  	_ =	shalt  }
0x86: {  	_ =	shalt  }
0x87: {  	_ =	shalt  }
.Lfunc_end0:
.L_simem_size_0:
called_computation.1_lowered:
.L_overlay_start_0:
0x88: {  	s2 =	sld [smem:$0x3FD9]  }
0x89: {  	s3 =	sld [smem:$0x3FFE];
	_ =	sdelay $0x1  }
0x8a: {  	s1 =	srdreg.scid  }
0x8b: {  	s0 =	sand.u32 $0x1, s1  }
0x8c: {  	s16 =	sshll.u32 s0, $0xA;
	s2 =	sadd.s32 s3, s2  }
0x8d: {  	s2 =	sadd.s32 s2, s16  }
0x8e: {  	[smem:$0x3FB6] =	sst s2  }
0x8f: {  	_ = 	snop  }
0x90: {  	(tm) =	ssettm $0x1  }
0x91: {  	s17 =	sld [smem:$0x3FFB];
	_ =	sdelay $0x3  }
0x92: {  	_ =	strace s17  }
0x93: {  	s2 =	sld [smem:$0x3FFC];
	_ =	sdelay $0x3  }
0x94: {  	_ =	strace s2  }
0x95: {  	s2 =	sld [smem:$0x3FFD];
	_ =	sdelay $0x3  }
0x96: {  	_ =	strace s2  }
0x97: {  	_ =	strace $0x8FFFFFFF  }
0x98: {  	s18 =	sld [smem:$0x3FDB];
	_ =	sdelay $0x1  }
0x99: {  	s19 =	simm.s32 $_scs_section_size  }
0x9a: {  	s4 =	simm.s32 $_size__tile_overlayer_lowered;
	s5 =	simm.s32 $_tile_overlayer_lowered  }
0x9b: {  	s22 =	simm.s32 $0x1BFF;
	s21 =	sshll.u32 s5, $0x1;
	s2 =	sadd.s32 s19, s18  }
0x9c: {  	s6 =	simm.s32 $0x0;
	s20 =	sshll.u32 s4, $0x1;
	s4 =	sadd.s32 s21, s2  }
0x9d: {  	[timem:s6], [sflag:s22] =	dma.local [hbm:s4], s20  }
0x9e: {  	_ =	swait.ge [sflag:s22], s20  }
0x9f: {  	s3 =	ssub.s32 $0x0, s20;
	[sflag:s22] =	ssyncset.done $0x0  }
0xa0: {  	[sflag:s22] =	ssyncadd.s32 s3;
	_ =	sdelay $0x1  }
0xa1: {  	s23 =	simm.s32 $0x1B8B  }
0xa2: {  	_ =	swait.ge [sflag:s23], $0x1  }
0xa3: {  	[sflag:s23] =	ssyncset.done $0x0  }
0xa4: {  	s25 =	simm.s32 $0x1B8E;
	s24 =	sld [smem:$0x3FFE];
	[sflag:s23] =	ssyncadd.s32 $0xFFFFFFFF  }
0xa5: {  	s26 =	simm.s32 $execute0_lowered;
	[smem:$0x3FD2] =	sst s25  }
0xa6: {  	s4 =	sshll.u32 s26, $0x1;
	_ =	strace $0x80000049;
	[dreg:$0x1] =	wrdreg $0xFFFFFFFF  }
0xa7: {  	s28 =	simm.s32 $_size_execute0_lowered;
	s2 =	sadd.s32 s2, s4;
	[dreg:$0x0] =	wrdreg $0x0  }
0xa8: {  	s4 =	sshll.u32 s28, $0x1;
	[dreg:$0x2] =	wrdreg s2  }
0xa9: {  	[dreg:$0x3] =	wrdreg s4  }
0xaa: {  	[dreg:$0x4] =	wrdreg $0xC0  }
0xab: {  	_ =	task [dreg:s6], $0x5FFFF  }
0xac: {  	[dreg:$0x1] =	wrdreg $0xFFFFFFFF  }
0xad: {  	[dreg:$0x0] =	wrdreg $0x60  }
0xae: {  	[dreg:$0x2] =	wrdreg s24  }
0xaf: {  	[dreg:$0x3] =	wrdreg $0x9  }
0xb0: {  	_ =	task.clear_ibuf [dreg:s6], $0x4FFFF;
	_ =	strace $0x90000049  }
0xb1: {  	s29 =	simm.s32 $0x9;
	_ =	strace $0x8000004B  }
0xb2: {  	_ =	swait.ge [sflag:s29], $0x1  }
0xb3: {  	[sflag:s29] =	ssyncadd.s32 $0xFFFFFFFF  }
0xb4: {  	_ =	strace $0x9000004B  }
0xb5: {  	_ =	sfence  }
0xb6: {  	s30 =	sld [smem:$0x0];
	_ =	sdelay $0x2  }
0xb7: {  	s31 =	sshll.u32 s1, $0xD;
	s1 =	sshrl.u32 s1, $0x2  }
0xb8: {  	s3 =	sand.u32 $0x4000, s31;
	s1 =	sadd.s32 s1, s30  }
0xb9: {  	s0 =	sor.u32 s3, s0;
	s1 =	sshll.u32 s1, $0x11  }
0xba: {  	s0 =	sor.u32 s1, s0  }
0xbb: {  	s0 =	sadd.s32 $0x8F2B, s0  }
0xbc: {  	[sflag:s0] =	ssyncadd.remote.s32 $0x1  }
0xbd: {  	_ =	sfence.sel $0xFFFF  }
0xbe: {  	[dreg:$0x0] =	wrdreg $0xFFFFFFFF;
	(pc) =	sbr.abs _section_cstart, $3  }
0xbf: {  	[dreg:$0x1] =	wrdreg $0xFFFFFFFF  }
0xc0: {  	_ =	task.clear_ibuf [dreg:s6], $0x2FFFF;
	_ =	strace $0x9FFFFFFF  }
0xc1: {  	(tm) =	ssettm $0x7FFFFFFF  }
tec
execute0_lowered:
.L_overlay_start_1:
0x0: {  	(tag) =	ssettag $0x1  }
0x1: {  	s4 =	rddreg [dreg:$0x0]  }
0x2: {  	s0 =	rddreg [dreg:$0x1]  }
0x3: {  	s2 =	simm.s32 $0x0;
	s3 =	srdreg.scid;
	s1 =	stileid.u32  }
0x4: {  	s12 =	simm.s32 $0x1;
	s13 =	simm.s32 $0x8000;
	s14 =	simm.s32 $0x9010  }
0x5: {  	s15 =	simm.s32 $0x2;
	s16 =	simm.s32 $0xA020;
	s17 =	simm.s32 $0x3  }
0x6: {  	s18 =	simm.s32 $0xB020;
	s19 =	simm.s32 $0x0;
	[smem:$0x7FF] =	sst s2  }
0x7: {  	s5 =	sand.u32 $0x1, s3;
	s6 =	sshll.u32 s1, $0x8;
	s3 =	sadd.s32 $0x206C00, s4  }
0x8: {  	_ =	strace $0x8000004A;
	s7 =	sshll.u32 s5, $0x7;
	s5 =	ssub.s32 $0x2, s5  }
.Ltmp0:
0x9: {  	s7 =	sor.u32 s7, s6;
	s8 =	sshrl.u32 s5, $0x1;
	(pc) =	sbr.rel .LBB2_1-.Ltmp0, $4  }
0xa: {  	v0 =	vlaneseq.u32;
	s6 =	sshll.u32 s7, $0x2;
	s9 =	sshll.u32 s7, $0x9;
	s11 =	ssub.s32 s5, s8  }
0xb: {  	v2 =	vmul.u32 $0xFFFFFFFF, v0;
	s10 =	sadd.s32 s6, s4;
	s4 =	sadd.s32 s3, s9;
	s6 =	sor.u32 $0x8, s7  }
0xc: {  	s7 =	sor.u32 $0xC, s7;
	s5 =	sadd.s32 $0x800, s4;
	s8 =	sadd.s32 $0x6C00, s10  }
0xd: {  	v1 =	vimm.s32 $0x0;
	v2 =	vadd.s32 $0xF, v2;
	s9 =	sadd.s32 $0xAC00, s10;
	s10 =	smax.u32 s11, $0x1;
	s11 =	simm.s32 $0x4000  }
.LBB2_31:
0xe: {  	_ =	swait.ge [sflag:s12], $0x4000  }
0xf: {  	[sflag:s12] =	ssyncset.done $0x0  }
0x10: {  	[sflag:s12] =	ssyncadd.s32 $0xFFFFC000  }
0x11: {  	_ =	swait.ge [sflag:s15], $0x4000  }
0x12: {  	[sflag:s15] =	ssyncset.done $0x0  }
0x13: {  	[sflag:s15] =	ssyncadd.s32 $0xFFFFC000  }
0x14: {  	[hbm4b:s8+s2] =	stream.linear.scatter [tilespmem:s16], [sflag:$0x3], $0x1000, $0x38;
	[tilespmem:$0xC020] =	vst v63  }
0x15: {  	s19 =	sadd.s32 $0x1, s19;
	_ =	swait.ge [sflag:s17], $0x1000  }
0x16: {  	p0 =	sne.s32 s19, s10;
	[sflag:s17] =	ssyncset.done $0x0  }
.Ltmp1:
0x17: {  	[sflag:s17] =	ssyncadd.s32 $0xFFFFF000;
	(pc) =	sbr.rel @!p0 .LBB2_32-.Ltmp1, $4  }
0x18: {  	[hbm4b:s9+s2] =	stream.linear.scatter [tilespmem:s18], [sflag:$0x3], $0x1000, $0x38;
	[tilespmem:$0xC020] =	vst v63  }
0x19: {  	_ =	swait.ge [sflag:s17], $0x1000  }
0x1a: {  	[sflag:s17] =	ssyncset.done $0x0  }
0x1b: {  	[sflag:s17] =	ssyncadd.s32 $0xFFFFF000  }
.LBB2_1:
.Ltmp2:
0x1c: {  	(pc) =	sbr.rel .LBB2_2-.Ltmp2, $4  }
0x1d: {  	_ = 	snop  }
0x1e: {  	[tilespmem:s2], [sflag:$0x1] =	stream.linear.gather [hbm4b:s4+s2], $0x4000, $0x38;
	[tilespmem:$0xC020] =	vst v63  }
0x1f: {  	s20 =	simm.s32 $0x0  }
0x20: {  	[tilespmem:s11], [sflag:$0x2] =	stream.linear.gather [hbm4b:s5+s2], $0x4000, $0x38;
	[tilespmem:$0xC020] =	vst v63  }
.LBB2_30:
0x21: {  	s20 =	sadd.s32 $0x1, s20  }
0x22: {  	p0 =	sne.s32 s20, $0x10  }
.Ltmp3:
0x23: {  	s21 =	sadd.s32 s21, s7;
	(pc) =	sbr.rel @!p0 .LBB2_31-.Ltmp3, $4  }
0x24: {  	s21 =	smin.u32 s21, $0xFFC  }
0x25: {  	s21 =	sshll.u32 s21, $0x9  }
0x26: {  	s21 =	sadd.s32 s3, s21  }
0x27: {  	[tilespmem:s11], [sflag:$0x2] =	stream.linear.gather [hbm4b:s21+s2], $0x4000, $0x38;
	[tilespmem:$0xC020] =	vst v63  }
.LBB2_2:
.Ltmp4:
0x28: {  	(pc) =	sbr.rel .LBB2_3-.Ltmp4, $4  }
0x29: {  	_ = 	snop  }
0x2a: {  	_ =	swait.ge [sflag:s12], $0x4000  }
0x2b: {  	s23 =	sshll.u32 s20, $0x8;
	[sflag:s12] =	ssyncset.done $0x0  }
0x2c: {  	s21 =	simm.s32 $0x0;
	s22 =	simm.s32 $0x20;
	v3 =	vmov s23;
	[sflag:s12] =	ssyncadd.s32 $0xFFFFC000  }
.LBB2_8:
0x2d: {  	v4 =	vimm.s32 $0x0  }
0x2e: {  	v7 =	vimm.f32 $3.402823470e+38;
	v6 =	vimm.f32 $3.402823470e+38;
	v5 =	vimm.s32 $0x0  }
.LBB2_15:
0x2f: {  	_ = 	snop  }
0x30: {  	s23 =	sshll.u32 s21, $0x5;
	s21 =	sadd.s32 $0x1, s21  }
0x31: {  	p0 =	sne.s32 s21, $0x4  }
.Ltmp5:
0x32: {  	_ = 	snop;
	(pc) =	sbr.rel @!p0 .LBB2_16-.Ltmp5, $4  }
0x33: {  	[tilespmem:v3+s23+$0xA020 ss:$0x1] =	vst.idx.msk $0xffff, v7  }
0x34: {  	[tilespmem:v3+s23+$0xA030 ss:$0x1] =	vst.idx.msk $0xffff, v6  }
0x35: {  	[tilespmem:v3+s23+$0xB020 ss:$0x1] =	vst.idx.msk $0xffff, v4  }
0x36: {  	s22 =	sadd.s32 $0x1000, s22;
	[tilespmem:v3+s23+$0xB030 ss:$0x1] =	vst.idx.msk $0xffff, v5  }
.LBB2_3:
0x37: {  	v4 =	vmov s22;
	_ =	sdelay $0x3  }
0x38: {  	s23 =	simm.s32 $0x0  }
0x39: {  	v6 =	vld.idx.msk [tilespmem:v4+s23+$0xFFFFFFE0 ss:$0x1], $0xffff  }
0x3a: {  	v7 =	vld.idx.msk [tilespmem:v4+s23+$0xFFFFFFF0 ss:$0x1], $0xffff  }
0x3b: {  	v8 =	vld.idx.msk [tilespmem:v4+s23+$0x0 ss:$0x1], $0xffff  }
0x3c: {  	v9 =	vld.idx.msk [tilespmem:v4+s23+$0x10 ss:$0x1], $0xffff  }
0x3d: {  	v10 =	vimm.f32 $3.402823470e+38;
	s24 =	simm.s32 $0x40  }
0x3e: {  	v5 =	vld.idx.msk [tilespmem:v4+s24+$0xFFFFFFE0 ss:$0x1], $0xffff;
	v11 =	vmax.f32 v10, v6;
	v12 =	vmin.f32 v10, v6  }
0x3f: {  	v6 =	vld.idx.msk [tilespmem:v4+s24+$0xFFFFFFF0 ss:$0x1], $0xffff;
	v10 =	vmin.f32 v10, v11;
	v11 =	vmax.f32 v12, v7;
	v12 =	vmin.f32 v12, v7  }
0x40: {  	v7 =	vld.idx.msk [tilespmem:v4+s24+$0x0 ss:$0x1], $0xffff;
	v10 =	vmin.f32 v10, v11;
	v11 =	vmax.f32 v12, v8;
	v12 =	vmin.f32 v12, v8  }
0x41: {  	s23 =	simm.s32 $0x200;
	v8 =	vld.idx.msk [tilespmem:v4+s24+$0x10 ss:$0x1], $0xffff;
	v10 =	vmin.f32 v10, v11;
	v11 =	vmax.f32 v12, v9;
	v9 =	vmin.f32 v12, v9  }
.LBB2_4:
0x42: {  	p0 =	sne.s32 s23, $0x3F00;
	v10 =	vmin.f32 v10, v11;
	s24 =	smov.u32 s23;
	s23 =	sadd.s32 $0x100, s23  }
.Ltmp6:
0x43: {  	s24 =	sshra.s32 s24, $0x2;
	(pc) =	sbr.rel @p0 .LBB2_4-.Ltmp6, $4  }
0x44: {  	v11 =	vmax.f32 v9, v5;
	v9 =	vmin.f32 v9, v5;
	v5 =	vld.idx.msk [tilespmem:v4+s24+$0xFFFFFFE0 ss:$0x1], $0xffff  }
0x45: {  	v10 =	vmin.f32 v10, v11;
	v11 =	vmax.f32 v9, v6;
	v9 =	vmin.f32 v9, v6;
	v6 =	vld.idx.msk [tilespmem:v4+s24+$0xFFFFFFF0 ss:$0x1], $0xffff  }
0x46: {  	v10 =	vmin.f32 v10, v11;
	v11 =	vmax.f32 v9, v7;
	v9 =	vmin.f32 v9, v7;
	v7 =	vld.idx.msk [tilespmem:v4+s24+$0x0 ss:$0x1], $0xffff  }
0x47: {  	v10 =	vmin.f32 v10, v11;
	v11 =	vmax.f32 v9, v8;
	v9 =	vmin.f32 v9, v8;
	v8 =	vld.idx.msk [tilespmem:v4+s24+$0x10 ss:$0x1], $0xffff  }
0x48: {  	_ = 	snop  }
0x49: {  	v4 =	vmin.f32 v10, v11;
	v61 =	vmax.f32 v9, v5;
	v5 =	vmin.f32 v9, v5  }
0x4a: {  	v4 =	vmin.f32 v4, v61;
	v9 =	vmax.f32 v5, v6;
	v5 =	vmin.f32 v5, v6  }
0x4b: {  	v4 =	vmin.f32 v4, v9;
	v6 =	vmax.f32 v5, v7;
	v5 =	vmin.f32 v5, v7  }
0x4c: {  	v4 =	vmin.f32 v4, v6;
	v5 =	vmax.f32 v5, v8  }
0x4d: {  	v4 =	vmin.f32 v4, v5  }
0x4e: {  	(xrf0) =	vmax.scan.msk.f32 $0xffff, v4;
	_ =	sdelay $0x3  }
0x4f: {  	v5 =	vld [tilespmem:s22+$0xFFFFFFE0];
	_ =	sdelay $0x1  }
0x50: {  	v4, _, _ =	vpop (xrf0)  }
0x51: {  	v4 =	vbroadcast v4, $0xF;
	_ =	sdelay $0x1  }
0x52: {  	vm0 =	vle.f32 v5, v4  }
0x53: {  	v6 =	vsel vm0, $0x1, v1  }
0x54: {  	(xrf0) =	vadd.scan.msk.s32 $0xffff, v6;
	_ =	sdelay $0x1  }
0x55: {  	s23 =	simm.s32 $0x0  }
0x56: {  	v6 =	vmov s23  }
0x57: {  	v6 =	vadd.s32 $0xFFFFFFFF, v6  }
0x58: {  	v6 =	vbroadcast v6, $0x0  }
0x59: {  	v7, _, _ =	vpop (xrf0)  }
0x5a: {  	v6 =	vadd.s32 v7, v6;
	v7 =	vxor.u32 $0x80000000, v7  }
0x5b: {  	(xrf0) =	vmax.scan.msk.u32 $0xffff, v7;
	_ =	sdelay $0x3  }
0x5c: {  	v7 =	vor.u32 s23, v0;
	[tilespmem:v6+s13+$0x0] =	vst.idx.msk vm0, v5  }
0x5d: {  	[tilespmem:v6+s14+$0x0] =	vst.idx.msk vm0, v7  }
0x5e: {  	v5 =	vld [tilespmem:s22+$0xFFFFFFF0];
	v6, _, _ =	vpop (xrf0)  }
0x5f: {  	(v2sf) =	vpush v6, $0xF;
	_ =	sdelay $0x3  }
0x60: {  	vm0 =	vle.f32 v5, v4  }
0x61: {  	v6 =	vsel vm0, $0x1, v1  }
0x62: {  	(xrf0) =	vadd.scan.msk.s32 $0xffff, v6;
	_ =	sdelay $0x5  }
0x63: {  	v6, _, _ =	vpop (xrf0)  }
0x64: {  	v7 =	vxor.u32 $0x80000000, v6  }
0x65: {  	(xrf0) =	vmax.scan.msk.u32 $0xffff, v7  }
0x66: {  	s26 =	spop (v2sf)  }
0x67: {  	s23 =	sadd.s32 $0x0, s26  }
0x68: {  	s23 =	sadd.s32 $0x80000000, s23  }
0x69: {  	v7 =	vmov s23  }
0x6a: {  	v7 =	vadd.s32 $0xFFFFFFFF, v7  }
0x6b: {  	v7 =	vbroadcast v7, $0x0;
	v62, _, _ =	vpop (xrf0)  }
0x6c: {  	(v2sf) =	vpush v62, $0xF  }
0x6d: {  	v6 =	vadd.s32 v6, v7;
	_ =	sdelay $0x3  }
0x6e: {  	s24 =	simm.s32 $0x10  }
0x6f: {  	v7 =	vor.u32 s24, v0;
	[tilespmem:v6+s13+$0x0] =	vst.idx.msk vm0, v5  }
0x70: {  	[tilespmem:v6+s14+$0x0] =	vst.idx.msk vm0, v7  }
0x71: {  	v5 =	vld [tilespmem:s22+$0x0];
	_ =	sdelay $0x4  }
0x72: {  	vm0 =	vle.f32 v5, v4  }
0x73: {  	v6 =	vsel vm0, $0x1, v1  }
0x74: {  	s28 =	spop (v2sf);
	(xrf0) =	vadd.scan.msk.s32 $0xffff, v6  }
0x75: {  	s23 =	sadd.s32 s28, s23  }
0x76: {  	s23 =	sadd.s32 $0x80000000, s23  }
0x77: {  	v6 =	vmov s23  }
0x78: {  	v6 =	vadd.s32 $0xFFFFFFFF, v6  }
0x79: {  	v6 =	vbroadcast v6, $0x0  }
0x7a: {  	v7, _, _ =	vpop (xrf0)  }
0x7b: {  	v6 =	vadd.s32 v7, v6  }
0x7c: {  	v7 =	vxor.u32 $0x80000000, v7  }
0x7d: {  	(xrf0) =	vmax.scan.msk.u32 $0xffff, v7;
	_ =	sdelay $0x1  }
0x7e: {  	s29 =	simm.s32 $0x20  }
0x7f: {  	v7 =	vor.u32 s29, v0;
	[tilespmem:v6+s13+$0x0] =	vst.idx.msk vm0, v5  }
0x80: {  	[tilespmem:v6+s14+$0x0] =	vst.idx.msk vm0, v7  }
0x81: {  	v5 =	vld [tilespmem:s22+$0x10]  }
0x82: {  	v6, _, _ =	vpop (xrf0)  }
0x83: {  	(v2sf) =	vpush v6, $0xF;
	_ =	sdelay $0x2  }
0x84: {  	vm0 =	vle.f32 v5, v4  }
0x85: {  	v6 =	vsel vm0, $0x1, v1  }
0x86: {  	(xrf0) =	vadd.scan.msk.s32 $0xffff, v6;
	_ =	sdelay $0x5  }
0x87: {  	v6, _, _ =	vpop (xrf0)  }
0x88: {  	v7 =	vxor.u32 $0x80000000, v6  }
0x89: {  	(xrf0) =	vmax.scan.msk.u32 $0xffff, v7;
	_ =	sdelay $0x1  }
0x8a: {  	s30 =	spop (v2sf)  }
0x8b: {  	s23 =	sadd.s32 s30, s23  }
0x8c: {  	s26 =	sadd.s32 $0x80000000, s23  }
0x8d: {  	v7 =	vmov s26  }
0x8e: {  	v7 =	vadd.s32 $0xFFFFFFFF, v7;
	v63, _, _ =	vpop (xrf0)  }
0x8f: {  	v7 =	vbroadcast v7, $0x0;
	(v2sf) =	vpush v63, $0xF;
	_ =	sdelay $0x1  }
0x90: {  	v6 =	vadd.s32 v6, v7;
	_ =	sdelay $0x3  }
0x91: {  	s31 =	simm.s32 $0x30  }
0x92: {  	v7 =	vor.u32 s31, v0;
	[tilespmem:v6+s13+$0x0] =	vst.idx.msk vm0, v5  }
0x93: {  	s24 =	sadd.s32 $0x40, s22;
	[tilespmem:v6+s14+$0x0] =	vst.idx.msk vm0, v7  }
0x94: {  	v5 =	vld [tilespmem:s24+$0xFFFFFFE0];
	_ =	sdelay $0x4  }
0x95: {  	vm0 =	vle.f32 v5, v4  }
0x96: {  	v6 =	vsel vm0, $0x1, v1;
	s28 =	spop (v2sf)  }
0x97: {  	s25 =	simm.s32 $0x80;
	s23 =	simm.s32 $0x40;
	(xrf0) =	vadd.scan.msk.s32 $0xffff, v6;
	s26 =	sadd.s32 s28, s26  }
.LBB2_6:
0x98: {  	p0 =	sne.s32 s25, $0xFC0  }
0x99: {  	s28 =	sadd.s32 $0x80000000, s26;
	s26 =	smov.u32 s25;
	s25 =	sadd.s32 $0x40, s25  }
0x9a: {  	v6 =	vmov s28  }
0x9b: {  	v6 =	vadd.s32 $0xFFFFFFFF, v6  }
0x9c: {  	v6 =	vbroadcast v6, $0x0  }
0x9d: {  	v7, _, _ =	vpop (xrf0)  }
0x9e: {  	v6 =	vadd.s32 v7, v6;
	v7 =	vxor.u32 $0x80000000, v7  }
0x9f: {  	(xrf0) =	vmax.scan.msk.u32 $0xffff, v7;
	_ =	sdelay $0x3  }
0xa0: {  	v7 =	vor.u32 s23, v0;
	[tilespmem:v6+s13+$0x0] =	vst.idx.msk vm0, v5  }
0xa1: {  	[tilespmem:v6+s14+$0x0] =	vst.idx.msk vm0, v7  }
0xa2: {  	v5 =	vld [tilespmem:s24+$0xFFFFFFF0];
	v6, _, _ =	vpop (xrf0)  }
0xa3: {  	(v2sf) =	vpush v6, $0xF;
	_ =	sdelay $0x3  }
0xa4: {  	vm0 =	vle.f32 v5, v4  }
0xa5: {  	v6 =	vsel vm0, $0x1, v1  }
0xa6: {  	(xrf0) =	vadd.scan.msk.s32 $0xffff, v6;
	_ =	sdelay $0x5  }
0xa7: {  	v6, _, _ =	vpop (xrf0)  }
0xa8: {  	v7 =	vxor.u32 $0x80000000, v6  }
0xa9: {  	(xrf0) =	vmax.scan.msk.u32 $0xffff, v7  }
0xaa: {  	s29 =	spop (v2sf)  }
0xab: {  	s28 =	sadd.s32 s29, s28  }
0xac: {  	s28 =	sadd.s32 $0x80000000, s28  }
0xad: {  	v7 =	vmov s28  }
0xae: {  	v7 =	vadd.s32 $0xFFFFFFFF, v7  }
0xaf: {  	v7 =	vbroadcast v7, $0x0;
	v8, _, _ =	vpop (xrf0)  }
0xb0: {  	(v2sf) =	vpush v8, $0xF  }
0xb1: {  	v6 =	vadd.s32 v6, v7;
	_ =	sdelay $0x3  }
0xb2: {  	s29 =	sadd.s32 $0x10, s23  }
0xb3: {  	v7 =	vor.u32 s29, v0;
	[tilespmem:v6+s13+$0x0] =	vst.idx.msk vm0, v5  }
0xb4: {  	[tilespmem:v6+s14+$0x0] =	vst.idx.msk vm0, v7  }
0xb5: {  	v5 =	vld [tilespmem:s24+$0x0];
	_ =	sdelay $0x4  }
0xb6: {  	vm0 =	vle.f32 v5, v4  }
0xb7: {  	v6 =	vsel vm0, $0x1, v1  }
0xb8: {  	s29 =	spop (v2sf);
	(xrf0) =	vadd.scan.msk.s32 $0xffff, v6  }
0xb9: {  	s28 =	sadd.s32 s29, s28  }
0xba: {  	s28 =	sadd.s32 $0x80000000, s28  }
0xbb: {  	v6 =	vmov s28  }
0xbc: {  	v6 =	vadd.s32 $0xFFFFFFFF, v6  }
0xbd: {  	v6 =	vbroadcast v6, $0x0  }
0xbe: {  	v7, _, _ =	vpop (xrf0)  }
0xbf: {  	v6 =	vadd.s32 v7, v6;
	v7 =	vxor.u32 $0x80000000, v7  }
0xc0: {  	(xrf0) =	vmax.scan.msk.u32 $0xffff, v7;
	_ =	sdelay $0x2  }
0xc1: {  	s29 =	sadd.s32 $0x20, s23  }
0xc2: {  	v7 =	vor.u32 s29, v0;
	[tilespmem:v6+s13+$0x0] =	vst.idx.msk vm0, v5  }
0xc3: {  	[tilespmem:v6+s14+$0x0] =	vst.idx.msk vm0, v7  }
0xc4: {  	v5 =	vld [tilespmem:s24+$0x10];
	v6, _, _ =	vpop (xrf0)  }
0xc5: {  	(v2sf) =	vpush v6, $0xF;
	_ =	sdelay $0x3  }
0xc6: {  	vm0 =	vle.f32 v5, v4  }
0xc7: {  	v6 =	vsel vm0, $0x1, v1  }
0xc8: {  	(xrf0) =	vadd.scan.msk.s32 $0xffff, v6;
	_ =	sdelay $0x5  }
0xc9: {  	v6, _, _ =	vpop (xrf0)  }
0xca: {  	v7 =	vxor.u32 $0x80000000, v6  }
0xcb: {  	(xrf0) =	vmax.scan.msk.u32 $0xffff, v7  }
0xcc: {  	s29 =	spop (v2sf)  }
0xcd: {  	s28 =	sadd.s32 s29, s28  }
0xce: {  	s28 =	sadd.s32 $0x80000000, s28  }
0xcf: {  	v7 =	vmov s28  }
0xd0: {  	v7 =	vadd.s32 $0xFFFFFFFF, v7  }
0xd1: {  	v7 =	vbroadcast v7, $0x0;
	v8, _, _ =	vpop (xrf0)  }
0xd2: {  	(v2sf) =	vpush v8, $0xF  }
0xd3: {  	v6 =	vadd.s32 v6, v7;
	_ =	sdelay $0x3  }
0xd4: {  	s29 =	sadd.s32 $0x30, s23;
	s23 =	smov.u32 s26  }
0xd5: {  	v7 =	vor.u32 s29, v0;
	[tilespmem:v6+s13+$0x0] =	vst.idx.msk vm0, v5  }
0xd6: {  	s24 =	sadd.s32 $0x40, s24;
	[tilespmem:v6+s14+$0x0] =	vst.idx.msk vm0, v7  }
0xd7: {  	v5 =	vld [tilespmem:s24+$0xFFFFFFE0];
	_ =	sdelay $0x3  }
.Ltmp7:
0xd8: {  	(pc) =	sbr.rel @p0 .LBB2_6-.Ltmp7, $4  }
0xd9: {  	vm0 =	vle.f32 v5, v4  }
0xda: {  	v6 =	vsel vm0, $0x1, v1  }
0xdb: {  	(xrf0) =	vadd.scan.msk.s32 $0xffff, v6;
	s26 =	spop (v2sf)  }
0xdc: {  	s26 =	sadd.s32 s26, s28  }
0xdd: {  	s25 =	sadd.s32 $0x80000000, s26  }
0xde: {  	v6 =	vmov s25  }
0xdf: {  	v6 =	vadd.s32 $0xFFFFFFFF, v6  }
0xe0: {  	v6 =	vbroadcast v6, $0x0  }
0xe1: {  	v7, _, _ =	vpop (xrf0)  }
0xe2: {  	v6 =	vadd.s32 v7, v6;
	v7 =	vxor.u32 $0x80000000, v7  }
0xe3: {  	(xrf0) =	vmax.scan.msk.u32 $0xffff, v7;
	_ =	sdelay $0x3  }
0xe4: {  	v50 =	vor.u32 s23, v0;
	[tilespmem:v6+s13+$0x0] =	vst.idx.msk vm0, v5  }
0xe5: {  	[tilespmem:v6+s14+$0x0] =	vst.idx.msk vm0, v50  }
0xe6: {  	v5 =	vld [tilespmem:s24+$0xFFFFFFF0];
	v51, _, _ =	vpop (xrf0)  }
0xe7: {  	(v2sf) =	vpush v51, $0xF;
	_ =	sdelay $0x3  }
0xe8: {  	vm13 =	vle.f32 v5, v4  }
0xe9: {  	v52 =	vsel vm13, $0x1, v1  }
0xea: {  	(xrf0) =	vadd.scan.msk.s32 $0xffff, v52;
	_ =	sdelay $0x5  }
0xeb: {  	v6, _, _ =	vpop (xrf0)  }
0xec: {  	v53 =	vxor.u32 $0x80000000, v6  }
0xed: {  	(xrf0) =	vmax.scan.msk.u32 $0xffff, v53  }
0xee: {  	s28 =	spop (v2sf)  }
0xef: {  	s25 =	sadd.s32 s28, s25  }
0xf0: {  	s25 =	sadd.s32 $0x80000000, s25  }
0xf1: {  	v54 =	vmov s25  }
0xf2: {  	v7 =	vadd.s32 $0xFFFFFFFF, v54  }
0xf3: {  	v7 =	vbroadcast v7, $0x0;
	v8, _, _ =	vpop (xrf0)  }
0xf4: {  	(v2sf) =	vpush v8, $0xF  }
0xf5: {  	v6 =	vadd.s32 v6, v7;
	_ =	sdelay $0x3  }
0xf6: {  	s29 =	sadd.s32 $0x10, s23  }
0xf7: {  	v55 =	vor.u32 s29, v0;
	[tilespmem:v6+s13+$0x0] =	vst.idx.msk vm13, v5  }
0xf8: {  	[tilespmem:v6+s14+$0x0] =	vst.idx.msk vm13, v55  }
0xf9: {  	v5 =	vld [tilespmem:s24+$0x0];
	_ =	sdelay $0x4  }
0xfa: {  	vm14 =	vle.f32 v5, v4  }
0xfb: {  	v56 =	vsel vm14, $0x1, v1  }
0xfc: {  	s30 =	spop (v2sf);
	(xrf0) =	vadd.scan.msk.s32 $0xffff, v56  }
0xfd: {  	s25 =	sadd.s32 s30, s25  }
0xfe: {  	s25 =	sadd.s32 $0x80000000, s25  }
0xff: {  	v57 =	vmov s25  }
0x100: {  	v6 =	vadd.s32 $0xFFFFFFFF, v57  }
0x101: {  	v6 =	vbroadcast v6, $0x0  }
0x102: {  	v58, _, _ =	vpop (xrf0)  }
0x103: {  	v6 =	vadd.s32 v58, v6;
	_ =	sdelay $0x3  }
0x104: {  	s31 =	sadd.s32 $0x20, s23  }
0x105: {  	v59 =	vor.u32 s31, v0;
	[tilespmem:v6+s13+$0x0] =	vst.idx.msk vm14, v5  }
0x106: {  	[tilespmem:v6+s14+$0x0] =	vst.idx.msk vm14, v59  }
0x107: {  	v5 =	vld [tilespmem:s24+$0x10];
	_ =	sdelay $0x4  }
0x108: {  	v60 =	vxor.u32 $0x80000000, v58;
	vm15 =	vle.f32 v5, v4  }
0x109: {  	(xrf0) =	vmax.scan.msk.u32 $0xffff, v60;
	v4 =	vsel vm15, $0x1, v1  }
0x10a: {  	(xrf0) =	vadd.scan.msk.s32 $0xffff, v4;
	_ =	sdelay $0x4  }
0x10b: {  	v4, _, _ =	vpop (xrf0)  }
0x10c: {  	v61, _, _ =	vpop (xrf0)  }
0x10d: {  	v62 =	vxor.u32 $0x80000000, v61  }
0x10e: {  	(xrf0) =	vmax.scan.msk.u32 $0xffff, v62;
	_ =	sdelay $0x4  }
0x10f: {  	(v2sf) =	vpush v4, $0xF  }
0x110: {  	v4, _, _ =	vpop (xrf0)  }
0x111: {  	(v2sf) =	vpush v4, $0xF;
	_ =	sdelay $0xc  }
0x112: {  	s26 =	spop (v2sf)  }
0x113: {  	s24 =	sadd.s32 s26, s25  }
0x114: {  	s24 =	sadd.s32 $0x80000000, s24;
	s28 =	spop (v2sf)  }
0x115: {  	v4 =	vmov s24;
	s24 =	sadd.s32 s28, s24  }
0x116: {  	s24 =	sadd.s32 $0x80000000, s24  }
0x117: {  	s29 =	sadd.s32 $0xF, s24  }
0x118: {  	s30 =	sand.u32 $0xF, s29  }
0x119: {  	s31 =	sshra.s32 s29, $0x1F;
	p1 =	slt.s32 s29, $0x1;
	p0 =	sne.s32 s30, $0x0  }
0x11a: {  	v4 =	vadd.s32 $0xFFFFFFFF, v4;
	s26 =	sshrl.u32 s31, $0x1C;
	p0 =	por !p1, !p0  }
0x11b: {  	v4 =	vbroadcast v4, $0x0;
	s25 =	sadd.s32 s26, s29;
	s26 =	simm.s32 $0x1;
	p0 =	por !p0, !p0  }
0x11c: {  	s25 =	sshra.s32 s25, $0x4;
	s26 =	simm.s32 @!p0 $0x0  }
0x11d: {  	v4 =	vadd.s32 v61, v4;
	s28 =	sadd.s32 $0x30, s23;
	s23 =	ssub.s32 s25, s26  }
0x11e: {  	p0 =	slt.s32 s23, $0x1  }
.Ltmp8:
0x11f: {  	_ = 	snop;
	(pc) =	sbr.rel @p0 .LBB2_8-.Ltmp8, $3  }
0x120: {  	_ =	sdelay $0x1  }
0x121: {  	[tilespmem:v4+s13+$0x0] =	vst.idx.msk vm15, v5;
	v63 =	vor.u32 s28, v0  }
0x122: {  	[tilespmem:v4+s14+$0x0] =	vst.idx.msk vm15, v63  }
0x123: {  	s25 =	simm.s32 $0x8000  }
0x124: {  	s26 =	simm.s32 $0x9010;
	v4 =	vld [tilespmem:s25+$0x0]  }
0x125: {  	p1 =	sne.s32 s23, $0x1;
	v7 =	vld [tilespmem:s26+$0x0]  }
.Ltmp9:
0x126: {  	s31 =	simm.s32 $0x0;
	(pc) =	sbr.rel @!p1 .LBB2_10-.Ltmp9, $4  }
0x127: {  	v6 =	vmov s24;
	v5 =	vor.u32 s31, v0  }
0x128: {  	vm0 =	vlt.s32 v5, v6  }
0x129: {  	v8 =	vnsel vm0, $0x7F7FFFFF, v4  }
0x12a: {  	p0 =	por $0x0, $0x0;
	s26 =	sadd.s32 $0xFFFFFFFF, s23;
	v5 =	vimm.f32 $3.402823470e+38;
	v4 =	vimm.s32 $0x0;
	(xrf1) =	vsort.ascd.msk.f32 $0xffff, v8, v7  }
0x12b: {  	_ =	sdelay $0xc  }
0x12c: {  	v7, v8, _ =	vpop (xrf1)  }
0x12d: {  	s23 =	simm.s32 $0x8010;
	v7 =	vperm.xlane v7, v2  }
0x12e: {  	s24 =	simm.s32 $0x9020;
	v9 =	vld [tilespmem:s23+$0x0];
	v8 =	vperm.xlane v8, v2  }
0x12f: {  	p1 =	sne.s32 s26, $0x1;
	v10 =	vld [tilespmem:s24+$0x0];
	vm0 =	vle.f32 v5, v7  }
.Ltmp10:
0x130: {  	s25 =	simm.s32 $0x10;
	v7 =	vsel vm0, v5, v7;
	v8 =	vsel vm0, v4, v8;
	(pc) =	sbr.rel @!p1 .LBB2_12-.Ltmp10, $4  }
0x131: {  	v11 =	vor.u32 s25, v0;
	(xrf1) =	vsort.ascd.msk.f32 $0xffff, v7, v8  }
0x132: {  	vm15 =	vlt.s32 v11, v6  }
0x133: {  	v7 =	vnsel vm15, $0x7F7FFFFF, v9  }
0x134: {  	s26 =	sadd.s32 $0xFFFFFFFF, s26;
	p0 =	por $0x1, $0x1;
	v8 =	vimm.f32 $3.402823470e+38;
	(xrf1) =	vsort.ascd.msk.f32 $0xffff, v7, v10;
	v7 =	vimm.s32 $0x0  }
.LBB2_13:
0x135: {  	_ = 	snop  }
0x136: {  	p1 =	sne.s32 s26, $0x1;
	s26 =	sadd.s32 $0xFFFFFFFF, s26;
	_ =	sdelay $0x8  }
0x137: {  	v9, v10, _ =	vpop (xrf1)  }
0x138: {  	v9 =	vperm.xlane v9, v2  }
0x139: {  	v10 =	vperm.xlane v10, v2  }
0x13a: {  	v11, v12, _ =	vpop (xrf1);
	vm0 =	vle.f32 v8, v9  }
0x13b: {  	v11 =	vperm.xlane v11, v2;
	v13 =	vsel vm0, v9, v8;
	v14 =	vsel vm0, v10, v7  }
0x13c: {  	v8 =	vsel vm0, v8, v9;
	v7 =	vsel vm0, v7, v10;
	(xrf1) =	vsort.ascd.msk.f32 $0xffff, v13, v14  }
0x13d: {  	(xrf1) =	vsort.ascd.msk.f32 $0xffff, v8, v7;
	_ =	sdelay $0xb  }
0x13e: {  	s23 =	sadd.s32 $0x10, s23  }
0x13f: {  	s24 =	sadd.s32 $0x10, s24;
	v10 =	vperm.xlane v12, v2;
	v9 =	vld [tilespmem:s23+$0x0];
	v12, v13, _ =	vpop (xrf1)  }
0x140: {  	v14 =	vld [tilespmem:s24+$0x0];
	vm0 =	vle.f32 v12, v11;
	v8, v7, _ =	vpop (xrf1)  }
.Ltmp11:
0x141: {  	s25 =	sadd.s32 $0x10, s25;
	v11 =	vsel vm0, v12, v11;
	v10 =	vsel vm0, v13, v10;
	(pc) =	sbr.rel @p1 .LBB2_13-.Ltmp11, $4  }
0x142: {  	v12 =	vor.u32 s25, v0;
	(xrf1) =	vsort.ascd.msk.f32 $0xffff, v11, v10  }
0x143: {  	vm0 =	vlt.s32 v12, v6  }
0x144: {  	v9 =	vnsel vm0, $0x7F7FFFFF, v9  }
0x145: {  	(xrf1) =	vsort.ascd.msk.f32 $0xffff, v9, v14  }
.LBB2_14:
0x146: {  	_ =	sdelay $0x9  }
0x147: {  	v6, v9, _ =	vpop @p0 (xrf1)  }
0x148: {  	v6 =	vperm.xlane @p0 v6, v2  }
0x149: {  	v9 =	vperm.xlane @p0 v9, v2  }
0x14a: {  	vm0 =	vle.f32 @p0 v8, v6  }
0x14b: {  	v10 =	vsel @p0 vm0, v6, v8;
	v11 =	vsel @p0 vm0, v9, v7  }
0x14c: {  	(xrf1) =	vsort.ascd.msk.f32 @p0 $0xffff, v10, v11;
	_ =	sdelay $0xc  }
0x14d: {  	v10, v11, _ =	vpop (xrf1)  }
0x14e: {  	v10 =	vperm.xlane v10, v2;
	v12, v13, _ =	vpop @p0 (xrf1)  }
0x14f: {  	v6 =	vsel @p0 vm0, v8, v6;
	v8 =	vperm.xlane v11, v2;
	v62 =	vpsel p0, v12, v5  }
0x150: {  	v7 =	vsel @p0 vm0, v7, v9;
	v63 =	vpsel p0, v13, v4;
	vm14 =	vle.f32 v62, v10  }
0x151: {  	(xrf1) =	vsort.ascd.msk.f32 @p0 $0xffff, v6, v7;
	v6 =	vsel vm14, v62, v10;
	v7 =	vsel vm14, v63, v8  }
0x152: {  	(xrf1) =	vsort.ascd.msk.f32 $0xffff, v6, v7;
	_ =	sdelay $0xc  }
0x153: {  	v6, v7, _ =	vpop @p0 (xrf1)  }
0x154: {  	v8, v9, _ =	vpop (xrf1)  }
0x155: {  	v8 =	vperm.xlane v8, v2  }
0x156: {  	v5 =	vpsel p0, v6, v5;
	v6 =	vperm.xlane v9, v2  }
0x157: {  	v4 =	vpsel p0, v7, v4;
	vm15 =	vle.f32 v5, v8  }
0x158: {  	v7 =	vsel vm15, v8, v5;
	v9 =	vsel vm15, v6, v4  }
0x159: {  	v5 =	vsel vm15, v5, v8;
	v4 =	vsel vm15, v4, v6;
	(xrf1) =	vsort.ascd.msk.f32 $0xffff, v7, v9  }
0x15a: {  	(xrf1) =	vsort.ascd.msk.f32 $0xffff, v5, v4;
	_ =	sdelay $0x9  }
.Ltmp12:
0x15b: {  	_ = 	snop;
	(pc) =	sbr.rel .LBB2_15-.Ltmp12, $3  }
0x15c: {  	_ =	sdelay $0x1  }
0x15d: {  	v6, v5, _ =	vpop (xrf1)  }
0x15e: {  	v7, v4, _ =	vpop (xrf1)  }
.LBB2_10:
.Ltmp13:
0x15f: {  	(pc) =	sbr.rel .LBB2_14-.Ltmp13, $2  }
0x160: {  	_ =	sdelay $0x2  }
0x161: {  	v8 =	vimm.f32 $3.402823470e+38;
	v7 =	vimm.s32 $0x0  }
.LBB2_12:
.Ltmp14:
0x162: {  	(pc) =	sbr.rel .LBB2_14-.Ltmp14, $2  }
0x163: {  	_ =	sdelay $0x2  }
0x164: {  	v8 =	vimm.f32 $3.402823470e+38;
	v7 =	vimm.s32 $0x0  }
.LBB2_16:
0x165: {  	s21 =	sshll.u32 s20, $0x3  }
0x166: {  	s22 =	sadd.s32 s21, s6  }
0x167: {  	s22 =	smin.u32 s22, $0xFFC  }
0x168: {  	s22 =	sshll.u32 s22, $0x9  }
.Ltmp15:
0x169: {  	s23 =	sadd.s32 s3, s22;
	s22 =	simm.s32 $0x0;
	(pc) =	sbr.rel .LBB2_17-.Ltmp15, $4  }
0x16a: {  	[tilespmem:s22], [sflag:$0x1] =	stream.linear.gather [hbm4b:s23+s22], $0x4000, $0x38;
	[tilespmem:$0xC020] =	vst v63  }
0x16b: {  	_ =	swait.ge [sflag:s15], $0x4000  }
0x16c: {  	[sflag:s15] =	ssyncset.done $0x0  }
0x16d: {  	s23 =	simm.s32 $0x4020;
	[sflag:s15] =	ssyncadd.s32 $0xFFFFC000  }
.LBB2_22:
0x16e: {  	v4 =	vimm.s32 $0x0  }
0x16f: {  	v7 =	vimm.f32 $3.402823470e+38;
	v6 =	vimm.f32 $3.402823470e+38;
	v5 =	vimm.s32 $0x0  }
.LBB2_29:
0x170: {  	_ = 	snop  }
0x171: {  	s24 =	sshll.u32 s22, $0x5;
	s22 =	sadd.s32 $0x1, s22  }
0x172: {  	p0 =	sne.s32 s22, $0x4  }
.Ltmp16:
0x173: {  	_ = 	snop;
	(pc) =	sbr.rel @!p0 .LBB2_30-.Ltmp16, $4  }
0x174: {  	[tilespmem:v3+s24+$0xA0A0 ss:$0x1] =	vst.idx.msk $0xffff, v7  }
0x175: {  	[tilespmem:v3+s24+$0xA0B0 ss:$0x1] =	vst.idx.msk $0xffff, v6  }
0x176: {  	[tilespmem:v3+s24+$0xB0A0 ss:$0x1] =	vst.idx.msk $0xffff, v4  }
0x177: {  	s23 =	sadd.s32 $0x1000, s23;
	[tilespmem:v3+s24+$0xB0B0 ss:$0x1] =	vst.idx.msk $0xffff, v5  }
.LBB2_17:
0x178: {  	v4 =	vmov s23;
	_ =	sdelay $0x3  }
0x179: {  	s24 =	simm.s32 $0x0  }
0x17a: {  	v6 =	vld.idx.msk [tilespmem:v4+s24+$0xFFFFFFE0 ss:$0x1], $0xffff  }
0x17b: {  	v7 =	vld.idx.msk [tilespmem:v4+s24+$0xFFFFFFF0 ss:$0x1], $0xffff  }
0x17c: {  	v8 =	vld.idx.msk [tilespmem:v4+s24+$0x0 ss:$0x1], $0xffff  }
0x17d: {  	v9 =	vld.idx.msk [tilespmem:v4+s24+$0x10 ss:$0x1], $0xffff  }
0x17e: {  	v10 =	vimm.f32 $3.402823470e+38;
	s25 =	simm.s32 $0x40  }
0x17f: {  	v5 =	vld.idx.msk [tilespmem:v4+s25+$0xFFFFFFE0 ss:$0x1], $0xffff;
	v11 =	vmax.f32 v10, v6;
	v12 =	vmin.f32 v10, v6  }
0x180: {  	v6 =	vld.idx.msk [tilespmem:v4+s25+$0xFFFFFFF0 ss:$0x1], $0xffff;
	v10 =	vmin.f32 v10, v11;
	v11 =	vmax.f32 v12, v7;
	v12 =	vmin.f32 v12, v7  }
0x181: {  	v7 =	vld.idx.msk [tilespmem:v4+s25+$0x0 ss:$0x1], $0xffff;
	v10 =	vmin.f32 v10, v11;
	v11 =	vmax.f32 v12, v8;
	v12 =	vmin.f32 v12, v8  }
0x182: {  	s24 =	simm.s32 $0x200;
	v8 =	vld.idx.msk [tilespmem:v4+s25+$0x10 ss:$0x1], $0xffff;
	v10 =	vmin.f32 v10, v11;
	v11 =	vmax.f32 v12, v9;
	v9 =	vmin.f32 v12, v9  }
.LBB2_18:
0x183: {  	p0 =	sne.s32 s24, $0x3F00;
	v10 =	vmin.f32 v10, v11;
	s25 =	smov.u32 s24;
	s24 =	sadd.s32 $0x100, s24  }
.Ltmp17:
0x184: {  	s25 =	sshra.s32 s25, $0x2;
	(pc) =	sbr.rel @p0 .LBB2_18-.Ltmp17, $4  }
0x185: {  	v11 =	vmax.f32 v9, v5;
	v9 =	vmin.f32 v9, v5;
	v5 =	vld.idx.msk [tilespmem:v4+s25+$0xFFFFFFE0 ss:$0x1], $0xffff  }
0x186: {  	v10 =	vmin.f32 v10, v11;
	v11 =	vmax.f32 v9, v6;
	v9 =	vmin.f32 v9, v6;
	v6 =	vld.idx.msk [tilespmem:v4+s25+$0xFFFFFFF0 ss:$0x1], $0xffff  }
0x187: {  	v10 =	vmin.f32 v10, v11;
	v11 =	vmax.f32 v9, v7;
	v9 =	vmin.f32 v9, v7;
	v7 =	vld.idx.msk [tilespmem:v4+s25+$0x0 ss:$0x1], $0xffff  }
0x188: {  	v10 =	vmin.f32 v10, v11;
	v11 =	vmax.f32 v9, v8;
	v9 =	vmin.f32 v9, v8;
	v8 =	vld.idx.msk [tilespmem:v4+s25+$0x10 ss:$0x1], $0xffff  }
0x189: {  	_ = 	snop  }
0x18a: {  	v4 =	vmin.f32 v10, v11;
	v61 =	vmax.f32 v9, v5;
	v5 =	vmin.f32 v9, v5  }
0x18b: {  	v4 =	vmin.f32 v4, v61;
	v9 =	vmax.f32 v5, v6;
	v5 =	vmin.f32 v5, v6  }
0x18c: {  	v4 =	vmin.f32 v4, v9;
	v6 =	vmax.f32 v5, v7;
	v5 =	vmin.f32 v5, v7  }
0x18d: {  	v4 =	vmin.f32 v4, v6;
	v5 =	vmax.f32 v5, v8  }
0x18e: {  	v4 =	vmin.f32 v4, v5  }
0x18f: {  	(xrf0) =	vmax.scan.msk.f32 $0xffff, v4;
	_ =	sdelay $0x3  }
0x190: {  	v5 =	vld [tilespmem:s23+$0xFFFFFFE0];
	_ =	sdelay $0x1  }
0x191: {  	v4, _, _ =	vpop (xrf0)  }
0x192: {  	v4 =	vbroadcast v4, $0xF;
	_ =	sdelay $0x1  }
0x193: {  	vm0 =	vle.f32 v5, v4  }
0x194: {  	v6 =	vsel vm0, $0x1, v1  }
0x195: {  	(xrf0) =	vadd.scan.msk.s32 $0xffff, v6;
	_ =	sdelay $0x1  }
0x196: {  	s24 =	simm.s32 $0x0  }
0x197: {  	v6 =	vmov s24  }
0x198: {  	v6 =	vadd.s32 $0xFFFFFFFF, v6  }
0x199: {  	v6 =	vbroadcast v6, $0x0  }
0x19a: {  	v7, _, _ =	vpop (xrf0)  }
0x19b: {  	v6 =	vadd.s32 v7, v6;
	v7 =	vxor.u32 $0x80000000, v7  }
0x19c: {  	(xrf0) =	vmax.scan.msk.u32 $0xffff, v7;
	_ =	sdelay $0x3  }
0x19d: {  	v7 =	vor.u32 s24, v0;
	[tilespmem:v6+s13+$0x0] =	vst.idx.msk vm0, v5  }
0x19e: {  	[tilespmem:v6+s14+$0x0] =	vst.idx.msk vm0, v7  }
0x19f: {  	v5 =	vld [tilespmem:s23+$0xFFFFFFF0];
	v6, _, _ =	vpop (xrf0)  }
0x1a0: {  	(v2sf) =	vpush v6, $0xF;
	_ =	sdelay $0x3  }
0x1a1: {  	vm0 =	vle.f32 v5, v4  }
0x1a2: {  	v6 =	vsel vm0, $0x1, v1  }
0x1a3: {  	(xrf0) =	vadd.scan.msk.s32 $0xffff, v6;
	_ =	sdelay $0x5  }
0x1a4: {  	v6, _, _ =	vpop (xrf0)  }
0x1a5: {  	v7 =	vxor.u32 $0x80000000, v6  }
0x1a6: {  	(xrf0) =	vmax.scan.msk.u32 $0xffff, v7  }
0x1a7: {  	s25 =	spop (v2sf)  }
0x1a8: {  	s24 =	sadd.s32 $0x0, s25  }
0x1a9: {  	s24 =	sadd.s32 $0x80000000, s24  }
0x1aa: {  	v7 =	vmov s24  }
0x1ab: {  	v7 =	vadd.s32 $0xFFFFFFFF, v7  }
0x1ac: {  	v7 =	vbroadcast v7, $0x0;
	v62, _, _ =	vpop (xrf0)  }
0x1ad: {  	(v2sf) =	vpush v62, $0xF  }
0x1ae: {  	v6 =	vadd.s32 v6, v7;
	_ =	sdelay $0x3  }
0x1af: {  	s25 =	simm.s32 $0x10  }
0x1b0: {  	v7 =	vor.u32 s25, v0;
	[tilespmem:v6+s13+$0x0] =	vst.idx.msk vm0, v5  }
0x1b1: {  	[tilespmem:v6+s14+$0x0] =	vst.idx.msk vm0, v7  }
0x1b2: {  	v5 =	vld [tilespmem:s23+$0x0];
	_ =	sdelay $0x4  }
0x1b3: {  	vm0 =	vle.f32 v5, v4  }
0x1b4: {  	v6 =	vsel vm0, $0x1, v1  }
0x1b5: {  	s26 =	spop (v2sf);
	(xrf0) =	vadd.scan.msk.s32 $0xffff, v6  }
0x1b6: {  	s24 =	sadd.s32 s26, s24  }
0x1b7: {  	s24 =	sadd.s32 $0x80000000, s24  }
0x1b8: {  	v6 =	vmov s24  }
0x1b9: {  	v6 =	vadd.s32 $0xFFFFFFFF, v6  }
0x1ba: {  	v6 =	vbroadcast v6, $0x0  }
0x1bb: {  	v7, _, _ =	vpop (xrf0)  }
0x1bc: {  	v6 =	vadd.s32 v7, v6  }
0x1bd: {  	v7 =	vxor.u32 $0x80000000, v7  }
0x1be: {  	(xrf0) =	vmax.scan.msk.u32 $0xffff, v7;
	_ =	sdelay $0x1  }
0x1bf: {  	s29 =	simm.s32 $0x20  }
0x1c0: {  	v7 =	vor.u32 s29, v0;
	[tilespmem:v6+s13+$0x0] =	vst.idx.msk vm0, v5  }
0x1c1: {  	[tilespmem:v6+s14+$0x0] =	vst.idx.msk vm0, v7  }
0x1c2: {  	v5 =	vld [tilespmem:s23+$0x10]  }
0x1c3: {  	v6, _, _ =	vpop (xrf0)  }
0x1c4: {  	(v2sf) =	vpush v6, $0xF;
	_ =	sdelay $0x2  }
0x1c5: {  	vm0 =	vle.f32 v5, v4  }
0x1c6: {  	v6 =	vsel vm0, $0x1, v1  }
0x1c7: {  	(xrf0) =	vadd.scan.msk.s32 $0xffff, v6;
	_ =	sdelay $0x5  }
0x1c8: {  	v6, _, _ =	vpop (xrf0)  }
0x1c9: {  	v7 =	vxor.u32 $0x80000000, v6  }
0x1ca: {  	(xrf0) =	vmax.scan.msk.u32 $0xffff, v7;
	_ =	sdelay $0x1  }
0x1cb: {  	s30 =	spop (v2sf)  }
0x1cc: {  	s24 =	sadd.s32 s30, s24  }
0x1cd: {  	s28 =	sadd.s32 $0x80000000, s24  }
0x1ce: {  	v7 =	vmov s28  }
0x1cf: {  	v7 =	vadd.s32 $0xFFFFFFFF, v7;
	v63, _, _ =	vpop (xrf0)  }
0x1d0: {  	v7 =	vbroadcast v7, $0x0;
	(v2sf) =	vpush v63, $0xF;
	_ =	sdelay $0x1  }
0x1d1: {  	v6 =	vadd.s32 v6, v7;
	_ =	sdelay $0x3  }
0x1d2: {  	s31 =	simm.s32 $0x30  }
0x1d3: {  	v7 =	vor.u32 s31, v0;
	[tilespmem:v6+s13+$0x0] =	vst.idx.msk vm0, v5  }
0x1d4: {  	s25 =	sadd.s32 $0x40, s23;
	[tilespmem:v6+s14+$0x0] =	vst.idx.msk vm0, v7  }
0x1d5: {  	v5 =	vld [tilespmem:s25+$0xFFFFFFE0];
	_ =	sdelay $0x4  }
0x1d6: {  	vm0 =	vle.f32 v5, v4  }
0x1d7: {  	v6 =	vsel vm0, $0x1, v1;
	s29 =	spop (v2sf)  }
0x1d8: {  	s26 =	simm.s32 $0x80;
	s24 =	simm.s32 $0x40;
	(xrf0) =	vadd.scan.msk.s32 $0xffff, v6;
	s28 =	sadd.s32 s29, s28  }
.LBB2_20:
0x1d9: {  	p0 =	sne.s32 s26, $0xFC0  }
0x1da: {  	s29 =	sadd.s32 $0x80000000, s28;
	s28 =	smov.u32 s26;
	s26 =	sadd.s32 $0x40, s26  }
0x1db: {  	v6 =	vmov s29  }
0x1dc: {  	v6 =	vadd.s32 $0xFFFFFFFF, v6  }
0x1dd: {  	v6 =	vbroadcast v6, $0x0  }
0x1de: {  	v7, _, _ =	vpop (xrf0)  }
0x1df: {  	v6 =	vadd.s32 v7, v6;
	v7 =	vxor.u32 $0x80000000, v7  }
0x1e0: {  	(xrf0) =	vmax.scan.msk.u32 $0xffff, v7;
	_ =	sdelay $0x3  }
0x1e1: {  	v7 =	vor.u32 s24, v0;
	[tilespmem:v6+s13+$0x0] =	vst.idx.msk vm0, v5  }
0x1e2: {  	[tilespmem:v6+s14+$0x0] =	vst.idx.msk vm0, v7  }
0x1e3: {  	v5 =	vld [tilespmem:s25+$0xFFFFFFF0];
	v6, _, _ =	vpop (xrf0)  }
0x1e4: {  	(v2sf) =	vpush v6, $0xF;
	_ =	sdelay $0x3  }
0x1e5: {  	vm0 =	vle.f32 v5, v4  }
0x1e6: {  	v6 =	vsel vm0, $0x1, v1  }
0x1e7: {  	(xrf0) =	vadd.scan.msk.s32 $0xffff, v6;
	_ =	sdelay $0x5  }
0x1e8: {  	v6, _, _ =	vpop (xrf0)  }
0x1e9: {  	v7 =	vxor.u32 $0x80000000, v6  }
0x1ea: {  	(xrf0) =	vmax.scan.msk.u32 $0xffff, v7  }
0x1eb: {  	s30 =	spop (v2sf)  }
0x1ec: {  	s29 =	sadd.s32 s30, s29  }
0x1ed: {  	s29 =	sadd.s32 $0x80000000, s29  }
0x1ee: {  	v7 =	vmov s29  }
0x1ef: {  	v7 =	vadd.s32 $0xFFFFFFFF, v7  }
0x1f0: {  	v7 =	vbroadcast v7, $0x0;
	v8, _, _ =	vpop (xrf0)  }
0x1f1: {  	(v2sf) =	vpush v8, $0xF  }
0x1f2: {  	v6 =	vadd.s32 v6, v7;
	_ =	sdelay $0x3  }
0x1f3: {  	s30 =	sadd.s32 $0x10, s24  }
0x1f4: {  	v7 =	vor.u32 s30, v0;
	[tilespmem:v6+s13+$0x0] =	vst.idx.msk vm0, v5  }
0x1f5: {  	[tilespmem:v6+s14+$0x0] =	vst.idx.msk vm0, v7  }
0x1f6: {  	v5 =	vld [tilespmem:s25+$0x0];
	_ =	sdelay $0x4  }
0x1f7: {  	vm0 =	vle.f32 v5, v4  }
0x1f8: {  	v6 =	vsel vm0, $0x1, v1  }
0x1f9: {  	s30 =	spop (v2sf);
	(xrf0) =	vadd.scan.msk.s32 $0xffff, v6  }
0x1fa: {  	s29 =	sadd.s32 s30, s29  }
0x1fb: {  	s29 =	sadd.s32 $0x80000000, s29  }
0x1fc: {  	v6 =	vmov s29  }
0x1fd: {  	v6 =	vadd.s32 $0xFFFFFFFF, v6  }
0x1fe: {  	v6 =	vbroadcast v6, $0x0  }
0x1ff: {  	v7, _, _ =	vpop (xrf0)  }
0x200: {  	v6 =	vadd.s32 v7, v6;
	v7 =	vxor.u32 $0x80000000, v7  }
0x201: {  	(xrf0) =	vmax.scan.msk.u32 $0xffff, v7;
	_ =	sdelay $0x2  }
0x202: {  	s30 =	sadd.s32 $0x20, s24  }
0x203: {  	v7 =	vor.u32 s30, v0;
	[tilespmem:v6+s13+$0x0] =	vst.idx.msk vm0, v5  }
0x204: {  	[tilespmem:v6+s14+$0x0] =	vst.idx.msk vm0, v7  }
0x205: {  	v5 =	vld [tilespmem:s25+$0x10];
	v6, _, _ =	vpop (xrf0)  }
0x206: {  	(v2sf) =	vpush v6, $0xF;
	_ =	sdelay $0x3  }
0x207: {  	vm0 =	vle.f32 v5, v4  }
0x208: {  	v6 =	vsel vm0, $0x1, v1  }
0x209: {  	(xrf0) =	vadd.scan.msk.s32 $0xffff, v6;
	_ =	sdelay $0x5  }
0x20a: {  	v6, _, _ =	vpop (xrf0)  }
0x20b: {  	v7 =	vxor.u32 $0x80000000, v6  }
0x20c: {  	(xrf0) =	vmax.scan.msk.u32 $0xffff, v7  }
0x20d: {  	s30 =	spop (v2sf)  }
0x20e: {  	s29 =	sadd.s32 s30, s29  }
0x20f: {  	s29 =	sadd.s32 $0x80000000, s29  }
0x210: {  	v7 =	vmov s29  }
0x211: {  	v7 =	vadd.s32 $0xFFFFFFFF, v7  }
0x212: {  	v7 =	vbroadcast v7, $0x0;
	v8, _, _ =	vpop (xrf0)  }
0x213: {  	(v2sf) =	vpush v8, $0xF  }
0x214: {  	v6 =	vadd.s32 v6, v7;
	_ =	sdelay $0x3  }
0x215: {  	s30 =	sadd.s32 $0x30, s24;
	s24 =	smov.u32 s28  }
0x216: {  	v7 =	vor.u32 s30, v0;
	[tilespmem:v6+s13+$0x0] =	vst.idx.msk vm0, v5  }
0x217: {  	s25 =	sadd.s32 $0x40, s25;
	[tilespmem:v6+s14+$0x0] =	vst.idx.msk vm0, v7  }
0x218: {  	v5 =	vld [tilespmem:s25+$0xFFFFFFE0];
	_ =	sdelay $0x3  }
.Ltmp18:
0x219: {  	(pc) =	sbr.rel @p0 .LBB2_20-.Ltmp18, $4  }
0x21a: {  	vm0 =	vle.f32 v5, v4  }
0x21b: {  	v6 =	vsel vm0, $0x1, v1  }
0x21c: {  	(xrf0) =	vadd.scan.msk.s32 $0xffff, v6;
	s28 =	spop (v2sf)  }
0x21d: {  	s28 =	sadd.s32 s28, s29  }
0x21e: {  	s26 =	sadd.s32 $0x80000000, s28  }
0x21f: {  	v6 =	vmov s26  }
0x220: {  	v6 =	vadd.s32 $0xFFFFFFFF, v6  }
0x221: {  	v6 =	vbroadcast v6, $0x0  }
0x222: {  	v7, _, _ =	vpop (xrf0)  }
0x223: {  	v6 =	vadd.s32 v7, v6;
	v7 =	vxor.u32 $0x80000000, v7  }
0x224: {  	(xrf0) =	vmax.scan.msk.u32 $0xffff, v7;
	_ =	sdelay $0x3  }
0x225: {  	v50 =	vor.u32 s24, v0;
	[tilespmem:v6+s13+$0x0] =	vst.idx.msk vm0, v5  }
0x226: {  	[tilespmem:v6+s14+$0x0] =	vst.idx.msk vm0, v50  }
0x227: {  	v5 =	vld [tilespmem:s25+$0xFFFFFFF0];
	v51, _, _ =	vpop (xrf0)  }
0x228: {  	(v2sf) =	vpush v51, $0xF;
	_ =	sdelay $0x3  }
0x229: {  	vm13 =	vle.f32 v5, v4  }
0x22a: {  	v52 =	vsel vm13, $0x1, v1  }
0x22b: {  	(xrf0) =	vadd.scan.msk.s32 $0xffff, v52;
	_ =	sdelay $0x5  }
0x22c: {  	v6, _, _ =	vpop (xrf0)  }
0x22d: {  	v53 =	vxor.u32 $0x80000000, v6  }
0x22e: {  	(xrf0) =	vmax.scan.msk.u32 $0xffff, v53  }
0x22f: {  	s30 =	spop (v2sf)  }
0x230: {  	s26 =	sadd.s32 s30, s26  }
0x231: {  	s26 =	sadd.s32 $0x80000000, s26  }
0x232: {  	v54 =	vmov s26  }
0x233: {  	v7 =	vadd.s32 $0xFFFFFFFF, v54  }
0x234: {  	v7 =	vbroadcast v7, $0x0;
	v8, _, _ =	vpop (xrf0)  }
0x235: {  	(v2sf) =	vpush v8, $0xF  }
0x236: {  	v6 =	vadd.s32 v6, v7;
	_ =	sdelay $0x3  }
0x237: {  	s31 =	sadd.s32 $0x10, s24  }
0x238: {  	v55 =	vor.u32 s31, v0;
	[tilespmem:v6+s13+$0x0] =	vst.idx.msk vm13, v5  }
0x239: {  	[tilespmem:v6+s14+$0x0] =	vst.idx.msk vm13, v55  }
0x23a: {  	v5 =	vld [tilespmem:s25+$0x0];
	_ =	sdelay $0x4  }
0x23b: {  	vm14 =	vle.f32 v5, v4  }
0x23c: {  	v56 =	vsel vm14, $0x1, v1  }
0x23d: {  	s29 =	spop (v2sf);
	(xrf0) =	vadd.scan.msk.s32 $0xffff, v56  }
0x23e: {  	s26 =	sadd.s32 s29, s26  }
0x23f: {  	s26 =	sadd.s32 $0x80000000, s26  }
0x240: {  	v57 =	vmov s26  }
0x241: {  	v6 =	vadd.s32 $0xFFFFFFFF, v57  }
0x242: {  	v6 =	vbroadcast v6, $0x0  }
0x243: {  	v58, _, _ =	vpop (xrf0)  }
0x244: {  	v6 =	vadd.s32 v58, v6;
	_ =	sdelay $0x3  }
0x245: {  	s30 =	sadd.s32 $0x20, s24  }
0x246: {  	v59 =	vor.u32 s30, v0;
	[tilespmem:v6+s13+$0x0] =	vst.idx.msk vm14, v5  }
0x247: {  	[tilespmem:v6+s14+$0x0] =	vst.idx.msk vm14, v59  }
0x248: {  	v5 =	vld [tilespmem:s25+$0x10];
	_ =	sdelay $0x4  }
0x249: {  	v60 =	vxor.u32 $0x80000000, v58;
	vm15 =	vle.f32 v5, v4  }
0x24a: {  	(xrf0) =	vmax.scan.msk.u32 $0xffff, v60;
	v4 =	vsel vm15, $0x1, v1  }
0x24b: {  	(xrf0) =	vadd.scan.msk.s32 $0xffff, v4;
	_ =	sdelay $0x4  }
0x24c: {  	v4, _, _ =	vpop (xrf0)  }
0x24d: {  	v61, _, _ =	vpop (xrf0)  }
0x24e: {  	v62 =	vxor.u32 $0x80000000, v61  }
0x24f: {  	(xrf0) =	vmax.scan.msk.u32 $0xffff, v62;
	_ =	sdelay $0x4  }
0x250: {  	(v2sf) =	vpush v4, $0xF  }
0x251: {  	v4, _, _ =	vpop (xrf0)  }
0x252: {  	(v2sf) =	vpush v4, $0xF;
	_ =	sdelay $0xc  }
0x253: {  	s31 =	spop (v2sf)  }
0x254: {  	s25 =	sadd.s32 s31, s26  }
0x255: {  	s25 =	sadd.s32 $0x80000000, s25;
	s28 =	spop (v2sf)  }
0x256: {  	v4 =	vmov s25;
	s25 =	sadd.s32 s28, s25  }
0x257: {  	s25 =	sadd.s32 $0x80000000, s25  }
0x258: {  	s29 =	sadd.s32 $0xF, s25  }
0x259: {  	s30 =	sand.u32 $0xF, s29  }
0x25a: {  	s31 =	sshra.s32 s29, $0x1F;
	p1 =	slt.s32 s29, $0x1;
	p0 =	sne.s32 s30, $0x0  }
0x25b: {  	v4 =	vadd.s32 $0xFFFFFFFF, v4;
	s28 =	sshrl.u32 s31, $0x1C;
	p0 =	por !p1, !p0  }
0x25c: {  	v4 =	vbroadcast v4, $0x0;
	s26 =	sadd.s32 s28, s29;
	s28 =	simm.s32 $0x1;
	p0 =	por !p0, !p0  }
0x25d: {  	s26 =	sshra.s32 s26, $0x4;
	s28 =	simm.s32 @!p0 $0x0  }
0x25e: {  	v4 =	vadd.s32 v61, v4;
	s29 =	sadd.s32 $0x30, s24;
	s24 =	ssub.s32 s26, s28  }
0x25f: {  	p0 =	slt.s32 s24, $0x1  }
.Ltmp19:
0x260: {  	_ = 	snop;
	(pc) =	sbr.rel @p0 .LBB2_22-.Ltmp19, $3  }
0x261: {  	_ =	sdelay $0x1  }
0x262: {  	[tilespmem:v4+s13+$0x0] =	vst.idx.msk vm15, v5;
	v63 =	vor.u32 s29, v0  }
0x263: {  	[tilespmem:v4+s14+$0x0] =	vst.idx.msk vm15, v63  }
0x264: {  	s26 =	simm.s32 $0x8000  }
0x265: {  	s28 =	simm.s32 $0x9010;
	v4 =	vld [tilespmem:s26+$0x0]  }
0x266: {  	p1 =	sne.s32 s24, $0x1;
	v7 =	vld [tilespmem:s28+$0x0]  }
.Ltmp20:
0x267: {  	s31 =	simm.s32 $0x0;
	(pc) =	sbr.rel @!p1 .LBB2_24-.Ltmp20, $4  }
0x268: {  	v6 =	vmov s25;
	v5 =	vor.u32 s31, v0  }
0x269: {  	vm0 =	vlt.s32 v5, v6  }
0x26a: {  	v8 =	vnsel vm0, $0x7F7FFFFF, v4  }
0x26b: {  	p0 =	por $0x0, $0x0;
	s28 =	sadd.s32 $0xFFFFFFFF, s24;
	v5 =	vimm.f32 $3.402823470e+38;
	v4 =	vimm.s32 $0x0;
	(xrf1) =	vsort.ascd.msk.f32 $0xffff, v8, v7  }
0x26c: {  	_ =	sdelay $0xc  }
0x26d: {  	v7, v8, _ =	vpop (xrf1)  }
0x26e: {  	s24 =	simm.s32 $0x8010;
	v7 =	vperm.xlane v7, v2  }
0x26f: {  	s25 =	simm.s32 $0x9020;
	v9 =	vld [tilespmem:s24+$0x0];
	v8 =	vperm.xlane v8, v2  }
0x270: {  	p1 =	sne.s32 s28, $0x1;
	v10 =	vld [tilespmem:s25+$0x0];
	vm0 =	vle.f32 v5, v7  }
.Ltmp21:
0x271: {  	s26 =	simm.s32 $0x10;
	v7 =	vsel vm0, v5, v7;
	v8 =	vsel vm0, v4, v8;
	(pc) =	sbr.rel @!p1 .LBB2_26-.Ltmp21, $4  }
0x272: {  	v11 =	vor.u32 s26, v0;
	(xrf1) =	vsort.ascd.msk.f32 $0xffff, v7, v8  }
0x273: {  	vm15 =	vlt.s32 v11, v6  }
0x274: {  	v7 =	vnsel vm15, $0x7F7FFFFF, v9  }
0x275: {  	s28 =	sadd.s32 $0xFFFFFFFF, s28;
	p0 =	por $0x1, $0x1;
	v8 =	vimm.f32 $3.402823470e+38;
	(xrf1) =	vsort.ascd.msk.f32 $0xffff, v7, v10;
	v7 =	vimm.s32 $0x0  }
.LBB2_27:
0x276: {  	_ = 	snop  }
0x277: {  	p1 =	sne.s32 s28, $0x1;
	s28 =	sadd.s32 $0xFFFFFFFF, s28;
	_ =	sdelay $0x8  }
0x278: {  	v9, v10, _ =	vpop (xrf1)  }
0x279: {  	v9 =	vperm.xlane v9, v2  }
0x27a: {  	v10 =	vperm.xlane v10, v2  }
0x27b: {  	v11, v12, _ =	vpop (xrf1);
	vm0 =	vle.f32 v8, v9  }
0x27c: {  	v11 =	vperm.xlane v11, v2;
	v13 =	vsel vm0, v9, v8;
	v14 =	vsel vm0, v10, v7  }
0x27d: {  	v8 =	vsel vm0, v8, v9;
	v7 =	vsel vm0, v7, v10;
	(xrf1) =	vsort.ascd.msk.f32 $0xffff, v13, v14  }
0x27e: {  	(xrf1) =	vsort.ascd.msk.f32 $0xffff, v8, v7;
	_ =	sdelay $0xb  }
0x27f: {  	s24 =	sadd.s32 $0x10, s24  }
0x280: {  	s25 =	sadd.s32 $0x10, s25;
	v10 =	vperm.xlane v12, v2;
	v9 =	vld [tilespmem:s24+$0x0];
	v12, v13, _ =	vpop (xrf1)  }
0x281: {  	v14 =	vld [tilespmem:s25+$0x0];
	vm0 =	vle.f32 v12, v11;
	v8, v7, _ =	vpop (xrf1)  }
.Ltmp22:
0x282: {  	s26 =	sadd.s32 $0x10, s26;
	v11 =	vsel vm0, v12, v11;
	v10 =	vsel vm0, v13, v10;
	(pc) =	sbr.rel @p1 .LBB2_27-.Ltmp22, $4  }
0x283: {  	v12 =	vor.u32 s26, v0;
	(xrf1) =	vsort.ascd.msk.f32 $0xffff, v11, v10  }
0x284: {  	vm0 =	vlt.s32 v12, v6  }
0x285: {  	v9 =	vnsel vm0, $0x7F7FFFFF, v9  }
0x286: {  	(xrf1) =	vsort.ascd.msk.f32 $0xffff, v9, v14  }
.LBB2_28:
0x287: {  	_ =	sdelay $0x9  }
0x288: {  	v6, v9, _ =	vpop @p0 (xrf1)  }
0x289: {  	v6 =	vperm.xlane @p0 v6, v2  }
0x28a: {  	v9 =	vperm.xlane @p0 v9, v2  }
0x28b: {  	vm0 =	vle.f32 @p0 v8, v6  }
0x28c: {  	v10 =	vsel @p0 vm0, v6, v8;
	v11 =	vsel @p0 vm0, v9, v7  }
0x28d: {  	(xrf1) =	vsort.ascd.msk.f32 @p0 $0xffff, v10, v11;
	_ =	sdelay $0xc  }
0x28e: {  	v10, v11, _ =	vpop (xrf1)  }
0x28f: {  	v10 =	vperm.xlane v10, v2;
	v12, v13, _ =	vpop @p0 (xrf1)  }
0x290: {  	v6 =	vsel @p0 vm0, v8, v6;
	v8 =	vperm.xlane v11, v2;
	v62 =	vpsel p0, v12, v5  }
0x291: {  	v7 =	vsel @p0 vm0, v7, v9;
	v63 =	vpsel p0, v13, v4;
	vm14 =	vle.f32 v62, v10  }
0x292: {  	(xrf1) =	vsort.ascd.msk.f32 @p0 $0xffff, v6, v7;
	v6 =	vsel vm14, v62, v10;
	v7 =	vsel vm14, v63, v8  }
0x293: {  	(xrf1) =	vsort.ascd.msk.f32 $0xffff, v6, v7;
	_ =	sdelay $0xc  }
0x294: {  	v6, v7, _ =	vpop @p0 (xrf1)  }
0x295: {  	v8, v9, _ =	vpop (xrf1)  }
0x296: {  	v8 =	vperm.xlane v8, v2  }
0x297: {  	v5 =	vpsel p0, v6, v5;
	v6 =	vperm.xlane v9, v2  }
0x298: {  	v4 =	vpsel p0, v7, v4;
	vm15 =	vle.f32 v5, v8  }
0x299: {  	v7 =	vsel vm15, v8, v5;
	v9 =	vsel vm15, v6, v4  }
0x29a: {  	v5 =	vsel vm15, v5, v8;
	v4 =	vsel vm15, v4, v6;
	(xrf1) =	vsort.ascd.msk.f32 $0xffff, v7, v9  }
0x29b: {  	(xrf1) =	vsort.ascd.msk.f32 $0xffff, v5, v4;
	_ =	sdelay $0x9  }
.Ltmp23:
0x29c: {  	_ = 	snop;
	(pc) =	sbr.rel .LBB2_29-.Ltmp23, $3  }
0x29d: {  	_ =	sdelay $0x1  }
0x29e: {  	v6, v5, _ =	vpop (xrf1)  }
0x29f: {  	v7, v4, _ =	vpop (xrf1)  }
.LBB2_24:
.Ltmp24:
0x2a0: {  	(pc) =	sbr.rel .LBB2_28-.Ltmp24, $2  }
0x2a1: {  	_ =	sdelay $0x2  }
0x2a2: {  	v8 =	vimm.f32 $3.402823470e+38;
	v7 =	vimm.s32 $0x0  }
.LBB2_26:
.Ltmp25:
0x2a3: {  	(pc) =	sbr.rel .LBB2_28-.Ltmp25, $2  }
0x2a4: {  	_ =	sdelay $0x2  }
0x2a5: {  	v8 =	vimm.f32 $3.402823470e+38;
	v7 =	vimm.s32 $0x0  }
.LBB2_32:
0x2a6: {  	_ =	sfence.sel $0x180000  }
0x2a7: {  	[bflag:$0x0] =	sbarrier.arrive $0xFFFF  }
0x2a8: {  	p0 =	sne.s32 s1, $0x0;
	_ =	strace $0x9000004A  }
0x2a9: {  	s0 =	sadd.s32 @!p0 $0x100000, s0;
	[bflag:$0x2] =	sbarrier.arrive $0xFFFF  }
0x2aa: {  	[sflag:s0] =	ssyncadd.tile.s32 @!p0 $0x1;
	_ =	shalt  }
.Lfunc_end2:
_tile_overlayer_lowered:
.L_overlay_start_2:
0x2ab: {  	(tag) =	ssettag $0x2  }
0x2ac: {  	s0 =	rddreg [dreg:$0x0];
	s2 =	stileid.u32  }
0x2ad: {  	s1 =	rddreg [dreg:$0x1];
	p0 =	sne.s32 s2, $0x0  }
0x2ae: {  	s3 =	rddreg [dreg:$0x2];
	[bflag:$0x3] =	sbarrier.arrive $0xFFFF;
	s2 =	simm.s32 @!p0 $0x1C03  }
0x2af: {  	[timem:s3], [sflag:s2] =	dma.local @!p0 [hbm:s0], s1  }
0x2b0: {  	s0 =	simm.s32 @!p0 $0x3  }
0x2b1: {  	_ =	swait.ge @!p0 [sflag:s0], s1  }
0x2b2: {  	s1 =	ssub.s32 @!p0 $0x0, s1;
	[sflag:s0] =	ssyncset.done @!p0 $0x0  }
0x2b3: {  	[sflag:s0] =	ssyncadd.s32 @!p0 s1  }
0x2b4: {  	[bflag:$0x3] =	sbarrier.arrive $0xFFFF  }
0x2b5: {  	_ =	shalt  }

// kernel: kernel.16.cloned.1.call-start
scs
__scs_entry_jumppad:
0x0: {  	(pc) =	sbr.rel $0x88, $3  }
0x1: {  	(tag) =	ssettag $0x0;
	lr =	simm.s32 $0x1  }
0x2: {  	[smem:$0x3F8F] =	sst lr;
	_ =	strace $0xD0000000  }
0x3: {  	_ = 	snop  }
0x4: {  	_ = 	snop  }
0x5: {  	_ = 	snop  }
0x6: {  	_ = 	snop  }
0x7: {  	_ = 	snop  }
__scs_overlays_trampoline_lowered:
0x8: {  	[smem:$0x3F9E] =	sst s0  }
0x9: {  	[smem:$0x3F9F] =	sst s1  }
0xa: {  	[smem:$0x3FA0] =	sst s2  }
0xb: {  	[smem:$0x3FA1] =	sst s3  }
0xc: {  	[smem:$0x3FA2] =	sst s4  }
0xd: {  	[smem:$0x3FA3] =	sst s5  }
0xe: {  	[smem:$0x3FA4] =	sst s6  }
0xf: {  	[smem:$0x3FA5] =	sst s7  }
0x10: {  	[smem:$0x3FA6] =	sst s8  }
0x11: {  	[smem:$0x3FA7] =	sst s9;
	s0 =	simm.s32 @!p0 $0x0  }
0x12: {  	s1 =	sld [smem:$0x3F8D];
	s0 =	simm.s32 @p0 $0x1  }
0x13: {  	[smem:$0x3FA8] =	sst s0;
	s0 =	simm.s32 @!p1 $0x0  }
0x14: {  	s2 =	sld [smem:$0x3F8C];
	s0 =	simm.s32 @p1 $0x1  }
0x15: {  	[smem:$0x3FA9] =	sst s0;
	s0 =	simm.s32 @!p2 $0x0  }
0x16: {  	s3 =	sld [smem:$0x3FDB];
	s0 =	simm.s32 @p2 $0x1  }
0x17: {  	s4 =	simm.s32 $0x1BF5;
	[smem:$0x3FAB] =	sst s0  }
0x18: {  	s0 =	sld [smem:$0x3F8E];
	_ =	swait.ge [sflag:s4], $0x0  }
0x19: {  	s7 =	sld [smem:$0x3F8F]  }
0x1a: {  	s8 =	sadd.s32 $0xFFFFE003, lr  }
0x1b: {  	s9 =	sadd.s32 $0xFFFFFEF7, lr;
	s5 =	simm.s32 $0xFFFFFFFF;
	p2 =	slt.u32 s8, $0xFFFFF086  }
0x1c: {  	p1 =	slt.u32 s9, $0xF7A;
	s5 =	simm.s32 @!p2 $0x0  }
0x1d: {  	s5 =	simm.s32 @p1 $0x1;
	p0 =	seq.s32 s7, s2  }
0x1e: {  	s7 =	smul.u32 @!p0 $0xF7A, s2;
	p2 =	seq.s32 @!p0 s5, $0x0  }
0x1f: {  	s9 =	smul.u32 $0xF7A, s1;
	s8 =	simm.s32 @!p0 $0x1BF5;
	p2 =	por !p2, p0  }
0x20: {  	[sflag:s8] =	ssyncset.s32 @!p0 $0xFFFFF086;
	s6 =	sadd.s32 @!p0 s3, s7;
	s7 =	simm.s32 @!p0 $0x108  }
0x21: {  	s3 =	sadd.s32 s3, s9;
	s6 =	sadd.s32 @!p0 $0x88, s6;
	s7 =	simm.s32 @p2 $0x1082  }
0x22: {  	[simem:s7], [sflag:s8] =	dma.local @!p0 [hbm:s6], $0xF7A  }
0x23: {  	s9 =	sor.u32 $0xD0000000, s2;
	s6 =	simm.s32 $0x108;
	_ =	swait.ge @!p0 [sflag:s8], $0x0  }
0x24: {  	s3 =	sadd.s32 $0x88, s3;
	s6 =	simm.s32 @!p1 $0x1082;
	[sflag:s4] =	ssyncset.s32 $0xFFFFF086  }
0x25: {  	[simem:s6], [sflag:s4] =	dma.local [hbm:s3], $0xF7A  }
0x26: {  	[smem:$0x3F8F] =	sst s1;
	(tag) =	ssettag s2;
	_ =	strace s9  }
0x27: {  	s1 =	sld [smem:$0x3F9F]  }
0x28: {  	s2 =	sld [smem:$0x3FA0]  }
0x29: {  	s4 =	sld [smem:$0x3FA2]  }
0x2a: {  	p0 =	seq.s32 s5, $0x0;
	s5 =	sld [smem:$0x3FA3]  }
0x2b: {  	s6 =	sld [smem:$0x3FA4]  }
0x2c: {  	s7 =	sld [smem:$0x3FA5]  }
0x2d: {  	s3 =	simm.s32 $0x108;
	s8 =	sld [smem:$0x3FA6]  }
0x2e: {  	s3 =	simm.s32 @!p0 $0x1082;
	s9 =	sld [smem:$0x3FA7]  }
0x2f: {  	lr =	sadd.s32 s0, s3;
	s0 =	sld [smem:$0x3F9E]  }
0x30: {  	s3 =	sld [smem:$0x3FA1]  }
0x31: {  	[smem:$0x3FAA] =	sst s10  }
0x32: {  	s10 =	sld [smem:$0x3FA8];
	_ =	sdelay $0x3  }
0x33: {  	p0 =	seq.s32 s10, $0x1;
	s10 =	sld [smem:$0x3FAA];
	_ =	sdelay $0x3  }
0x34: {  	[smem:$0x3FAA] =	sst s10  }
0x35: {  	s10 =	sld [smem:$0x3FA9];
	_ =	sdelay $0x3  }
0x36: {  	p1 =	seq.s32 s10, $0x1;
	s10 =	sld [smem:$0x3FAA];
	_ =	sdelay $0x3  }
0x37: {  	[smem:$0x3FAA] =	sst s10  }
0x38: {  	s10 =	sld [smem:$0x3FAB]  }
0x39: {  	_ = 	snop;
	(pc) =	sbr.ind lr, $3  }
0x3a: {  	_ = 	snop  }
0x3b: {  	_ = 	snop  }
0x3c: {  	p2 =	seq.s32 s10, $0x1;
	s10 =	sld [smem:$0x3FAA]  }
0x3d: {  	_ =	shalt  }
0x3e: {  	_ =	shalt  }
0x3f: {  	_ =	shalt  }
0x40: {  	_ =	shalt  }
0x41: {  	_ =	shalt  }
0x42: {  	_ =	shalt  }
0x43: {  	_ =	shalt  }
0x44: {  	_ =	shalt  }
0x45: {  	_ =	shalt  }
0x46: {  	_ =	shalt  }
0x47: {  	_ =	shalt  }
0x48: {  	_ =	shalt  }
0x49: {  	_ =	shalt  }
0x4a: {  	_ =	shalt  }
0x4b: {  	_ =	shalt  }
0x4c: {  	_ =	shalt  }
0x4d: {  	_ =	shalt  }
0x4e: {  	_ =	shalt  }
0x4f: {  	_ =	shalt  }
0x50: {  	_ =	shalt  }
0x51: {  	_ =	shalt  }
0x52: {  	_ =	shalt  }
0x53: {  	_ =	shalt  }
0x54: {  	_ =	shalt  }
0x55: {  	_ =	shalt  }
0x56: {  	_ =	shalt  }
0x57: {  	_ =	shalt  }
0x58: {  	_ =	shalt  }
0x59: {  	_ =	shalt  }
0x5a: {  	_ =	shalt  }
0x5b: {  	_ =	shalt  }
0x5c: {  	_ =	shalt  }
0x5d: {  	_ =	shalt  }
0x5e: {  	_ =	shalt  }
0x5f: {  	_ =	shalt  }
0x60: {  	_ =	shalt  }
0x61: {  	_ =	shalt  }
0x62: {  	_ =	shalt  }
0x63: {  	_ =	shalt  }
0x64: {  	_ =	shalt  }
0x65: {  	_ =	shalt  }
0x66: {  	_ =	shalt  }
0x67: {  	_ =	shalt  }
0x68: {  	_ =	shalt  }
0x69: {  	_ =	shalt  }
0x6a: {  	_ =	shalt  }
0x6b: {  	_ =	shalt  }
0x6c: {  	_ =	shalt  }
0x6d: {  	_ =	shalt  }
0x6e: {  	_ =	shalt  }
0x6f: {  	_ =	shalt  }
0x70: {  	_ =	shalt  }
0x71: {  	_ =	shalt  }
0x72: {  	_ =	shalt  }
0x73: {  	_ =	shalt  }
0x74: {  	_ =	shalt  }
0x75: {  	_ =	shalt  }
0x76: {  	_ =	shalt  }
0x77: {  	_ =	shalt  }
0x78: {  	_ =	shalt  }
0x79: {  	_ =	shalt  }
0x7a: {  	_ =	shalt  }
0x7b: {  	_ =	shalt  }
0x7c: {  	_ =	shalt  }
0x7d: {  	_ =	shalt  }
0x7e: {  	_ =	shalt  }
0x7f: {  	_ =	shalt  }
0x80: {  	_ =	shalt  }
0x81: {  	_ =	shalt  }
0x82: {  	_ =	shalt  }
0x83: {  	_ =	shalt  }
0x84: {  	_ =	shalt  }
0x85: {  	_ =	shalt  }
0x86: {  	_ =	shalt  }
0x87: {  	_ =	shalt  }
.Lfunc_end0:
.L_simem_size_0:
called_computation.2_lowered:
.L_overlay_start_0:
0x88: {  	s2 =	sld [smem:$0x3FD9]  }
0x89: {  	s3 =	sld [smem:$0x3FFE];
	_ =	sdelay $0x1  }
0x8a: {  	s1 =	srdreg.scid  }
0x8b: {  	s0 =	sand.u32 $0x1, s1  }
0x8c: {  	s16 =	sshll.u32 s0, $0xA;
	s2 =	sadd.s32 s3, s2  }
0x8d: {  	s2 =	sadd.s32 s2, s16  }
0x8e: {  	[smem:$0x3FB6] =	sst s2  }
0x8f: {  	_ = 	snop  }
0x90: {  	(tm) =	ssettm $0x1  }
0x91: {  	s17 =	sld [smem:$0x3FFB];
	_ =	sdelay $0x3  }
0x92: {  	_ =	strace s17  }
0x93: {  	s2 =	sld [smem:$0x3FFC];
	_ =	sdelay $0x3  }
0x94: {  	_ =	strace s2  }
0x95: {  	s2 =	sld [smem:$0x3FFD];
	_ =	sdelay $0x3  }
0x96: {  	_ =	strace s2  }
0x97: {  	_ =	strace $0x8FFFFFFF  }
0x98: {  	s18 =	sld [smem:$0x3FDB];
	_ =	sdelay $0x1  }
0x99: {  	s19 =	simm.s32 $_scs_section_size  }
0x9a: {  	s4 =	simm.s32 $_size__tile_overlayer_lowered;
	s5 =	simm.s32 $_tile_overlayer_lowered  }
0x9b: {  	s22 =	simm.s32 $0x1BFF;
	s21 =	sshll.u32 s5, $0x1;
	s2 =	sadd.s32 s19, s18  }
0x9c: {  	s6 =	simm.s32 $0x0;
	s20 =	sshll.u32 s4, $0x1;
	s4 =	sadd.s32 s21, s2  }
0x9d: {  	[timem:s6], [sflag:s22] =	dma.local [hbm:s4], s20  }
0x9e: {  	_ =	swait.ge [sflag:s22], s20  }
0x9f: {  	s3 =	ssub.s32 $0x0, s20;
	[sflag:s22] =	ssyncset.done $0x0  }
0xa0: {  	[sflag:s22] =	ssyncadd.s32 s3;
	_ =	sdelay $0x1  }
0xa1: {  	s23 =	simm.s32 $0x1B8B  }
0xa2: {  	_ =	swait.ge [sflag:s23], $0x1  }
0xa3: {  	[sflag:s23] =	ssyncset.done $0x0  }
0xa4: {  	s25 =	simm.s32 $0x1B8E;
	s24 =	sld [smem:$0x3FFE];
	[sflag:s23] =	ssyncadd.s32 $0xFFFFFFFF  }
0xa5: {  	s26 =	simm.s32 $execute0_lowered;
	[smem:$0x3FD2] =	sst s25  }
0xa6: {  	s4 =	sshll.u32 s26, $0x1;
	_ =	strace $0x8000004C;
	[dreg:$0x1] =	wrdreg $0xFFFFFFFF  }
0xa7: {  	s28 =	simm.s32 $_size_execute0_lowered;
	s2 =	sadd.s32 s2, s4;
	[dreg:$0x0] =	wrdreg $0x0  }
0xa8: {  	s4 =	sshll.u32 s28, $0x1;
	[dreg:$0x2] =	wrdreg s2  }
0xa9: {  	[dreg:$0x3] =	wrdreg s4  }
0xaa: {  	[dreg:$0x4] =	wrdreg $0xC0  }
0xab: {  	_ =	task [dreg:s6], $0x5FFFF  }
0xac: {  	[dreg:$0x1] =	wrdreg $0xFFFFFFFF  }
0xad: {  	[dreg:$0x0] =	wrdreg $0x60  }
0xae: {  	[dreg:$0x2] =	wrdreg s24  }
0xaf: {  	[dreg:$0x3] =	wrdreg $0x9  }
0xb0: {  	_ =	task.clear_ibuf [dreg:s6], $0x4FFFF;
	_ =	strace $0x9000004C  }
0xb1: {  	s29 =	simm.s32 $0x9;
	_ =	strace $0x8000004E  }
0xb2: {  	_ =	swait.ge [sflag:s29], $0x1  }
0xb3: {  	[sflag:s29] =	ssyncadd.s32 $0xFFFFFFFF  }
0xb4: {  	_ =	strace $0x9000004E  }
0xb5: {  	_ =	sfence  }
0xb6: {  	s30 =	sld [smem:$0x0];
	_ =	sdelay $0x2  }
0xb7: {  	s31 =	sshll.u32 s1, $0xD;
	s1 =	sshrl.u32 s1, $0x2  }
0xb8: {  	s3 =	sand.u32 $0x4000, s31;
	s1 =	sadd.s32 s1, s30  }
0xb9: {  	s0 =	sor.u32 s3, s0;
	s1 =	sshll.u32 s1, $0x11  }
0xba: {  	s0 =	sor.u32 s1, s0  }
0xbb: {  	s0 =	sadd.s32 $0x8F2B, s0  }
0xbc: {  	[sflag:s0] =	ssyncadd.remote.s32 $0x1  }
0xbd: {  	_ =	sfence.sel $0xFFFF  }
0xbe: {  	[dreg:$0x0] =	wrdreg $0xFFFFFFFF;
	(pc) =	sbr.abs _section_cstart, $3  }
0xbf: {  	[dreg:$0x1] =	wrdreg $0xFFFFFFFF  }
0xc0: {  	_ =	task.clear_ibuf [dreg:s6], $0x2FFFF;
	_ =	strace $0x9FFFFFFF  }
0xc1: {  	(tm) =	ssettm $0x7FFFFFFF  }
tec
execute0_lowered:
.L_overlay_start_1:
0x0: {  	(tag) =	ssettag $0x1  }
0x1: {  	s1 =	srdreg.scid  }
0x2: {  	s0 =	stileid.u32;
	s17 =	sand.u32 $0x1, s1  }
0x3: {  	s11 =	rddreg [dreg:$0x0];
	s3 =	sshll.u32 s0, $0xD;
	s4 =	sshll.u32 s17, $0xC  }
0x4: {  	s2 =	simm.s32 $0x0;
	s1 =	rddreg [dreg:$0x1];
	s15 =	sor.u32 s4, s3  }
0x5: {  	[smem:$0x7FF] =	sst s2;
	s16 =	sadd.s32 $0xAC00, s11;
	s3 =	sshrl.u32 s15, $0x3  }
0x6: {  	_ =	strace $0x8000004D;
	s4 =	sadd.s32 s16, s3;
	s3 =	simm.s32 $0x3  }
0x7: {  	[tilespmem:s2], [sflag:$0x3] =	stream.linear.gather [hbm4b:s4+s2], $0x400, $0x38;
	[tilespmem:$0x10800] =	vst v63  }
0x8: {  	s6 =	simm.s32 $0x400;
	_ =	swait.ge [sflag:s3], $0x400  }
0x9: {  	s7 =	simm.s32 $0x800;
	s14 =	sor.u32 $0x400, s15;
	[sflag:s3] =	ssyncset.done $0x0  }
0xa: {  	s5 =	sadd.s32 $0xEC00, s11;
	s8 =	sshrl.u32 s14, $0x3;
	[sflag:s3] =	ssyncadd.s32 $0xFFFFFC00  }
0xb: {  	[tilespmem:s7], [sflag:$0x1] =	stream.indirect.gather [hbm4b:s5+s6], $0x20, s2, s6, $0xb8;
	[tilespmem:$0x10800] =	vst v63  }
0xc: {  	s8 =	sadd.s32 s16, s8  }
0xd: {  	[tilespmem:s6], [sflag:$0x3] =	stream.linear.gather [hbm4b:s8+s2], $0x400, $0x38;
	[tilespmem:$0x10800] =	vst v63  }
0xe: {  	_ =	swait.ge [sflag:s3], $0x400  }
0xf: {  	[sflag:s3] =	ssyncset.done $0x0  }
0x10: {  	s9 =	simm.s32 $0x8800;
	s10 =	simm.s32 $0x1;
	[sflag:s3] =	ssyncadd.s32 $0xFFFFFC00  }
0x11: {  	[tilespmem:s9], [sflag:$0x2] =	stream.indirect.gather [hbm4b:s5+s6], $0x20, s6, s6, $0xb8;
	[tilespmem:$0x10800] =	vst v63  }
0x12: {  	_ =	swait.ge [sflag:s10], $0x8000  }
0x13: {  	s18 =	sadd.s32 $0x12C00, s11;
	s26 =	sshll.u32 s15, $0x2;
	[sflag:s10] =	ssyncset.done $0x0  }
0x14: {  	s11 =	sadd.s32 s18, s26;
	[sflag:s10] =	ssyncadd.s32 $0xFFFF8000  }
0x15: {  	[hbm4b:s11+s2] =	stream.linear.scatter [tilespmem:s7], [sflag:$0x3], $0x8000, $0x38;
	[tilespmem:$0x10800] =	vst v63  }
0x16: {  	s19 =	sor.u32 $0x800, s15;
	_ =	swait.ge [sflag:s3], $0x8000  }
0x17: {  	s12 =	sshrl.u32 s19, $0x3;
	[sflag:s3] =	ssyncset.done $0x0  }
0x18: {  	s12 =	sadd.s32 s16, s12;
	[sflag:s3] =	ssyncadd.s32 $0xFFFF8000  }
0x19: {  	[tilespmem:s2], [sflag:$0x3] =	stream.linear.gather [hbm4b:s12+s2], $0x400, $0x38;
	[tilespmem:$0x10800] =	vst v63  }
0x1a: {  	_ =	swait.ge [sflag:s3], $0x400  }
0x1b: {  	[sflag:s3] =	ssyncset.done $0x0  }
0x1c: {  	s13 =	simm.s32 $0x2;
	[sflag:s3] =	ssyncadd.s32 $0xFFFFFC00  }
0x1d: {  	[tilespmem:s7], [sflag:$0x1] =	stream.indirect.gather [hbm4b:s5+s6], $0x20, s2, s6, $0xb8;
	[tilespmem:$0x10800] =	vst v63  }
0x1e: {  	_ =	swait.ge [sflag:s13], $0x8000  }
0x1f: {  	s14 =	sshll.u32 s14, $0x2;
	[sflag:s13] =	ssyncset.done $0x0  }
0x20: {  	s14 =	sadd.s32 s18, s14;
	[sflag:s13] =	ssyncadd.s32 $0xFFFF8000  }
0x21: {  	[hbm4b:s14+s2] =	stream.linear.scatter [tilespmem:s9], [sflag:$0x3], $0x8000, $0x38;
	[tilespmem:$0x10800] =	vst v63  }
0x22: {  	s20 =	sor.u32 $0xC00, s15;
	_ =	swait.ge [sflag:s3], $0x8000  }
0x23: {  	s15 =	sshrl.u32 s20, $0x3;
	[sflag:s3] =	ssyncset.done $0x0  }
0x24: {  	s15 =	sadd.s32 s16, s15;
	[sflag:s3] =	ssyncadd.s32 $0xFFFF8000  }
0x25: {  	[tilespmem:s6], [sflag:$0x3] =	stream.linear.gather [hbm4b:s15+s2], $0x400, $0x38;
	[tilespmem:$0x10800] =	vst v63  }
0x26: {  	_ =	swait.ge [sflag:s3], $0x400  }
0x27: {  	[sflag:s3] =	ssyncset.done $0x0  }
0x28: {  	[sflag:s3] =	ssyncadd.s32 $0xFFFFFC00  }
0x29: {  	[tilespmem:s9], [sflag:$0x2] =	stream.indirect.gather [hbm4b:s5+s6], $0x20, s6, s6, $0xb8;
	[tilespmem:$0x10800] =	vst v63  }
0x2a: {  	_ =	swait.ge [sflag:s10], $0x8000  }
0x2b: {  	s28 =	sshll.u32 s19, $0x2;
	[sflag:s10] =	ssyncset.done $0x0  }
0x2c: {  	s17 =	ssub.s32 $0x2, s17;
	s16 =	sadd.s32 s18, s28;
	[sflag:s10] =	ssyncadd.s32 $0xFFFF8000  }
0x2d: {  	[hbm4b:s16+s2] =	stream.linear.scatter [tilespmem:s7], [sflag:$0x3], $0x8000, $0x38;
	[tilespmem:$0x10800] =	vst v63  }
0x2e: {  	s29 =	sshrl.u32 s17, $0x1;
	_ =	swait.ge [sflag:s3], $0x8000  }
0x2f: {  	s19 =	ssub.s32 s17, s29;
	[sflag:s3] =	ssyncset.done $0x0  }
0x30: {  	s31 =	smax.u32 s19, $0x1;
	[sflag:s3] =	ssyncadd.s32 $0xFFFF8000  }
0x31: {  	p0 =	sne.s32 s31, $0x1;
	_ =	swait.ge [sflag:s13], $0x8000  }
.Ltmp0:
0x32: {  	s30 =	sshll.u32 s20, $0x2;
	[sflag:s13] =	ssyncset.done $0x0;
	(pc) =	sbr.rel @!p0 .LBB2_2-.Ltmp0, $4  }
0x33: {  	s17 =	sadd.s32 s18, s30;
	[sflag:s13] =	ssyncadd.s32 $0xFFFF8000  }
0x34: {  	[hbm4b:s17+s2] =	stream.linear.scatter [tilespmem:s9], [sflag:$0x3], $0x8000, $0x38;
	[tilespmem:$0x10800] =	vst v63  }
0x35: {  	_ =	swait.ge [sflag:s3], $0x8000  }
0x36: {  	s18 =	sadd.s32 $0xFFFFFFFF, s31;
	[sflag:s3] =	ssyncset.done $0x0  }
.LBB2_1:
0x37: {  	p0 =	sne.s32 s18, $0x1;
	s18 =	sadd.s32 $0xFFFFFFFF, s18;
	[sflag:s3] =	ssyncadd.s32 $0xFFFF8000  }
0x38: {  	[tilespmem:s2], [sflag:$0x3] =	stream.linear.gather [hbm4b:s4+s2], $0x400, $0x38;
	[tilespmem:$0x10800] =	vst v63  }
0x39: {  	_ =	swait.ge [sflag:s3], $0x400  }
0x3a: {  	[sflag:s3] =	ssyncset.done $0x0  }
0x3b: {  	[sflag:s3] =	ssyncadd.s32 $0xFFFFFC00  }
0x3c: {  	[tilespmem:s7], [sflag:$0x1] =	stream.indirect.gather [hbm4b:s5+s6], $0x20, s2, s6, $0xb8;
	[tilespmem:$0x10800] =	vst v63  }
0x3d: {  	_ = 	snop  }
0x3e: {  	[tilespmem:s6], [sflag:$0x3] =	stream.linear.gather [hbm4b:s8+s2], $0x400, $0x38;
	[tilespmem:$0x10800] =	vst v63  }
0x3f: {  	_ =	swait.ge [sflag:s3], $0x400  }
0x40: {  	[sflag:s3] =	ssyncset.done $0x0  }
0x41: {  	[sflag:s3] =	ssyncadd.s32 $0xFFFFFC00  }
0x42: {  	[tilespmem:s9], [sflag:$0x2] =	stream.indirect.gather [hbm4b:s5+s6], $0x20, s6, s6, $0xb8;
	[tilespmem:$0x10800] =	vst v63  }
0x43: {  	_ =	swait.ge [sflag:s10], $0x8000  }
0x44: {  	[sflag:s10] =	ssyncset.done $0x0  }
0x45: {  	[sflag:s10] =	ssyncadd.s32 $0xFFFF8000  }
0x46: {  	[hbm4b:s11+s2] =	stream.linear.scatter [tilespmem:s7], [sflag:$0x3], $0x8000, $0x38;
	[tilespmem:$0x10800] =	vst v63  }
0x47: {  	_ =	swait.ge [sflag:s3], $0x8000  }
0x48: {  	[sflag:s3] =	ssyncset.done $0x0  }
0x49: {  	[sflag:s3] =	ssyncadd.s32 $0xFFFF8000  }
0x4a: {  	[tilespmem:s2], [sflag:$0x3] =	stream.linear.gather [hbm4b:s12+s2], $0x400, $0x38;
	[tilespmem:$0x10800] =	vst v63  }
0x4b: {  	_ =	swait.ge [sflag:s3], $0x400  }
0x4c: {  	[sflag:s3] =	ssyncset.done $0x0  }
0x4d: {  	[sflag:s3] =	ssyncadd.s32 $0xFFFFFC00  }
0x4e: {  	[tilespmem:s7], [sflag:$0x1] =	stream.indirect.gather [hbm4b:s5+s6], $0x20, s2, s6, $0xb8;
	[tilespmem:$0x10800] =	vst v63  }
0x4f: {  	_ =	swait.ge [sflag:s13], $0x8000  }
0x50: {  	[sflag:s13] =	ssyncset.done $0x0  }
0x51: {  	[sflag:s13] =	ssyncadd.s32 $0xFFFF8000  }
0x52: {  	[hbm4b:s14+s2] =	stream.linear.scatter [tilespmem:s9], [sflag:$0x3], $0x8000, $0x38;
	[tilespmem:$0x10800] =	vst v63  }
0x53: {  	_ =	swait.ge [sflag:s3], $0x8000  }
0x54: {  	[sflag:s3] =	ssyncset.done $0x0  }
0x55: {  	[sflag:s3] =	ssyncadd.s32 $0xFFFF8000  }
0x56: {  	[tilespmem:s6], [sflag:$0x3] =	stream.linear.gather [hbm4b:s15+s2], $0x400, $0x38;
	[tilespmem:$0x10800] =	vst v63  }
0x57: {  	_ =	swait.ge [sflag:s3], $0x400  }
0x58: {  	[sflag:s3] =	ssyncset.done $0x0  }
0x59: {  	[sflag:s3] =	ssyncadd.s32 $0xFFFFFC00  }
0x5a: {  	[tilespmem:s9], [sflag:$0x2] =	stream.indirect.gather [hbm4b:s5+s6], $0x20, s6, s6, $0xb8;
	[tilespmem:$0x10800] =	vst v63  }
0x5b: {  	_ =	swait.ge [sflag:s10], $0x8000  }
0x5c: {  	[sflag:s10] =	ssyncset.done $0x0  }
0x5d: {  	[sflag:s10] =	ssyncadd.s32 $0xFFFF8000  }
0x5e: {  	[hbm4b:s16+s2] =	stream.linear.scatter [tilespmem:s7], [sflag:$0x3], $0x8000, $0x38;
	[tilespmem:$0x10800] =	vst v63  }
0x5f: {  	_ =	swait.ge [sflag:s3], $0x8000  }
0x60: {  	[sflag:s3] =	ssyncset.done $0x0  }
0x61: {  	[sflag:s3] =	ssyncadd.s32 $0xFFFF8000  }
0x62: {  	_ =	swait.ge [sflag:s13], $0x8000  }
.Ltmp1:
0x63: {  	[sflag:s13] =	ssyncset.done $0x0;
	(pc) =	sbr.rel @p0 .LBB2_1-.Ltmp1, $4  }
0x64: {  	[sflag:s13] =	ssyncadd.s32 $0xFFFF8000  }
0x65: {  	[hbm4b:s17+s2] =	stream.linear.scatter [tilespmem:s9], [sflag:$0x3], $0x8000, $0x38;
	[tilespmem:$0x10800] =	vst v63  }
0x66: {  	_ =	swait.ge [sflag:s3], $0x8000  }
0x67: {  	[sflag:s3] =	ssyncset.done $0x0  }
.LBB2_2:
0x68: {  	[sflag:s3] =	ssyncadd.s32 $0xFFFF8000  }
0x69: {  	_ =	sfence.sel $0x180000  }
0x6a: {  	[bflag:$0x0] =	sbarrier.arrive $0xFFFF  }
0x6b: {  	p0 =	sne.s32 s0, $0x0;
	_ =	strace $0x9000004D  }
0x6c: {  	s0 =	sadd.s32 @!p0 $0x100000, s1;
	[bflag:$0x2] =	sbarrier.arrive $0xFFFF  }
0x6d: {  	[sflag:s0] =	ssyncadd.tile.s32 @!p0 $0x1;
	_ =	shalt  }
.Lfunc_end2:
_tile_overlayer_lowered:
.L_overlay_start_2:
0x6e: {  	(tag) =	ssettag $0x2  }
0x6f: {  	s0 =	rddreg [dreg:$0x0];
	s2 =	stileid.u32  }
0x70: {  	s1 =	rddreg [dreg:$0x1];
	p0 =	sne.s32 s2, $0x0  }
0x71: {  	s3 =	rddreg [dreg:$0x2];
	[bflag:$0x3] =	sbarrier.arrive $0xFFFF;
	s2 =	simm.s32 @!p0 $0x1C03  }
0x72: {  	[timem:s3], [sflag:s2] =	dma.local @!p0 [hbm:s0], s1  }
0x73: {  	s0 =	simm.s32 @!p0 $0x3  }
0x74: {  	_ =	swait.ge @!p0 [sflag:s0], s1  }
0x75: {  	s1 =	ssub.s32 @!p0 $0x0, s1;
	[sflag:s0] =	ssyncset.done @!p0 $0x0  }
0x76: {  	[sflag:s0] =	ssyncadd.s32 @!p0 s1  }
0x77: {  	[bflag:$0x3] =	sbarrier.arrive $0xFFFF  }
0x78: {  	_ =	shalt  }

// kernel: kernel.19.cloned.1.call-start
scs
__scs_entry_jumppad:
0x0: {  	(pc) =	sbr.rel $0x88, $3  }
0x1: {  	(tag) =	ssettag $0x0;
	lr =	simm.s32 $0x1  }
0x2: {  	[smem:$0x3F8F] =	sst lr;
	_ =	strace $0xD0000000  }
0x3: {  	_ = 	snop  }
0x4: {  	_ = 	snop  }
0x5: {  	_ = 	snop  }
0x6: {  	_ = 	snop  }
0x7: {  	_ = 	snop  }
__scs_overlays_trampoline_lowered:
0x8: {  	[smem:$0x3F9E] =	sst s0  }
0x9: {  	[smem:$0x3F9F] =	sst s1  }
0xa: {  	[smem:$0x3FA0] =	sst s2  }
0xb: {  	[smem:$0x3FA1] =	sst s3  }
0xc: {  	[smem:$0x3FA2] =	sst s4  }
0xd: {  	[smem:$0x3FA3] =	sst s5  }
0xe: {  	[smem:$0x3FA4] =	sst s6  }
0xf: {  	[smem:$0x3FA5] =	sst s7  }
0x10: {  	[smem:$0x3FA6] =	sst s8  }
0x11: {  	[smem:$0x3FA7] =	sst s9;
	s0 =	simm.s32 @!p0 $0x0  }
0x12: {  	s1 =	sld [smem:$0x3F8D];
	s0 =	simm.s32 @p0 $0x1  }
0x13: {  	[smem:$0x3FA8] =	sst s0;
	s0 =	simm.s32 @!p1 $0x0  }
0x14: {  	s2 =	sld [smem:$0x3F8C];
	s0 =	simm.s32 @p1 $0x1  }
0x15: {  	[smem:$0x3FA9] =	sst s0;
	s0 =	simm.s32 @!p2 $0x0  }
0x16: {  	s3 =	sld [smem:$0x3FDB];
	s0 =	simm.s32 @p2 $0x1  }
0x17: {  	s4 =	simm.s32 $0x1BF5;
	[smem:$0x3FAB] =	sst s0  }
0x18: {  	s0 =	sld [smem:$0x3F8E];
	_ =	swait.ge [sflag:s4], $0x0  }
0x19: {  	s7 =	sld [smem:$0x3F8F]  }
0x1a: {  	s8 =	sadd.s32 $0xFFFFE003, lr  }
0x1b: {  	s9 =	sadd.s32 $0xFFFFFEF7, lr;
	s5 =	simm.s32 $0xFFFFFFFF;
	p2 =	slt.u32 s8, $0xFFFFF086  }
0x1c: {  	p1 =	slt.u32 s9, $0xF7A;
	s5 =	simm.s32 @!p2 $0x0  }
0x1d: {  	s5 =	simm.s32 @p1 $0x1;
	p0 =	seq.s32 s7, s2  }
0x1e: {  	s7 =	smul.u32 @!p0 $0xF7A, s2;
	p2 =	seq.s32 @!p0 s5, $0x0  }
0x1f: {  	s9 =	smul.u32 $0xF7A, s1;
	s8 =	simm.s32 @!p0 $0x1BF5;
	p2 =	por !p2, p0  }
0x20: {  	[sflag:s8] =	ssyncset.s32 @!p0 $0xFFFFF086;
	s6 =	sadd.s32 @!p0 s3, s7;
	s7 =	simm.s32 @!p0 $0x108  }
0x21: {  	s3 =	sadd.s32 s3, s9;
	s6 =	sadd.s32 @!p0 $0x88, s6;
	s7 =	simm.s32 @p2 $0x1082  }
0x22: {  	[simem:s7], [sflag:s8] =	dma.local @!p0 [hbm:s6], $0xF7A  }
0x23: {  	s9 =	sor.u32 $0xD0000000, s2;
	s6 =	simm.s32 $0x108;
	_ =	swait.ge @!p0 [sflag:s8], $0x0  }
0x24: {  	s3 =	sadd.s32 $0x88, s3;
	s6 =	simm.s32 @!p1 $0x1082;
	[sflag:s4] =	ssyncset.s32 $0xFFFFF086  }
0x25: {  	[simem:s6], [sflag:s4] =	dma.local [hbm:s3], $0xF7A  }
0x26: {  	[smem:$0x3F8F] =	sst s1;
	(tag) =	ssettag s2;
	_ =	strace s9  }
0x27: {  	s1 =	sld [smem:$0x3F9F]  }
0x28: {  	s2 =	sld [smem:$0x3FA0]  }
0x29: {  	s4 =	sld [smem:$0x3FA2]  }
0x2a: {  	p0 =	seq.s32 s5, $0x0;
	s5 =	sld [smem:$0x3FA3]  }
0x2b: {  	s6 =	sld [smem:$0x3FA4]  }
0x2c: {  	s7 =	sld [smem:$0x3FA5]  }
0x2d: {  	s3 =	simm.s32 $0x108;
	s8 =	sld [smem:$0x3FA6]  }
0x2e: {  	s3 =	simm.s32 @!p0 $0x1082;
	s9 =	sld [smem:$0x3FA7]  }
0x2f: {  	lr =	sadd.s32 s0, s3;
	s0 =	sld [smem:$0x3F9E]  }
0x30: {  	s3 =	sld [smem:$0x3FA1]  }
0x31: {  	[smem:$0x3FAA] =	sst s10  }
0x32: {  	s10 =	sld [smem:$0x3FA8];
	_ =	sdelay $0x3  }
0x33: {  	p0 =	seq.s32 s10, $0x1;
	s10 =	sld [smem:$0x3FAA];
	_ =	sdelay $0x3  }
0x34: {  	[smem:$0x3FAA] =	sst s10  }
0x35: {  	s10 =	sld [smem:$0x3FA9];
	_ =	sdelay $0x3  }
0x36: {  	p1 =	seq.s32 s10, $0x1;
	s10 =	sld [smem:$0x3FAA];
	_ =	sdelay $0x3  }
0x37: {  	[smem:$0x3FAA] =	sst s10  }
0x38: {  	s10 =	sld [smem:$0x3FAB]  }
0x39: {  	_ = 	snop;
	(pc) =	sbr.ind lr, $3  }
0x3a: {  	_ = 	snop  }
0x3b: {  	_ = 	snop  }
0x3c: {  	p2 =	seq.s32 s10, $0x1;
	s10 =	sld [smem:$0x3FAA]  }
0x3d: {  	_ =	shalt  }
0x3e: {  	_ =	shalt  }
0x3f: {  	_ =	shalt  }
0x40: {  	_ =	shalt  }
0x41: {  	_ =	shalt  }
0x42: {  	_ =	shalt  }
0x43: {  	_ =	shalt  }
0x44: {  	_ =	shalt  }
0x45: {  	_ =	shalt  }
0x46: {  	_ =	shalt  }
0x47: {  	_ =	shalt  }
0x48: {  	_ =	shalt  }
0x49: {  	_ =	shalt  }
0x4a: {  	_ =	shalt  }
0x4b: {  	_ =	shalt  }
0x4c: {  	_ =	shalt  }
0x4d: {  	_ =	shalt  }
0x4e: {  	_ =	shalt  }
0x4f: {  	_ =	shalt  }
0x50: {  	_ =	shalt  }
0x51: {  	_ =	shalt  }
0x52: {  	_ =	shalt  }
0x53: {  	_ =	shalt  }
0x54: {  	_ =	shalt  }
0x55: {  	_ =	shalt  }
0x56: {  	_ =	shalt  }
0x57: {  	_ =	shalt  }
0x58: {  	_ =	shalt  }
0x59: {  	_ =	shalt  }
0x5a: {  	_ =	shalt  }
0x5b: {  	_ =	shalt  }
0x5c: {  	_ =	shalt  }
0x5d: {  	_ =	shalt  }
0x5e: {  	_ =	shalt  }
0x5f: {  	_ =	shalt  }
0x60: {  	_ =	shalt  }
0x61: {  	_ =	shalt  }
0x62: {  	_ =	shalt  }
0x63: {  	_ =	shalt  }
0x64: {  	_ =	shalt  }
0x65: {  	_ =	shalt  }
0x66: {  	_ =	shalt  }
0x67: {  	_ =	shalt  }
0x68: {  	_ =	shalt  }
0x69: {  	_ =	shalt  }
0x6a: {  	_ =	shalt  }
0x6b: {  	_ =	shalt  }
0x6c: {  	_ =	shalt  }
0x6d: {  	_ =	shalt  }
0x6e: {  	_ =	shalt  }
0x6f: {  	_ =	shalt  }
0x70: {  	_ =	shalt  }
0x71: {  	_ =	shalt  }
0x72: {  	_ =	shalt  }
0x73: {  	_ =	shalt  }
0x74: {  	_ =	shalt  }
0x75: {  	_ =	shalt  }
0x76: {  	_ =	shalt  }
0x77: {  	_ =	shalt  }
0x78: {  	_ =	shalt  }
0x79: {  	_ =	shalt  }
0x7a: {  	_ =	shalt  }
0x7b: {  	_ =	shalt  }
0x7c: {  	_ =	shalt  }
0x7d: {  	_ =	shalt  }
0x7e: {  	_ =	shalt  }
0x7f: {  	_ =	shalt  }
0x80: {  	_ =	shalt  }
0x81: {  	_ =	shalt  }
0x82: {  	_ =	shalt  }
0x83: {  	_ =	shalt  }
0x84: {  	_ =	shalt  }
0x85: {  	_ =	shalt  }
0x86: {  	_ =	shalt  }
0x87: {  	_ =	shalt  }
.Lfunc_end0:
.L_simem_size_0:
called_computation.3_lowered:
.L_overlay_start_0:
0x88: {  	s2 =	sld [smem:$0x3FD9]  }
0x89: {  	s3 =	sld [smem:$0x3FFE];
	_ =	sdelay $0x1  }
0x8a: {  	s1 =	srdreg.scid  }
0x8b: {  	s0 =	sand.u32 $0x1, s1  }
0x8c: {  	s16 =	sshll.u32 s0, $0xA;
	s2 =	sadd.s32 s3, s2  }
0x8d: {  	s2 =	sadd.s32 s2, s16  }
0x8e: {  	[smem:$0x3FB6] =	sst s2  }
0x8f: {  	_ = 	snop  }
0x90: {  	(tm) =	ssettm $0x1  }
0x91: {  	s17 =	sld [smem:$0x3FFB];
	_ =	sdelay $0x3  }
0x92: {  	_ =	strace s17  }
0x93: {  	s2 =	sld [smem:$0x3FFC];
	_ =	sdelay $0x3  }
0x94: {  	_ =	strace s2  }
0x95: {  	s2 =	sld [smem:$0x3FFD];
	_ =	sdelay $0x3  }
0x96: {  	_ =	strace s2  }
0x97: {  	_ =	strace $0x8FFFFFFF  }
0x98: {  	s18 =	sld [smem:$0x3FDB];
	_ =	sdelay $0x1  }
0x99: {  	s19 =	simm.s32 $_scs_section_size  }
0x9a: {  	s4 =	simm.s32 $_size__tile_overlayer_lowered;
	s5 =	simm.s32 $_tile_overlayer_lowered  }
0x9b: {  	s22 =	simm.s32 $0x1BFF;
	s21 =	sshll.u32 s5, $0x1;
	s2 =	sadd.s32 s19, s18  }
0x9c: {  	s6 =	simm.s32 $0x0;
	s20 =	sshll.u32 s4, $0x1;
	s4 =	sadd.s32 s21, s2  }
0x9d: {  	[timem:s6], [sflag:s22] =	dma.local [hbm:s4], s20  }
0x9e: {  	_ =	swait.ge [sflag:s22], s20  }
0x9f: {  	s3 =	ssub.s32 $0x0, s20;
	[sflag:s22] =	ssyncset.done $0x0  }
0xa0: {  	[sflag:s22] =	ssyncadd.s32 s3;
	_ =	sdelay $0x1  }
0xa1: {  	s23 =	simm.s32 $0x1B8B  }
0xa2: {  	_ =	swait.ge [sflag:s23], $0x1  }
0xa3: {  	[sflag:s23] =	ssyncset.done $0x0  }
0xa4: {  	s25 =	simm.s32 $0x1B8E;
	s24 =	sld [smem:$0x3FFE];
	[sflag:s23] =	ssyncadd.s32 $0xFFFFFFFF  }
0xa5: {  	s26 =	simm.s32 $execute0_lowered;
	[smem:$0x3FD2] =	sst s25  }
0xa6: {  	s4 =	sshll.u32 s26, $0x1;
	_ =	strace $0x8000004F;
	[dreg:$0x1] =	wrdreg $0xFFFFFFFF  }
0xa7: {  	s28 =	simm.s32 $_size_execute0_lowered;
	s2 =	sadd.s32 s2, s4;
	[dreg:$0x0] =	wrdreg $0x0  }
0xa8: {  	s4 =	sshll.u32 s28, $0x1;
	[dreg:$0x2] =	wrdreg s2  }
0xa9: {  	[dreg:$0x3] =	wrdreg s4  }
0xaa: {  	[dreg:$0x4] =	wrdreg $0xC0  }
0xab: {  	_ =	task [dreg:s6], $0x5FFFF  }
0xac: {  	[dreg:$0x1] =	wrdreg $0xFFFFFFFF  }
0xad: {  	[dreg:$0x0] =	wrdreg $0x60  }
0xae: {  	[dreg:$0x2] =	wrdreg s24  }
0xaf: {  	[dreg:$0x3] =	wrdreg $0x9  }
0xb0: {  	_ =	task.clear_ibuf [dreg:s6], $0x4FFFF;
	_ =	strace $0x9000004F  }
0xb1: {  	s29 =	simm.s32 $0x9;
	_ =	strace $0x80000051  }
0xb2: {  	_ =	swait.ge [sflag:s29], $0x1  }
0xb3: {  	[sflag:s29] =	ssyncadd.s32 $0xFFFFFFFF  }
0xb4: {  	_ =	strace $0x90000051  }
0xb5: {  	_ =	sfence  }
0xb6: {  	s30 =	sld [smem:$0x0];
	_ =	sdelay $0x2  }
0xb7: {  	s31 =	sshll.u32 s1, $0xD;
	s1 =	sshrl.u32 s1, $0x2  }
0xb8: {  	s3 =	sand.u32 $0x4000, s31;
	s1 =	sadd.s32 s1, s30  }
0xb9: {  	s0 =	sor.u32 s3, s0;
	s1 =	sshll.u32 s1, $0x11  }
0xba: {  	s0 =	sor.u32 s1, s0  }
0xbb: {  	s0 =	sadd.s32 $0x8F2B, s0  }
0xbc: {  	[sflag:s0] =	ssyncadd.remote.s32 $0x1  }
0xbd: {  	_ =	sfence.sel $0xFFFF  }
0xbe: {  	[dreg:$0x0] =	wrdreg $0xFFFFFFFF;
	(pc) =	sbr.abs _section_cstart, $3  }
0xbf: {  	[dreg:$0x1] =	wrdreg $0xFFFFFFFF  }
0xc0: {  	_ =	task.clear_ibuf [dreg:s6], $0x2FFFF;
	_ =	strace $0x9FFFFFFF  }
0xc1: {  	(tm) =	ssettm $0x7FFFFFFF  }
tec
execute0_lowered:
.L_overlay_start_1:
0x0: {  	(tag) =	ssettag $0x1  }
0x1: {  	s1 =	srdreg.scid  }
0x2: {  	s0 =	stileid.u32;
	s17 =	sand.u32 $0x1, s1  }
0x3: {  	s11 =	rddreg [dreg:$0x0];
	s3 =	sshll.u32 s0, $0xD;
	s4 =	sshll.u32 s17, $0xC  }
0x4: {  	s2 =	simm.s32 $0x0;
	s1 =	rddreg [dreg:$0x1];
	s15 =	sor.u32 s4, s3  }
0x5: {  	[smem:$0x7FF] =	sst s2;
	s16 =	sadd.s32 $0xAC00, s11;
	s3 =	sshrl.u32 s15, $0x3  }
0x6: {  	_ =	strace $0x80000050;
	s4 =	sadd.s32 s16, s3;
	s3 =	simm.s32 $0x3  }
0x7: {  	[tilespmem:s2], [sflag:$0x3] =	stream.linear.gather [hbm4b:s4+s2], $0x400, $0x38;
	[tilespmem:$0x10800] =	vst v63  }
0x8: {  	s6 =	simm.s32 $0x400;
	_ =	swait.ge [sflag:s3], $0x400  }
0x9: {  	s7 =	simm.s32 $0x800;
	s14 =	sor.u32 $0x400, s15;
	[sflag:s3] =	ssyncset.done $0x0  }
0xa: {  	s5 =	sadd.s32 $0x6C00, s11;
	s8 =	sshrl.u32 s14, $0x3;
	[sflag:s3] =	ssyncadd.s32 $0xFFFFFC00  }
0xb: {  	[tilespmem:s7], [sflag:$0x1] =	stream.indirect.gather [hbm4b:s5+s6], $0x20, s2, s6, $0xb8;
	[tilespmem:$0x10800] =	vst v63  }
0xc: {  	s8 =	sadd.s32 s16, s8  }
0xd: {  	[tilespmem:s6], [sflag:$0x3] =	stream.linear.gather [hbm4b:s8+s2], $0x400, $0x38;
	[tilespmem:$0x10800] =	vst v63  }
0xe: {  	_ =	swait.ge [sflag:s3], $0x400  }
0xf: {  	[sflag:s3] =	ssyncset.done $0x0  }
0x10: {  	s9 =	simm.s32 $0x8800;
	s10 =	simm.s32 $0x1;
	[sflag:s3] =	ssyncadd.s32 $0xFFFFFC00  }
0x11: {  	[tilespmem:s9], [sflag:$0x2] =	stream.indirect.gather [hbm4b:s5+s6], $0x20, s6, s6, $0xb8;
	[tilespmem:$0x10800] =	vst v63  }
0x12: {  	_ =	swait.ge [sflag:s10], $0x8000  }
0x13: {  	s18 =	sadd.s32 $0xEC00, s11;
	s26 =	sshll.u32 s15, $0x2;
	[sflag:s10] =	ssyncset.done $0x0  }
0x14: {  	s11 =	sadd.s32 s18, s26;
	[sflag:s10] =	ssyncadd.s32 $0xFFFF8000  }
0x15: {  	[hbm4b:s11+s2] =	stream.linear.scatter [tilespmem:s7], [sflag:$0x3], $0x8000, $0x38;
	[tilespmem:$0x10800] =	vst v63  }
0x16: {  	s19 =	sor.u32 $0x800, s15;
	_ =	swait.ge [sflag:s3], $0x8000  }
0x17: {  	s12 =	sshrl.u32 s19, $0x3;
	[sflag:s3] =	ssyncset.done $0x0  }
0x18: {  	s12 =	sadd.s32 s16, s12;
	[sflag:s3] =	ssyncadd.s32 $0xFFFF8000  }
0x19: {  	[tilespmem:s2], [sflag:$0x3] =	stream.linear.gather [hbm4b:s12+s2], $0x400, $0x38;
	[tilespmem:$0x10800] =	vst v63  }
0x1a: {  	_ =	swait.ge [sflag:s3], $0x400  }
0x1b: {  	[sflag:s3] =	ssyncset.done $0x0  }
0x1c: {  	s13 =	simm.s32 $0x2;
	[sflag:s3] =	ssyncadd.s32 $0xFFFFFC00  }
0x1d: {  	[tilespmem:s7], [sflag:$0x1] =	stream.indirect.gather [hbm4b:s5+s6], $0x20, s2, s6, $0xb8;
	[tilespmem:$0x10800] =	vst v63  }
0x1e: {  	_ =	swait.ge [sflag:s13], $0x8000  }
0x1f: {  	s14 =	sshll.u32 s14, $0x2;
	[sflag:s13] =	ssyncset.done $0x0  }
0x20: {  	s14 =	sadd.s32 s18, s14;
	[sflag:s13] =	ssyncadd.s32 $0xFFFF8000  }
0x21: {  	[hbm4b:s14+s2] =	stream.linear.scatter [tilespmem:s9], [sflag:$0x3], $0x8000, $0x38;
	[tilespmem:$0x10800] =	vst v63  }
0x22: {  	s20 =	sor.u32 $0xC00, s15;
	_ =	swait.ge [sflag:s3], $0x8000  }
0x23: {  	s15 =	sshrl.u32 s20, $0x3;
	[sflag:s3] =	ssyncset.done $0x0  }
0x24: {  	s15 =	sadd.s32 s16, s15;
	[sflag:s3] =	ssyncadd.s32 $0xFFFF8000  }
0x25: {  	[tilespmem:s6], [sflag:$0x3] =	stream.linear.gather [hbm4b:s15+s2], $0x400, $0x38;
	[tilespmem:$0x10800] =	vst v63  }
0x26: {  	_ =	swait.ge [sflag:s3], $0x400  }
0x27: {  	[sflag:s3] =	ssyncset.done $0x0  }
0x28: {  	[sflag:s3] =	ssyncadd.s32 $0xFFFFFC00  }
0x29: {  	[tilespmem:s9], [sflag:$0x2] =	stream.indirect.gather [hbm4b:s5+s6], $0x20, s6, s6, $0xb8;
	[tilespmem:$0x10800] =	vst v63  }
0x2a: {  	_ =	swait.ge [sflag:s10], $0x8000  }
0x2b: {  	s28 =	sshll.u32 s19, $0x2;
	[sflag:s10] =	ssyncset.done $0x0  }
0x2c: {  	s17 =	ssub.s32 $0x2, s17;
	s16 =	sadd.s32 s18, s28;
	[sflag:s10] =	ssyncadd.s32 $0xFFFF8000  }
0x2d: {  	[hbm4b:s16+s2] =	stream.linear.scatter [tilespmem:s7], [sflag:$0x3], $0x8000, $0x38;
	[tilespmem:$0x10800] =	vst v63  }
0x2e: {  	s29 =	sshrl.u32 s17, $0x1;
	_ =	swait.ge [sflag:s3], $0x8000  }
0x2f: {  	s19 =	ssub.s32 s17, s29;
	[sflag:s3] =	ssyncset.done $0x0  }
0x30: {  	s31 =	smax.u32 s19, $0x1;
	[sflag:s3] =	ssyncadd.s32 $0xFFFF8000  }
0x31: {  	p0 =	sne.s32 s31, $0x1;
	_ =	swait.ge [sflag:s13], $0x8000  }
.Ltmp0:
0x32: {  	s30 =	sshll.u32 s20, $0x2;
	[sflag:s13] =	ssyncset.done $0x0;
	(pc) =	sbr.rel @!p0 .LBB2_2-.Ltmp0, $4  }
0x33: {  	s17 =	sadd.s32 s18, s30;
	[sflag:s13] =	ssyncadd.s32 $0xFFFF8000  }
0x34: {  	[hbm4b:s17+s2] =	stream.linear.scatter [tilespmem:s9], [sflag:$0x3], $0x8000, $0x38;
	[tilespmem:$0x10800] =	vst v63  }
0x35: {  	_ =	swait.ge [sflag:s3], $0x8000  }
0x36: {  	s18 =	sadd.s32 $0xFFFFFFFF, s31;
	[sflag:s3] =	ssyncset.done $0x0  }
.LBB2_1:
0x37: {  	p0 =	sne.s32 s18, $0x1;
	s18 =	sadd.s32 $0xFFFFFFFF, s18;
	[sflag:s3] =	ssyncadd.s32 $0xFFFF8000  }
0x38: {  	[tilespmem:s2], [sflag:$0x3] =	stream.linear.gather [hbm4b:s4+s2], $0x400, $0x38;
	[tilespmem:$0x10800] =	vst v63  }
0x39: {  	_ =	swait.ge [sflag:s3], $0x400  }
0x3a: {  	[sflag:s3] =	ssyncset.done $0x0  }
0x3b: {  	[sflag:s3] =	ssyncadd.s32 $0xFFFFFC00  }
0x3c: {  	[tilespmem:s7], [sflag:$0x1] =	stream.indirect.gather [hbm4b:s5+s6], $0x20, s2, s6, $0xb8;
	[tilespmem:$0x10800] =	vst v63  }
0x3d: {  	_ = 	snop  }
0x3e: {  	[tilespmem:s6], [sflag:$0x3] =	stream.linear.gather [hbm4b:s8+s2], $0x400, $0x38;
	[tilespmem:$0x10800] =	vst v63  }
0x3f: {  	_ =	swait.ge [sflag:s3], $0x400  }
0x40: {  	[sflag:s3] =	ssyncset.done $0x0  }
0x41: {  	[sflag:s3] =	ssyncadd.s32 $0xFFFFFC00  }
0x42: {  	[tilespmem:s9], [sflag:$0x2] =	stream.indirect.gather [hbm4b:s5+s6], $0x20, s6, s6, $0xb8;
	[tilespmem:$0x10800] =	vst v63  }
0x43: {  	_ =	swait.ge [sflag:s10], $0x8000  }
0x44: {  	[sflag:s10] =	ssyncset.done $0x0  }
0x45: {  	[sflag:s10] =	ssyncadd.s32 $0xFFFF8000  }
0x46: {  	[hbm4b:s11+s2] =	stream.linear.scatter [tilespmem:s7], [sflag:$0x3], $0x8000, $0x38;
	[tilespmem:$0x10800] =	vst v63  }
0x47: {  	_ =	swait.ge [sflag:s3], $0x8000  }
0x48: {  	[sflag:s3] =	ssyncset.done $0x0  }
0x49: {  	[sflag:s3] =	ssyncadd.s32 $0xFFFF8000  }
0x4a: {  	[tilespmem:s2], [sflag:$0x3] =	stream.linear.gather [hbm4b:s12+s2], $0x400, $0x38;
	[tilespmem:$0x10800] =	vst v63  }
0x4b: {  	_ =	swait.ge [sflag:s3], $0x400  }
0x4c: {  	[sflag:s3] =	ssyncset.done $0x0  }
0x4d: {  	[sflag:s3] =	ssyncadd.s32 $0xFFFFFC00  }
0x4e: {  	[tilespmem:s7], [sflag:$0x1] =	stream.indirect.gather [hbm4b:s5+s6], $0x20, s2, s6, $0xb8;
	[tilespmem:$0x10800] =	vst v63  }
0x4f: {  	_ =	swait.ge [sflag:s13], $0x8000  }
0x50: {  	[sflag:s13] =	ssyncset.done $0x0  }
0x51: {  	[sflag:s13] =	ssyncadd.s32 $0xFFFF8000  }
0x52: {  	[hbm4b:s14+s2] =	stream.linear.scatter [tilespmem:s9], [sflag:$0x3], $0x8000, $0x38;
	[tilespmem:$0x10800] =	vst v63  }
0x53: {  	_ =	swait.ge [sflag:s3], $0x8000  }
0x54: {  	[sflag:s3] =	ssyncset.done $0x0  }
0x55: {  	[sflag:s3] =	ssyncadd.s32 $0xFFFF8000  }
0x56: {  	[tilespmem:s6], [sflag:$0x3] =	stream.linear.gather [hbm4b:s15+s2], $0x400, $0x38;
	[tilespmem:$0x10800] =	vst v63  }
0x57: {  	_ =	swait.ge [sflag:s3], $0x400  }
0x58: {  	[sflag:s3] =	ssyncset.done $0x0  }
0x59: {  	[sflag:s3] =	ssyncadd.s32 $0xFFFFFC00  }
0x5a: {  	[tilespmem:s9], [sflag:$0x2] =	stream.indirect.gather [hbm4b:s5+s6], $0x20, s6, s6, $0xb8;
	[tilespmem:$0x10800] =	vst v63  }
0x5b: {  	_ =	swait.ge [sflag:s10], $0x8000  }
0x5c: {  	[sflag:s10] =	ssyncset.done $0x0  }
0x5d: {  	[sflag:s10] =	ssyncadd.s32 $0xFFFF8000  }
0x5e: {  	[hbm4b:s16+s2] =	stream.linear.scatter [tilespmem:s7], [sflag:$0x3], $0x8000, $0x38;
	[tilespmem:$0x10800] =	vst v63  }
0x5f: {  	_ =	swait.ge [sflag:s3], $0x8000  }
0x60: {  	[sflag:s3] =	ssyncset.done $0x0  }
0x61: {  	[sflag:s3] =	ssyncadd.s32 $0xFFFF8000  }
0x62: {  	_ =	swait.ge [sflag:s13], $0x8000  }
.Ltmp1:
0x63: {  	[sflag:s13] =	ssyncset.done $0x0;
	(pc) =	sbr.rel @p0 .LBB2_1-.Ltmp1, $4  }
0x64: {  	[sflag:s13] =	ssyncadd.s32 $0xFFFF8000  }
0x65: {  	[hbm4b:s17+s2] =	stream.linear.scatter [tilespmem:s9], [sflag:$0x3], $0x8000, $0x38;
	[tilespmem:$0x10800] =	vst v63  }
0x66: {  	_ =	swait.ge [sflag:s3], $0x8000  }
0x67: {  	[sflag:s3] =	ssyncset.done $0x0  }
.LBB2_2:
0x68: {  	[sflag:s3] =	ssyncadd.s32 $0xFFFF8000  }
0x69: {  	_ =	sfence.sel $0x180000  }
0x6a: {  	[bflag:$0x0] =	sbarrier.arrive $0xFFFF  }
0x6b: {  	p0 =	sne.s32 s0, $0x0;
	_ =	strace $0x90000050  }
0x6c: {  	s0 =	sadd.s32 @!p0 $0x100000, s1;
	[bflag:$0x2] =	sbarrier.arrive $0xFFFF  }
0x6d: {  	[sflag:s0] =	ssyncadd.tile.s32 @!p0 $0x1;
	_ =	shalt  }
.Lfunc_end2:
_tile_overlayer_lowered:
.L_overlay_start_2:
0x6e: {  	(tag) =	ssettag $0x2  }
0x6f: {  	s0 =	rddreg [dreg:$0x0];
	s2 =	stileid.u32  }
0x70: {  	s1 =	rddreg [dreg:$0x1];
	p0 =	sne.s32 s2, $0x0  }
0x71: {  	s3 =	rddreg [dreg:$0x2];
	[bflag:$0x3] =	sbarrier.arrive $0xFFFF;
	s2 =	simm.s32 @!p0 $0x1C03  }
0x72: {  	[timem:s3], [sflag:s2] =	dma.local @!p0 [hbm:s0], s1  }
0x73: {  	s0 =	simm.s32 @!p0 $0x3  }
0x74: {  	_ =	swait.ge @!p0 [sflag:s0], s1  }
0x75: {  	s1 =	ssub.s32 @!p0 $0x0, s1;
	[sflag:s0] =	ssyncset.done @!p0 $0x0  }
0x76: {  	[sflag:s0] =	ssyncadd.s32 @!p0 s1  }
0x77: {  	[bflag:$0x3] =	sbarrier.arrive $0xFFFF  }
0x78: {  	_ =	shalt  }

// kernel: kernel.22.cloned.1.call-start
scs
__scs_entry_jumppad:
0x0: {  	(pc) =	sbr.rel $0x88, $3  }
0x1: {  	(tag) =	ssettag $0x0;
	lr =	simm.s32 $0x1  }
0x2: {  	[smem:$0x3F8F] =	sst lr;
	_ =	strace $0xD0000000  }
0x3: {  	_ = 	snop  }
0x4: {  	_ = 	snop  }
0x5: {  	_ = 	snop  }
0x6: {  	_ = 	snop  }
0x7: {  	_ = 	snop  }
__scs_overlays_trampoline_lowered:
0x8: {  	[smem:$0x3F9E] =	sst s0  }
0x9: {  	[smem:$0x3F9F] =	sst s1  }
0xa: {  	[smem:$0x3FA0] =	sst s2  }
0xb: {  	[smem:$0x3FA1] =	sst s3  }
0xc: {  	[smem:$0x3FA2] =	sst s4  }
0xd: {  	[smem:$0x3FA3] =	sst s5  }
0xe: {  	[smem:$0x3FA4] =	sst s6  }
0xf: {  	[smem:$0x3FA5] =	sst s7  }
0x10: {  	[smem:$0x3FA6] =	sst s8  }
0x11: {  	[smem:$0x3FA7] =	sst s9;
	s0 =	simm.s32 @!p0 $0x0  }
0x12: {  	s1 =	sld [smem:$0x3F8D];
	s0 =	simm.s32 @p0 $0x1  }
0x13: {  	[smem:$0x3FA8] =	sst s0;
	s0 =	simm.s32 @!p1 $0x0  }
0x14: {  	s2 =	sld [smem:$0x3F8C];
	s0 =	simm.s32 @p1 $0x1  }
0x15: {  	[smem:$0x3FA9] =	sst s0;
	s0 =	simm.s32 @!p2 $0x0  }
0x16: {  	s3 =	sld [smem:$0x3FDB];
	s0 =	simm.s32 @p2 $0x1  }
0x17: {  	s4 =	simm.s32 $0x1BF5;
	[smem:$0x3FAB] =	sst s0  }
0x18: {  	s0 =	sld [smem:$0x3F8E];
	_ =	swait.ge [sflag:s4], $0x0  }
0x19: {  	s7 =	sld [smem:$0x3F8F]  }
0x1a: {  	s8 =	sadd.s32 $0xFFFFE003, lr  }
0x1b: {  	s9 =	sadd.s32 $0xFFFFFEF7, lr;
	s5 =	simm.s32 $0xFFFFFFFF;
	p2 =	slt.u32 s8, $0xFFFFF086  }
0x1c: {  	p1 =	slt.u32 s9, $0xF7A;
	s5 =	simm.s32 @!p2 $0x0  }
0x1d: {  	s5 =	simm.s32 @p1 $0x1;
	p0 =	seq.s32 s7, s2  }
0x1e: {  	s7 =	smul.u32 @!p0 $0xF7A, s2;
	p2 =	seq.s32 @!p0 s5, $0x0  }
0x1f: {  	s9 =	smul.u32 $0xF7A, s1;
	s8 =	simm.s32 @!p0 $0x1BF5;
	p2 =	por !p2, p0  }
0x20: {  	[sflag:s8] =	ssyncset.s32 @!p0 $0xFFFFF086;
	s6 =	sadd.s32 @!p0 s3, s7;
	s7 =	simm.s32 @!p0 $0x108  }
0x21: {  	s3 =	sadd.s32 s3, s9;
	s6 =	sadd.s32 @!p0 $0x88, s6;
	s7 =	simm.s32 @p2 $0x1082  }
0x22: {  	[simem:s7], [sflag:s8] =	dma.local @!p0 [hbm:s6], $0xF7A  }
0x23: {  	s9 =	sor.u32 $0xD0000000, s2;
	s6 =	simm.s32 $0x108;
	_ =	swait.ge @!p0 [sflag:s8], $0x0  }
0x24: {  	s3 =	sadd.s32 $0x88, s3;
	s6 =	simm.s32 @!p1 $0x1082;
	[sflag:s4] =	ssyncset.s32 $0xFFFFF086  }
0x25: {  	[simem:s6], [sflag:s4] =	dma.local [hbm:s3], $0xF7A  }
0x26: {  	[smem:$0x3F8F] =	sst s1;
	(tag) =	ssettag s2;
	_ =	strace s9  }
0x27: {  	s1 =	sld [smem:$0x3F9F]  }
0x28: {  	s2 =	sld [smem:$0x3FA0]  }
0x29: {  	s4 =	sld [smem:$0x3FA2]  }
0x2a: {  	p0 =	seq.s32 s5, $0x0;
	s5 =	sld [smem:$0x3FA3]  }
0x2b: {  	s6 =	sld [smem:$0x3FA4]  }
0x2c: {  	s7 =	sld [smem:$0x3FA5]  }
0x2d: {  	s3 =	simm.s32 $0x108;
	s8 =	sld [smem:$0x3FA6]  }
0x2e: {  	s3 =	simm.s32 @!p0 $0x1082;
	s9 =	sld [smem:$0x3FA7]  }
0x2f: {  	lr =	sadd.s32 s0, s3;
	s0 =	sld [smem:$0x3F9E]  }
0x30: {  	s3 =	sld [smem:$0x3FA1]  }
0x31: {  	[smem:$0x3FAA] =	sst s10  }
0x32: {  	s10 =	sld [smem:$0x3FA8];
	_ =	sdelay $0x3  }
0x33: {  	p0 =	seq.s32 s10, $0x1;
	s10 =	sld [smem:$0x3FAA];
	_ =	sdelay $0x3  }
0x34: {  	[smem:$0x3FAA] =	sst s10  }
0x35: {  	s10 =	sld [smem:$0x3FA9];
	_ =	sdelay $0x3  }
0x36: {  	p1 =	seq.s32 s10, $0x1;
	s10 =	sld [smem:$0x3FAA];
	_ =	sdelay $0x3  }
0x37: {  	[smem:$0x3FAA] =	sst s10  }
0x38: {  	s10 =	sld [smem:$0x3FAB]  }
0x39: {  	_ = 	snop;
	(pc) =	sbr.ind lr, $3  }
0x3a: {  	_ = 	snop  }
0x3b: {  	_ = 	snop  }
0x3c: {  	p2 =	seq.s32 s10, $0x1;
	s10 =	sld [smem:$0x3FAA]  }
0x3d: {  	_ =	shalt  }
0x3e: {  	_ =	shalt  }
0x3f: {  	_ =	shalt  }
0x40: {  	_ =	shalt  }
0x41: {  	_ =	shalt  }
0x42: {  	_ =	shalt  }
0x43: {  	_ =	shalt  }
0x44: {  	_ =	shalt  }
0x45: {  	_ =	shalt  }
0x46: {  	_ =	shalt  }
0x47: {  	_ =	shalt  }
0x48: {  	_ =	shalt  }
0x49: {  	_ =	shalt  }
0x4a: {  	_ =	shalt  }
0x4b: {  	_ =	shalt  }
0x4c: {  	_ =	shalt  }
0x4d: {  	_ =	shalt  }
0x4e: {  	_ =	shalt  }
0x4f: {  	_ =	shalt  }
0x50: {  	_ =	shalt  }
0x51: {  	_ =	shalt  }
0x52: {  	_ =	shalt  }
0x53: {  	_ =	shalt  }
0x54: {  	_ =	shalt  }
0x55: {  	_ =	shalt  }
0x56: {  	_ =	shalt  }
0x57: {  	_ =	shalt  }
0x58: {  	_ =	shalt  }
0x59: {  	_ =	shalt  }
0x5a: {  	_ =	shalt  }
0x5b: {  	_ =	shalt  }
0x5c: {  	_ =	shalt  }
0x5d: {  	_ =	shalt  }
0x5e: {  	_ =	shalt  }
0x5f: {  	_ =	shalt  }
0x60: {  	_ =	shalt  }
0x61: {  	_ =	shalt  }
0x62: {  	_ =	shalt  }
0x63: {  	_ =	shalt  }
0x64: {  	_ =	shalt  }
0x65: {  	_ =	shalt  }
0x66: {  	_ =	shalt  }
0x67: {  	_ =	shalt  }
0x68: {  	_ =	shalt  }
0x69: {  	_ =	shalt  }
0x6a: {  	_ =	shalt  }
0x6b: {  	_ =	shalt  }
0x6c: {  	_ =	shalt  }
0x6d: {  	_ =	shalt  }
0x6e: {  	_ =	shalt  }
0x6f: {  	_ =	shalt  }
0x70: {  	_ =	shalt  }
0x71: {  	_ =	shalt  }
0x72: {  	_ =	shalt  }
0x73: {  	_ =	shalt  }
0x74: {  	_ =	shalt  }
0x75: {  	_ =	shalt  }
0x76: {  	_ =	shalt  }
0x77: {  	_ =	shalt  }
0x78: {  	_ =	shalt  }
0x79: {  	_ =	shalt  }
0x7a: {  	_ =	shalt  }
0x7b: {  	_ =	shalt  }
0x7c: {  	_ =	shalt  }
0x7d: {  	_ =	shalt  }
0x7e: {  	_ =	shalt  }
0x7f: {  	_ =	shalt  }
0x80: {  	_ =	shalt  }
0x81: {  	_ =	shalt  }
0x82: {  	_ =	shalt  }
0x83: {  	_ =	shalt  }
0x84: {  	_ =	shalt  }
0x85: {  	_ =	shalt  }
0x86: {  	_ =	shalt  }
0x87: {  	_ =	shalt  }
.Lfunc_end0:
.L_simem_size_0:
called_computation.4_lowered:
.L_overlay_start_0:
0x88: {  	s2 =	sld [smem:$0x3FD9]  }
0x89: {  	s3 =	sld [smem:$0x3FFE];
	_ =	sdelay $0x1  }
0x8a: {  	s1 =	srdreg.scid  }
0x8b: {  	s0 =	sand.u32 $0x1, s1  }
0x8c: {  	s16 =	sshll.u32 s0, $0xA;
	s2 =	sadd.s32 s3, s2  }
0x8d: {  	s2 =	sadd.s32 s2, s16  }
0x8e: {  	[smem:$0x3FB6] =	sst s2  }
0x8f: {  	_ = 	snop  }
0x90: {  	(tm) =	ssettm $0x1  }
0x91: {  	s17 =	sld [smem:$0x3FFB];
	_ =	sdelay $0x3  }
0x92: {  	_ =	strace s17  }
0x93: {  	s2 =	sld [smem:$0x3FFC];
	_ =	sdelay $0x3  }
0x94: {  	_ =	strace s2  }
0x95: {  	s2 =	sld [smem:$0x3FFD];
	_ =	sdelay $0x3  }
0x96: {  	_ =	strace s2  }
0x97: {  	_ =	strace $0x8FFFFFFF  }
0x98: {  	s18 =	sld [smem:$0x3FDB];
	_ =	sdelay $0x1  }
0x99: {  	s19 =	simm.s32 $_scs_section_size  }
0x9a: {  	s4 =	simm.s32 $_size__tile_overlayer_lowered;
	s5 =	simm.s32 $_tile_overlayer_lowered  }
0x9b: {  	s22 =	simm.s32 $0x1BFF;
	s21 =	sshll.u32 s5, $0x1;
	s2 =	sadd.s32 s19, s18  }
0x9c: {  	s6 =	simm.s32 $0x0;
	s20 =	sshll.u32 s4, $0x1;
	s4 =	sadd.s32 s21, s2  }
0x9d: {  	[timem:s6], [sflag:s22] =	dma.local [hbm:s4], s20  }
0x9e: {  	_ =	swait.ge [sflag:s22], s20  }
0x9f: {  	s3 =	ssub.s32 $0x0, s20;
	[sflag:s22] =	ssyncset.done $0x0  }
0xa0: {  	[sflag:s22] =	ssyncadd.s32 s3;
	_ =	sdelay $0x1  }
0xa1: {  	s23 =	simm.s32 $0x1B8B  }
0xa2: {  	_ =	swait.ge [sflag:s23], $0x1  }
0xa3: {  	[sflag:s23] =	ssyncset.done $0x0  }
0xa4: {  	s25 =	simm.s32 $0x1B8E;
	s24 =	sld [smem:$0x3FFE];
	[sflag:s23] =	ssyncadd.s32 $0xFFFFFFFF  }
0xa5: {  	s26 =	simm.s32 $execute0_lowered;
	[smem:$0x3FD2] =	sst s25  }
0xa6: {  	s4 =	sshll.u32 s26, $0x1;
	_ =	strace $0x80000052;
	[dreg:$0x1] =	wrdreg $0xFFFFFFFF  }
0xa7: {  	s28 =	simm.s32 $_size_execute0_lowered;
	s2 =	sadd.s32 s2, s4;
	[dreg:$0x0] =	wrdreg $0x0  }
0xa8: {  	s4 =	sshll.u32 s28, $0x1;
	[dreg:$0x2] =	wrdreg s2  }
0xa9: {  	[dreg:$0x3] =	wrdreg s4  }
0xaa: {  	[dreg:$0x4] =	wrdreg $0xC0  }
0xab: {  	_ =	task [dreg:s6], $0x5FFFF  }
0xac: {  	[dreg:$0x1] =	wrdreg $0xFFFFFFFF  }
0xad: {  	[dreg:$0x0] =	wrdreg $0x60  }
0xae: {  	[dreg:$0x2] =	wrdreg s24  }
0xaf: {  	[dreg:$0x3] =	wrdreg $0x9  }
0xb0: {  	_ =	task.clear_ibuf [dreg:s6], $0x4FFFF;
	_ =	strace $0x90000052  }
0xb1: {  	s29 =	simm.s32 $0x9;
	_ =	strace $0x80000054  }
0xb2: {  	_ =	swait.ge [sflag:s29], $0x1  }
0xb3: {  	[sflag:s29] =	ssyncadd.s32 $0xFFFFFFFF  }
0xb4: {  	_ =	strace $0x90000054  }
0xb5: {  	_ =	sfence  }
0xb6: {  	s30 =	sld [smem:$0x0];
	_ =	sdelay $0x2  }
0xb7: {  	s31 =	sshll.u32 s1, $0xD;
	s1 =	sshrl.u32 s1, $0x2  }
0xb8: {  	s3 =	sand.u32 $0x4000, s31;
	s1 =	sadd.s32 s1, s30  }
0xb9: {  	s0 =	sor.u32 s3, s0;
	s1 =	sshll.u32 s1, $0x11  }
0xba: {  	s0 =	sor.u32 s1, s0  }
0xbb: {  	s0 =	sadd.s32 $0x8F2B, s0  }
0xbc: {  	[sflag:s0] =	ssyncadd.remote.s32 $0x1  }
0xbd: {  	_ =	sfence.sel $0xFFFF  }
0xbe: {  	[dreg:$0x0] =	wrdreg $0xFFFFFFFF;
	(pc) =	sbr.abs _section_cstart, $3  }
0xbf: {  	[dreg:$0x1] =	wrdreg $0xFFFFFFFF  }
0xc0: {  	_ =	task.clear_ibuf [dreg:s6], $0x2FFFF;
	_ =	strace $0x9FFFFFFF  }
0xc1: {  	(tm) =	ssettm $0x7FFFFFFF  }
tec
execute0_lowered:
.L_overlay_start_1:
0x0: {  	(tag) =	ssettag $0x1  }
0x1: {  	s1 =	srdreg.scid  }
0x2: {  	s0 =	stileid.u32;
	s17 =	sand.u32 $0x1, s1  }
0x3: {  	s11 =	rddreg [dreg:$0x0];
	s3 =	sshll.u32 s0, $0xD;
	s4 =	sshll.u32 s17, $0xC  }
0x4: {  	s2 =	simm.s32 $0x0;
	s1 =	rddreg [dreg:$0x1];
	s15 =	sor.u32 s4, s3  }
0x5: {  	[smem:$0x7FF] =	sst s2;
	s16 =	sadd.s32 $0xAC00, s11;
	s3 =	sshrl.u32 s15, $0x3  }
0x6: {  	_ =	strace $0x80000053;
	s4 =	sadd.s32 s16, s3;
	s3 =	simm.s32 $0x3  }
0x7: {  	[tilespmem:s2], [sflag:$0x3] =	stream.linear.gather [hbm4b:s4+s2], $0x400, $0x38;
	[tilespmem:$0x10800] =	vst v63  }
0x8: {  	s6 =	simm.s32 $0x400;
	_ =	swait.ge [sflag:s3], $0x400  }
0x9: {  	s7 =	simm.s32 $0x800;
	s14 =	sor.u32 $0x400, s15;
	[sflag:s3] =	ssyncset.done $0x0  }
0xa: {  	s5 =	sadd.s32 $0x6C00, s11;
	s8 =	sshrl.u32 s14, $0x3;
	[sflag:s3] =	ssyncadd.s32 $0xFFFFFC00  }
0xb: {  	[tilespmem:s7], [sflag:$0x1] =	stream.indirect.gather [hbm4b:s5+s6], $0x20, s2, s6, $0xb8;
	[tilespmem:$0x10800] =	vst v63  }
0xc: {  	s8 =	sadd.s32 s16, s8  }
0xd: {  	[tilespmem:s6], [sflag:$0x3] =	stream.linear.gather [hbm4b:s8+s2], $0x400, $0x38;
	[tilespmem:$0x10800] =	vst v63  }
0xe: {  	_ =	swait.ge [sflag:s3], $0x400  }
0xf: {  	[sflag:s3] =	ssyncset.done $0x0  }
0x10: {  	s9 =	simm.s32 $0x8800;
	s10 =	simm.s32 $0x1;
	[sflag:s3] =	ssyncadd.s32 $0xFFFFFC00  }
0x11: {  	[tilespmem:s9], [sflag:$0x2] =	stream.indirect.gather [hbm4b:s5+s6], $0x20, s6, s6, $0xb8;
	[tilespmem:$0x10800] =	vst v63  }
0x12: {  	_ =	swait.ge [sflag:s10], $0x8000  }
0x13: {  	s18 =	sadd.s32 $0xEC00, s11;
	s26 =	sshll.u32 s15, $0x2;
	[sflag:s10] =	ssyncset.done $0x0  }
0x14: {  	s11 =	sadd.s32 s18, s26;
	[sflag:s10] =	ssyncadd.s32 $0xFFFF8000  }
0x15: {  	[hbm4b:s11+s2] =	stream.linear.scatter [tilespmem:s7], [sflag:$0x3], $0x8000, $0x38;
	[tilespmem:$0x10800] =	vst v63  }
0x16: {  	s19 =	sor.u32 $0x800, s15;
	_ =	swait.ge [sflag:s3], $0x8000  }
0x17: {  	s12 =	sshrl.u32 s19, $0x3;
	[sflag:s3] =	ssyncset.done $0x0  }
0x18: {  	s12 =	sadd.s32 s16, s12;
	[sflag:s3] =	ssyncadd.s32 $0xFFFF8000  }
0x19: {  	[tilespmem:s2], [sflag:$0x3] =	stream.linear.gather [hbm4b:s12+s2], $0x400, $0x38;
	[tilespmem:$0x10800] =	vst v63  }
0x1a: {  	_ =	swait.ge [sflag:s3], $0x400  }
0x1b: {  	[sflag:s3] =	ssyncset.done $0x0  }
0x1c: {  	s13 =	simm.s32 $0x2;
	[sflag:s3] =	ssyncadd.s32 $0xFFFFFC00  }
0x1d: {  	[tilespmem:s7], [sflag:$0x1] =	stream.indirect.gather [hbm4b:s5+s6], $0x20, s2, s6, $0xb8;
	[tilespmem:$0x10800] =	vst v63  }
0x1e: {  	_ =	swait.ge [sflag:s13], $0x8000  }
0x1f: {  	s14 =	sshll.u32 s14, $0x2;
	[sflag:s13] =	ssyncset.done $0x0  }
0x20: {  	s14 =	sadd.s32 s18, s14;
	[sflag:s13] =	ssyncadd.s32 $0xFFFF8000  }
0x21: {  	[hbm4b:s14+s2] =	stream.linear.scatter [tilespmem:s9], [sflag:$0x3], $0x8000, $0x38;
	[tilespmem:$0x10800] =	vst v63  }
0x22: {  	s20 =	sor.u32 $0xC00, s15;
	_ =	swait.ge [sflag:s3], $0x8000  }
0x23: {  	s15 =	sshrl.u32 s20, $0x3;
	[sflag:s3] =	ssyncset.done $0x0  }
0x24: {  	s15 =	sadd.s32 s16, s15;
	[sflag:s3] =	ssyncadd.s32 $0xFFFF8000  }
0x25: {  	[tilespmem:s6], [sflag:$0x3] =	stream.linear.gather [hbm4b:s15+s2], $0x400, $0x38;
	[tilespmem:$0x10800] =	vst v63  }
0x26: {  	_ =	swait.ge [sflag:s3], $0x400  }
0x27: {  	[sflag:s3] =	ssyncset.done $0x0  }
0x28: {  	[sflag:s3] =	ssyncadd.s32 $0xFFFFFC00  }
0x29: {  	[tilespmem:s9], [sflag:$0x2] =	stream.indirect.gather [hbm4b:s5+s6], $0x20, s6, s6, $0xb8;
	[tilespmem:$0x10800] =	vst v63  }
0x2a: {  	_ =	swait.ge [sflag:s10], $0x8000  }
0x2b: {  	s28 =	sshll.u32 s19, $0x2;
	[sflag:s10] =	ssyncset.done $0x0  }
0x2c: {  	s17 =	ssub.s32 $0x2, s17;
	s16 =	sadd.s32 s18, s28;
	[sflag:s10] =	ssyncadd.s32 $0xFFFF8000  }
0x2d: {  	[hbm4b:s16+s2] =	stream.linear.scatter [tilespmem:s7], [sflag:$0x3], $0x8000, $0x38;
	[tilespmem:$0x10800] =	vst v63  }
0x2e: {  	s29 =	sshrl.u32 s17, $0x1;
	_ =	swait.ge [sflag:s3], $0x8000  }
0x2f: {  	s19 =	ssub.s32 s17, s29;
	[sflag:s3] =	ssyncset.done $0x0  }
0x30: {  	s31 =	smax.u32 s19, $0x1;
	[sflag:s3] =	ssyncadd.s32 $0xFFFF8000  }
0x31: {  	p0 =	sne.s32 s31, $0x1;
	_ =	swait.ge [sflag:s13], $0x8000  }
.Ltmp0:
0x32: {  	s30 =	sshll.u32 s20, $0x2;
	[sflag:s13] =	ssyncset.done $0x0;
	(pc) =	sbr.rel @!p0 .LBB2_2-.Ltmp0, $4  }
0x33: {  	s17 =	sadd.s32 s18, s30;
	[sflag:s13] =	ssyncadd.s32 $0xFFFF8000  }
0x34: {  	[hbm4b:s17+s2] =	stream.linear.scatter [tilespmem:s9], [sflag:$0x3], $0x8000, $0x38;
	[tilespmem:$0x10800] =	vst v63  }
0x35: {  	_ =	swait.ge [sflag:s3], $0x8000  }
0x36: {  	s18 =	sadd.s32 $0xFFFFFFFF, s31;
	[sflag:s3] =	ssyncset.done $0x0  }
.LBB2_1:
0x37: {  	p0 =	sne.s32 s18, $0x1;
	s18 =	sadd.s32 $0xFFFFFFFF, s18;
	[sflag:s3] =	ssyncadd.s32 $0xFFFF8000  }
0x38: {  	[tilespmem:s2], [sflag:$0x3] =	stream.linear.gather [hbm4b:s4+s2], $0x400, $0x38;
	[tilespmem:$0x10800] =	vst v63  }
0x39: {  	_ =	swait.ge [sflag:s3], $0x400  }
0x3a: {  	[sflag:s3] =	ssyncset.done $0x0  }
0x3b: {  	[sflag:s3] =	ssyncadd.s32 $0xFFFFFC00  }
0x3c: {  	[tilespmem:s7], [sflag:$0x1] =	stream.indirect.gather [hbm4b:s5+s6], $0x20, s2, s6, $0xb8;
	[tilespmem:$0x10800] =	vst v63  }
0x3d: {  	_ = 	snop  }
0x3e: {  	[tilespmem:s6], [sflag:$0x3] =	stream.linear.gather [hbm4b:s8+s2], $0x400, $0x38;
	[tilespmem:$0x10800] =	vst v63  }
0x3f: {  	_ =	swait.ge [sflag:s3], $0x400  }
0x40: {  	[sflag:s3] =	ssyncset.done $0x0  }
0x41: {  	[sflag:s3] =	ssyncadd.s32 $0xFFFFFC00  }
0x42: {  	[tilespmem:s9], [sflag:$0x2] =	stream.indirect.gather [hbm4b:s5+s6], $0x20, s6, s6, $0xb8;
	[tilespmem:$0x10800] =	vst v63  }
0x43: {  	_ =	swait.ge [sflag:s10], $0x8000  }
0x44: {  	[sflag:s10] =	ssyncset.done $0x0  }
0x45: {  	[sflag:s10] =	ssyncadd.s32 $0xFFFF8000  }
0x46: {  	[hbm4b:s11+s2] =	stream.linear.scatter [tilespmem:s7], [sflag:$0x3], $0x8000, $0x38;
	[tilespmem:$0x10800] =	vst v63  }
0x47: {  	_ =	swait.ge [sflag:s3], $0x8000  }
0x48: {  	[sflag:s3] =	ssyncset.done $0x0  }
0x49: {  	[sflag:s3] =	ssyncadd.s32 $0xFFFF8000  }
0x4a: {  	[tilespmem:s2], [sflag:$0x3] =	stream.linear.gather [hbm4b:s12+s2], $0x400, $0x38;
	[tilespmem:$0x10800] =	vst v63  }
0x4b: {  	_ =	swait.ge [sflag:s3], $0x400  }
0x4c: {  	[sflag:s3] =	ssyncset.done $0x0  }
0x4d: {  	[sflag:s3] =	ssyncadd.s32 $0xFFFFFC00  }
0x4e: {  	[tilespmem:s7], [sflag:$0x1] =	stream.indirect.gather [hbm4b:s5+s6], $0x20, s2, s6, $0xb8;
	[tilespmem:$0x10800] =	vst v63  }
0x4f: {  	_ =	swait.ge [sflag:s13], $0x8000  }
0x50: {  	[sflag:s13] =	ssyncset.done $0x0  }
0x51: {  	[sflag:s13] =	ssyncadd.s32 $0xFFFF8000  }
0x52: {  	[hbm4b:s14+s2] =	stream.linear.scatter [tilespmem:s9], [sflag:$0x3], $0x8000, $0x38;
	[tilespmem:$0x10800] =	vst v63  }
0x53: {  	_ =	swait.ge [sflag:s3], $0x8000  }
0x54: {  	[sflag:s3] =	ssyncset.done $0x0  }
0x55: {  	[sflag:s3] =	ssyncadd.s32 $0xFFFF8000  }
0x56: {  	[tilespmem:s6], [sflag:$0x3] =	stream.linear.gather [hbm4b:s15+s2], $0x400, $0x38;
	[tilespmem:$0x10800] =	vst v63  }
0x57: {  	_ =	swait.ge [sflag:s3], $0x400  }
0x58: {  	[sflag:s3] =	ssyncset.done $0x0  }
0x59: {  	[sflag:s3] =	ssyncadd.s32 $0xFFFFFC00  }
0x5a: {  	[tilespmem:s9], [sflag:$0x2] =	stream.indirect.gather [hbm4b:s5+s6], $0x20, s6, s6, $0xb8;
	[tilespmem:$0x10800] =	vst v63  }
0x5b: {  	_ =	swait.ge [sflag:s10], $0x8000  }
0x5c: {  	[sflag:s10] =	ssyncset.done $0x0  }
0x5d: {  	[sflag:s10] =	ssyncadd.s32 $0xFFFF8000  }
0x5e: {  	[hbm4b:s16+s2] =	stream.linear.scatter [tilespmem:s7], [sflag:$0x3], $0x8000, $0x38;
	[tilespmem:$0x10800] =	vst v63  }
0x5f: {  	_ =	swait.ge [sflag:s3], $0x8000  }
0x60: {  	[sflag:s3] =	ssyncset.done $0x0  }
0x61: {  	[sflag:s3] =	ssyncadd.s32 $0xFFFF8000  }
0x62: {  	_ =	swait.ge [sflag:s13], $0x8000  }
.Ltmp1:
0x63: {  	[sflag:s13] =	ssyncset.done $0x0;
	(pc) =	sbr.rel @p0 .LBB2_1-.Ltmp1, $4  }
0x64: {  	[sflag:s13] =	ssyncadd.s32 $0xFFFF8000  }
0x65: {  	[hbm4b:s17+s2] =	stream.linear.scatter [tilespmem:s9], [sflag:$0x3], $0x8000, $0x38;
	[tilespmem:$0x10800] =	vst v63  }
0x66: {  	_ =	swait.ge [sflag:s3], $0x8000  }
0x67: {  	[sflag:s3] =	ssyncset.done $0x0  }
.LBB2_2:
0x68: {  	[sflag:s3] =	ssyncadd.s32 $0xFFFF8000  }
0x69: {  	_ =	sfence.sel $0x180000  }
0x6a: {  	[bflag:$0x0] =	sbarrier.arrive $0xFFFF  }
0x6b: {  	p0 =	sne.s32 s0, $0x0;
	_ =	strace $0x90000053  }
0x6c: {  	s0 =	sadd.s32 @!p0 $0x100000, s1;
	[bflag:$0x2] =	sbarrier.arrive $0xFFFF  }
0x6d: {  	[sflag:s0] =	ssyncadd.tile.s32 @!p0 $0x1;
	_ =	shalt  }
.Lfunc_end2:
_tile_overlayer_lowered:
.L_overlay_start_2:
0x6e: {  	(tag) =	ssettag $0x2  }
0x6f: {  	s0 =	rddreg [dreg:$0x0];
	s2 =	stileid.u32  }
0x70: {  	s1 =	rddreg [dreg:$0x1];
	p0 =	sne.s32 s2, $0x0  }
0x71: {  	s3 =	rddreg [dreg:$0x2];
	[bflag:$0x3] =	sbarrier.arrive $0xFFFF;
	s2 =	simm.s32 @!p0 $0x1C03  }
0x72: {  	[timem:s3], [sflag:s2] =	dma.local @!p0 [hbm:s0], s1  }
0x73: {  	s0 =	simm.s32 @!p0 $0x3  }
0x74: {  	_ =	swait.ge @!p0 [sflag:s0], s1  }
0x75: {  	s1 =	ssub.s32 @!p0 $0x0, s1;
	[sflag:s0] =	ssyncset.done @!p0 $0x0  }
0x76: {  	[sflag:s0] =	ssyncadd.s32 @!p0 s1  }
0x77: {  	[bflag:$0x3] =	sbarrier.arrive $0xFFFF  }
0x78: {  	_ =	shalt  }

// kernel: kernel.25.cloned.1.call-start
scs
__scs_entry_jumppad:
0x0: {  	(pc) =	sbr.rel $0x88, $3  }
0x1: {  	(tag) =	ssettag $0x0;
	lr =	simm.s32 $0x1  }
0x2: {  	[smem:$0x3F8F] =	sst lr;
	_ =	strace $0xD0000000  }
0x3: {  	_ = 	snop  }
0x4: {  	_ = 	snop  }
0x5: {  	_ = 	snop  }
0x6: {  	_ = 	snop  }
0x7: {  	_ = 	snop  }
__scs_overlays_trampoline_lowered:
0x8: {  	[smem:$0x3F9E] =	sst s0  }
0x9: {  	[smem:$0x3F9F] =	sst s1  }
0xa: {  	[smem:$0x3FA0] =	sst s2  }
0xb: {  	[smem:$0x3FA1] =	sst s3  }
0xc: {  	[smem:$0x3FA2] =	sst s4  }
0xd: {  	[smem:$0x3FA3] =	sst s5  }
0xe: {  	[smem:$0x3FA4] =	sst s6  }
0xf: {  	[smem:$0x3FA5] =	sst s7  }
0x10: {  	[smem:$0x3FA6] =	sst s8  }
0x11: {  	[smem:$0x3FA7] =	sst s9;
	s0 =	simm.s32 @!p0 $0x0  }
0x12: {  	s1 =	sld [smem:$0x3F8D];
	s0 =	simm.s32 @p0 $0x1  }
0x13: {  	[smem:$0x3FA8] =	sst s0;
	s0 =	simm.s32 @!p1 $0x0  }
0x14: {  	s2 =	sld [smem:$0x3F8C];
	s0 =	simm.s32 @p1 $0x1  }
0x15: {  	[smem:$0x3FA9] =	sst s0;
	s0 =	simm.s32 @!p2 $0x0  }
0x16: {  	s3 =	sld [smem:$0x3FDB];
	s0 =	simm.s32 @p2 $0x1  }
0x17: {  	s4 =	simm.s32 $0x1BF5;
	[smem:$0x3FAB] =	sst s0  }
0x18: {  	s0 =	sld [smem:$0x3F8E];
	_ =	swait.ge [sflag:s4], $0x0  }
0x19: {  	s7 =	sld [smem:$0x3F8F]  }
0x1a: {  	s8 =	sadd.s32 $0xFFFFE003, lr  }
0x1b: {  	s9 =	sadd.s32 $0xFFFFFEF7, lr;
	s5 =	simm.s32 $0xFFFFFFFF;
	p2 =	slt.u32 s8, $0xFFFFF086  }
0x1c: {  	p1 =	slt.u32 s9, $0xF7A;
	s5 =	simm.s32 @!p2 $0x0  }
0x1d: {  	s5 =	simm.s32 @p1 $0x1;
	p0 =	seq.s32 s7, s2  }
0x1e: {  	s7 =	smul.u32 @!p0 $0xF7A, s2;
	p2 =	seq.s32 @!p0 s5, $0x0  }
0x1f: {  	s9 =	smul.u32 $0xF7A, s1;
	s8 =	simm.s32 @!p0 $0x1BF5;
	p2 =	por !p2, p0  }
0x20: {  	[sflag:s8] =	ssyncset.s32 @!p0 $0xFFFFF086;
	s6 =	sadd.s32 @!p0 s3, s7;
	s7 =	simm.s32 @!p0 $0x108  }
0x21: {  	s3 =	sadd.s32 s3, s9;
	s6 =	sadd.s32 @!p0 $0x88, s6;
	s7 =	simm.s32 @p2 $0x1082  }
0x22: {  	[simem:s7], [sflag:s8] =	dma.local @!p0 [hbm:s6], $0xF7A  }
0x23: {  	s9 =	sor.u32 $0xD0000000, s2;
	s6 =	simm.s32 $0x108;
	_ =	swait.ge @!p0 [sflag:s8], $0x0  }
0x24: {  	s3 =	sadd.s32 $0x88, s3;
	s6 =	simm.s32 @!p1 $0x1082;
	[sflag:s4] =	ssyncset.s32 $0xFFFFF086  }
0x25: {  	[simem:s6], [sflag:s4] =	dma.local [hbm:s3], $0xF7A  }
0x26: {  	[smem:$0x3F8F] =	sst s1;
	(tag) =	ssettag s2;
	_ =	strace s9  }
0x27: {  	s1 =	sld [smem:$0x3F9F]  }
0x28: {  	s2 =	sld [smem:$0x3FA0]  }
0x29: {  	s4 =	sld [smem:$0x3FA2]  }
0x2a: {  	p0 =	seq.s32 s5, $0x0;
	s5 =	sld [smem:$0x3FA3]  }
0x2b: {  	s6 =	sld [smem:$0x3FA4]  }
0x2c: {  	s7 =	sld [smem:$0x3FA5]  }
0x2d: {  	s3 =	simm.s32 $0x108;
	s8 =	sld [smem:$0x3FA6]  }
0x2e: {  	s3 =	simm.s32 @!p0 $0x1082;
	s9 =	sld [smem:$0x3FA7]  }
0x2f: {  	lr =	sadd.s32 s0, s3;
	s0 =	sld [smem:$0x3F9E]  }
0x30: {  	s3 =	sld [smem:$0x3FA1]  }
0x31: {  	[smem:$0x3FAA] =	sst s10  }
0x32: {  	s10 =	sld [smem:$0x3FA8];
	_ =	sdelay $0x3  }
0x33: {  	p0 =	seq.s32 s10, $0x1;
	s10 =	sld [smem:$0x3FAA];
	_ =	sdelay $0x3  }
0x34: {  	[smem:$0x3FAA] =	sst s10  }
0x35: {  	s10 =	sld [smem:$0x3FA9];
	_ =	sdelay $0x3  }
0x36: {  	p1 =	seq.s32 s10, $0x1;
	s10 =	sld [smem:$0x3FAA];
	_ =	sdelay $0x3  }
0x37: {  	[smem:$0x3FAA] =	sst s10  }
0x38: {  	s10 =	sld [smem:$0x3FAB]  }
0x39: {  	_ = 	snop;
	(pc) =	sbr.ind lr, $3  }
0x3a: {  	_ = 	snop  }
0x3b: {  	_ = 	snop  }
0x3c: {  	p2 =	seq.s32 s10, $0x1;
	s10 =	sld [smem:$0x3FAA]  }
0x3d: {  	_ =	shalt  }
0x3e: {  	_ =	shalt  }
0x3f: {  	_ =	shalt  }
0x40: {  	_ =	shalt  }
0x41: {  	_ =	shalt  }
0x42: {  	_ =	shalt  }
0x43: {  	_ =	shalt  }
0x44: {  	_ =	shalt  }
0x45: {  	_ =	shalt  }
0x46: {  	_ =	shalt  }
0x47: {  	_ =	shalt  }
0x48: {  	_ =	shalt  }
0x49: {  	_ =	shalt  }
0x4a: {  	_ =	shalt  }
0x4b: {  	_ =	shalt  }
0x4c: {  	_ =	shalt  }
0x4d: {  	_ =	shalt  }
0x4e: {  	_ =	shalt  }
0x4f: {  	_ =	shalt  }
0x50: {  	_ =	shalt  }
0x51: {  	_ =	shalt  }
0x52: {  	_ =	shalt  }
0x53: {  	_ =	shalt  }
0x54: {  	_ =	shalt  }
0x55: {  	_ =	shalt  }
0x56: {  	_ =	shalt  }
0x57: {  	_ =	shalt  }
0x58: {  	_ =	shalt  }
0x59: {  	_ =	shalt  }
0x5a: {  	_ =	shalt  }
0x5b: {  	_ =	shalt  }
0x5c: {  	_ =	shalt  }
0x5d: {  	_ =	shalt  }
0x5e: {  	_ =	shalt  }
0x5f: {  	_ =	shalt  }
0x60: {  	_ =	shalt  }
0x61: {  	_ =	shalt  }
0x62: {  	_ =	shalt  }
0x63: {  	_ =	shalt  }
0x64: {  	_ =	shalt  }
0x65: {  	_ =	shalt  }
0x66: {  	_ =	shalt  }
0x67: {  	_ =	shalt  }
0x68: {  	_ =	shalt  }
0x69: {  	_ =	shalt  }
0x6a: {  	_ =	shalt  }
0x6b: {  	_ =	shalt  }
0x6c: {  	_ =	shalt  }
0x6d: {  	_ =	shalt  }
0x6e: {  	_ =	shalt  }
0x6f: {  	_ =	shalt  }
0x70: {  	_ =	shalt  }
0x71: {  	_ =	shalt  }
0x72: {  	_ =	shalt  }
0x73: {  	_ =	shalt  }
0x74: {  	_ =	shalt  }
0x75: {  	_ =	shalt  }
0x76: {  	_ =	shalt  }
0x77: {  	_ =	shalt  }
0x78: {  	_ =	shalt  }
0x79: {  	_ =	shalt  }
0x7a: {  	_ =	shalt  }
0x7b: {  	_ =	shalt  }
0x7c: {  	_ =	shalt  }
0x7d: {  	_ =	shalt  }
0x7e: {  	_ =	shalt  }
0x7f: {  	_ =	shalt  }
0x80: {  	_ =	shalt  }
0x81: {  	_ =	shalt  }
0x82: {  	_ =	shalt  }
0x83: {  	_ =	shalt  }
0x84: {  	_ =	shalt  }
0x85: {  	_ =	shalt  }
0x86: {  	_ =	shalt  }
0x87: {  	_ =	shalt  }
.Lfunc_end0:
.L_simem_size_0:
called_computation.5_lowered:
.L_overlay_start_0:
0x88: {  	s2 =	sld [smem:$0x3FD9]  }
0x89: {  	s3 =	sld [smem:$0x3FFE];
	_ =	sdelay $0x1  }
0x8a: {  	s1 =	srdreg.scid  }
0x8b: {  	s0 =	sand.u32 $0x1, s1  }
0x8c: {  	s16 =	sshll.u32 s0, $0xA;
	s2 =	sadd.s32 s3, s2  }
0x8d: {  	s2 =	sadd.s32 s2, s16  }
0x8e: {  	[smem:$0x3FB6] =	sst s2  }
0x8f: {  	_ = 	snop  }
0x90: {  	(tm) =	ssettm $0x1  }
0x91: {  	s17 =	sld [smem:$0x3FFB];
	_ =	sdelay $0x3  }
0x92: {  	_ =	strace s17  }
0x93: {  	s2 =	sld [smem:$0x3FFC];
	_ =	sdelay $0x3  }
0x94: {  	_ =	strace s2  }
0x95: {  	s2 =	sld [smem:$0x3FFD];
	_ =	sdelay $0x3  }
0x96: {  	_ =	strace s2  }
0x97: {  	_ =	strace $0x8FFFFFFF  }
0x98: {  	s18 =	sld [smem:$0x3FDB];
	_ =	sdelay $0x1  }
0x99: {  	s19 =	simm.s32 $_scs_section_size  }
0x9a: {  	s4 =	simm.s32 $_size__tile_overlayer_lowered;
	s5 =	simm.s32 $_tile_overlayer_lowered  }
0x9b: {  	s22 =	simm.s32 $0x1BFF;
	s21 =	sshll.u32 s5, $0x1;
	s2 =	sadd.s32 s19, s18  }
0x9c: {  	s6 =	simm.s32 $0x0;
	s20 =	sshll.u32 s4, $0x1;
	s4 =	sadd.s32 s21, s2  }
0x9d: {  	[timem:s6], [sflag:s22] =	dma.local [hbm:s4], s20  }
0x9e: {  	_ =	swait.ge [sflag:s22], s20  }
0x9f: {  	s3 =	ssub.s32 $0x0, s20;
	[sflag:s22] =	ssyncset.done $0x0  }
0xa0: {  	[sflag:s22] =	ssyncadd.s32 s3;
	_ =	sdelay $0x1  }
0xa1: {  	s23 =	simm.s32 $0x1B8B  }
0xa2: {  	_ =	swait.ge [sflag:s23], $0x1  }
0xa3: {  	[sflag:s23] =	ssyncset.done $0x0  }
0xa4: {  	s25 =	simm.s32 $0x1B8E;
	s24 =	sld [smem:$0x3FFE];
	[sflag:s23] =	ssyncadd.s32 $0xFFFFFFFF  }
0xa5: {  	s26 =	simm.s32 $execute0_lowered;
	[smem:$0x3FD2] =	sst s25  }
0xa6: {  	s4 =	sshll.u32 s26, $0x1;
	_ =	strace $0x80000055;
	[dreg:$0x1] =	wrdreg $0xFFFFFFFF  }
0xa7: {  	s28 =	simm.s32 $_size_execute0_lowered;
	s2 =	sadd.s32 s2, s4;
	[dreg:$0x0] =	wrdreg $0x0  }
0xa8: {  	s4 =	sshll.u32 s28, $0x1;
	[dreg:$0x2] =	wrdreg s2  }
0xa9: {  	[dreg:$0x3] =	wrdreg s4  }
0xaa: {  	[dreg:$0x4] =	wrdreg $0xC0  }
0xab: {  	_ =	task [dreg:s6], $0x5FFFF  }
0xac: {  	[dreg:$0x1] =	wrdreg $0xFFFFFFFF  }
0xad: {  	[dreg:$0x0] =	wrdreg $0x60  }
0xae: {  	[dreg:$0x2] =	wrdreg s24  }
0xaf: {  	[dreg:$0x3] =	wrdreg $0x9  }
0xb0: {  	_ =	task.clear_ibuf [dreg:s6], $0x4FFFF;
	_ =	strace $0x90000055  }
0xb1: {  	s29 =	simm.s32 $0x9;
	_ =	strace $0x80000057  }
0xb2: {  	_ =	swait.ge [sflag:s29], $0x1  }
0xb3: {  	[sflag:s29] =	ssyncadd.s32 $0xFFFFFFFF  }
0xb4: {  	_ =	strace $0x90000057  }
0xb5: {  	_ =	sfence  }
0xb6: {  	s30 =	sld [smem:$0x0];
	_ =	sdelay $0x2  }
0xb7: {  	s31 =	sshll.u32 s1, $0xD;
	s1 =	sshrl.u32 s1, $0x2  }
0xb8: {  	s3 =	sand.u32 $0x4000, s31;
	s1 =	sadd.s32 s1, s30  }
0xb9: {  	s0 =	sor.u32 s3, s0;
	s1 =	sshll.u32 s1, $0x11  }
0xba: {  	s0 =	sor.u32 s1, s0  }
0xbb: {  	s0 =	sadd.s32 $0x8F2B, s0  }
0xbc: {  	[sflag:s0] =	ssyncadd.remote.s32 $0x1  }
0xbd: {  	_ =	sfence.sel $0xFFFF  }
0xbe: {  	[dreg:$0x0] =	wrdreg $0xFFFFFFFF;
	(pc) =	sbr.abs _section_cstart, $3  }
0xbf: {  	[dreg:$0x1] =	wrdreg $0xFFFFFFFF  }
0xc0: {  	_ =	task.clear_ibuf [dreg:s6], $0x2FFFF;
	_ =	strace $0x9FFFFFFF  }
0xc1: {  	(tm) =	ssettm $0x7FFFFFFF  }
tec
execute0_lowered:
.L_overlay_start_1:
0x0: {  	(tag) =	ssettag $0x1  }
0x1: {  	s1 =	srdreg.scid  }
0x2: {  	s0 =	stileid.u32;
	s17 =	sand.u32 $0x1, s1  }
0x3: {  	s11 =	rddreg [dreg:$0x0];
	s3 =	sshll.u32 s0, $0xD;
	s4 =	sshll.u32 s17, $0xC  }
0x4: {  	s2 =	simm.s32 $0x0;
	s1 =	rddreg [dreg:$0x1];
	s15 =	sor.u32 s4, s3  }
0x5: {  	[smem:$0x7FF] =	sst s2;
	s16 =	sadd.s32 $0xAC00, s11;
	s3 =	sshrl.u32 s15, $0x3  }
0x6: {  	_ =	strace $0x80000056;
	s4 =	sadd.s32 s16, s3;
	s3 =	simm.s32 $0x3  }
0x7: {  	[tilespmem:s2], [sflag:$0x3] =	stream.linear.gather [hbm4b:s4+s2], $0x400, $0x38;
	[tilespmem:$0x10800] =	vst v63  }
0x8: {  	s6 =	simm.s32 $0x400;
	_ =	swait.ge [sflag:s3], $0x400  }
0x9: {  	s7 =	simm.s32 $0x800;
	s14 =	sor.u32 $0x400, s15;
	[sflag:s3] =	ssyncset.done $0x0  }
0xa: {  	s5 =	sadd.s32 $0x6C00, s11;
	s8 =	sshrl.u32 s14, $0x3;
	[sflag:s3] =	ssyncadd.s32 $0xFFFFFC00  }
0xb: {  	[tilespmem:s7], [sflag:$0x1] =	stream.indirect.gather [hbm4b:s5+s6], $0x20, s2, s6, $0xb8;
	[tilespmem:$0x10800] =	vst v63  }
0xc: {  	s8 =	sadd.s32 s16, s8  }
0xd: {  	[tilespmem:s6], [sflag:$0x3] =	stream.linear.gather [hbm4b:s8+s2], $0x400, $0x38;
	[tilespmem:$0x10800] =	vst v63  }
0xe: {  	_ =	swait.ge [sflag:s3], $0x400  }
0xf: {  	[sflag:s3] =	ssyncset.done $0x0  }
0x10: {  	s9 =	simm.s32 $0x8800;
	s10 =	simm.s32 $0x1;
	[sflag:s3] =	ssyncadd.s32 $0xFFFFFC00  }
0x11: {  	[tilespmem:s9], [sflag:$0x2] =	stream.indirect.gather [hbm4b:s5+s6], $0x20, s6, s6, $0xb8;
	[tilespmem:$0x10800] =	vst v63  }
0x12: {  	_ =	swait.ge [sflag:s10], $0x8000  }
0x13: {  	s18 =	sadd.s32 $0xEC00, s11;
	s26 =	sshll.u32 s15, $0x2;
	[sflag:s10] =	ssyncset.done $0x0  }
0x14: {  	s11 =	sadd.s32 s18, s26;
	[sflag:s10] =	ssyncadd.s32 $0xFFFF8000  }
0x15: {  	[hbm4b:s11+s2] =	stream.linear.scatter [tilespmem:s7], [sflag:$0x3], $0x8000, $0x38;
	[tilespmem:$0x10800] =	vst v63  }
0x16: {  	s19 =	sor.u32 $0x800, s15;
	_ =	swait.ge [sflag:s3], $0x8000  }
0x17: {  	s12 =	sshrl.u32 s19, $0x3;
	[sflag:s3] =	ssyncset.done $0x0  }
0x18: {  	s12 =	sadd.s32 s16, s12;
	[sflag:s3] =	ssyncadd.s32 $0xFFFF8000  }
0x19: {  	[tilespmem:s2], [sflag:$0x3] =	stream.linear.gather [hbm4b:s12+s2], $0x400, $0x38;
	[tilespmem:$0x10800] =	vst v63  }
0x1a: {  	_ =	swait.ge [sflag:s3], $0x400  }
0x1b: {  	[sflag:s3] =	ssyncset.done $0x0  }
0x1c: {  	s13 =	simm.s32 $0x2;
	[sflag:s3] =	ssyncadd.s32 $0xFFFFFC00  }
0x1d: {  	[tilespmem:s7], [sflag:$0x1] =	stream.indirect.gather [hbm4b:s5+s6], $0x20, s2, s6, $0xb8;
	[tilespmem:$0x10800] =	vst v63  }
0x1e: {  	_ =	swait.ge [sflag:s13], $0x8000  }
0x1f: {  	s14 =	sshll.u32 s14, $0x2;
	[sflag:s13] =	ssyncset.done $0x0  }
0x20: {  	s14 =	sadd.s32 s18, s14;
	[sflag:s13] =	ssyncadd.s32 $0xFFFF8000  }
0x21: {  	[hbm4b:s14+s2] =	stream.linear.scatter [tilespmem:s9], [sflag:$0x3], $0x8000, $0x38;
	[tilespmem:$0x10800] =	vst v63  }
0x22: {  	s20 =	sor.u32 $0xC00, s15;
	_ =	swait.ge [sflag:s3], $0x8000  }
0x23: {  	s15 =	sshrl.u32 s20, $0x3;
	[sflag:s3] =	ssyncset.done $0x0  }
0x24: {  	s15 =	sadd.s32 s16, s15;
	[sflag:s3] =	ssyncadd.s32 $0xFFFF8000  }
0x25: {  	[tilespmem:s6], [sflag:$0x3] =	stream.linear.gather [hbm4b:s15+s2], $0x400, $0x38;
	[tilespmem:$0x10800] =	vst v63  }
0x26: {  	_ =	swait.ge [sflag:s3], $0x400  }
0x27: {  	[sflag:s3] =	ssyncset.done $0x0  }
0x28: {  	[sflag:s3] =	ssyncadd.s32 $0xFFFFFC00  }
0x29: {  	[tilespmem:s9], [sflag:$0x2] =	stream.indirect.gather [hbm4b:s5+s6], $0x20, s6, s6, $0xb8;
	[tilespmem:$0x10800] =	vst v63  }
0x2a: {  	_ =	swait.ge [sflag:s10], $0x8000  }
0x2b: {  	s28 =	sshll.u32 s19, $0x2;
	[sflag:s10] =	ssyncset.done $0x0  }
0x2c: {  	s17 =	ssub.s32 $0x2, s17;
	s16 =	sadd.s32 s18, s28;
	[sflag:s10] =	ssyncadd.s32 $0xFFFF8000  }
0x2d: {  	[hbm4b:s16+s2] =	stream.linear.scatter [tilespmem:s7], [sflag:$0x3], $0x8000, $0x38;
	[tilespmem:$0x10800] =	vst v63  }
0x2e: {  	s29 =	sshrl.u32 s17, $0x1;
	_ =	swait.ge [sflag:s3], $0x8000  }
0x2f: {  	s19 =	ssub.s32 s17, s29;
	[sflag:s3] =	ssyncset.done $0x0  }
0x30: {  	s31 =	smax.u32 s19, $0x1;
	[sflag:s3] =	ssyncadd.s32 $0xFFFF8000  }
0x31: {  	p0 =	sne.s32 s31, $0x1;
	_ =	swait.ge [sflag:s13], $0x8000  }
.Ltmp0:
0x32: {  	s30 =	sshll.u32 s20, $0x2;
	[sflag:s13] =	ssyncset.done $0x0;
	(pc) =	sbr.rel @!p0 .LBB2_2-.Ltmp0, $4  }
0x33: {  	s17 =	sadd.s32 s18, s30;
	[sflag:s13] =	ssyncadd.s32 $0xFFFF8000  }
0x34: {  	[hbm4b:s17+s2] =	stream.linear.scatter [tilespmem:s9], [sflag:$0x3], $0x8000, $0x38;
	[tilespmem:$0x10800] =	vst v63  }
0x35: {  	_ =	swait.ge [sflag:s3], $0x8000  }
0x36: {  	s18 =	sadd.s32 $0xFFFFFFFF, s31;
	[sflag:s3] =	ssyncset.done $0x0  }
.LBB2_1:
0x37: {  	p0 =	sne.s32 s18, $0x1;
	s18 =	sadd.s32 $0xFFFFFFFF, s18;
	[sflag:s3] =	ssyncadd.s32 $0xFFFF8000  }
0x38: {  	[tilespmem:s2], [sflag:$0x3] =	stream.linear.gather [hbm4b:s4+s2], $0x400, $0x38;
	[tilespmem:$0x10800] =	vst v63  }
0x39: {  	_ =	swait.ge [sflag:s3], $0x400  }
0x3a: {  	[sflag:s3] =	ssyncset.done $0x0  }
0x3b: {  	[sflag:s3] =	ssyncadd.s32 $0xFFFFFC00  }
0x3c: {  	[tilespmem:s7], [sflag:$0x1] =	stream.indirect.gather [hbm4b:s5+s6], $0x20, s2, s6, $0xb8;
	[tilespmem:$0x10800] =	vst v63  }
0x3d: {  	_ = 	snop  }
0x3e: {  	[tilespmem:s6], [sflag:$0x3] =	stream.linear.gather [hbm4b:s8+s2], $0x400, $0x38;
	[tilespmem:$0x10800] =	vst v63  }
0x3f: {  	_ =	swait.ge [sflag:s3], $0x400  }
0x40: {  	[sflag:s3] =	ssyncset.done $0x0  }
0x41: {  	[sflag:s3] =	ssyncadd.s32 $0xFFFFFC00  }
0x42: {  	[tilespmem:s9], [sflag:$0x2] =	stream.indirect.gather [hbm4b:s5+s6], $0x20, s6, s6, $0xb8;
	[tilespmem:$0x10800] =	vst v63  }
0x43: {  	_ =	swait.ge [sflag:s10], $0x8000  }
0x44: {  	[sflag:s10] =	ssyncset.done $0x0  }
0x45: {  	[sflag:s10] =	ssyncadd.s32 $0xFFFF8000  }
0x46: {  	[hbm4b:s11+s2] =	stream.linear.scatter [tilespmem:s7], [sflag:$0x3], $0x8000, $0x38;
	[tilespmem:$0x10800] =	vst v63  }
0x47: {  	_ =	swait.ge [sflag:s3], $0x8000  }
0x48: {  	[sflag:s3] =	ssyncset.done $0x0  }
0x49: {  	[sflag:s3] =	ssyncadd.s32 $0xFFFF8000  }
0x4a: {  	[tilespmem:s2], [sflag:$0x3] =	stream.linear.gather [hbm4b:s12+s2], $0x400, $0x38;
	[tilespmem:$0x10800] =	vst v63  }
0x4b: {  	_ =	swait.ge [sflag:s3], $0x400  }
0x4c: {  	[sflag:s3] =	ssyncset.done $0x0  }
0x4d: {  	[sflag:s3] =	ssyncadd.s32 $0xFFFFFC00  }
0x4e: {  	[tilespmem:s7], [sflag:$0x1] =	stream.indirect.gather [hbm4b:s5+s6], $0x20, s2, s6, $0xb8;
	[tilespmem:$0x10800] =	vst v63  }
0x4f: {  	_ =	swait.ge [sflag:s13], $0x8000  }
0x50: {  	[sflag:s13] =	ssyncset.done $0x0  }
0x51: {  	[sflag:s13] =	ssyncadd.s32 $0xFFFF8000  }
0x52: {  	[hbm4b:s14+s2] =	stream.linear.scatter [tilespmem:s9], [sflag:$0x3], $0x8000, $0x38;
	[tilespmem:$0x10800] =	vst v63  }
0x53: {  	_ =	swait.ge [sflag:s3], $0x8000  }
0x54: {  	[sflag:s3] =	ssyncset.done $0x0  }
0x55: {  	[sflag:s3] =	ssyncadd.s32 $0xFFFF8000  }
0x56: {  	[tilespmem:s6], [sflag:$0x3] =	stream.linear.gather [hbm4b:s15+s2], $0x400, $0x38;
	[tilespmem:$0x10800] =	vst v63  }
0x57: {  	_ =	swait.ge [sflag:s3], $0x400  }
0x58: {  	[sflag:s3] =	ssyncset.done $0x0  }
0x59: {  	[sflag:s3] =	ssyncadd.s32 $0xFFFFFC00  }
0x5a: {  	[tilespmem:s9], [sflag:$0x2] =	stream.indirect.gather [hbm4b:s5+s6], $0x20, s6, s6, $0xb8;
	[tilespmem:$0x10800] =	vst v63  }
0x5b: {  	_ =	swait.ge [sflag:s10], $0x8000  }
0x5c: {  	[sflag:s10] =	ssyncset.done $0x0  }
0x5d: {  	[sflag:s10] =	ssyncadd.s32 $0xFFFF8000  }
0x5e: {  	[hbm4b:s16+s2] =	stream.linear.scatter [tilespmem:s7], [sflag:$0x3], $0x8000, $0x38;
	[tilespmem:$0x10800] =	vst v63  }
0x5f: {  	_ =	swait.ge [sflag:s3], $0x8000  }
0x60: {  	[sflag:s3] =	ssyncset.done $0x0  }
0x61: {  	[sflag:s3] =	ssyncadd.s32 $0xFFFF8000  }
0x62: {  	_ =	swait.ge [sflag:s13], $0x8000  }
.Ltmp1:
0x63: {  	[sflag:s13] =	ssyncset.done $0x0;
	(pc) =	sbr.rel @p0 .LBB2_1-.Ltmp1, $4  }
0x64: {  	[sflag:s13] =	ssyncadd.s32 $0xFFFF8000  }
0x65: {  	[hbm4b:s17+s2] =	stream.linear.scatter [tilespmem:s9], [sflag:$0x3], $0x8000, $0x38;
	[tilespmem:$0x10800] =	vst v63  }
0x66: {  	_ =	swait.ge [sflag:s3], $0x8000  }
0x67: {  	[sflag:s3] =	ssyncset.done $0x0  }
.LBB2_2:
0x68: {  	[sflag:s3] =	ssyncadd.s32 $0xFFFF8000  }
0x69: {  	_ =	sfence.sel $0x180000  }
0x6a: {  	[bflag:$0x0] =	sbarrier.arrive $0xFFFF  }
0x6b: {  	p0 =	sne.s32 s0, $0x0;
	_ =	strace $0x90000056  }
0x6c: {  	s0 =	sadd.s32 @!p0 $0x100000, s1;
	[bflag:$0x2] =	sbarrier.arrive $0xFFFF  }
0x6d: {  	[sflag:s0] =	ssyncadd.tile.s32 @!p0 $0x1;
	_ =	shalt  }
.Lfunc_end2:
_tile_overlayer_lowered:
.L_overlay_start_2:
0x6e: {  	(tag) =	ssettag $0x2  }
0x6f: {  	s0 =	rddreg [dreg:$0x0];
	s2 =	stileid.u32  }
0x70: {  	s1 =	rddreg [dreg:$0x1];
	p0 =	sne.s32 s2, $0x0  }
0x71: {  	s3 =	rddreg [dreg:$0x2];
	[bflag:$0x3] =	sbarrier.arrive $0xFFFF;
	s2 =	simm.s32 @!p0 $0x1C03  }
0x72: {  	[timem:s3], [sflag:s2] =	dma.local @!p0 [hbm:s0], s1  }
0x73: {  	s0 =	simm.s32 @!p0 $0x3  }
0x74: {  	_ =	swait.ge @!p0 [sflag:s0], s1  }
0x75: {  	s1 =	ssub.s32 @!p0 $0x0, s1;
	[sflag:s0] =	ssyncset.done @!p0 $0x0  }
0x76: {  	[sflag:s0] =	ssyncadd.s32 @!p0 s1  }
0x77: {  	[bflag:$0x3] =	sbarrier.arrive $0xFFFF  }
0x78: {  	_ =	shalt  }

// kernel: sparse-core-data-format-call.cloned.1.call-start
scs
called_computation_lowered:
.L_overlay_start_0:
0x0: {  	s1 =	sld [smem:$0x3FD9]  }
0x1: {  	s2 =	sld [smem:$0x3FFE];
	_ =	sdelay $0x1  }
0x2: {  	s3 =	srdreg.scid  }
0x3: {  	s0 =	sand.u32 $0x1, s3  }
0x4: {  	s17 =	sshll.u32 s0, $0xA;
	s1 =	sadd.s32 s2, s1  }
0x5: {  	s1 =	sadd.s32 s1, s17  }
0x6: {  	[smem:$0x3FB6] =	sst s1  }
0x7: {  	_ = 	snop  }
0x8: {  	(tm) =	ssettm $0x1  }
0x9: {  	s18 =	sld [smem:$0x3FFB];
	_ =	sdelay $0x3  }
0xa: {  	_ =	strace s18  }
0xb: {  	s1 =	sld [smem:$0x3FFC];
	_ =	sdelay $0x3  }
0xc: {  	_ =	strace s1  }
0xd: {  	s1 =	sld [smem:$0x3FFD];
	_ =	sdelay $0x3  }
0xe: {  	_ =	strace s1  }
0xf: {  	_ =	strace $0x8FFFFFFF  }
0x10: {  	s19 =	sld [smem:$0x3FDB];
	_ =	sdelay $0x1  }
0x11: {  	s20 =	simm.s32 $_scs_section_size  }
0x12: {  	s4 =	simm.s32 $_size__tile_overlayer_lowered;
	s5 =	simm.s32 $_tile_overlayer_lowered  }
0x13: {  	s23 =	simm.s32 $0x1BFF;
	s22 =	sshll.u32 s5, $0x1;
	s1 =	sadd.s32 s20, s19  }
0x14: {  	s6 =	simm.s32 $0x0;
	s21 =	sshll.u32 s4, $0x1;
	s4 =	sadd.s32 s22, s1  }
0x15: {  	[timem:s6], [sflag:s23] =	dma.local [hbm:s4], s21  }
0x16: {  	_ =	swait.ge [sflag:s23], s21  }
0x17: {  	s2 =	ssub.s32 $0x0, s21;
	[sflag:s23] =	ssyncset.done $0x0  }
0x18: {  	[sflag:s23] =	ssyncadd.s32 s2;
	_ =	sdelay $0x1  }
0x19: {  	s24 =	simm.s32 $0x1B8B  }
0x1a: {  	_ =	swait.ge [sflag:s24], $0x1  }
0x1b: {  	[sflag:s24] =	ssyncset.done $0x0  }
0x1c: {  	s26 =	simm.s32 $0x1B8E;
	s25 =	sld [smem:$0x3FFE];
	[sflag:s24] =	ssyncadd.s32 $0xFFFFFFFF  }
0x1d: {  	s27 =	simm.s32 $execute0_lowered;
	[smem:$0x3FD2] =	sst s26  }
0x1e: {  	s4 =	sshll.u32 s27, $0x1;
	_ =	strace $0x80000046;
	[dreg:$0x1] =	wrdreg $0xFFFFFFFF  }
0x1f: {  	s28 =	simm.s32 $_size_execute0_lowered;
	s1 =	sadd.s32 s1, s4;
	[dreg:$0x0] =	wrdreg $0x0  }
0x20: {  	s4 =	sshll.u32 s28, $0x1;
	[dreg:$0x2] =	wrdreg s1  }
0x21: {  	[dreg:$0x3] =	wrdreg s4  }
0x22: {  	[dreg:$0x4] =	wrdreg $0xC0  }
0x23: {  	_ =	task [dreg:s6], $0x5FFFF  }
0x24: {  	[dreg:$0x1] =	wrdreg $0xFFFFFFFF  }
0x25: {  	[dreg:$0x0] =	wrdreg $0x60  }
0x26: {  	[dreg:$0x2] =	wrdreg s25  }
0x27: {  	[dreg:$0x3] =	wrdreg $0x9  }
0x28: {  	_ =	task.clear_ibuf [dreg:s6], $0x4FFFF;
	_ =	strace $0x90000046  }
0x29: {  	s29 =	simm.s32 $0x9;
	_ =	strace $0x80000048  }
0x2a: {  	_ =	swait.ge [sflag:s29], $0x1  }
0x2b: {  	[sflag:s29] =	ssyncadd.s32 $0xFFFFFFFF  }
0x2c: {  	_ =	strace $0x90000048  }
0x2d: {  	_ =	sfence  }
0x2e: {  	s30 =	sld [smem:$0x0];
	_ =	sdelay $0x2  }
0x2f: {  	s31 =	sshll.u32 s3, $0xD;
	s3 =	sshrl.u32 s3, $0x2  }
0x30: {  	s2 =	sand.u32 $0x4000, s31;
	s1 =	sadd.s32 s3, s30  }
0x31: {  	s0 =	sor.u32 s2, s0;
	s1 =	sshll.u32 s1, $0x11  }
0x32: {  	s0 =	sor.u32 s1, s0  }
0x33: {  	s0 =	sadd.s32 $0x8F2B, s0  }
0x34: {  	[sflag:s0] =	ssyncadd.remote.s32 $0x1  }
0x35: {  	_ =	sfence.sel $0xFFFF  }
0x36: {  	[dreg:$0x0] =	wrdreg $0xFFFFFFFF;
	(pc) =	sbr.abs _section_cstart, $3  }
0x37: {  	[dreg:$0x1] =	wrdreg $0xFFFFFFFF  }
0x38: {  	_ =	task.clear_ibuf [dreg:s6], $0x2FFFF;
	_ =	strace $0x9FFFFFFF  }
0x39: {  	(tm) =	ssettm $0x7FFFFFFF  }
tec
execute0_lowered:
.L_overlay_start_1:
0x0: {  	(tag) =	ssettag $0x1  }
0x1: {  	s1 =	rddreg [dreg:$0x0]  }
0x2: {  	s0 =	rddreg [dreg:$0x1]  }
0x3: {  	_ =	strace $0x80000047;
	s4 =	srdreg.scid;
	s6 =	simm.s32 $0x2  }
0x4: {  	s11 =	simm.s32 $0x0;
	p0 =	por $0x0, $0x0;
	s7 =	simm.s32 $0x1000  }
.Ltmp0:
0x5: {  	s12 =	simm.s32 $0x0;
	s9 =	simm.s32 $0x0;
	(pc) =	sbr.rel .LBB1_1-.Ltmp0, $4  }
0x6: {  	s2 =	sadd.s32 $0x6C00, s1;
	s3 =	sadd.s32 $0x206C00, s1;
	s5 =	sshll.u32 s4, $0x4  }
0x7: {  	s1 =	stileid.u32;
	s4 =	simm.s32 $0x1;
	s5 =	sand.u32 $0x10, s5  }
0x8: {  	s8 =	simm.s32 $0x0;
	[sflag:s4] =	ssyncpa.u1 $0x0;
	s5 =	sor.u32 s1, s5  }
0x9: {  	[sflag:s6] =	ssyncpa.u1 $0x0;
	s6 =	simm.s32 $0x800;
	s10 =	smov.u32 s5  }
.LBB1_7:
0xa: {  	s13 =	sadd.s32 $0x10, s9  }
0xb: {  	s11 =	sadd.s32 $0x20, s10;
	s15 =	smov.u32 s10;
	p2 =	sgt.s32 s13, $0x1F  }
0xc: {  	p1 =	slt.u32 s8, $0x2;
	s15 =	smov.u32 @p2 s11  }
0xd: {  	s8 =	sadd.s32 $0x1, s8;
	s13 =	simm.s32 @p2 $0x0;
	p2 =	sgt.s32 s15, $0x1FF  }
0xe: {  	s15 =	smov.u32 @p2 s5;
	p2 =	sne.s32 s8, $0x22  }
.Ltmp1:
0xf: {  	_ = 	snop;
	(pc) =	sbr.rel @!p2 .LBB1_8-.Ltmp1, $4  }
0x10: {  	s14 =	simm.s32 @!p1 $0x2  }
0x11: {  	s12 =	smov.u32 s10;
	_ =	swait.ge @!p1 [sflag:s14], $0x4000  }
0x12: {  	p0 =	por !p0, !p0;
	s11 =	smov.u32 s9;
	[sflag:s14] =	ssyncset.done @!p1 $0x0  }
0x13: {  	s9 =	smov.u32 s13;
	[sflag:s14] =	ssyncadd.s32 @!p1 $0xFFFFC000;
	s10 =	smov.u32 s15  }
.LBB1_1:
0x14: {  	p1 =	sgt.u32 s8, $0x1F  }
0x15: {  	s13 =	sxor.u32 @!p1 $0xFFFFFFFF, s8;
	s14 =	sshll.u32 @!p1 s10, $0xC  }
0x16: {  	s15 =	sshll.u32 @!p1 s9, $0x7;
	s13 =	sshll.u32 @!p1 s13, $0xE;
	s14 =	sadd.s32 @!p1 s2, s14  }
0x17: {  	s13 =	sand.u32 @!p1 $0x4000, s13;
	s14 =	sadd.s32 @!p1 s15, s14;
	s15 =	simm.s32 @!p1 $0x0  }
0x18: {  	[tilespmem:s13], [sflag:$0x1] =	stream.linear.gather @!p1 [hbm4b:s14+s15], $0x4000, $0x38;
	[tilespmem:$0x10000] =	vst v63  }
0x19: {  	p1 =	seq.s32 s8, $0x0  }
0x1a: {  	p2 =	seq.s32 @!p1 s8, $0x21  }
0x1b: {  	p1 =	por p1, p2  }
.Ltmp2:
0x1c: {  	_ = 	snop;
	(pc) =	sbr.rel @p1 .LBB1_7-.Ltmp2, $1  }
0x1d: {  	_ =	sdelay $0x3  }
0x1e: {  	s13 =	simm.s32 $0x1;
	_ =	swait.ge [sflag:s4], $0x4000;
	s16 =	sshll.u32 s8, $0xE  }
0x1f: {  	s13 =	simm.s32 @!p0 $0x0;
	[sflag:s4] =	ssyncset.done $0x0;
	s31 =	sand.u32 $0x4000, s16  }
0x20: {  	s16 =	simm.s32 $0x0;
	s14 =	sshll.u32 s13, $0xE;
	[sflag:s4] =	ssyncadd.s32 $0xFFFFC000  }
0x21: {  	s13 =	sor.u32 $0x8040, s14;
	s15 =	sor.u32 $0x40, s14;
	s14 =	sor.u32 $0x8000, s31  }
.LBB1_3:
0x22: {  	v0 =	vmov s15;
	_ =	sdelay $0x3  }
0x23: {  	s18 =	simm.s32 $0x0  }
0x24: {  	v6 =	vld.idx.msk [tilespmem:v0+s18+$0x30 ss:$0x1], $0xffff  }
0x25: {  	v7 =	vld.idx.msk [tilespmem:v0+s18+$0xFFFFFFC0 ss:$0x1], $0xffff  }
0x26: {  	v5 =	vld.idx.msk [tilespmem:v0+s18+$0xFFFFFFD0 ss:$0x1], $0xffff  }
0x27: {  	v4 =	vld.idx.msk [tilespmem:v0+s18+$0xFFFFFFE0 ss:$0x1], $0xffff  }
0x28: {  	v3 =	vld.idx.msk [tilespmem:v0+s18+$0xFFFFFFF0 ss:$0x1], $0xffff  }
0x29: {  	v1 =	vld.idx.msk [tilespmem:v0+s18+$0x0 ss:$0x1], $0xffff  }
0x2a: {  	v2 =	vld.idx.msk [tilespmem:v0+s18+$0x10 ss:$0x1], $0xffff;
	[tilespmem:s13+$0x30] =	vst v6  }
0x2b: {  	s17 =	simm.s32 $0x80;
	s19 =	simm.s32 $0x400;
	[tilespmem:s13+$0xFFFFFFC0] =	vst v7;
	v6 =	vld.idx.msk [tilespmem:v0+s18+$0x20 ss:$0x1], $0xffff;
	s18 =	smov.u32 s13  }
.LBB1_4:
0x2c: {  	p1 =	sne.s32 s19, $0xE00;
	v7 =	vld.idx.msk [tilespmem:v0+s17+$0x30 ss:$0x1], $0xffff;
	[tilespmem:s18+$0xFFFFFFD0] =	vst v5  }
0x2d: {  	v8 =	vld.idx.msk [tilespmem:v0+s17+$0xFFFFFFC0 ss:$0x1], $0xffff;
	[tilespmem:s18+$0xFFFFFFE0] =	vst v4  }
0x2e: {  	v5 =	vld.idx.msk [tilespmem:v0+s17+$0xFFFFFFD0 ss:$0x1], $0xffff;
	[tilespmem:s18+$0xFFFFFFF0] =	vst v3  }
.Ltmp3:
0x2f: {  	v4 =	vld.idx.msk [tilespmem:v0+s17+$0xFFFFFFE0 ss:$0x1], $0xffff;
	[tilespmem:s18+$0x0] =	vst v1;
	(pc) =	sbr.rel @p1 .LBB1_4-.Ltmp3, $4  }
0x30: {  	v3 =	vld.idx.msk [tilespmem:v0+s17+$0xFFFFFFF0 ss:$0x1], $0xffff;
	[tilespmem:s18+$0x10] =	vst v2  }
0x31: {  	v1 =	vld.idx.msk [tilespmem:v0+s17+$0x0 ss:$0x1], $0xffff;
	[tilespmem:s18+$0x20] =	vst v6;
	s18 =	sadd.s32 $0x800, s18  }
0x32: {  	v2 =	vld.idx.msk [tilespmem:v0+s17+$0x10 ss:$0x1], $0xffff;
	[tilespmem:s18+$0x30] =	vst v7  }
0x33: {  	[tilespmem:s18+$0xFFFFFFC0] =	vst v8;
	v6 =	vld.idx.msk [tilespmem:v0+s17+$0x20 ss:$0x1], $0xffff;
	s17 =	sshra.s32 s19, $0x2;
	s19 =	sadd.s32 $0x200, s19  }
0x34: {  	_ =	sdelay $0x2  }
0x35: {  	[tilespmem:s18+$0xFFFFFFD0] =	vst v5  }
0x36: {  	v56 =	vld.idx.msk [tilespmem:v0+s17+$0x30 ss:$0x1], $0xffff;
	[tilespmem:s18+$0xFFFFFFE0] =	vst v4  }
0x37: {  	v57 =	vld.idx.msk [tilespmem:v0+s17+$0xFFFFFFC0 ss:$0x1], $0xffff;
	[tilespmem:s18+$0xFFFFFFF0] =	vst v3  }
0x38: {  	v58 =	vld.idx.msk [tilespmem:v0+s17+$0xFFFFFFD0 ss:$0x1], $0xffff;
	[tilespmem:s18+$0x0] =	vst v1  }
0x39: {  	v59 =	vld.idx.msk [tilespmem:v0+s17+$0xFFFFFFE0 ss:$0x1], $0xffff;
	[tilespmem:s18+$0x10] =	vst v2  }
0x3a: {  	v60 =	vld.idx.msk [tilespmem:v0+s17+$0xFFFFFFF0 ss:$0x1], $0xffff;
	s31 =	sadd.s32 $0x800, s18;
	[tilespmem:s18+$0x20] =	vst v6  }
0x3b: {  	v61 =	vld.idx.msk [tilespmem:v0+s17+$0x0 ss:$0x1], $0xffff;
	[tilespmem:s31+$0x30] =	vst v56  }
0x3c: {  	v62 =	vld.idx.msk [tilespmem:v0+s17+$0x10 ss:$0x1], $0xffff;
	s16 =	sadd.s32 $0x1, s16;
	[tilespmem:s31+$0xFFFFFFC0] =	vst v57  }
0x3d: {  	v63 =	vld.idx.msk [tilespmem:v0+s17+$0x20 ss:$0x1], $0xffff;
	p1 =	sne.s32 s16, $0x10;
	[tilespmem:s31+$0xFFFFFFD0] =	vst v58  }
.Ltmp4:
0x3e: {  	[tilespmem:s31+$0xFFFFFFE0] =	vst v59;
	(pc) =	sbr.rel @p1 .LBB1_3-.Ltmp4, $4  }
0x3f: {  	[tilespmem:s31+$0xFFFFFFF0] =	vst v60  }
0x40: {  	[tilespmem:s31+$0x0] =	vst v61  }
0x41: {  	[tilespmem:s31+$0x10] =	vst v62  }
0x42: {  	s13 =	sadd.s32 $0x80, s13;
	s15 =	sadd.s32 $0x400, s15;
	[tilespmem:s31+$0x20] =	vst v63  }
.Ltmp5:
0x43: {  	(pc) =	sbr.rel .LBB1_7-.Ltmp5, $4  }
0x44: {  	s12 =	sshll.u32 s12, $0xC;
	s11 =	sshll.u32 s11, $0x4  }
0x45: {  	s11 =	sand.u32 $0x1F0, s11;
	s12 =	sadd.s32 s3, s12  }
0x46: {  	s11 =	sadd.s32 s11, s12  }
0x47: {  	[hbm4b:s11+s6] =	stream.strided.scatter [tilespmem:s14], [sflag:$0x2], $0x4000, s7, s6, $0x38;
	[tilespmem:$0x10000] =	vst v63  }
.LBB1_8:
0x48: {  	_ =	sfence.sel $0x180000  }
0x49: {  	s2 =	simm.s32 $0x1;
	[bflag:$0x0] =	sbarrier.arrive $0xFFFF  }
0x4a: {  	s31 =	simm.s32 $0x2;
	[sflag:s2] =	ssyncpa.u1 $0x1  }
0x4b: {  	[sflag:s31] =	ssyncpa.u1 $0x1  }
0x4c: {  	p0 =	sne.s32 s1, $0x0;
	_ =	strace $0x90000047  }
0x4d: {  	s0 =	sadd.s32 @!p0 $0x100000, s0;
	[bflag:$0x2] =	sbarrier.arrive $0xFFFF  }
0x4e: {  	[sflag:s0] =	ssyncadd.tile.s32 @!p0 $0x1;
	_ =	shalt  }
.Lfunc_end1:
_tile_overlayer_lowered:
.L_overlay_start_2:
0x4f: {  	(tag) =	ssettag $0x2  }
0x50: {  	s0 =	rddreg [dreg:$0x0];
	s2 =	stileid.u32  }
0x51: {  	s1 =	rddreg [dreg:$0x1];
	p0 =	sne.s32 s2, $0x0  }
0x52: {  	s3 =	rddreg [dreg:$0x2];
	[bflag:$0x3] =	sbarrier.arrive $0xFFFF;
	s2 =	simm.s32 @!p0 $0x1C01  }
0x53: {  	[timem:s3], [sflag:s2] =	dma.local @!p0 [hbm:s0], s1  }
0x54: {  	s0 =	simm.s32 @!p0 $0x1  }
0x55: {  	_ =	swait.ge @!p0 [sflag:s0], s1  }
0x56: {  	s1 =	ssub.s32 @!p0 $0x0, s1;
	[sflag:s0] =	ssyncset.done @!p0 $0x0  }
0x57: {  	[sflag:s0] =	ssyncadd.s32 @!p0 s1  }
0x58: {  	[bflag:$0x3] =	sbarrier.arrive $0xFFFF  }
0x59: {  	_ =	shalt  }

</sc_bundles>
